<compile_context>
chip_gen: v7x
topology: tpu7x:2x2x1
jax: 0.10.2.dev20260603
libtpu: 0.0.44.dev20260713+nightly
codegen_flags: <defaults>
</compile_context>

<pallas_src>
import functools

import jax
import jax.numpy as jnp
import numpy as np
from jax import lax
from jax.experimental import pallas as pl
from jax.experimental.pallas import tpu as pltpu
from jax.experimental.pallas import tpu_sc as plsc

D = 1024
H = 16
DH = 64
K = 16
S = 2048
B = 2
BS = B * S

NC = 2
NS = 16
LANES = 16
NW = NC * NS
QPW = BS // NW

ROWS_BLK = 512
N_BLK = BS // ROWS_BLK
BLK_PER_BATCH = S // ROWS_BLK


def _proj_body(x_ref, wq_ref, wk_ref, wv_ref, q_ref, k_ref, v_ref, m_ref):
    i = pl.program_id(0)
    x = x_ref[...]
    q_ref[...] = jnp.dot(x, wq_ref[...], preferred_element_type=jnp.float32)
    kblk = jnp.dot(x, wk_ref[...], preferred_element_type=jnp.float32)
    k_ref[...] = kblk
    v_ref[...] = jnp.dot(x, wv_ref[...], preferred_element_type=jnp.float32)
    part = jnp.sum(kblk, axis=0).reshape(1, 1, D)
    j = i % BLK_PER_BATCH

    @pl.when(j == 0)
    def _():
        m_ref[...] = part

    @pl.when(jnp.logical_and(j > 0, j < BLK_PER_BATCH - 1))
    def _():
        m_ref[...] += part

    @pl.when(j == BLK_PER_BATCH - 1)
    def _():
        m_ref[...] = (m_ref[...] + part) * jnp.float32(1.0 / S)


def _proj_call(x2d, wqt, wkt, wvt):
    full_w = pl.BlockSpec((D, D), lambda i: (0, 0))
    row_blk = pl.BlockSpec((ROWS_BLK, D), lambda i: (i, 0))
    return pl.pallas_call(
        _proj_body,
        grid=(N_BLK,),
        in_specs=[row_blk, full_w, full_w, full_w],
        out_specs=[row_blk, row_blk, row_blk,
                   pl.BlockSpec((1, 1, D), lambda i: (i // BLK_PER_BATCH, 0, 0))],
        out_shape=[jax.ShapeDtypeStruct((BS, D), jnp.float32),
                   jax.ShapeDtypeStruct((BS, D), jnp.float32),
                   jax.ShapeDtypeStruct((BS, D), jnp.float32),
                   jax.ShapeDtypeStruct((B, 1, D), jnp.float32)],
    )(x2d, wqt, wkt, wvt)


RB = 256
N_RB = S // RB


def _topk_body(c_ref, ct_ref, nbr_ref):
    cx = c_ref[:, 0:1]
    cy = c_ref[:, 1:2]
    cz = c_ref[:, 2:3]
    tx = ct_ref[0:1, :]
    ty = ct_ref[1:2, :]
    tz = ct_ref[2:3, :]
    dx = cx - tx
    dy = cy - ty
    dz = cz - tz
    vals = jnp.sqrt(dx * dx + dy * dy + dz * dz)
    iota = lax.broadcasted_iota(jnp.int32, (RB, S), 1)
    cols = []
    for t in range(K + 1):
        m = jnp.min(vals, axis=1, keepdims=True)
        idx = jnp.min(jnp.where(vals <= m, iota, S), axis=1, keepdims=True)
        if t > 0:
            cols.append(idx)
        vals = jnp.where(iota == idx, jnp.float32(jnp.inf), vals)
    nbr_ref[...] = jnp.concatenate(cols, axis=1)


def _topk_call(coords_pad, coords_t_pad):
    return pl.pallas_call(
        _topk_body,
        grid=(N_RB,),
        in_specs=[pl.BlockSpec((RB, 128), lambda i: (i, 0)),
                  pl.BlockSpec((8, S), lambda i: (0, 0))],
        out_specs=pl.BlockSpec((RB, K), lambda i: (i, 0)),
        out_shape=jax.ShapeDtypeStruct((S, K), jnp.int32),
    )(coords_pad, coords_t_pad)


CH = 8
NCHUNK = QPW // CH


def _attn_body(q_hbm, k_hbm, v_hbm, nbr_hbm, out_hbm,
               idx_v, qch_v, kr0_v, vr0_v, kr1_v, vr1_v, och_v,
               ksem0, vsem0, ksem1, vsem1):
    cid = lax.axis_index("c")
    sid = lax.axis_index("s")
    wid = sid * NC + cid
    base = wid * QPW
    pltpu.sync_copy(nbr_hbm.at[pl.ds(base, QPW)], idx_v)

    krs = (kr0_v, kr1_v)
    vrs = (vr0_v, vr1_v)
    ksems = (ksem0, ksem1)
    vsems = (vsem0, vsem1)

    def issue(i, b):
        pltpu.async_copy(k_hbm.at[idx_v.at[i]], krs[b], ksems[b])
        pltpu.async_copy(v_hbm.at[idx_v.at[i]], vrs[b], vsems[b])

    def drain(b):
        pltpu.make_async_copy(k_hbm.at[idx_v.at[0]], krs[b], ksems[b]).wait()
        pltpu.make_async_copy(v_hbm.at[idx_v.at[0]], vrs[b], vsems[b]).wait()

    def compute(t, kr_v, vr_v):
        def score_d(tt, accs):
            o0 = tt * 4 * LANES
            qs = [qch_v[t, pl.ds(o0 + u * LANES, LANES)] for u in range(4)]
            new = []
            for j in range(K):
                a = accs[j]
                for u in range(4):
                    a = a + qs[u] * kr_v[j, pl.ds(o0 + u * LANES, LANES)]
                new.append(a)
            return tuple(new)

        zero = jnp.zeros((LANES,), jnp.float32)
        accs = lax.fori_loop(0, DH // 4, score_d, (zero,) * K)
        s = [a * jnp.float32(0.125) for a in accs]

        m = s[0]
        for j in range(1, K):
            m = jnp.maximum(m, s[j])
        p = [jnp.exp(sj - m) for sj in s]
        den = p[0]
        for j in range(1, K):
            den = den + p[j]
        rden = jnp.float32(1.0) / den
        pn = tuple(pj * rden for pj in p)

        def out_d(tt, carry3):
            o0 = tt * 4 * LANES
            acc = [pn[0] * vr_v[0, pl.ds(o0 + u * LANES, LANES)]
                   for u in range(4)]
            for j in range(1, K):
                for u in range(4):
                    acc[u] = acc[u] + pn[j] * vr_v[j, pl.ds(o0 + u * LANES, LANES)]
            for u in range(4):
                och_v[t, pl.ds(o0 + u * LANES, LANES)] = acc[u]
            return carry3

        lax.fori_loop(0, DH // 4, out_d, 0)

    issue(0, 0)
    issue(1, 1)

    def per_chunk(c, carry):
        qbase = base + c * CH
        pltpu.sync_copy(q_hbm.at[pl.ds(qbase, CH)], qch_v)

        def pair(t2, carry2):
            for b in range(2):
                t = 2 * t2 + b
                i = c * CH + t
                drain(b)
                compute(t, krs[b], vrs[b])
                issue(jnp.minimum(i + 2, QPW - 1), b)
            return carry2

        lax.fori_loop(0, CH // 2, pair, 0)
        pltpu.sync_copy(och_v, out_hbm.at[pl.ds(qbase, CH)])
        return carry

    lax.fori_loop(0, NCHUNK, per_chunk, 0)
    drain(0)
    drain(1)


def _attn_call(q2d, k2d, v2d, nbr_all):
    mesh = plsc.VectorSubcoreMesh(core_axis_name="c", subcore_axis_name="s",
                                  num_cores=NC, num_subcores=NS)
    kern = pl.kernel(
        _attn_body,
        out_type=jax.ShapeDtypeStruct((BS, D), jnp.float32),
        mesh=mesh,
        scratch_types=[
            pltpu.VMEM((QPW, K), jnp.int32),
            pltpu.VMEM((CH, D), jnp.float32),
            pltpu.VMEM((K, D), jnp.float32),
            pltpu.VMEM((K, D), jnp.float32),
            pltpu.VMEM((K, D), jnp.float32),
            pltpu.VMEM((K, D), jnp.float32),
            pltpu.VMEM((CH, D), jnp.float32),
            pltpu.SemaphoreType.DMA,
            pltpu.SemaphoreType.DMA,
            pltpu.SemaphoreType.DMA,
            pltpu.SemaphoreType.DMA,
        ],
    )
    return kern(q2d, k2d, v2d, nbr_all)


def _headminor(w):
    return w.reshape(H, DH, D).transpose(1, 0, 2).reshape(D, D)


@jax.jit
def kernel(x, coords, Wq, Wk, Wv):
    x2d = x.reshape(BS, D).astype(jnp.bfloat16)
    wqt = _headminor(Wq).T.astype(jnp.bfloat16)
    wkt = _headminor(Wk).T.astype(jnp.bfloat16)
    wvt = _headminor(Wv).T.astype(jnp.bfloat16)
    q2d, k2d, v2d, metric_p = _proj_call(x2d, wqt, wkt, wvt)

    coords_pad = jnp.pad(coords, ((0, 0), (0, 125)))
    coords_t_pad = jnp.pad(coords.T, ((0, 5), (0, 0)))
    nearest = _topk_call(coords_pad, coords_t_pad)
    nbr_all = jnp.concatenate([nearest, nearest + S], axis=0)

    out_p = _attn_call(q2d, k2d, v2d, nbr_all)

    output = out_p.reshape(B, S, DH, H).transpose(0, 1, 3, 2).reshape(B, S, D)
    metric = metric_p.reshape(B, DH, H).transpose(0, 2, 1)
    return output, metric

# --- scband reference (transcript-rebuilt; emitter-appended) ---
"""Pipeline reference for scband-nearest-neighbor-attention-27590869909790 (READ-ONLY COPY).

The authoritative reference and input builder live on the scoring server;
editing this copy changes nothing except your own understanding.
"""

import jax, jax.numpy as jnp
import numpy as np

FEATURE_DIM = 1024
NUM_HEADS = 16
NUM_NEIGHBORS = 16


def setup_inputs(seed: int = 0) -> dict:
    key = jax.random.key(seed)
    k1, k2, k3, k4, k5 = jax.random.split(key, 5)
    x = jax.random.normal(k1, (2, 2048, FEATURE_DIM), dtype=jnp.float32)
    coords = jax.random.uniform(k2, (2048, 3), dtype=jnp.float32)
    s = 1.0 / np.sqrt(FEATURE_DIM)
    Wq = jax.random.uniform(k3, (FEATURE_DIM, FEATURE_DIM), minval=-s, maxval=s, dtype=jnp.float32)
    Wk = jax.random.uniform(k4, (FEATURE_DIM, FEATURE_DIM), minval=-s, maxval=s, dtype=jnp.float32)
    Wv = jax.random.uniform(k5, (FEATURE_DIM, FEATURE_DIM), minval=-s, maxval=s, dtype=jnp.float32)
    return {"x": x, "coords": coords, "Wq": Wq, "Wk": Wk, "Wv": Wv}


def reference(x, coords, Wq, Wk, Wv):
    B, S, D = x.shape
    H = NUM_HEADS
    dh = D // H
    K = NUM_NEIGHBORS
    # _compute_nearest_neighbors (vectorized over the python loop)
    diff = coords[:, None, :] - coords[None, :, :]
    dists = jnp.sqrt(jnp.sum(diff * diff, axis=-1))  # [S, S]
    order = jnp.argsort(dists, axis=-1)
    nearest = order[:, 1:K + 1]  # [S, K], excludes self (index 0)
    # _create_attention_mask: allow[q, kv] = any(nearest[q] == kv)
    allow = jnp.zeros((S, S), dtype=bool).at[jnp.arange(S)[:, None], nearest].set(True)
    # projections (torch Linear: y = x @ W.T, no bias)
    q = (x @ Wq.T).reshape(B, S, H, dh).transpose(0, 2, 1, 3)
    k = (x @ Wk.T).reshape(B, S, H, dh).transpose(0, 2, 1, 3)
    v = (x @ Wv.T).reshape(B, S, H, dh).transpose(0, 2, 1, 3)
    # flex_attention with neighborhood block mask == masked softmax attention
    scale = 1.0 / np.sqrt(dh)
    scores = jnp.einsum('bhqd,bhkd->bhqk', q, k) * scale
    scores = jnp.where(allow[None, None, :, :], scores, -jnp.inf)
    probs = jax.nn.softmax(scores, axis=-1)
    out = jnp.einsum('bhqk,bhkd->bhqd', probs, v)
    metric = k.mean(axis=2)  # [B, H, dh]
    output = out.transpose(0, 2, 1, 3).reshape(B, S, D)
    return output, metric

if __name__ == "__main__":
    import jax
    _d = setup_inputs()
    print(jax.jit(kernel)(*tuple(_d.values())))

</pallas_src>

<mosaic_0001>
#map = affine_map<(d0, d1) -> (0, 0)>
module attributes {stable_mosaic.version = 14 : i64} {
  func.func @_attn_body(%arg0: i32, %arg1: i32, %arg2: memref<4096x1024xf32, #tpu.memory_space<hbm>>, %arg3: memref<4096x1024xf32, #tpu.memory_space<hbm>>, %arg4: memref<4096x1024xf32, #tpu.memory_space<hbm>>, %arg5: memref<4096x16xi32, #tpu.memory_space<hbm>>, %arg6: memref<4096x1024xf32, #tpu.memory_space<hbm>>, %arg7: memref<128x16xi32, #tpu.memory_space<vmem>>, %arg8: memref<8x1024xf32, #tpu.memory_space<vmem>>, %arg9: memref<16x1024xf32, #tpu.memory_space<vmem>>, %arg10: memref<16x1024xf32, #tpu.memory_space<vmem>>, %arg11: memref<16x1024xf32, #tpu.memory_space<vmem>>, %arg12: memref<16x1024xf32, #tpu.memory_space<vmem>>, %arg13: memref<8x1024xf32, #tpu.memory_space<vmem>>, %arg14: memref<!tpu.dma_semaphore, #tpu.memory_space<semaphore_mem>>, %arg15: memref<!tpu.dma_semaphore, #tpu.memory_space<semaphore_mem>>, %arg16: memref<!tpu.dma_semaphore, #tpu.memory_space<semaphore_mem>>, %arg17: memref<!tpu.dma_semaphore, #tpu.memory_space<semaphore_mem>>) attributes {dimension_semantics = [#tpu.dimension_semantics<core_parallel>, #tpu.dimension_semantics<subcore_parallel>], iteration_bounds = array<i64: 2, 16>, scalar_prefetch = 0 : i64, scratch_operands = 11 : i64, tpu.core_type = #tpu.core_type<sc_vector_subcore>, window_params = [{transform_indices = #map}, {transform_indices = #map}, {transform_indices = #map}, {transform_indices = #map}, {transform_indices = #map}]} {
    %mul3A = arith.constant 2 : i32
    %mul3A_0 = arith.muli %arg1, %mul3A : i32
    %add3A = arith.addi %mul3A_0, %arg0 : i32
    %mul3A_1 = arith.constant 128 : i32
    %mul3A_2 = arith.muli %add3A, %mul3A_1 : i32
    "tpu.region"() ({
      %run_scoped3A = tpu.sem_alloc : memref<!tpu.dma_semaphore, #tpu.memory_space<semaphore_mem>>
      %dma_start3A_62 = arith.constant 0 : i32
      %dma_start3A_63 = tpu.memref_slice %arg5[%mul3A_2, %dma_start3A_62] : memref<4096x16xi32, #tpu.memory_space<hbm>> -> memref<128x16xi32, #tpu.memory_space<hbm>>
      %dma_start3A_64 = arith.constant 0 : i32
      %dma_start3A_65 = tpu.memref_slice %arg5[%mul3A_2, %dma_start3A_64] : memref<4096x16xi32, #tpu.memory_space<hbm>> -> memref<128x16xi32, #tpu.memory_space<hbm>>
      tpu.enqueue_dma source(%dma_start3A_65 : memref<128x16xi32, #tpu.memory_space<hbm>>) target(%arg7 : memref<128x16xi32, #tpu.memory_space<vmem>>) target_semaphore(%run_scoped3A : memref<!tpu.dma_semaphore, #tpu.memory_space<semaphore_mem>>)
      %dma_wait3A_66 = arith.constant 0 : i32
      %dma_wait3A_67 = tpu.memref_slice %arg5[%mul3A_2, %dma_wait3A_66] : memref<4096x16xi32, #tpu.memory_space<hbm>> -> memref<128x16xi32, #tpu.memory_space<hbm>>
      %dma_wait3A_68 = arith.constant 0 : i32
      %dma_wait3A_69 = tpu.memref_slice %arg5[%mul3A_2, %dma_wait3A_68] : memref<4096x16xi32, #tpu.memory_space<hbm>> -> memref<128x16xi32, #tpu.memory_space<hbm>>
      tpu.wait_dma2 semaphore(%run_scoped3A : memref<!tpu.dma_semaphore, #tpu.memory_space<semaphore_mem>>) src(%dma_wait3A_69 : memref<128x16xi32, #tpu.memory_space<hbm>>) dst(%arg7 : memref<128x16xi32, #tpu.memory_space<vmem>>)
      tpu.yield
    }) : () -> ()
    %dma_start3A = arith.constant 0 : i32
    %dma_start3A_3 = arith.constant 0 : i32
    %dma_start3A_4 = tpu.memref_slice %arg7[%dma_start3A, %dma_start3A_3] : memref<128x16xi32, #tpu.memory_space<vmem>> -> memref<1x16xi32, #tpu.memory_space<vmem>>
    %dma_start3A_5 = tpu.memref_squeeze %dma_start3A_4 : memref<1x16xi32, #tpu.memory_space<vmem>> -> memref<16xi32, #tpu.memory_space<vmem>>
    %dma_start3A_6 = arith.constant 0 : i32
    %dma_start3A_7 = arith.constant 0 : i32
    %dma_start3A_8 = tpu.memref_slice %arg3[%dma_start3A_6, %dma_start3A_7] : memref<4096x1024xf32, #tpu.memory_space<hbm>> -> memref<4096x1024xf32, #tpu.memory_space<hbm>>
    tpu.enqueue_indirect_dma source(%dma_start3A_8 : memref<4096x1024xf32, #tpu.memory_space<hbm>>) target(%arg9 : memref<16x1024xf32, #tpu.memory_space<vmem>>) offsets(%dma_start3A_5 : memref<16xi32, #tpu.memory_space<vmem>>) semaphore(%arg14 : memref<!tpu.dma_semaphore, #tpu.memory_space<semaphore_mem>>)
    %dma_start3A_9 = arith.constant 0 : i32
    %dma_start3A_10 = arith.constant 0 : i32
    %dma_start3A_11 = tpu.memref_slice %arg7[%dma_start3A_9, %dma_start3A_10] : memref<128x16xi32, #tpu.memory_space<vmem>> -> memref<1x16xi32, #tpu.memory_space<vmem>>
    %dma_start3A_12 = tpu.memref_squeeze %dma_start3A_11 : memref<1x16xi32, #tpu.memory_space<vmem>> -> memref<16xi32, #tpu.memory_space<vmem>>
    %dma_start3A_13 = arith.constant 0 : i32
    %dma_start3A_14 = arith.constant 0 : i32
    %dma_start3A_15 = tpu.memref_slice %arg4[%dma_start3A_13, %dma_start3A_14] : memref<4096x1024xf32, #tpu.memory_space<hbm>> -> memref<4096x1024xf32, #tpu.memory_space<hbm>>
    tpu.enqueue_indirect_dma source(%dma_start3A_15 : memref<4096x1024xf32, #tpu.memory_space<hbm>>) target(%arg10 : memref<16x1024xf32, #tpu.memory_space<vmem>>) offsets(%dma_start3A_12 : memref<16xi32, #tpu.memory_space<vmem>>) semaphore(%arg15 : memref<!tpu.dma_semaphore, #tpu.memory_space<semaphore_mem>>)
    %dma_start3A_16 = arith.constant 1 : i32
    %dma_start3A_17 = arith.constant 0 : i32
    %dma_start3A_18 = tpu.memref_slice %arg7[%dma_start3A_16, %dma_start3A_17] : memref<128x16xi32, #tpu.memory_space<vmem>> -> memref<1x16xi32, #tpu.memory_space<vmem>>
    %dma_start3A_19 = tpu.memref_squeeze %dma_start3A_18 : memref<1x16xi32, #tpu.memory_space<vmem>> -> memref<16xi32, #tpu.memory_space<vmem>>
    %dma_start3A_20 = arith.constant 0 : i32
    %dma_start3A_21 = arith.constant 0 : i32
    %dma_start3A_22 = tpu.memref_slice %arg3[%dma_start3A_20, %dma_start3A_21] : memref<4096x1024xf32, #tpu.memory_space<hbm>> -> memref<4096x1024xf32, #tpu.memory_space<hbm>>
    tpu.enqueue_indirect_dma source(%dma_start3A_22 : memref<4096x1024xf32, #tpu.memory_space<hbm>>) target(%arg11 : memref<16x1024xf32, #tpu.memory_space<vmem>>) offsets(%dma_start3A_19 : memref<16xi32, #tpu.memory_space<vmem>>) semaphore(%arg16 : memref<!tpu.dma_semaphore, #tpu.memory_space<semaphore_mem>>)
    %dma_start3A_23 = arith.constant 1 : i32
    %dma_start3A_24 = arith.constant 0 : i32
    %dma_start3A_25 = tpu.memref_slice %arg7[%dma_start3A_23, %dma_start3A_24] : memref<128x16xi32, #tpu.memory_space<vmem>> -> memref<1x16xi32, #tpu.memory_space<vmem>>
    %dma_start3A_26 = tpu.memref_squeeze %dma_start3A_25 : memref<1x16xi32, #tpu.memory_space<vmem>> -> memref<16xi32, #tpu.memory_space<vmem>>
    %dma_start3A_27 = arith.constant 0 : i32
    %dma_start3A_28 = arith.constant 0 : i32
    %dma_start3A_29 = tpu.memref_slice %arg4[%dma_start3A_27, %dma_start3A_28] : memref<4096x1024xf32, #tpu.memory_space<hbm>> -> memref<4096x1024xf32, #tpu.memory_space<hbm>>
    tpu.enqueue_indirect_dma source(%dma_start3A_29 : memref<4096x1024xf32, #tpu.memory_space<hbm>>) target(%arg12 : memref<16x1024xf32, #tpu.memory_space<vmem>>) offsets(%dma_start3A_26 : memref<16xi32, #tpu.memory_space<vmem>>) semaphore(%arg17 : memref<!tpu.dma_semaphore, #tpu.memory_space<semaphore_mem>>)
    %scan3A = arith.constant 0 : i32
    %scan3A_30 = arith.constant 0 : i32
    %scan3A_31 = arith.constant 16 : i32
    %scan3A_32 = arith.addi %scan3A_30, %scan3A_31 : i32
    %scan3A_33 = arith.constant 1 : i32
    scf.for %scan3A_62 = %scan3A_30 to %scan3A_32 step %scan3A_33  : i32 {
      %mul3A_63 = arith.constant 8 : i32
      %mul3A_64 = arith.muli %scan3A_62, %mul3A_63 : i32
      %add3A_65 = arith.addi %mul3A_2, %mul3A_64 : i32
      "tpu.region"() ({
        %run_scoped3A = tpu.sem_alloc : memref<!tpu.dma_semaphore, #tpu.memory_space<semaphore_mem>>
        %dma_start3A_72 = arith.constant 0 : i32
        %dma_start3A_73 = tpu.memref_slice %arg2[%add3A_65, %dma_start3A_72] : memref<4096x1024xf32, #tpu.memory_space<hbm>> -> memref<8x1024xf32, #tpu.memory_space<hbm>>
        %dma_start3A_74 = arith.constant 0 : i32
        %dma_start3A_75 = tpu.memref_slice %arg2[%add3A_65, %dma_start3A_74] : memref<4096x1024xf32, #tpu.memory_space<hbm>> -> memref<8x1024xf32, #tpu.memory_space<hbm>>
        tpu.enqueue_dma source(%dma_start3A_75 : memref<8x1024xf32, #tpu.memory_space<hbm>>) target(%arg8 : memref<8x1024xf32, #tpu.memory_space<vmem>>) target_semaphore(%run_scoped3A : memref<!tpu.dma_semaphore, #tpu.memory_space<semaphore_mem>>)
        %dma_wait3A_76 = arith.constant 0 : i32
        %dma_wait3A_77 = tpu.memref_slice %arg2[%add3A_65, %dma_wait3A_76] : memref<4096x1024xf32, #tpu.memory_space<hbm>> -> memref<8x1024xf32, #tpu.memory_space<hbm>>
        %dma_wait3A_78 = arith.constant 0 : i32
        %dma_wait3A_79 = tpu.memref_slice %arg2[%add3A_65, %dma_wait3A_78] : memref<4096x1024xf32, #tpu.memory_space<hbm>> -> memref<8x1024xf32, #tpu.memory_space<hbm>>
        tpu.wait_dma2 semaphore(%run_scoped3A : memref<!tpu.dma_semaphore, #tpu.memory_space<semaphore_mem>>) src(%dma_wait3A_79 : memref<8x1024xf32, #tpu.memory_space<hbm>>) dst(%arg8 : memref<8x1024xf32, #tpu.memory_space<vmem>>)
        tpu.yield
      }) : () -> ()
      %scan3A_66 = arith.constant 0 : i32
      %scan3A_67 = arith.constant 0 : i32
      %scan3A_68 = arith.constant 4 : i32
      %scan3A_69 = arith.addi %scan3A_67, %scan3A_68 : i32
      %scan3A_70 = arith.constant 1 : i32
      scf.for %scan3A_72 = %scan3A_67 to %scan3A_69 step %scan3A_70  : i32 {
        %mul3A_73 = arith.constant 2 : i32
        %mul3A_74 = arith.muli %mul3A_73, %scan3A_72 : i32
        %add3A_75 = arith.constant 0 : i32
        %add3A_76 = arith.addi %mul3A_74, %add3A_75 : i32
        %mul3A_77 = arith.constant 8 : i32
        %mul3A_78 = arith.muli %scan3A_62, %mul3A_77 : i32
        %add3A_79 = arith.addi %mul3A_78, %add3A_76 : i32
        %dma_wait3A_80 = arith.constant 0 : i32
        %dma_wait3A_81 = arith.constant 0 : i32
        %dma_wait3A_82 = tpu.memref_slice %arg7[%dma_wait3A_80, %dma_wait3A_81] : memref<128x16xi32, #tpu.memory_space<vmem>> -> memref<1x16xi32, #tpu.memory_space<vmem>>
        %dma_wait3A_83 = tpu.memref_squeeze %dma_wait3A_82 : memref<1x16xi32, #tpu.memory_space<vmem>> -> memref<16xi32, #tpu.memory_space<vmem>>
        %dma_wait3A_84 = arith.constant 0 : i32
        %dma_wait3A_85 = arith.constant 0 : i32
        %dma_wait3A_86 = tpu.memref_slice %arg3[%dma_wait3A_84, %dma_wait3A_85] : memref<4096x1024xf32, #tpu.memory_space<hbm>> -> memref<4096x1024xf32, #tpu.memory_space<hbm>>
        tpu.wait_indirect_dma semaphore(%arg14 : memref<!tpu.dma_semaphore, #tpu.memory_space<semaphore_mem>>) src(%dma_wait3A_86 : memref<4096x1024xf32, #tpu.memory_space<hbm>>) dst(%arg9 : memref<16x1024xf32, #tpu.memory_space<vmem>>)
        %dma_wait3A_87 = arith.constant 0 : i32
        %dma_wait3A_88 = arith.constant 0 : i32
        %dma_wait3A_89 = tpu.memref_slice %arg7[%dma_wait3A_87, %dma_wait3A_88] : memref<128x16xi32, #tpu.memory_space<vmem>> -> memref<1x16xi32, #tpu.memory_space<vmem>>
        %dma_wait3A_90 = tpu.memref_squeeze %dma_wait3A_89 : memref<1x16xi32, #tpu.memory_space<vmem>> -> memref<16xi32, #tpu.memory_space<vmem>>
        %dma_wait3A_91 = arith.constant 0 : i32
        %dma_wait3A_92 = arith.constant 0 : i32
        %dma_wait3A_93 = tpu.memref_slice %arg4[%dma_wait3A_91, %dma_wait3A_92] : memref<4096x1024xf32, #tpu.memory_space<hbm>> -> memref<4096x1024xf32, #tpu.memory_space<hbm>>
        tpu.wait_indirect_dma semaphore(%arg15 : memref<!tpu.dma_semaphore, #tpu.memory_space<semaphore_mem>>) src(%dma_wait3A_93 : memref<4096x1024xf32, #tpu.memory_space<hbm>>) dst(%arg10 : memref<16x1024xf32, #tpu.memory_space<vmem>>)
        %broadcast_in_dim3A = arith.constant 0.000000e+00 : f32
        %broadcast_in_dim3A_94 = vector.broadcast %broadcast_in_dim3A : f32 to vector<16xf32>
        %scan3A_95 = arith.constant 0 : i32
        %scan3A_96 = arith.constant 16 : i32
        %scan3A_97 = arith.addi %scan3A_95, %scan3A_96 : i32
        %scan3A_98 = arith.constant 1 : i32
        %scan3A_99:16 = scf.for %scan3A_427 = %scan3A_95 to %scan3A_97 step %scan3A_98 iter_args(%scan3A_428 = %broadcast_in_dim3A_94, %scan3A_429 = %broadcast_in_dim3A_94, %scan3A_430 = %broadcast_in_dim3A_94, %scan3A_431 = %broadcast_in_dim3A_94, %scan3A_432 = %broadcast_in_dim3A_94, %scan3A_433 = %broadcast_in_dim3A_94, %scan3A_434 = %broadcast_in_dim3A_94, %scan3A_435 = %broadcast_in_dim3A_94, %scan3A_436 = %broadcast_in_dim3A_94, %scan3A_437 = %broadcast_in_dim3A_94, %scan3A_438 = %broadcast_in_dim3A_94, %scan3A_439 = %broadcast_in_dim3A_94, %scan3A_440 = %broadcast_in_dim3A_94, %scan3A_441 = %broadcast_in_dim3A_94, %scan3A_442 = %broadcast_in_dim3A_94, %scan3A_443 = %broadcast_in_dim3A_94) -> (vector<16xf32>, vector<16xf32>, vector<16xf32>, vector<16xf32>, vector<16xf32>, vector<16xf32>, vector<16xf32>, vector<16xf32>, vector<16xf32>, vector<16xf32>, vector<16xf32>, vector<16xf32>, vector<16xf32>, vector<16xf32>, vector<16xf32>, vector<16xf32>)  : i32 {
          %mul3A_444 = arith.constant 4 : i32
          %mul3A_445 = arith.muli %scan3A_427, %mul3A_444 : i32
          %mul3A_446 = arith.constant 16 : i32
          %mul3A_447 = arith.muli %mul3A_445, %mul3A_446 : i32
          %add3A_448 = arith.constant 0 : i32
          %add3A_449 = arith.addi %mul3A_447, %add3A_448 : i32
          %get3A = arith.index_cast %add3A_76 : i32 to index
          %get3A_450 = arith.index_cast %add3A_449 : i32 to index
          %get3A_451 = tpu.vector_load %arg8[%get3A, %get3A_450] {strides = array<i32>} : memref<8x1024xf32, #tpu.memory_space<vmem>>, vector<1x16xf32>,
          %get3A_452 = vector.shape_cast %get3A_451 : vector<1x16xf32> to vector<16xf32>
          %add3A_453 = arith.constant 16 : i32
          %add3A_454 = arith.addi %mul3A_447, %add3A_453 : i32
          %get3A_455 = arith.index_cast %add3A_76 : i32 to index
          %get3A_456 = arith.index_cast %add3A_454 : i32 to index
          %get3A_457 = tpu.vector_load %arg8[%get3A_455, %get3A_456] {strides = array<i32>} : memref<8x1024xf32, #tpu.memory_space<vmem>>, vector<1x16xf32>,
          %get3A_458 = vector.shape_cast %get3A_457 : vector<1x16xf32> to vector<16xf32>
          %add3A_459 = arith.constant 32 : i32
          %add3A_460 = arith.addi %mul3A_447, %add3A_459 : i32
          %get3A_461 = arith.index_cast %add3A_76 : i32 to index
          %get3A_462 = arith.index_cast %add3A_460 : i32 to index
          %get3A_463 = tpu.vector_load %arg8[%get3A_461, %get3A_462] {strides = array<i32>} : memref<8x1024xf32, #tpu.memory_space<vmem>>, vector<1x16xf32>,
          %get3A_464 = vector.shape_cast %get3A_463 : vector<1x16xf32> to vector<16xf32>
          %add3A_465 = arith.constant 48 : i32
          %add3A_466 = arith.addi %mul3A_447, %add3A_465 : i32
          %get3A_467 = arith.index_cast %add3A_76 : i32 to index
          %get3A_468 = arith.index_cast %add3A_466 : i32 to index
          %get3A_469 = tpu.vector_load %arg8[%get3A_467, %get3A_468] {strides = array<i32>} : memref<8x1024xf32, #tpu.memory_space<vmem>>, vector<1x16xf32>,
          %get3A_470 = vector.shape_cast %get3A_469 : vector<1x16xf32> to vector<16xf32>
          %add3A_471 = arith.constant 0 : i32
          %add3A_472 = arith.addi %mul3A_447, %add3A_471 : i32
          %get3A_473 = arith.constant 0 : i32
          %get3A_474 = arith.index_cast %get3A_473 : i32 to index
          %get3A_475 = arith.index_cast %add3A_472 : i32 to index
          %get3A_476 = tpu.vector_load %arg9[%get3A_474, %get3A_475] {strides = array<i32>} : memref<16x1024xf32, #tpu.memory_space<vmem>>, vector<1x16xf32>,
          %get3A_477 = vector.shape_cast %get3A_476 : vector<1x16xf32> to vector<16xf32>
          %mul3A_478 = arith.mulf %get3A_452, %get3A_477 : vector<16xf32>
          %add3A_479 = arith.addf %scan3A_428, %mul3A_478 : vector<16xf32>
          %add3A_480 = arith.constant 16 : i32
          %add3A_481 = arith.addi %mul3A_447, %add3A_480 : i32
          %get3A_482 = arith.constant 0 : i32
          %get3A_483 = arith.index_cast %get3A_482 : i32 to index
          %get3A_484 = arith.index_cast %add3A_481 : i32 to index
          %get3A_485 = tpu.vector_load %arg9[%get3A_483, %get3A_484] {strides = array<i32>} : memref<16x1024xf32, #tpu.memory_space<vmem>>, vector<1x16xf32>,
          %get3A_486 = vector.shape_cast %get3A_485 : vector<1x16xf32> to vector<16xf32>
          %mul3A_487 = arith.mulf %get3A_458, %get3A_486 : vector<16xf32>
          %add3A_488 = arith.addf %add3A_479, %mul3A_487 : vector<16xf32>
          %add3A_489 = arith.constant 32 : i32
          %add3A_490 = arith.addi %mul3A_447, %add3A_489 : i32
          %get3A_491 = arith.constant 0 : i32
          %get3A_492 = arith.index_cast %get3A_491 : i32 to index
          %get3A_493 = arith.index_cast %add3A_490 : i32 to index
          %get3A_494 = tpu.vector_load %arg9[%get3A_492, %get3A_493] {strides = array<i32>} : memref<16x1024xf32, #tpu.memory_space<vmem>>, vector<1x16xf32>,
          %get3A_495 = vector.shape_cast %get3A_494 : vector<1x16xf32> to vector<16xf32>
          %mul3A_496 = arith.mulf %get3A_464, %get3A_495 : vector<16xf32>
          %add3A_497 = arith.addf %add3A_488, %mul3A_496 : vector<16xf32>
          %add3A_498 = arith.constant 48 : i32
          %add3A_499 = arith.addi %mul3A_447, %add3A_498 : i32
          %get3A_500 = arith.constant 0 : i32
          %get3A_501 = arith.index_cast %get3A_500 : i32 to index
          %get3A_502 = arith.index_cast %add3A_499 : i32 to index
          %get3A_503 = tpu.vector_load %arg9[%get3A_501, %get3A_502] {strides = array<i32>} : memref<16x1024xf32, #tpu.memory_space<vmem>>, vector<1x16xf32>,
          %get3A_504 = vector.shape_cast %get3A_503 : vector<1x16xf32> to vector<16xf32>
          %mul3A_505 = arith.mulf %get3A_470, %get3A_504 : vector<16xf32>
          %add3A_506 = arith.addf %add3A_497, %mul3A_505 : vector<16xf32>
          %add3A_507 = arith.constant 0 : i32
          %add3A_508 = arith.addi %mul3A_447, %add3A_507 : i32
          %get3A_509 = arith.constant 1 : i32
          %get3A_510 = arith.index_cast %get3A_509 : i32 to index
          %get3A_511 = arith.index_cast %add3A_508 : i32 to index
          %get3A_512 = tpu.vector_load %arg9[%get3A_510, %get3A_511] {strides = array<i32>} : memref<16x1024xf32, #tpu.memory_space<vmem>>, vector<1x16xf32>,
          %get3A_513 = vector.shape_cast %get3A_512 : vector<1x16xf32> to vector<16xf32>
          %mul3A_514 = arith.mulf %get3A_452, %get3A_513 : vector<16xf32>
          %add3A_515 = arith.addf %scan3A_429, %mul3A_514 : vector<16xf32>
          %add3A_516 = arith.constant 16 : i32
          %add3A_517 = arith.addi %mul3A_447, %add3A_516 : i32
          %get3A_518 = arith.constant 1 : i32
          %get3A_519 = arith.index_cast %get3A_518 : i32 to index
          %get3A_520 = arith.index_cast %add3A_517 : i32 to index
          %get3A_521 = tpu.vector_load %arg9[%get3A_519, %get3A_520] {strides = array<i32>} : memref<16x1024xf32, #tpu.memory_space<vmem>>, vector<1x16xf32>,
          %get3A_522 = vector.shape_cast %get3A_521 : vector<1x16xf32> to vector<16xf32>
          %mul3A_523 = arith.mulf %get3A_458, %get3A_522 : vector<16xf32>
          %add3A_524 = arith.addf %add3A_515, %mul3A_523 : vector<16xf32>
          %add3A_525 = arith.constant 32 : i32
          %add3A_526 = arith.addi %mul3A_447, %add3A_525 : i32
          %get3A_527 = arith.constant 1 : i32
          %get3A_528 = arith.index_cast %get3A_527 : i32 to index
          %get3A_529 = arith.index_cast %add3A_526 : i32 to index
          %get3A_530 = tpu.vector_load %arg9[%get3A_528, %get3A_529] {strides = array<i32>} : memref<16x1024xf32, #tpu.memory_space<vmem>>, vector<1x16xf32>,
          %get3A_531 = vector.shape_cast %get3A_530 : vector<1x16xf32> to vector<16xf32>
          %mul3A_532 = arith.mulf %get3A_464, %get3A_531 : vector<16xf32>
          %add3A_533 = arith.addf %add3A_524, %mul3A_532 : vector<16xf32>
          %add3A_534 = arith.constant 48 : i32
          %add3A_535 = arith.addi %mul3A_447, %add3A_534 : i32
          %get3A_536 = arith.constant 1 : i32
          %get3A_537 = arith.index_cast %get3A_536 : i32 to index
          %get3A_538 = arith.index_cast %add3A_535 : i32 to index
          %get3A_539 = tpu.vector_load %arg9[%get3A_537, %get3A_538] {strides = array<i32>} : memref<16x1024xf32, #tpu.memory_space<vmem>>, vector<1x16xf32>,
          %get3A_540 = vector.shape_cast %get3A_539 : vector<1x16xf32> to vector<16xf32>
          %mul3A_541 = arith.mulf %get3A_470, %get3A_540 : vector<16xf32>
          %add3A_542 = arith.addf %add3A_533, %mul3A_541 : vector<16xf32>
          %add3A_543 = arith.constant 0 : i32
          %add3A_544 = arith.addi %mul3A_447, %add3A_543 : i32
          %get3A_545 = arith.constant 2 : i32
          %get3A_546 = arith.index_cast %get3A_545 : i32 to index
          %get3A_547 = arith.index_cast %add3A_544 : i32 to index
          %get3A_548 = tpu.vector_load %arg9[%get3A_546, %get3A_547] {strides = array<i32>} : memref<16x1024xf32, #tpu.memory_space<vmem>>, vector<1x16xf32>,
          %get3A_549 = vector.shape_cast %get3A_548 : vector<1x16xf32> to vector<16xf32>
          %mul3A_550 = arith.mulf %get3A_452, %get3A_549 : vector<16xf32>
          %add3A_551 = arith.addf %scan3A_430, %mul3A_550 : vector<16xf32>
          %add3A_552 = arith.constant 16 : i32
          %add3A_553 = arith.addi %mul3A_447, %add3A_552 : i32
          %get3A_554 = arith.constant 2 : i32
          %get3A_555 = arith.index_cast %get3A_554 : i32 to index
          %get3A_556 = arith.index_cast %add3A_553 : i32 to index
          %get3A_557 = tpu.vector_load %arg9[%get3A_555, %get3A_556] {strides = array<i32>} : memref<16x1024xf32, #tpu.memory_space<vmem>>, vector<1x16xf32>,
          %get3A_558 = vector.shape_cast %get3A_557 : vector<1x16xf32> to vector<16xf32>
          %mul3A_559 = arith.mulf %get3A_458, %get3A_558 : vector<16xf32>
          %add3A_560 = arith.addf %add3A_551, %mul3A_559 : vector<16xf32>
          %add3A_561 = arith.constant 32 : i32
          %add3A_562 = arith.addi %mul3A_447, %add3A_561 : i32
          %get3A_563 = arith.constant 2 : i32
          %get3A_564 = arith.index_cast %get3A_563 : i32 to index
          %get3A_565 = arith.index_cast %add3A_562 : i32 to index
          %get3A_566 = tpu.vector_load %arg9[%get3A_564, %get3A_565] {strides = array<i32>} : memref<16x1024xf32, #tpu.memory_space<vmem>>, vector<1x16xf32>,
          %get3A_567 = vector.shape_cast %get3A_566 : vector<1x16xf32> to vector<16xf32>
          %mul3A_568 = arith.mulf %get3A_464, %get3A_567 : vector<16xf32>
          %add3A_569 = arith.addf %add3A_560, %mul3A_568 : vector<16xf32>
          %add3A_570 = arith.constant 48 : i32
          %add3A_571 = arith.addi %mul3A_447, %add3A_570 : i32
          %get3A_572 = arith.constant 2 : i32
          %get3A_573 = arith.index_cast %get3A_572 : i32 to index
          %get3A_574 = arith.index_cast %add3A_571 : i32 to index
          %get3A_575 = tpu.vector_load %arg9[%get3A_573, %get3A_574] {strides = array<i32>} : memref<16x1024xf32, #tpu.memory_space<vmem>>, vector<1x16xf32>,
          %get3A_576 = vector.shape_cast %get3A_575 : vector<1x16xf32> to vector<16xf32>
          %mul3A_577 = arith.mulf %get3A_470, %get3A_576 : vector<16xf32>
          %add3A_578 = arith.addf %add3A_569, %mul3A_577 : vector<16xf32>
          %add3A_579 = arith.constant 0 : i32
          %add3A_580 = arith.addi %mul3A_447, %add3A_579 : i32
          %get3A_581 = arith.constant 3 : i32
          %get3A_582 = arith.index_cast %get3A_581 : i32 to index
          %get3A_583 = arith.index_cast %add3A_580 : i32 to index
          %get3A_584 = tpu.vector_load %arg9[%get3A_582, %get3A_583] {strides = array<i32>} : memref<16x1024xf32, #tpu.memory_space<vmem>>, vector<1x16xf32>,
          %get3A_585 = vector.shape_cast %get3A_584 : vector<1x16xf32> to vector<16xf32>
          %mul3A_586 = arith.mulf %get3A_452, %get3A_585 : vector<16xf32>
          %add3A_587 = arith.addf %scan3A_431, %mul3A_586 : vector<16xf32>
          %add3A_588 = arith.constant 16 : i32
          %add3A_589 = arith.addi %mul3A_447, %add3A_588 : i32
          %get3A_590 = arith.constant 3 : i32
          %get3A_591 = arith.index_cast %get3A_590 : i32 to index
          %get3A_592 = arith.index_cast %add3A_589 : i32 to index
          %get3A_593 = tpu.vector_load %arg9[%get3A_591, %get3A_592] {strides = array<i32>} : memref<16x1024xf32, #tpu.memory_space<vmem>>, vector<1x16xf32>,
          %get3A_594 = vector.shape_cast %get3A_593 : vector<1x16xf32> to vector<16xf32>
          %mul3A_595 = arith.mulf %get3A_458, %get3A_594 : vector<16xf32>
          %add3A_596 = arith.addf %add3A_587, %mul3A_595 : vector<16xf32>
          %add3A_597 = arith.constant 32 : i32
          %add3A_598 = arith.addi %mul3A_447, %add3A_597 : i32
          %get3A_599 = arith.constant 3 : i32
          %get3A_600 = arith.index_cast %get3A_599 : i32 to index
          %get3A_601 = arith.index_cast %add3A_598 : i32 to index
          %get3A_602 = tpu.vector_load %arg9[%get3A_600, %get3A_601] {strides = array<i32>} : memref<16x1024xf32, #tpu.memory_space<vmem>>, vector<1x16xf32>,
          %get3A_603 = vector.shape_cast %get3A_602 : vector<1x16xf32> to vector<16xf32>
          %mul3A_604 = arith.mulf %get3A_464, %get3A_603 : vector<16xf32>
          %add3A_605 = arith.addf %add3A_596, %mul3A_604 : vector<16xf32>
          %add3A_606 = arith.constant 48 : i32
          %add3A_607 = arith.addi %mul3A_447, %add3A_606 : i32
          %get3A_608 = arith.constant 3 : i32
          %get3A_609 = arith.index_cast %get3A_608 : i32 to index
          %get3A_610 = arith.index_cast %add3A_607 : i32 to index
          %get3A_611 = tpu.vector_load %arg9[%get3A_609, %get3A_610] {strides = array<i32>} : memref<16x1024xf32, #tpu.memory_space<vmem>>, vector<1x16xf32>,
          %get3A_612 = vector.shape_cast %get3A_611 : vector<1x16xf32> to vector<16xf32>
          %mul3A_613 = arith.mulf %get3A_470, %get3A_612 : vector<16xf32>
          %add3A_614 = arith.addf %add3A_605, %mul3A_613 : vector<16xf32>
          %add3A_615 = arith.constant 0 : i32
          %add3A_616 = arith.addi %mul3A_447, %add3A_615 : i32
          %get3A_617 = arith.constant 4 : i32
          %get3A_618 = arith.index_cast %get3A_617 : i32 to index
          %get3A_619 = arith.index_cast %add3A_616 : i32 to index
          %get3A_620 = tpu.vector_load %arg9[%get3A_618, %get3A_619] {strides = array<i32>} : memref<16x1024xf32, #tpu.memory_space<vmem>>, vector<1x16xf32>,
          %get3A_621 = vector.shape_cast %get3A_620 : vector<1x16xf32> to vector<16xf32>
          %mul3A_622 = arith.mulf %get3A_452, %get3A_621 : vector<16xf32>
          %add3A_623 = arith.addf %scan3A_432, %mul3A_622 : vector<16xf32>
          %add3A_624 = arith.constant 16 : i32
          %add3A_625 = arith.addi %mul3A_447, %add3A_624 : i32
          %get3A_626 = arith.constant 4 : i32
          %get3A_627 = arith.index_cast %get3A_626 : i32 to index
          %get3A_628 = arith.index_cast %add3A_625 : i32 to index
          %get3A_629 = tpu.vector_load %arg9[%get3A_627, %get3A_628] {strides = array<i32>} : memref<16x1024xf32, #tpu.memory_space<vmem>>, vector<1x16xf32>,
          %get3A_630 = vector.shape_cast %get3A_629 : vector<1x16xf32> to vector<16xf32>
          %mul3A_631 = arith.mulf %get3A_458, %get3A_630 : vector<16xf32>
          %add3A_632 = arith.addf %add3A_623, %mul3A_631 : vector<16xf32>
          %add3A_633 = arith.constant 32 : i32
          %add3A_634 = arith.addi %mul3A_447, %add3A_633 : i32
          %get3A_635 = arith.constant 4 : i32
          %get3A_636 = arith.index_cast %get3A_635 : i32 to index
          %get3A_637 = arith.index_cast %add3A_634 : i32 to index
          %get3A_638 = tpu.vector_load %arg9[%get3A_636, %get3A_637] {strides = array<i32>} : memref<16x1024xf32, #tpu.memory_space<vmem>>, vector<1x16xf32>,
          %get3A_639 = vector.shape_cast %get3A_638 : vector<1x16xf32> to vector<16xf32>
          %mul3A_640 = arith.mulf %get3A_464, %get3A_639 : vector<16xf32>
          %add3A_641 = arith.addf %add3A_632, %mul3A_640 : vector<16xf32>
          %add3A_642 = arith.constant 48 : i32
          %add3A_643 = arith.addi %mul3A_447, %add3A_642 : i32
          %get3A_644 = arith.constant 4 : i32
          %get3A_645 = arith.index_cast %get3A_644 : i32 to index
          %get3A_646 = arith.index_cast %add3A_643 : i32 to index
          %get3A_647 = tpu.vector_load %arg9[%get3A_645, %get3A_646] {strides = array<i32>} : memref<16x1024xf32, #tpu.memory_space<vmem>>, vector<1x16xf32>,
          %get3A_648 = vector.shape_cast %get3A_647 : vector<1x16xf32> to vector<16xf32>
          %mul3A_649 = arith.mulf %get3A_470, %get3A_648 : vector<16xf32>
          %add3A_650 = arith.addf %add3A_641, %mul3A_649 : vector<16xf32>
          %add3A_651 = arith.constant 0 : i32
          %add3A_652 = arith.addi %mul3A_447, %add3A_651 : i32
          %get3A_653 = arith.constant 5 : i32
          %get3A_654 = arith.index_cast %get3A_653 : i32 to index
          %get3A_655 = arith.index_cast %add3A_652 : i32 to index
          %get3A_656 = tpu.vector_load %arg9[%get3A_654, %get3A_655] {strides = array<i32>} : memref<16x1024xf32, #tpu.memory_space<vmem>>, vector<1x16xf32>,
          %get3A_657 = vector.shape_cast %get3A_656 : vector<1x16xf32> to vector<16xf32>
          %mul3A_658 = arith.mulf %get3A_452, %get3A_657 : vector<16xf32>
          %add3A_659 = arith.addf %scan3A_433, %mul3A_658 : vector<16xf32>
          %add3A_660 = arith.constant 16 : i32
          %add3A_661 = arith.addi %mul3A_447, %add3A_660 : i32
          %get3A_662 = arith.constant 5 : i32
          %get3A_663 = arith.index_cast %get3A_662 : i32 to index
          %get3A_664 = arith.index_cast %add3A_661 : i32 to index
          %get3A_665 = tpu.vector_load %arg9[%get3A_663, %get3A_664] {strides = array<i32>} : memref<16x1024xf32, #tpu.memory_space<vmem>>, vector<1x16xf32>,
          %get3A_666 = vector.shape_cast %get3A_665 : vector<1x16xf32> to vector<16xf32>
          %mul3A_667 = arith.mulf %get3A_458, %get3A_666 : vector<16xf32>
          %add3A_668 = arith.addf %add3A_659, %mul3A_667 : vector<16xf32>
          %add3A_669 = arith.constant 32 : i32
          %add3A_670 = arith.addi %mul3A_447, %add3A_669 : i32
          %get3A_671 = arith.constant 5 : i32
          %get3A_672 = arith.index_cast %get3A_671 : i32 to index
          %get3A_673 = arith.index_cast %add3A_670 : i32 to index
          %get3A_674 = tpu.vector_load %arg9[%get3A_672, %get3A_673] {strides = array<i32>} : memref<16x1024xf32, #tpu.memory_space<vmem>>, vector<1x16xf32>,
          %get3A_675 = vector.shape_cast %get3A_674 : vector<1x16xf32> to vector<16xf32>
          %mul3A_676 = arith.mulf %get3A_464, %get3A_675 : vector<16xf32>
          %add3A_677 = arith.addf %add3A_668, %mul3A_676 : vector<16xf32>
          %add3A_678 = arith.constant 48 : i32
          %add3A_679 = arith.addi %mul3A_447, %add3A_678 : i32
          %get3A_680 = arith.constant 5 : i32
          %get3A_681 = arith.index_cast %get3A_680 : i32 to index
          %get3A_682 = arith.index_cast %add3A_679 : i32 to index
          %get3A_683 = tpu.vector_load %arg9[%get3A_681, %get3A_682] {strides = array<i32>} : memref<16x1024xf32, #tpu.memory_space<vmem>>, vector<1x16xf32>,
          %get3A_684 = vector.shape_cast %get3A_683 : vector<1x16xf32> to vector<16xf32>
          %mul3A_685 = arith.mulf %get3A_470, %get3A_684 : vector<16xf32>
          %add3A_686 = arith.addf %add3A_677, %mul3A_685 : vector<16xf32>
          %add3A_687 = arith.constant 0 : i32
          %add3A_688 = arith.addi %mul3A_447, %add3A_687 : i32
          %get3A_689 = arith.constant 6 : i32
          %get3A_690 = arith.index_cast %get3A_689 : i32 to index
          %get3A_691 = arith.index_cast %add3A_688 : i32 to index
          %get3A_692 = tpu.vector_load %arg9[%get3A_690, %get3A_691] {strides = array<i32>} : memref<16x1024xf32, #tpu.memory_space<vmem>>, vector<1x16xf32>,
          %get3A_693 = vector.shape_cast %get3A_692 : vector<1x16xf32> to vector<16xf32>
          %mul3A_694 = arith.mulf %get3A_452, %get3A_693 : vector<16xf32>
          %add3A_695 = arith.addf %scan3A_434, %mul3A_694 : vector<16xf32>
          %add3A_696 = arith.constant 16 : i32
          %add3A_697 = arith.addi %mul3A_447, %add3A_696 : i32
          %get3A_698 = arith.constant 6 : i32
          %get3A_699 = arith.index_cast %get3A_698 : i32 to index
          %get3A_700 = arith.index_cast %add3A_697 : i32 to index
          %get3A_701 = tpu.vector_load %arg9[%get3A_699, %get3A_700] {strides = array<i32>} : memref<16x1024xf32, #tpu.memory_space<vmem>>, vector<1x16xf32>,
          %get3A_702 = vector.shape_cast %get3A_701 : vector<1x16xf32> to vector<16xf32>
          %mul3A_703 = arith.mulf %get3A_458, %get3A_702 : vector<16xf32>
          %add3A_704 = arith.addf %add3A_695, %mul3A_703 : vector<16xf32>
          %add3A_705 = arith.constant 32 : i32
          %add3A_706 = arith.addi %mul3A_447, %add3A_705 : i32
          %get3A_707 = arith.constant 6 : i32
          %get3A_708 = arith.index_cast %get3A_707 : i32 to index
          %get3A_709 = arith.index_cast %add3A_706 : i32 to index
          %get3A_710 = tpu.vector_load %arg9[%get3A_708, %get3A_709] {strides = array<i32>} : memref<16x1024xf32, #tpu.memory_space<vmem>>, vector<1x16xf32>,
          %get3A_711 = vector.shape_cast %get3A_710 : vector<1x16xf32> to vector<16xf32>
          %mul3A_712 = arith.mulf %get3A_464, %get3A_711 : vector<16xf32>
          %add3A_713 = arith.addf %add3A_704, %mul3A_712 : vector<16xf32>
          %add3A_714 = arith.constant 48 : i32
          %add3A_715 = arith.addi %mul3A_447, %add3A_714 : i32
          %get3A_716 = arith.constant 6 : i32
          %get3A_717 = arith.index_cast %get3A_716 : i32 to index
          %get3A_718 = arith.index_cast %add3A_715 : i32 to index
          %get3A_719 = tpu.vector_load %arg9[%get3A_717, %get3A_718] {strides = array<i32>} : memref<16x1024xf32, #tpu.memory_space<vmem>>, vector<1x16xf32>,
          %get3A_720 = vector.shape_cast %get3A_719 : vector<1x16xf32> to vector<16xf32>
          %mul3A_721 = arith.mulf %get3A_470, %get3A_720 : vector<16xf32>
          %add3A_722 = arith.addf %add3A_713, %mul3A_721 : vector<16xf32>
          %add3A_723 = arith.constant 0 : i32
          %add3A_724 = arith.addi %mul3A_447, %add3A_723 : i32
          %get3A_725 = arith.constant 7 : i32
          %get3A_726 = arith.index_cast %get3A_725 : i32 to index
          %get3A_727 = arith.index_cast %add3A_724 : i32 to index
          %get3A_728 = tpu.vector_load %arg9[%get3A_726, %get3A_727] {strides = array<i32>} : memref<16x1024xf32, #tpu.memory_space<vmem>>, vector<1x16xf32>,
          %get3A_729 = vector.shape_cast %get3A_728 : vector<1x16xf32> to vector<16xf32>
          %mul3A_730 = arith.mulf %get3A_452, %get3A_729 : vector<16xf32>
          %add3A_731 = arith.addf %scan3A_435, %mul3A_730 : vector<16xf32>
          %add3A_732 = arith.constant 16 : i32
          %add3A_733 = arith.addi %mul3A_447, %add3A_732 : i32
          %get3A_734 = arith.constant 7 : i32
          %get3A_735 = arith.index_cast %get3A_734 : i32 to index
          %get3A_736 = arith.index_cast %add3A_733 : i32 to index
          %get3A_737 = tpu.vector_load %arg9[%get3A_735, %get3A_736] {strides = array<i32>} : memref<16x1024xf32, #tpu.memory_space<vmem>>, vector<1x16xf32>,
          %get3A_738 = vector.shape_cast %get3A_737 : vector<1x16xf32> to vector<16xf32>
          %mul3A_739 = arith.mulf %get3A_458, %get3A_738 : vector<16xf32>
          %add3A_740 = arith.addf %add3A_731, %mul3A_739 : vector<16xf32>
          %add3A_741 = arith.constant 32 : i32
          %add3A_742 = arith.addi %mul3A_447, %add3A_741 : i32
          %get3A_743 = arith.constant 7 : i32
          %get3A_744 = arith.index_cast %get3A_743 : i32 to index
          %get3A_745 = arith.index_cast %add3A_742 : i32 to index
          %get3A_746 = tpu.vector_load %arg9[%get3A_744, %get3A_745] {strides = array<i32>} : memref<16x1024xf32, #tpu.memory_space<vmem>>, vector<1x16xf32>,
          %get3A_747 = vector.shape_cast %get3A_746 : vector<1x16xf32> to vector<16xf32>
          %mul3A_748 = arith.mulf %get3A_464, %get3A_747 : vector<16xf32>
          %add3A_749 = arith.addf %add3A_740, %mul3A_748 : vector<16xf32>
          %add3A_750 = arith.constant 48 : i32
          %add3A_751 = arith.addi %mul3A_447, %add3A_750 : i32
          %get3A_752 = arith.constant 7 : i32
          %get3A_753 = arith.index_cast %get3A_752 : i32 to index
          %get3A_754 = arith.index_cast %add3A_751 : i32 to index
          %get3A_755 = tpu.vector_load %arg9[%get3A_753, %get3A_754] {strides = array<i32>} : memref<16x1024xf32, #tpu.memory_space<vmem>>, vector<1x16xf32>,
          %get3A_756 = vector.shape_cast %get3A_755 : vector<1x16xf32> to vector<16xf32>
          %mul3A_757 = arith.mulf %get3A_470, %get3A_756 : vector<16xf32>
          %add3A_758 = arith.addf %add3A_749, %mul3A_757 : vector<16xf32>
          %add3A_759 = arith.constant 0 : i32
          %add3A_760 = arith.addi %mul3A_447, %add3A_759 : i32
          %get3A_761 = arith.constant 8 : i32
          %get3A_762 = arith.index_cast %get3A_761 : i32 to index
          %get3A_763 = arith.index_cast %add3A_760 : i32 to index
          %get3A_764 = tpu.vector_load %arg9[%get3A_762, %get3A_763] {strides = array<i32>} : memref<16x1024xf32, #tpu.memory_space<vmem>>, vector<1x16xf32>,
          %get3A_765 = vector.shape_cast %get3A_764 : vector<1x16xf32> to vector<16xf32>
          %mul3A_766 = arith.mulf %get3A_452, %get3A_765 : vector<16xf32>
          %add3A_767 = arith.addf %scan3A_436, %mul3A_766 : vector<16xf32>
          %add3A_768 = arith.constant 16 : i32
          %add3A_769 = arith.addi %mul3A_447, %add3A_768 : i32
          %get3A_770 = arith.constant 8 : i32
          %get3A_771 = arith.index_cast %get3A_770 : i32 to index
          %get3A_772 = arith.index_cast %add3A_769 : i32 to index
          %get3A_773 = tpu.vector_load %arg9[%get3A_771, %get3A_772] {strides = array<i32>} : memref<16x1024xf32, #tpu.memory_space<vmem>>, vector<1x16xf32>,
          %get3A_774 = vector.shape_cast %get3A_773 : vector<1x16xf32> to vector<16xf32>
          %mul3A_775 = arith.mulf %get3A_458, %get3A_774 : vector<16xf32>
          %add3A_776 = arith.addf %add3A_767, %mul3A_775 : vector<16xf32>
          %add3A_777 = arith.constant 32 : i32
          %add3A_778 = arith.addi %mul3A_447, %add3A_777 : i32
          %get3A_779 = arith.constant 8 : i32
          %get3A_780 = arith.index_cast %get3A_779 : i32 to index
          %get3A_781 = arith.index_cast %add3A_778 : i32 to index
          %get3A_782 = tpu.vector_load %arg9[%get3A_780, %get3A_781] {strides = array<i32>} : memref<16x1024xf32, #tpu.memory_space<vmem>>, vector<1x16xf32>,
          %get3A_783 = vector.shape_cast %get3A_782 : vector<1x16xf32> to vector<16xf32>
          %mul3A_784 = arith.mulf %get3A_464, %get3A_783 : vector<16xf32>
          %add3A_785 = arith.addf %add3A_776, %mul3A_784 : vector<16xf32>
          %add3A_786 = arith.constant 48 : i32
          %add3A_787 = arith.addi %mul3A_447, %add3A_786 : i32
          %get3A_788 = arith.constant 8 : i32
          %get3A_789 = arith.index_cast %get3A_788 : i32 to index
          %get3A_790 = arith.index_cast %add3A_787 : i32 to index
          %get3A_791 = tpu.vector_load %arg9[%get3A_789, %get3A_790] {strides = array<i32>} : memref<16x1024xf32, #tpu.memory_space<vmem>>, vector<1x16xf32>,
          %get3A_792 = vector.shape_cast %get3A_791 : vector<1x16xf32> to vector<16xf32>
          %mul3A_793 = arith.mulf %get3A_470, %get3A_792 : vector<16xf32>
          %add3A_794 = arith.addf %add3A_785, %mul3A_793 : vector<16xf32>
          %add3A_795 = arith.constant 0 : i32
          %add3A_796 = arith.addi %mul3A_447, %add3A_795 : i32
          %get3A_797 = arith.constant 9 : i32
          %get3A_798 = arith.index_cast %get3A_797 : i32 to index
          %get3A_799 = arith.index_cast %add3A_796 : i32 to index
          %get3A_800 = tpu.vector_load %arg9[%get3A_798, %get3A_799] {strides = array<i32>} : memref<16x1024xf32, #tpu.memory_space<vmem>>, vector<1x16xf32>,
          %get3A_801 = vector.shape_cast %get3A_800 : vector<1x16xf32> to vector<16xf32>
          %mul3A_802 = arith.mulf %get3A_452, %get3A_801 : vector<16xf32>
          %add3A_803 = arith.addf %scan3A_437, %mul3A_802 : vector<16xf32>
          %add3A_804 = arith.constant 16 : i32
          %add3A_805 = arith.addi %mul3A_447, %add3A_804 : i32
          %get3A_806 = arith.constant 9 : i32
          %get3A_807 = arith.index_cast %get3A_806 : i32 to index
          %get3A_808 = arith.index_cast %add3A_805 : i32 to index
          %get3A_809 = tpu.vector_load %arg9[%get3A_807, %get3A_808] {strides = array<i32>} : memref<16x1024xf32, #tpu.memory_space<vmem>>, vector<1x16xf32>,
          %get3A_810 = vector.shape_cast %get3A_809 : vector<1x16xf32> to vector<16xf32>
          %mul3A_811 = arith.mulf %get3A_458, %get3A_810 : vector<16xf32>
          %add3A_812 = arith.addf %add3A_803, %mul3A_811 : vector<16xf32>
          %add3A_813 = arith.constant 32 : i32
          %add3A_814 = arith.addi %mul3A_447, %add3A_813 : i32
          %get3A_815 = arith.constant 9 : i32
          %get3A_816 = arith.index_cast %get3A_815 : i32 to index
          %get3A_817 = arith.index_cast %add3A_814 : i32 to index
          %get3A_818 = tpu.vector_load %arg9[%get3A_816, %get3A_817] {strides = array<i32>} : memref<16x1024xf32, #tpu.memory_space<vmem>>, vector<1x16xf32>,
          %get3A_819 = vector.shape_cast %get3A_818 : vector<1x16xf32> to vector<16xf32>
          %mul3A_820 = arith.mulf %get3A_464, %get3A_819 : vector<16xf32>
          %add3A_821 = arith.addf %add3A_812, %mul3A_820 : vector<16xf32>
          %add3A_822 = arith.constant 48 : i32
          %add3A_823 = arith.addi %mul3A_447, %add3A_822 : i32
          %get3A_824 = arith.constant 9 : i32
          %get3A_825 = arith.index_cast %get3A_824 : i32 to index
          %get3A_826 = arith.index_cast %add3A_823 : i32 to index
          %get3A_827 = tpu.vector_load %arg9[%get3A_825, %get3A_826] {strides = array<i32>} : memref<16x1024xf32, #tpu.memory_space<vmem>>, vector<1x16xf32>,
          %get3A_828 = vector.shape_cast %get3A_827 : vector<1x16xf32> to vector<16xf32>
          %mul3A_829 = arith.mulf %get3A_470, %get3A_828 : vector<16xf32>
          %add3A_830 = arith.addf %add3A_821, %mul3A_829 : vector<16xf32>
          %add3A_831 = arith.constant 0 : i32
          %add3A_832 = arith.addi %mul3A_447, %add3A_831 : i32
          %get3A_833 = arith.constant 10 : i32
          %get3A_834 = arith.index_cast %get3A_833 : i32 to index
          %get3A_835 = arith.index_cast %add3A_832 : i32 to index
          %get3A_836 = tpu.vector_load %arg9[%get3A_834, %get3A_835] {strides = array<i32>} : memref<16x1024xf32, #tpu.memory_space<vmem>>, vector<1x16xf32>,
          %get3A_837 = vector.shape_cast %get3A_836 : vector<1x16xf32> to vector<16xf32>
          %mul3A_838 = arith.mulf %get3A_452, %get3A_837 : vector<16xf32>
          %add3A_839 = arith.addf %scan3A_438, %mul3A_838 : vector<16xf32>
          %add3A_840 = arith.constant 16 : i32
          %add3A_841 = arith.addi %mul3A_447, %add3A_840 : i32
          %get3A_842 = arith.constant 10 : i32
          %get3A_843 = arith.index_cast %get3A_842 : i32 to index
          %get3A_844 = arith.index_cast %add3A_841 : i32 to index
          %get3A_845 = tpu.vector_load %arg9[%get3A_843, %get3A_844] {strides = array<i32>} : memref<16x1024xf32, #tpu.memory_space<vmem>>, vector<1x16xf32>,
          %get3A_846 = vector.shape_cast %get3A_845 : vector<1x16xf32> to vector<16xf32>
          %mul3A_847 = arith.mulf %get3A_458, %get3A_846 : vector<16xf32>
          %add3A_848 = arith.addf %add3A_839, %mul3A_847 : vector<16xf32>
          %add3A_849 = arith.constant 32 : i32
          %add3A_850 = arith.addi %mul3A_447, %add3A_849 : i32
          %get3A_851 = arith.constant 10 : i32
          %get3A_852 = arith.index_cast %get3A_851 : i32 to index
          %get3A_853 = arith.index_cast %add3A_850 : i32 to index
          %get3A_854 = tpu.vector_load %arg9[%get3A_852, %get3A_853] {strides = array<i32>} : memref<16x1024xf32, #tpu.memory_space<vmem>>, vector<1x16xf32>,
          %get3A_855 = vector.shape_cast %get3A_854 : vector<1x16xf32> to vector<16xf32>
          %mul3A_856 = arith.mulf %get3A_464, %get3A_855 : vector<16xf32>
          %add3A_857 = arith.addf %add3A_848, %mul3A_856 : vector<16xf32>
          %add3A_858 = arith.constant 48 : i32
          %add3A_859 = arith.addi %mul3A_447, %add3A_858 : i32
          %get3A_860 = arith.constant 10 : i32
          %get3A_861 = arith.index_cast %get3A_860 : i32 to index
          %get3A_862 = arith.index_cast %add3A_859 : i32 to index
          %get3A_863 = tpu.vector_load %arg9[%get3A_861, %get3A_862] {strides = array<i32>} : memref<16x1024xf32, #tpu.memory_space<vmem>>, vector<1x16xf32>,
          %get3A_864 = vector.shape_cast %get3A_863 : vector<1x16xf32> to vector<16xf32>
          %mul3A_865 = arith.mulf %get3A_470, %get3A_864 : vector<16xf32>
          %add3A_866 = arith.addf %add3A_857, %mul3A_865 : vector<16xf32>
          %add3A_867 = arith.constant 0 : i32
          %add3A_868 = arith.addi %mul3A_447, %add3A_867 : i32
          %get3A_869 = arith.constant 11 : i32
          %get3A_870 = arith.index_cast %get3A_869 : i32 to index
          %get3A_871 = arith.index_cast %add3A_868 : i32 to index
          %get3A_872 = tpu.vector_load %arg9[%get3A_870, %get3A_871] {strides = array<i32>} : memref<16x1024xf32, #tpu.memory_space<vmem>>, vector<1x16xf32>,
          %get3A_873 = vector.shape_cast %get3A_872 : vector<1x16xf32> to vector<16xf32>
          %mul3A_874 = arith.mulf %get3A_452, %get3A_873 : vector<16xf32>
          %add3A_875 = arith.addf %scan3A_439, %mul3A_874 : vector<16xf32>
          %add3A_876 = arith.constant 16 : i32
          %add3A_877 = arith.addi %mul3A_447, %add3A_876 : i32
          %get3A_878 = arith.constant 11 : i32
          %get3A_879 = arith.index_cast %get3A_878 : i32 to index
          %get3A_880 = arith.index_cast %add3A_877 : i32 to index
          %get3A_881 = tpu.vector_load %arg9[%get3A_879, %get3A_880] {strides = array<i32>} : memref<16x1024xf32, #tpu.memory_space<vmem>>, vector<1x16xf32>,
          %get3A_882 = vector.shape_cast %get3A_881 : vector<1x16xf32> to vector<16xf32>
          %mul3A_883 = arith.mulf %get3A_458, %get3A_882 : vector<16xf32>
          %add3A_884 = arith.addf %add3A_875, %mul3A_883 : vector<16xf32>
          %add3A_885 = arith.constant 32 : i32
          %add3A_886 = arith.addi %mul3A_447, %add3A_885 : i32
          %get3A_887 = arith.constant 11 : i32
          %get3A_888 = arith.index_cast %get3A_887 : i32 to index
          %get3A_889 = arith.index_cast %add3A_886 : i32 to index
          %get3A_890 = tpu.vector_load %arg9[%get3A_888, %get3A_889] {strides = array<i32>} : memref<16x1024xf32, #tpu.memory_space<vmem>>, vector<1x16xf32>,
          %get3A_891 = vector.shape_cast %get3A_890 : vector<1x16xf32> to vector<16xf32>
          %mul3A_892 = arith.mulf %get3A_464, %get3A_891 : vector<16xf32>
          %add3A_893 = arith.addf %add3A_884, %mul3A_892 : vector<16xf32>
          %add3A_894 = arith.constant 48 : i32
          %add3A_895 = arith.addi %mul3A_447, %add3A_894 : i32
          %get3A_896 = arith.constant 11 : i32
          %get3A_897 = arith.index_cast %get3A_896 : i32 to index
          %get3A_898 = arith.index_cast %add3A_895 : i32 to index
          %get3A_899 = tpu.vector_load %arg9[%get3A_897, %get3A_898] {strides = array<i32>} : memref<16x1024xf32, #tpu.memory_space<vmem>>, vector<1x16xf32>,
          %get3A_900 = vector.shape_cast %get3A_899 : vector<1x16xf32> to vector<16xf32>
          %mul3A_901 = arith.mulf %get3A_470, %get3A_900 : vector<16xf32>
          %add3A_902 = arith.addf %add3A_893, %mul3A_901 : vector<16xf32>
          %add3A_903 = arith.constant 0 : i32
          %add3A_904 = arith.addi %mul3A_447, %add3A_903 : i32
          %get3A_905 = arith.constant 12 : i32
          %get3A_906 = arith.index_cast %get3A_905 : i32 to index
          %get3A_907 = arith.index_cast %add3A_904 : i32 to index
          %get3A_908 = tpu.vector_load %arg9[%get3A_906, %get3A_907] {strides = array<i32>} : memref<16x1024xf32, #tpu.memory_space<vmem>>, vector<1x16xf32>,
          %get3A_909 = vector.shape_cast %get3A_908 : vector<1x16xf32> to vector<16xf32>
          %mul3A_910 = arith.mulf %get3A_452, %get3A_909 : vector<16xf32>
          %add3A_911 = arith.addf %scan3A_440, %mul3A_910 : vector<16xf32>
          %add3A_912 = arith.constant 16 : i32
          %add3A_913 = arith.addi %mul3A_447, %add3A_912 : i32
          %get3A_914 = arith.constant 12 : i32
          %get3A_915 = arith.index_cast %get3A_914 : i32 to index
          %get3A_916 = arith.index_cast %add3A_913 : i32 to index
          %get3A_917 = tpu.vector_load %arg9[%get3A_915, %get3A_916] {strides = array<i32>} : memref<16x1024xf32, #tpu.memory_space<vmem>>, vector<1x16xf32>,
          %get3A_918 = vector.shape_cast %get3A_917 : vector<1x16xf32> to vector<16xf32>
          %mul3A_919 = arith.mulf %get3A_458, %get3A_918 : vector<16xf32>
          %add3A_920 = arith.addf %add3A_911, %mul3A_919 : vector<16xf32>
          %add3A_921 = arith.constant 32 : i32
          %add3A_922 = arith.addi %mul3A_447, %add3A_921 : i32
          %get3A_923 = arith.constant 12 : i32
          %get3A_924 = arith.index_cast %get3A_923 : i32 to index
          %get3A_925 = arith.index_cast %add3A_922 : i32 to index
          %get3A_926 = tpu.vector_load %arg9[%get3A_924, %get3A_925] {strides = array<i32>} : memref<16x1024xf32, #tpu.memory_space<vmem>>, vector<1x16xf32>,
          %get3A_927 = vector.shape_cast %get3A_926 : vector<1x16xf32> to vector<16xf32>
          %mul3A_928 = arith.mulf %get3A_464, %get3A_927 : vector<16xf32>
          %add3A_929 = arith.addf %add3A_920, %mul3A_928 : vector<16xf32>
          %add3A_930 = arith.constant 48 : i32
          %add3A_931 = arith.addi %mul3A_447, %add3A_930 : i32
          %get3A_932 = arith.constant 12 : i32
          %get3A_933 = arith.index_cast %get3A_932 : i32 to index
          %get3A_934 = arith.index_cast %add3A_931 : i32 to index
          %get3A_935 = tpu.vector_load %arg9[%get3A_933, %get3A_934] {strides = array<i32>} : memref<16x1024xf32, #tpu.memory_space<vmem>>, vector<1x16xf32>,
          %get3A_936 = vector.shape_cast %get3A_935 : vector<1x16xf32> to vector<16xf32>
          %mul3A_937 = arith.mulf %get3A_470, %get3A_936 : vector<16xf32>
          %add3A_938 = arith.addf %add3A_929, %mul3A_937 : vector<16xf32>
          %add3A_939 = arith.constant 0 : i32
          %add3A_940 = arith.addi %mul3A_447, %add3A_939 : i32
          %get3A_941 = arith.constant 13 : i32
          %get3A_942 = arith.index_cast %get3A_941 : i32 to index
          %get3A_943 = arith.index_cast %add3A_940 : i32 to index
          %get3A_944 = tpu.vector_load %arg9[%get3A_942, %get3A_943] {strides = array<i32>} : memref<16x1024xf32, #tpu.memory_space<vmem>>, vector<1x16xf32>,
          %get3A_945 = vector.shape_cast %get3A_944 : vector<1x16xf32> to vector<16xf32>
          %mul3A_946 = arith.mulf %get3A_452, %get3A_945 : vector<16xf32>
          %add3A_947 = arith.addf %scan3A_441, %mul3A_946 : vector<16xf32>
          %add3A_948 = arith.constant 16 : i32
          %add3A_949 = arith.addi %mul3A_447, %add3A_948 : i32
          %get3A_950 = arith.constant 13 : i32
          %get3A_951 = arith.index_cast %get3A_950 : i32 to index
          %get3A_952 = arith.index_cast %add3A_949 : i32 to index
          %get3A_953 = tpu.vector_load %arg9[%get3A_951, %get3A_952] {strides = array<i32>} : memref<16x1024xf32, #tpu.memory_space<vmem>>, vector<1x16xf32>,
          %get3A_954 = vector.shape_cast %get3A_953 : vector<1x16xf32> to vector<16xf32>
          %mul3A_955 = arith.mulf %get3A_458, %get3A_954 : vector<16xf32>
          %add3A_956 = arith.addf %add3A_947, %mul3A_955 : vector<16xf32>
          %add3A_957 = arith.constant 32 : i32
          %add3A_958 = arith.addi %mul3A_447, %add3A_957 : i32
          %get3A_959 = arith.constant 13 : i32
          %get3A_960 = arith.index_cast %get3A_959 : i32 to index
          %get3A_961 = arith.index_cast %add3A_958 : i32 to index
          %get3A_962 = tpu.vector_load %arg9[%get3A_960, %get3A_961] {strides = array<i32>} : memref<16x1024xf32, #tpu.memory_space<vmem>>, vector<1x16xf32>,
          %get3A_963 = vector.shape_cast %get3A_962 : vector<1x16xf32> to vector<16xf32>
          %mul3A_964 = arith.mulf %get3A_464, %get3A_963 : vector<16xf32>
          %add3A_965 = arith.addf %add3A_956, %mul3A_964 : vector<16xf32>
          %add3A_966 = arith.constant 48 : i32
          %add3A_967 = arith.addi %mul3A_447, %add3A_966 : i32
          %get3A_968 = arith.constant 13 : i32
          %get3A_969 = arith.index_cast %get3A_968 : i32 to index
          %get3A_970 = arith.index_cast %add3A_967 : i32 to index
          %get3A_971 = tpu.vector_load %arg9[%get3A_969, %get3A_970] {strides = array<i32>} : memref<16x1024xf32, #tpu.memory_space<vmem>>, vector<1x16xf32>,
          %get3A_972 = vector.shape_cast %get3A_971 : vector<1x16xf32> to vector<16xf32>
          %mul3A_973 = arith.mulf %get3A_470, %get3A_972 : vector<16xf32>
          %add3A_974 = arith.addf %add3A_965, %mul3A_973 : vector<16xf32>
          %add3A_975 = arith.constant 0 : i32
          %add3A_976 = arith.addi %mul3A_447, %add3A_975 : i32
          %get3A_977 = arith.constant 14 : i32
          %get3A_978 = arith.index_cast %get3A_977 : i32 to index
          %get3A_979 = arith.index_cast %add3A_976 : i32 to index
          %get3A_980 = tpu.vector_load %arg9[%get3A_978, %get3A_979] {strides = array<i32>} : memref<16x1024xf32, #tpu.memory_space<vmem>>, vector<1x16xf32>,
          %get3A_981 = vector.shape_cast %get3A_980 : vector<1x16xf32> to vector<16xf32>
          %mul3A_982 = arith.mulf %get3A_452, %get3A_981 : vector<16xf32>
          %add3A_983 = arith.addf %scan3A_442, %mul3A_982 : vector<16xf32>
          %add3A_984 = arith.constant 16 : i32
          %add3A_985 = arith.addi %mul3A_447, %add3A_984 : i32
          %get3A_986 = arith.constant 14 : i32
          %get3A_987 = arith.index_cast %get3A_986 : i32 to index
          %get3A_988 = arith.index_cast %add3A_985 : i32 to index
          %get3A_989 = tpu.vector_load %arg9[%get3A_987, %get3A_988] {strides = array<i32>} : memref<16x1024xf32, #tpu.memory_space<vmem>>, vector<1x16xf32>,
          %get3A_990 = vector.shape_cast %get3A_989 : vector<1x16xf32> to vector<16xf32>
          %mul3A_991 = arith.mulf %get3A_458, %get3A_990 : vector<16xf32>
          %add3A_992 = arith.addf %add3A_983, %mul3A_991 : vector<16xf32>
          %add3A_993 = arith.constant 32 : i32
          %add3A_994 = arith.addi %mul3A_447, %add3A_993 : i32
          %get3A_995 = arith.constant 14 : i32
          %get3A_996 = arith.index_cast %get3A_995 : i32 to index
          %get3A_997 = arith.index_cast %add3A_994 : i32 to index
          %get3A_998 = tpu.vector_load %arg9[%get3A_996, %get3A_997] {strides = array<i32>} : memref<16x1024xf32, #tpu.memory_space<vmem>>, vector<1x16xf32>,
          %get3A_999 = vector.shape_cast %get3A_998 : vector<1x16xf32> to vector<16xf32>
          %mul3A_1000 = arith.mulf %get3A_464, %get3A_999 : vector<16xf32>
          %add3A_1001 = arith.addf %add3A_992, %mul3A_1000 : vector<16xf32>
          %add3A_1002 = arith.constant 48 : i32
          %add3A_1003 = arith.addi %mul3A_447, %add3A_1002 : i32
          %get3A_1004 = arith.constant 14 : i32
          %get3A_1005 = arith.index_cast %get3A_1004 : i32 to index
          %get3A_1006 = arith.index_cast %add3A_1003 : i32 to index
          %get3A_1007 = tpu.vector_load %arg9[%get3A_1005, %get3A_1006] {strides = array<i32>} : memref<16x1024xf32, #tpu.memory_space<vmem>>, vector<1x16xf32>,
          %get3A_1008 = vector.shape_cast %get3A_1007 : vector<1x16xf32> to vector<16xf32>
          %mul3A_1009 = arith.mulf %get3A_470, %get3A_1008 : vector<16xf32>
          %add3A_1010 = arith.addf %add3A_1001, %mul3A_1009 : vector<16xf32>
          %add3A_1011 = arith.constant 0 : i32
          %add3A_1012 = arith.addi %mul3A_447, %add3A_1011 : i32
          %get3A_1013 = arith.constant 15 : i32
          %get3A_1014 = arith.index_cast %get3A_1013 : i32 to index
          %get3A_1015 = arith.index_cast %add3A_1012 : i32 to index
          %get3A_1016 = tpu.vector_load %arg9[%get3A_1014, %get3A_1015] {strides = array<i32>} : memref<16x1024xf32, #tpu.memory_space<vmem>>, vector<1x16xf32>,
          %get3A_1017 = vector.shape_cast %get3A_1016 : vector<1x16xf32> to vector<16xf32>
          %mul3A_1018 = arith.mulf %get3A_452, %get3A_1017 : vector<16xf32>
          %add3A_1019 = arith.addf %scan3A_443, %mul3A_1018 : vector<16xf32>
          %add3A_1020 = arith.constant 16 : i32
          %add3A_1021 = arith.addi %mul3A_447, %add3A_1020 : i32
          %get3A_1022 = arith.constant 15 : i32
          %get3A_1023 = arith.index_cast %get3A_1022 : i32 to index
          %get3A_1024 = arith.index_cast %add3A_1021 : i32 to index
          %get3A_1025 = tpu.vector_load %arg9[%get3A_1023, %get3A_1024] {strides = array<i32>} : memref<16x1024xf32, #tpu.memory_space<vmem>>, vector<1x16xf32>,
          %get3A_1026 = vector.shape_cast %get3A_1025 : vector<1x16xf32> to vector<16xf32>
          %mul3A_1027 = arith.mulf %get3A_458, %get3A_1026 : vector<16xf32>
          %add3A_1028 = arith.addf %add3A_1019, %mul3A_1027 : vector<16xf32>
          %add3A_1029 = arith.constant 32 : i32
          %add3A_1030 = arith.addi %mul3A_447, %add3A_1029 : i32
          %get3A_1031 = arith.constant 15 : i32
          %get3A_1032 = arith.index_cast %get3A_1031 : i32 to index
          %get3A_1033 = arith.index_cast %add3A_1030 : i32 to index
          %get3A_1034 = tpu.vector_load %arg9[%get3A_1032, %get3A_1033] {strides = array<i32>} : memref<16x1024xf32, #tpu.memory_space<vmem>>, vector<1x16xf32>,
          %get3A_1035 = vector.shape_cast %get3A_1034 : vector<1x16xf32> to vector<16xf32>
          %mul3A_1036 = arith.mulf %get3A_464, %get3A_1035 : vector<16xf32>
          %add3A_1037 = arith.addf %add3A_1028, %mul3A_1036 : vector<16xf32>
          %add3A_1038 = arith.constant 48 : i32
          %add3A_1039 = arith.addi %mul3A_447, %add3A_1038 : i32
          %get3A_1040 = arith.constant 15 : i32
          %get3A_1041 = arith.index_cast %get3A_1040 : i32 to index
          %get3A_1042 = arith.index_cast %add3A_1039 : i32 to index
          %get3A_1043 = tpu.vector_load %arg9[%get3A_1041, %get3A_1042] {strides = array<i32>} : memref<16x1024xf32, #tpu.memory_space<vmem>>, vector<1x16xf32>,
          %get3A_1044 = vector.shape_cast %get3A_1043 : vector<1x16xf32> to vector<16xf32>
          %mul3A_1045 = arith.mulf %get3A_470, %get3A_1044 : vector<16xf32>
          %add3A_1046 = arith.addf %add3A_1037, %mul3A_1045 : vector<16xf32>
          scf.yield %add3A_506, %add3A_542, %add3A_578, %add3A_614, %add3A_650, %add3A_686, %add3A_722, %add3A_758, %add3A_794, %add3A_830, %add3A_866, %add3A_902, %add3A_938, %add3A_974, %add3A_1010, %add3A_1046 : vector<16xf32>, vector<16xf32>, vector<16xf32>, vector<16xf32>, vector<16xf32>, vector<16xf32>, vector<16xf32>, vector<16xf32>, vector<16xf32>, vector<16xf32>, vector<16xf32>, vector<16xf32>, vector<16xf32>, vector<16xf32>, vector<16xf32>, vector<16xf32>
        }
        %scan3A_100 = arith.constant 16 : i32
        %mul3A_101 = arith.constant 1.250000e-01 : f32
        %mul3A_102 = vector.broadcast %mul3A_101 : f32 to vector<16xf32>
        %mul3A_103 = arith.mulf %scan3A_99#0, %mul3A_102 : vector<16xf32>
        %mul3A_104 = arith.constant 1.250000e-01 : f32
        %mul3A_105 = vector.broadcast %mul3A_104 : f32 to vector<16xf32>
        %mul3A_106 = arith.mulf %scan3A_99#1, %mul3A_105 : vector<16xf32>
        %mul3A_107 = arith.constant 1.250000e-01 : f32
        %mul3A_108 = vector.broadcast %mul3A_107 : f32 to vector<16xf32>
        %mul3A_109 = arith.mulf %scan3A_99#2, %mul3A_108 : vector<16xf32>
        %mul3A_110 = arith.constant 1.250000e-01 : f32
        %mul3A_111 = vector.broadcast %mul3A_110 : f32 to vector<16xf32>
        %mul3A_112 = arith.mulf %scan3A_99#3, %mul3A_111 : vector<16xf32>
        %mul3A_113 = arith.constant 1.250000e-01 : f32
        %mul3A_114 = vector.broadcast %mul3A_113 : f32 to vector<16xf32>
        %mul3A_115 = arith.mulf %scan3A_99#4, %mul3A_114 : vector<16xf32>
        %mul3A_116 = arith.constant 1.250000e-01 : f32
        %mul3A_117 = vector.broadcast %mul3A_116 : f32 to vector<16xf32>
        %mul3A_118 = arith.mulf %scan3A_99#5, %mul3A_117 : vector<16xf32>
        %mul3A_119 = arith.constant 1.250000e-01 : f32
        %mul3A_120 = vector.broadcast %mul3A_119 : f32 to vector<16xf32>
        %mul3A_121 = arith.mulf %scan3A_99#6, %mul3A_120 : vector<16xf32>
        %mul3A_122 = arith.constant 1.250000e-01 : f32
        %mul3A_123 = vector.broadcast %mul3A_122 : f32 to vector<16xf32>
        %mul3A_124 = arith.mulf %scan3A_99#7, %mul3A_123 : vector<16xf32>
        %mul3A_125 = arith.constant 1.250000e-01 : f32
        %mul3A_126 = vector.broadcast %mul3A_125 : f32 to vector<16xf32>
        %mul3A_127 = arith.mulf %scan3A_99#8, %mul3A_126 : vector<16xf32>
        %mul3A_128 = arith.constant 1.250000e-01 : f32
        %mul3A_129 = vector.broadcast %mul3A_128 : f32 to vector<16xf32>
        %mul3A_130 = arith.mulf %scan3A_99#9, %mul3A_129 : vector<16xf32>
        %mul3A_131 = arith.constant 1.250000e-01 : f32
        %mul3A_132 = vector.broadcast %mul3A_131 : f32 to vector<16xf32>
        %mul3A_133 = arith.mulf %scan3A_99#10, %mul3A_132 : vector<16xf32>
        %mul3A_134 = arith.constant 1.250000e-01 : f32
        %mul3A_135 = vector.broadcast %mul3A_134 : f32 to vector<16xf32>
        %mul3A_136 = arith.mulf %scan3A_99#11, %mul3A_135 : vector<16xf32>
        %mul3A_137 = arith.constant 1.250000e-01 : f32
        %mul3A_138 = vector.broadcast %mul3A_137 : f32 to vector<16xf32>
        %mul3A_139 = arith.mulf %scan3A_99#12, %mul3A_138 : vector<16xf32>
        %mul3A_140 = arith.constant 1.250000e-01 : f32
        %mul3A_141 = vector.broadcast %mul3A_140 : f32 to vector<16xf32>
        %mul3A_142 = arith.mulf %scan3A_99#13, %mul3A_141 : vector<16xf32>
        %mul3A_143 = arith.constant 1.250000e-01 : f32
        %mul3A_144 = vector.broadcast %mul3A_143 : f32 to vector<16xf32>
        %mul3A_145 = arith.mulf %scan3A_99#14, %mul3A_144 : vector<16xf32>
        %mul3A_146 = arith.constant 1.250000e-01 : f32
        %mul3A_147 = vector.broadcast %mul3A_146 : f32 to vector<16xf32>
        %mul3A_148 = arith.mulf %scan3A_99#15, %mul3A_147 : vector<16xf32>
        %max3A = arith.maximumf %mul3A_103, %mul3A_106 : vector<16xf32>
        %max3A_149 = arith.maximumf %max3A, %mul3A_109 : vector<16xf32>
        %max3A_150 = arith.maximumf %max3A_149, %mul3A_112 : vector<16xf32>
        %max3A_151 = arith.maximumf %max3A_150, %mul3A_115 : vector<16xf32>
        %max3A_152 = arith.maximumf %max3A_151, %mul3A_118 : vector<16xf32>
        %max3A_153 = arith.maximumf %max3A_152, %mul3A_121 : vector<16xf32>
        %max3A_154 = arith.maximumf %max3A_153, %mul3A_124 : vector<16xf32>
        %max3A_155 = arith.maximumf %max3A_154, %mul3A_127 : vector<16xf32>
        %max3A_156 = arith.maximumf %max3A_155, %mul3A_130 : vector<16xf32>
        %max3A_157 = arith.maximumf %max3A_156, %mul3A_133 : vector<16xf32>
        %max3A_158 = arith.maximumf %max3A_157, %mul3A_136 : vector<16xf32>
        %max3A_159 = arith.maximumf %max3A_158, %mul3A_139 : vector<16xf32>
        %max3A_160 = arith.maximumf %max3A_159, %mul3A_142 : vector<16xf32>
        %max3A_161 = arith.maximumf %max3A_160, %mul3A_145 : vector<16xf32>
        %max3A_162 = arith.maximumf %max3A_161, %mul3A_148 : vector<16xf32>
        %sub3A = arith.subf %mul3A_103, %max3A_162 : vector<16xf32>
        %exp3A = math.exp %sub3A : vector<16xf32>
        %sub3A_163 = arith.subf %mul3A_106, %max3A_162 : vector<16xf32>
        %exp3A_164 = math.exp %sub3A_163 : vector<16xf32>
        %sub3A_165 = arith.subf %mul3A_109, %max3A_162 : vector<16xf32>
        %exp3A_166 = math.exp %sub3A_165 : vector<16xf32>
        %sub3A_167 = arith.subf %mul3A_112, %max3A_162 : vector<16xf32>
        %exp3A_168 = math.exp %sub3A_167 : vector<16xf32>
        %sub3A_169 = arith.subf %mul3A_115, %max3A_162 : vector<16xf32>
        %exp3A_170 = math.exp %sub3A_169 : vector<16xf32>
        %sub3A_171 = arith.subf %mul3A_118, %max3A_162 : vector<16xf32>
        %exp3A_172 = math.exp %sub3A_171 : vector<16xf32>
        %sub3A_173 = arith.subf %mul3A_121, %max3A_162 : vector<16xf32>
        %exp3A_174 = math.exp %sub3A_173 : vector<16xf32>
        %sub3A_175 = arith.subf %mul3A_124, %max3A_162 : vector<16xf32>
        %exp3A_176 = math.exp %sub3A_175 : vector<16xf32>
        %sub3A_177 = arith.subf %mul3A_127, %max3A_162 : vector<16xf32>
        %exp3A_178 = math.exp %sub3A_177 : vector<16xf32>
        %sub3A_179 = arith.subf %mul3A_130, %max3A_162 : vector<16xf32>
        %exp3A_180 = math.exp %sub3A_179 : vector<16xf32>
        %sub3A_181 = arith.subf %mul3A_133, %max3A_162 : vector<16xf32>
        %exp3A_182 = math.exp %sub3A_181 : vector<16xf32>
        %sub3A_183 = arith.subf %mul3A_136, %max3A_162 : vector<16xf32>
        %exp3A_184 = math.exp %sub3A_183 : vector<16xf32>
        %sub3A_185 = arith.subf %mul3A_139, %max3A_162 : vector<16xf32>
        %exp3A_186 = math.exp %sub3A_185 : vector<16xf32>
        %sub3A_187 = arith.subf %mul3A_142, %max3A_162 : vector<16xf32>
        %exp3A_188 = math.exp %sub3A_187 : vector<16xf32>
        %sub3A_189 = arith.subf %mul3A_145, %max3A_162 : vector<16xf32>
        %exp3A_190 = math.exp %sub3A_189 : vector<16xf32>
        %sub3A_191 = arith.subf %mul3A_148, %max3A_162 : vector<16xf32>
        %exp3A_192 = math.exp %sub3A_191 : vector<16xf32>
        %add3A_193 = arith.addf %exp3A, %exp3A_164 : vector<16xf32>
        %add3A_194 = arith.addf %add3A_193, %exp3A_166 : vector<16xf32>
        %add3A_195 = arith.addf %add3A_194, %exp3A_168 : vector<16xf32>
        %add3A_196 = arith.addf %add3A_195, %exp3A_170 : vector<16xf32>
        %add3A_197 = arith.addf %add3A_196, %exp3A_172 : vector<16xf32>
        %add3A_198 = arith.addf %add3A_197, %exp3A_174 : vector<16xf32>
        %add3A_199 = arith.addf %add3A_198, %exp3A_176 : vector<16xf32>
        %add3A_200 = arith.addf %add3A_199, %exp3A_178 : vector<16xf32>
        %add3A_201 = arith.addf %add3A_200, %exp3A_180 : vector<16xf32>
        %add3A_202 = arith.addf %add3A_201, %exp3A_182 : vector<16xf32>
        %add3A_203 = arith.addf %add3A_202, %exp3A_184 : vector<16xf32>
        %add3A_204 = arith.addf %add3A_203, %exp3A_186 : vector<16xf32>
        %add3A_205 = arith.addf %add3A_204, %exp3A_188 : vector<16xf32>
        %add3A_206 = arith.addf %add3A_205, %exp3A_190 : vector<16xf32>
        %add3A_207 = arith.addf %add3A_206, %exp3A_192 : vector<16xf32>
        %div3A = arith.constant 1.000000e+00 : f32
        %div3A_208 = vector.broadcast %div3A : f32 to vector<16xf32>
        %div3A_209 = arith.divf %div3A_208, %add3A_207 : vector<16xf32>
        %mul3A_210 = arith.mulf %exp3A, %div3A_209 : vector<16xf32>
        %mul3A_211 = arith.mulf %exp3A_164, %div3A_209 : vector<16xf32>
        %mul3A_212 = arith.mulf %exp3A_166, %div3A_209 : vector<16xf32>
        %mul3A_213 = arith.mulf %exp3A_168, %div3A_209 : vector<16xf32>
        %mul3A_214 = arith.mulf %exp3A_170, %div3A_209 : vector<16xf32>
        %mul3A_215 = arith.mulf %exp3A_172, %div3A_209 : vector<16xf32>
        %mul3A_216 = arith.mulf %exp3A_174, %div3A_209 : vector<16xf32>
        %mul3A_217 = arith.mulf %exp3A_176, %div3A_209 : vector<16xf32>
        %mul3A_218 = arith.mulf %exp3A_178, %div3A_209 : vector<16xf32>
        %mul3A_219 = arith.mulf %exp3A_180, %div3A_209 : vector<16xf32>
        %mul3A_220 = arith.mulf %exp3A_182, %div3A_209 : vector<16xf32>
        %mul3A_221 = arith.mulf %exp3A_184, %div3A_209 : vector<16xf32>
        %mul3A_222 = arith.mulf %exp3A_186, %div3A_209 : vector<16xf32>
        %mul3A_223 = arith.mulf %exp3A_188, %div3A_209 : vector<16xf32>
        %mul3A_224 = arith.mulf %exp3A_190, %div3A_209 : vector<16xf32>
        %mul3A_225 = arith.mulf %exp3A_192, %div3A_209 : vector<16xf32>
        %scan3A_226 = arith.constant 0 : i32
        %scan3A_227 = arith.constant 0 : i32
        %scan3A_228 = arith.constant 16 : i32
        %scan3A_229 = arith.addi %scan3A_227, %scan3A_228 : i32
        %scan3A_230 = arith.constant 1 : i32
        scf.for %scan3A_427 = %scan3A_227 to %scan3A_229 step %scan3A_230  : i32 {
          %mul3A_428 = arith.constant 4 : i32
          %mul3A_429 = arith.muli %scan3A_427, %mul3A_428 : i32
          %mul3A_430 = arith.constant 16 : i32
          %mul3A_431 = arith.muli %mul3A_429, %mul3A_430 : i32
          %add3A_432 = arith.constant 0 : i32
          %add3A_433 = arith.addi %mul3A_431, %add3A_432 : i32
          %get3A = arith.constant 0 : i32
          %get3A_434 = arith.index_cast %get3A : i32 to index
          %get3A_435 = arith.index_cast %add3A_433 : i32 to index
          %get3A_436 = tpu.vector_load %arg10[%get3A_434, %get3A_435] {strides = array<i32>} : memref<16x1024xf32, #tpu.memory_space<vmem>>, vector<1x16xf32>,
          %get3A_437 = vector.shape_cast %get3A_436 : vector<1x16xf32> to vector<16xf32>
          %mul3A_438 = arith.mulf %mul3A_210, %get3A_437 : vector<16xf32>
          %add3A_439 = arith.constant 16 : i32
          %add3A_440 = arith.addi %mul3A_431, %add3A_439 : i32
          %get3A_441 = arith.constant 0 : i32
          %get3A_442 = arith.index_cast %get3A_441 : i32 to index
          %get3A_443 = arith.index_cast %add3A_440 : i32 to index
          %get3A_444 = tpu.vector_load %arg10[%get3A_442, %get3A_443] {strides = array<i32>} : memref<16x1024xf32, #tpu.memory_space<vmem>>, vector<1x16xf32>,
          %get3A_445 = vector.shape_cast %get3A_444 : vector<1x16xf32> to vector<16xf32>
          %mul3A_446 = arith.mulf %mul3A_210, %get3A_445 : vector<16xf32>
          %add3A_447 = arith.constant 32 : i32
          %add3A_448 = arith.addi %mul3A_431, %add3A_447 : i32
          %get3A_449 = arith.constant 0 : i32
          %get3A_450 = arith.index_cast %get3A_449 : i32 to index
          %get3A_451 = arith.index_cast %add3A_448 : i32 to index
          %get3A_452 = tpu.vector_load %arg10[%get3A_450, %get3A_451] {strides = array<i32>} : memref<16x1024xf32, #tpu.memory_space<vmem>>, vector<1x16xf32>,
          %get3A_453 = vector.shape_cast %get3A_452 : vector<1x16xf32> to vector<16xf32>
          %mul3A_454 = arith.mulf %mul3A_210, %get3A_453 : vector<16xf32>
          %add3A_455 = arith.constant 48 : i32
          %add3A_456 = arith.addi %mul3A_431, %add3A_455 : i32
          %get3A_457 = arith.constant 0 : i32
          %get3A_458 = arith.index_cast %get3A_457 : i32 to index
          %get3A_459 = arith.index_cast %add3A_456 : i32 to index
          %get3A_460 = tpu.vector_load %arg10[%get3A_458, %get3A_459] {strides = array<i32>} : memref<16x1024xf32, #tpu.memory_space<vmem>>, vector<1x16xf32>,
          %get3A_461 = vector.shape_cast %get3A_460 : vector<1x16xf32> to vector<16xf32>
          %mul3A_462 = arith.mulf %mul3A_210, %get3A_461 : vector<16xf32>
          %add3A_463 = arith.constant 0 : i32
          %add3A_464 = arith.addi %mul3A_431, %add3A_463 : i32
          %get3A_465 = arith.constant 1 : i32
          %get3A_466 = arith.index_cast %get3A_465 : i32 to index
          %get3A_467 = arith.index_cast %add3A_464 : i32 to index
          %get3A_468 = tpu.vector_load %arg10[%get3A_466, %get3A_467] {strides = array<i32>} : memref<16x1024xf32, #tpu.memory_space<vmem>>, vector<1x16xf32>,
          %get3A_469 = vector.shape_cast %get3A_468 : vector<1x16xf32> to vector<16xf32>
          %mul3A_470 = arith.mulf %mul3A_211, %get3A_469 : vector<16xf32>
          %add3A_471 = arith.addf %mul3A_438, %mul3A_470 : vector<16xf32>
          %add3A_472 = arith.constant 16 : i32
          %add3A_473 = arith.addi %mul3A_431, %add3A_472 : i32
          %get3A_474 = arith.constant 1 : i32
          %get3A_475 = arith.index_cast %get3A_474 : i32 to index
          %get3A_476 = arith.index_cast %add3A_473 : i32 to index
          %get3A_477 = tpu.vector_load %arg10[%get3A_475, %get3A_476] {strides = array<i32>} : memref<16x1024xf32, #tpu.memory_space<vmem>>, vector<1x16xf32>,
          %get3A_478 = vector.shape_cast %get3A_477 : vector<1x16xf32> to vector<16xf32>
          %mul3A_479 = arith.mulf %mul3A_211, %get3A_478 : vector<16xf32>
          %add3A_480 = arith.addf %mul3A_446, %mul3A_479 : vector<16xf32>
          %add3A_481 = arith.constant 32 : i32
          %add3A_482 = arith.addi %mul3A_431, %add3A_481 : i32
          %get3A_483 = arith.constant 1 : i32
          %get3A_484 = arith.index_cast %get3A_483 : i32 to index
          %get3A_485 = arith.index_cast %add3A_482 : i32 to index
          %get3A_486 = tpu.vector_load %arg10[%get3A_484, %get3A_485] {strides = array<i32>} : memref<16x1024xf32, #tpu.memory_space<vmem>>, vector<1x16xf32>,
          %get3A_487 = vector.shape_cast %get3A_486 : vector<1x16xf32> to vector<16xf32>
          %mul3A_488 = arith.mulf %mul3A_211, %get3A_487 : vector<16xf32>
          %add3A_489 = arith.addf %mul3A_454, %mul3A_488 : vector<16xf32>
          %add3A_490 = arith.constant 48 : i32
          %add3A_491 = arith.addi %mul3A_431, %add3A_490 : i32
          %get3A_492 = arith.constant 1 : i32
          %get3A_493 = arith.index_cast %get3A_492 : i32 to index
          %get3A_494 = arith.index_cast %add3A_491 : i32 to index
          %get3A_495 = tpu.vector_load %arg10[%get3A_493, %get3A_494] {strides = array<i32>} : memref<16x1024xf32, #tpu.memory_space<vmem>>, vector<1x16xf32>,
          %get3A_496 = vector.shape_cast %get3A_495 : vector<1x16xf32> to vector<16xf32>
          %mul3A_497 = arith.mulf %mul3A_211, %get3A_496 : vector<16xf32>
          %add3A_498 = arith.addf %mul3A_462, %mul3A_497 : vector<16xf32>
          %add3A_499 = arith.constant 0 : i32
          %add3A_500 = arith.addi %mul3A_431, %add3A_499 : i32
          %get3A_501 = arith.constant 2 : i32
          %get3A_502 = arith.index_cast %get3A_501 : i32 to index
          %get3A_503 = arith.index_cast %add3A_500 : i32 to index
          %get3A_504 = tpu.vector_load %arg10[%get3A_502, %get3A_503] {strides = array<i32>} : memref<16x1024xf32, #tpu.memory_space<vmem>>, vector<1x16xf32>,
          %get3A_505 = vector.shape_cast %get3A_504 : vector<1x16xf32> to vector<16xf32>
          %mul3A_506 = arith.mulf %mul3A_212, %get3A_505 : vector<16xf32>
          %add3A_507 = arith.addf %add3A_471, %mul3A_506 : vector<16xf32>
          %add3A_508 = arith.constant 16 : i32
          %add3A_509 = arith.addi %mul3A_431, %add3A_508 : i32
          %get3A_510 = arith.constant 2 : i32
          %get3A_511 = arith.index_cast %get3A_510 : i32 to index
          %get3A_512 = arith.index_cast %add3A_509 : i32 to index
          %get3A_513 = tpu.vector_load %arg10[%get3A_511, %get3A_512] {strides = array<i32>} : memref<16x1024xf32, #tpu.memory_space<vmem>>, vector<1x16xf32>,
          %get3A_514 = vector.shape_cast %get3A_513 : vector<1x16xf32> to vector<16xf32>
          %mul3A_515 = arith.mulf %mul3A_212, %get3A_514 : vector<16xf32>
          %add3A_516 = arith.addf %add3A_480, %mul3A_515 : vector<16xf32>
          %add3A_517 = arith.constant 32 : i32
          %add3A_518 = arith.addi %mul3A_431, %add3A_517 : i32
          %get3A_519 = arith.constant 2 : i32
          %get3A_520 = arith.index_cast %get3A_519 : i32 to index
          %get3A_521 = arith.index_cast %add3A_518 : i32 to index
          %get3A_522 = tpu.vector_load %arg10[%get3A_520, %get3A_521] {strides = array<i32>} : memref<16x1024xf32, #tpu.memory_space<vmem>>, vector<1x16xf32>,
          %get3A_523 = vector.shape_cast %get3A_522 : vector<1x16xf32> to vector<16xf32>
          %mul3A_524 = arith.mulf %mul3A_212, %get3A_523 : vector<16xf32>
          %add3A_525 = arith.addf %add3A_489, %mul3A_524 : vector<16xf32>
          %add3A_526 = arith.constant 48 : i32
          %add3A_527 = arith.addi %mul3A_431, %add3A_526 : i32
          %get3A_528 = arith.constant 2 : i32
          %get3A_529 = arith.index_cast %get3A_528 : i32 to index
          %get3A_530 = arith.index_cast %add3A_527 : i32 to index
          %get3A_531 = tpu.vector_load %arg10[%get3A_529, %get3A_530] {strides = array<i32>} : memref<16x1024xf32, #tpu.memory_space<vmem>>, vector<1x16xf32>,
          %get3A_532 = vector.shape_cast %get3A_531 : vector<1x16xf32> to vector<16xf32>
          %mul3A_533 = arith.mulf %mul3A_212, %get3A_532 : vector<16xf32>
          %add3A_534 = arith.addf %add3A_498, %mul3A_533 : vector<16xf32>
          %add3A_535 = arith.constant 0 : i32
          %add3A_536 = arith.addi %mul3A_431, %add3A_535 : i32
          %get3A_537 = arith.constant 3 : i32
          %get3A_538 = arith.index_cast %get3A_537 : i32 to index
          %get3A_539 = arith.index_cast %add3A_536 : i32 to index
          %get3A_540 = tpu.vector_load %arg10[%get3A_538, %get3A_539] {strides = array<i32>} : memref<16x1024xf32, #tpu.memory_space<vmem>>, vector<1x16xf32>,
          %get3A_541 = vector.shape_cast %get3A_540 : vector<1x16xf32> to vector<16xf32>
          %mul3A_542 = arith.mulf %mul3A_213, %get3A_541 : vector<16xf32>
          %add3A_543 = arith.addf %add3A_507, %mul3A_542 : vector<16xf32>
          %add3A_544 = arith.constant 16 : i32
          %add3A_545 = arith.addi %mul3A_431, %add3A_544 : i32
          %get3A_546 = arith.constant 3 : i32
          %get3A_547 = arith.index_cast %get3A_546 : i32 to index
          %get3A_548 = arith.index_cast %add3A_545 : i32 to index
          %get3A_549 = tpu.vector_load %arg10[%get3A_547, %get3A_548] {strides = array<i32>} : memref<16x1024xf32, #tpu.memory_space<vmem>>, vector<1x16xf32>,
          %get3A_550 = vector.shape_cast %get3A_549 : vector<1x16xf32> to vector<16xf32>
          %mul3A_551 = arith.mulf %mul3A_213, %get3A_550 : vector<16xf32>
          %add3A_552 = arith.addf %add3A_516, %mul3A_551 : vector<16xf32>
          %add3A_553 = arith.constant 32 : i32
          %add3A_554 = arith.addi %mul3A_431, %add3A_553 : i32
          %get3A_555 = arith.constant 3 : i32
          %get3A_556 = arith.index_cast %get3A_555 : i32 to index
          %get3A_557 = arith.index_cast %add3A_554 : i32 to index
          %get3A_558 = tpu.vector_load %arg10[%get3A_556, %get3A_557] {strides = array<i32>} : memref<16x1024xf32, #tpu.memory_space<vmem>>, vector<1x16xf32>,
          %get3A_559 = vector.shape_cast %get3A_558 : vector<1x16xf32> to vector<16xf32>
          %mul3A_560 = arith.mulf %mul3A_213, %get3A_559 : vector<16xf32>
          %add3A_561 = arith.addf %add3A_525, %mul3A_560 : vector<16xf32>
          %add3A_562 = arith.constant 48 : i32
          %add3A_563 = arith.addi %mul3A_431, %add3A_562 : i32
          %get3A_564 = arith.constant 3 : i32
          %get3A_565 = arith.index_cast %get3A_564 : i32 to index
          %get3A_566 = arith.index_cast %add3A_563 : i32 to index
          %get3A_567 = tpu.vector_load %arg10[%get3A_565, %get3A_566] {strides = array<i32>} : memref<16x1024xf32, #tpu.memory_space<vmem>>, vector<1x16xf32>,
          %get3A_568 = vector.shape_cast %get3A_567 : vector<1x16xf32> to vector<16xf32>
          %mul3A_569 = arith.mulf %mul3A_213, %get3A_568 : vector<16xf32>
          %add3A_570 = arith.addf %add3A_534, %mul3A_569 : vector<16xf32>
          %add3A_571 = arith.constant 0 : i32
          %add3A_572 = arith.addi %mul3A_431, %add3A_571 : i32
          %get3A_573 = arith.constant 4 : i32
          %get3A_574 = arith.index_cast %get3A_573 : i32 to index
          %get3A_575 = arith.index_cast %add3A_572 : i32 to index
          %get3A_576 = tpu.vector_load %arg10[%get3A_574, %get3A_575] {strides = array<i32>} : memref<16x1024xf32, #tpu.memory_space<vmem>>, vector<1x16xf32>,
          %get3A_577 = vector.shape_cast %get3A_576 : vector<1x16xf32> to vector<16xf32>
          %mul3A_578 = arith.mulf %mul3A_214, %get3A_577 : vector<16xf32>
          %add3A_579 = arith.addf %add3A_543, %mul3A_578 : vector<16xf32>
          %add3A_580 = arith.constant 16 : i32
          %add3A_581 = arith.addi %mul3A_431, %add3A_580 : i32
          %get3A_582 = arith.constant 4 : i32
          %get3A_583 = arith.index_cast %get3A_582 : i32 to index
          %get3A_584 = arith.index_cast %add3A_581 : i32 to index
          %get3A_585 = tpu.vector_load %arg10[%get3A_583, %get3A_584] {strides = array<i32>} : memref<16x1024xf32, #tpu.memory_space<vmem>>, vector<1x16xf32>,
          %get3A_586 = vector.shape_cast %get3A_585 : vector<1x16xf32> to vector<16xf32>
          %mul3A_587 = arith.mulf %mul3A_214, %get3A_586 : vector<16xf32>
          %add3A_588 = arith.addf %add3A_552, %mul3A_587 : vector<16xf32>
          %add3A_589 = arith.constant 32 : i32
          %add3A_590 = arith.addi %mul3A_431, %add3A_589 : i32
          %get3A_591 = arith.constant 4 : i32
          %get3A_592 = arith.index_cast %get3A_591 : i32 to index
          %get3A_593 = arith.index_cast %add3A_590 : i32 to index
          %get3A_594 = tpu.vector_load %arg10[%get3A_592, %get3A_593] {strides = array<i32>} : memref<16x1024xf32, #tpu.memory_space<vmem>>, vector<1x16xf32>,
          %get3A_595 = vector.shape_cast %get3A_594 : vector<1x16xf32> to vector<16xf32>
          %mul3A_596 = arith.mulf %mul3A_214, %get3A_595 : vector<16xf32>
          %add3A_597 = arith.addf %add3A_561, %mul3A_596 : vector<16xf32>
          %add3A_598 = arith.constant 48 : i32
          %add3A_599 = arith.addi %mul3A_431, %add3A_598 : i32
          %get3A_600 = arith.constant 4 : i32
          %get3A_601 = arith.index_cast %get3A_600 : i32 to index
          %get3A_602 = arith.index_cast %add3A_599 : i32 to index
          %get3A_603 = tpu.vector_load %arg10[%get3A_601, %get3A_602] {strides = array<i32>} : memref<16x1024xf32, #tpu.memory_space<vmem>>, vector<1x16xf32>,
          %get3A_604 = vector.shape_cast %get3A_603 : vector<1x16xf32> to vector<16xf32>
          %mul3A_605 = arith.mulf %mul3A_214, %get3A_604 : vector<16xf32>
          %add3A_606 = arith.addf %add3A_570, %mul3A_605 : vector<16xf32>
          %add3A_607 = arith.constant 0 : i32
          %add3A_608 = arith.addi %mul3A_431, %add3A_607 : i32
          %get3A_609 = arith.constant 5 : i32
          %get3A_610 = arith.index_cast %get3A_609 : i32 to index
          %get3A_611 = arith.index_cast %add3A_608 : i32 to index
          %get3A_612 = tpu.vector_load %arg10[%get3A_610, %get3A_611] {strides = array<i32>} : memref<16x1024xf32, #tpu.memory_space<vmem>>, vector<1x16xf32>,
          %get3A_613 = vector.shape_cast %get3A_612 : vector<1x16xf32> to vector<16xf32>
          %mul3A_614 = arith.mulf %mul3A_215, %get3A_613 : vector<16xf32>
          %add3A_615 = arith.addf %add3A_579, %mul3A_614 : vector<16xf32>
          %add3A_616 = arith.constant 16 : i32
          %add3A_617 = arith.addi %mul3A_431, %add3A_616 : i32
          %get3A_618 = arith.constant 5 : i32
          %get3A_619 = arith.index_cast %get3A_618 : i32 to index
          %get3A_620 = arith.index_cast %add3A_617 : i32 to index
          %get3A_621 = tpu.vector_load %arg10[%get3A_619, %get3A_620] {strides = array<i32>} : memref<16x1024xf32, #tpu.memory_space<vmem>>, vector<1x16xf32>,
          %get3A_622 = vector.shape_cast %get3A_621 : vector<1x16xf32> to vector<16xf32>
          %mul3A_623 = arith.mulf %mul3A_215, %get3A_622 : vector<16xf32>
          %add3A_624 = arith.addf %add3A_588, %mul3A_623 : vector<16xf32>
          %add3A_625 = arith.constant 32 : i32
          %add3A_626 = arith.addi %mul3A_431, %add3A_625 : i32
          %get3A_627 = arith.constant 5 : i32
          %get3A_628 = arith.index_cast %get3A_627 : i32 to index
          %get3A_629 = arith.index_cast %add3A_626 : i32 to index
          %get3A_630 = tpu.vector_load %arg10[%get3A_628, %get3A_629] {strides = array<i32>} : memref<16x1024xf32, #tpu.memory_space<vmem>>, vector<1x16xf32>,
          %get3A_631 = vector.shape_cast %get3A_630 : vector<1x16xf32> to vector<16xf32>
          %mul3A_632 = arith.mulf %mul3A_215, %get3A_631 : vector<16xf32>
          %add3A_633 = arith.addf %add3A_597, %mul3A_632 : vector<16xf32>
          %add3A_634 = arith.constant 48 : i32
          %add3A_635 = arith.addi %mul3A_431, %add3A_634 : i32
          %get3A_636 = arith.constant 5 : i32
          %get3A_637 = arith.index_cast %get3A_636 : i32 to index
          %get3A_638 = arith.index_cast %add3A_635 : i32 to index
          %get3A_639 = tpu.vector_load %arg10[%get3A_637, %get3A_638] {strides = array<i32>} : memref<16x1024xf32, #tpu.memory_space<vmem>>, vector<1x16xf32>,
          %get3A_640 = vector.shape_cast %get3A_639 : vector<1x16xf32> to vector<16xf32>
          %mul3A_641 = arith.mulf %mul3A_215, %get3A_640 : vector<16xf32>
          %add3A_642 = arith.addf %add3A_606, %mul3A_641 : vector<16xf32>
          %add3A_643 = arith.constant 0 : i32
          %add3A_644 = arith.addi %mul3A_431, %add3A_643 : i32
          %get3A_645 = arith.constant 6 : i32
          %get3A_646 = arith.index_cast %get3A_645 : i32 to index
          %get3A_647 = arith.index_cast %add3A_644 : i32 to index
          %get3A_648 = tpu.vector_load %arg10[%get3A_646, %get3A_647] {strides = array<i32>} : memref<16x1024xf32, #tpu.memory_space<vmem>>, vector<1x16xf32>,
          %get3A_649 = vector.shape_cast %get3A_648 : vector<1x16xf32> to vector<16xf32>
          %mul3A_650 = arith.mulf %mul3A_216, %get3A_649 : vector<16xf32>
          %add3A_651 = arith.addf %add3A_615, %mul3A_650 : vector<16xf32>
          %add3A_652 = arith.constant 16 : i32
          %add3A_653 = arith.addi %mul3A_431, %add3A_652 : i32
          %get3A_654 = arith.constant 6 : i32
          %get3A_655 = arith.index_cast %get3A_654 : i32 to index
          %get3A_656 = arith.index_cast %add3A_653 : i32 to index
          %get3A_657 = tpu.vector_load %arg10[%get3A_655, %get3A_656] {strides = array<i32>} : memref<16x1024xf32, #tpu.memory_space<vmem>>, vector<1x16xf32>,
          %get3A_658 = vector.shape_cast %get3A_657 : vector<1x16xf32> to vector<16xf32>
          %mul3A_659 = arith.mulf %mul3A_216, %get3A_658 : vector<16xf32>
          %add3A_660 = arith.addf %add3A_624, %mul3A_659 : vector<16xf32>
          %add3A_661 = arith.constant 32 : i32
          %add3A_662 = arith.addi %mul3A_431, %add3A_661 : i32
          %get3A_663 = arith.constant 6 : i32
          %get3A_664 = arith.index_cast %get3A_663 : i32 to index
          %get3A_665 = arith.index_cast %add3A_662 : i32 to index
          %get3A_666 = tpu.vector_load %arg10[%get3A_664, %get3A_665] {strides = array<i32>} : memref<16x1024xf32, #tpu.memory_space<vmem>>, vector<1x16xf32>,
          %get3A_667 = vector.shape_cast %get3A_666 : vector<1x16xf32> to vector<16xf32>
          %mul3A_668 = arith.mulf %mul3A_216, %get3A_667 : vector<16xf32>
          %add3A_669 = arith.addf %add3A_633, %mul3A_668 : vector<16xf32>
          %add3A_670 = arith.constant 48 : i32
          %add3A_671 = arith.addi %mul3A_431, %add3A_670 : i32
          %get3A_672 = arith.constant 6 : i32
          %get3A_673 = arith.index_cast %get3A_672 : i32 to index
          %get3A_674 = arith.index_cast %add3A_671 : i32 to index
          %get3A_675 = tpu.vector_load %arg10[%get3A_673, %get3A_674] {strides = array<i32>} : memref<16x1024xf32, #tpu.memory_space<vmem>>, vector<1x16xf32>,
          %get3A_676 = vector.shape_cast %get3A_675 : vector<1x16xf32> to vector<16xf32>
          %mul3A_677 = arith.mulf %mul3A_216, %get3A_676 : vector<16xf32>
          %add3A_678 = arith.addf %add3A_642, %mul3A_677 : vector<16xf32>
          %add3A_679 = arith.constant 0 : i32
          %add3A_680 = arith.addi %mul3A_431, %add3A_679 : i32
          %get3A_681 = arith.constant 7 : i32
          %get3A_682 = arith.index_cast %get3A_681 : i32 to index
          %get3A_683 = arith.index_cast %add3A_680 : i32 to index
          %get3A_684 = tpu.vector_load %arg10[%get3A_682, %get3A_683] {strides = array<i32>} : memref<16x1024xf32, #tpu.memory_space<vmem>>, vector<1x16xf32>,
          %get3A_685 = vector.shape_cast %get3A_684 : vector<1x16xf32> to vector<16xf32>
          %mul3A_686 = arith.mulf %mul3A_217, %get3A_685 : vector<16xf32>
          %add3A_687 = arith.addf %add3A_651, %mul3A_686 : vector<16xf32>
          %add3A_688 = arith.constant 16 : i32
          %add3A_689 = arith.addi %mul3A_431, %add3A_688 : i32
          %get3A_690 = arith.constant 7 : i32
          %get3A_691 = arith.index_cast %get3A_690 : i32 to index
          %get3A_692 = arith.index_cast %add3A_689 : i32 to index
          %get3A_693 = tpu.vector_load %arg10[%get3A_691, %get3A_692] {strides = array<i32>} : memref<16x1024xf32, #tpu.memory_space<vmem>>, vector<1x16xf32>,
          %get3A_694 = vector.shape_cast %get3A_693 : vector<1x16xf32> to vector<16xf32>
          %mul3A_695 = arith.mulf %mul3A_217, %get3A_694 : vector<16xf32>
          %add3A_696 = arith.addf %add3A_660, %mul3A_695 : vector<16xf32>
          %add3A_697 = arith.constant 32 : i32
          %add3A_698 = arith.addi %mul3A_431, %add3A_697 : i32
          %get3A_699 = arith.constant 7 : i32
          %get3A_700 = arith.index_cast %get3A_699 : i32 to index
          %get3A_701 = arith.index_cast %add3A_698 : i32 to index
          %get3A_702 = tpu.vector_load %arg10[%get3A_700, %get3A_701] {strides = array<i32>} : memref<16x1024xf32, #tpu.memory_space<vmem>>, vector<1x16xf32>,
          %get3A_703 = vector.shape_cast %get3A_702 : vector<1x16xf32> to vector<16xf32>
          %mul3A_704 = arith.mulf %mul3A_217, %get3A_703 : vector<16xf32>
          %add3A_705 = arith.addf %add3A_669, %mul3A_704 : vector<16xf32>
          %add3A_706 = arith.constant 48 : i32
          %add3A_707 = arith.addi %mul3A_431, %add3A_706 : i32
          %get3A_708 = arith.constant 7 : i32
          %get3A_709 = arith.index_cast %get3A_708 : i32 to index
          %get3A_710 = arith.index_cast %add3A_707 : i32 to index
          %get3A_711 = tpu.vector_load %arg10[%get3A_709, %get3A_710] {strides = array<i32>} : memref<16x1024xf32, #tpu.memory_space<vmem>>, vector<1x16xf32>,
          %get3A_712 = vector.shape_cast %get3A_711 : vector<1x16xf32> to vector<16xf32>
          %mul3A_713 = arith.mulf %mul3A_217, %get3A_712 : vector<16xf32>
          %add3A_714 = arith.addf %add3A_678, %mul3A_713 : vector<16xf32>
          %add3A_715 = arith.constant 0 : i32
          %add3A_716 = arith.addi %mul3A_431, %add3A_715 : i32
          %get3A_717 = arith.constant 8 : i32
          %get3A_718 = arith.index_cast %get3A_717 : i32 to index
          %get3A_719 = arith.index_cast %add3A_716 : i32 to index
          %get3A_720 = tpu.vector_load %arg10[%get3A_718, %get3A_719] {strides = array<i32>} : memref<16x1024xf32, #tpu.memory_space<vmem>>, vector<1x16xf32>,
          %get3A_721 = vector.shape_cast %get3A_720 : vector<1x16xf32> to vector<16xf32>
          %mul3A_722 = arith.mulf %mul3A_218, %get3A_721 : vector<16xf32>
          %add3A_723 = arith.addf %add3A_687, %mul3A_722 : vector<16xf32>
          %add3A_724 = arith.constant 16 : i32
          %add3A_725 = arith.addi %mul3A_431, %add3A_724 : i32
          %get3A_726 = arith.constant 8 : i32
          %get3A_727 = arith.index_cast %get3A_726 : i32 to index
          %get3A_728 = arith.index_cast %add3A_725 : i32 to index
          %get3A_729 = tpu.vector_load %arg10[%get3A_727, %get3A_728] {strides = array<i32>} : memref<16x1024xf32, #tpu.memory_space<vmem>>, vector<1x16xf32>,
          %get3A_730 = vector.shape_cast %get3A_729 : vector<1x16xf32> to vector<16xf32>
          %mul3A_731 = arith.mulf %mul3A_218, %get3A_730 : vector<16xf32>
          %add3A_732 = arith.addf %add3A_696, %mul3A_731 : vector<16xf32>
          %add3A_733 = arith.constant 32 : i32
          %add3A_734 = arith.addi %mul3A_431, %add3A_733 : i32
          %get3A_735 = arith.constant 8 : i32
          %get3A_736 = arith.index_cast %get3A_735 : i32 to index
          %get3A_737 = arith.index_cast %add3A_734 : i32 to index
          %get3A_738 = tpu.vector_load %arg10[%get3A_736, %get3A_737] {strides = array<i32>} : memref<16x1024xf32, #tpu.memory_space<vmem>>, vector<1x16xf32>,
          %get3A_739 = vector.shape_cast %get3A_738 : vector<1x16xf32> to vector<16xf32>
          %mul3A_740 = arith.mulf %mul3A_218, %get3A_739 : vector<16xf32>
          %add3A_741 = arith.addf %add3A_705, %mul3A_740 : vector<16xf32>
          %add3A_742 = arith.constant 48 : i32
          %add3A_743 = arith.addi %mul3A_431, %add3A_742 : i32
          %get3A_744 = arith.constant 8 : i32
          %get3A_745 = arith.index_cast %get3A_744 : i32 to index
          %get3A_746 = arith.index_cast %add3A_743 : i32 to index
          %get3A_747 = tpu.vector_load %arg10[%get3A_745, %get3A_746] {strides = array<i32>} : memref<16x1024xf32, #tpu.memory_space<vmem>>, vector<1x16xf32>,
          %get3A_748 = vector.shape_cast %get3A_747 : vector<1x16xf32> to vector<16xf32>
          %mul3A_749 = arith.mulf %mul3A_218, %get3A_748 : vector<16xf32>
          %add3A_750 = arith.addf %add3A_714, %mul3A_749 : vector<16xf32>
          %add3A_751 = arith.constant 0 : i32
          %add3A_752 = arith.addi %mul3A_431, %add3A_751 : i32
          %get3A_753 = arith.constant 9 : i32
          %get3A_754 = arith.index_cast %get3A_753 : i32 to index
          %get3A_755 = arith.index_cast %add3A_752 : i32 to index
          %get3A_756 = tpu.vector_load %arg10[%get3A_754, %get3A_755] {strides = array<i32>} : memref<16x1024xf32, #tpu.memory_space<vmem>>, vector<1x16xf32>,
          %get3A_757 = vector.shape_cast %get3A_756 : vector<1x16xf32> to vector<16xf32>
          %mul3A_758 = arith.mulf %mul3A_219, %get3A_757 : vector<16xf32>
          %add3A_759 = arith.addf %add3A_723, %mul3A_758 : vector<16xf32>
          %add3A_760 = arith.constant 16 : i32
          %add3A_761 = arith.addi %mul3A_431, %add3A_760 : i32
          %get3A_762 = arith.constant 9 : i32
          %get3A_763 = arith.index_cast %get3A_762 : i32 to index
          %get3A_764 = arith.index_cast %add3A_761 : i32 to index
          %get3A_765 = tpu.vector_load %arg10[%get3A_763, %get3A_764] {strides = array<i32>} : memref<16x1024xf32, #tpu.memory_space<vmem>>, vector<1x16xf32>,
          %get3A_766 = vector.shape_cast %get3A_765 : vector<1x16xf32> to vector<16xf32>
          %mul3A_767 = arith.mulf %mul3A_219, %get3A_766 : vector<16xf32>
          %add3A_768 = arith.addf %add3A_732, %mul3A_767 : vector<16xf32>
          %add3A_769 = arith.constant 32 : i32
          %add3A_770 = arith.addi %mul3A_431, %add3A_769 : i32
          %get3A_771 = arith.constant 9 : i32
          %get3A_772 = arith.index_cast %get3A_771 : i32 to index
          %get3A_773 = arith.index_cast %add3A_770 : i32 to index
          %get3A_774 = tpu.vector_load %arg10[%get3A_772, %get3A_773] {strides = array<i32>} : memref<16x1024xf32, #tpu.memory_space<vmem>>, vector<1x16xf32>,
          %get3A_775 = vector.shape_cast %get3A_774 : vector<1x16xf32> to vector<16xf32>
          %mul3A_776 = arith.mulf %mul3A_219, %get3A_775 : vector<16xf32>
          %add3A_777 = arith.addf %add3A_741, %mul3A_776 : vector<16xf32>
          %add3A_778 = arith.constant 48 : i32
          %add3A_779 = arith.addi %mul3A_431, %add3A_778 : i32
          %get3A_780 = arith.constant 9 : i32
          %get3A_781 = arith.index_cast %get3A_780 : i32 to index
          %get3A_782 = arith.index_cast %add3A_779 : i32 to index
          %get3A_783 = tpu.vector_load %arg10[%get3A_781, %get3A_782] {strides = array<i32>} : memref<16x1024xf32, #tpu.memory_space<vmem>>, vector<1x16xf32>,
          %get3A_784 = vector.shape_cast %get3A_783 : vector<1x16xf32> to vector<16xf32>
          %mul3A_785 = arith.mulf %mul3A_219, %get3A_784 : vector<16xf32>
          %add3A_786 = arith.addf %add3A_750, %mul3A_785 : vector<16xf32>
          %add3A_787 = arith.constant 0 : i32
          %add3A_788 = arith.addi %mul3A_431, %add3A_787 : i32
          %get3A_789 = arith.constant 10 : i32
          %get3A_790 = arith.index_cast %get3A_789 : i32 to index
          %get3A_791 = arith.index_cast %add3A_788 : i32 to index
          %get3A_792 = tpu.vector_load %arg10[%get3A_790, %get3A_791] {strides = array<i32>} : memref<16x1024xf32, #tpu.memory_space<vmem>>, vector<1x16xf32>,
          %get3A_793 = vector.shape_cast %get3A_792 : vector<1x16xf32> to vector<16xf32>
          %mul3A_794 = arith.mulf %mul3A_220, %get3A_793 : vector<16xf32>
          %add3A_795 = arith.addf %add3A_759, %mul3A_794 : vector<16xf32>
          %add3A_796 = arith.constant 16 : i32
          %add3A_797 = arith.addi %mul3A_431, %add3A_796 : i32
          %get3A_798 = arith.constant 10 : i32
          %get3A_799 = arith.index_cast %get3A_798 : i32 to index
          %get3A_800 = arith.index_cast %add3A_797 : i32 to index
          %get3A_801 = tpu.vector_load %arg10[%get3A_799, %get3A_800] {strides = array<i32>} : memref<16x1024xf32, #tpu.memory_space<vmem>>, vector<1x16xf32>,
          %get3A_802 = vector.shape_cast %get3A_801 : vector<1x16xf32> to vector<16xf32>
          %mul3A_803 = arith.mulf %mul3A_220, %get3A_802 : vector<16xf32>
          %add3A_804 = arith.addf %add3A_768, %mul3A_803 : vector<16xf32>
          %add3A_805 = arith.constant 32 : i32
          %add3A_806 = arith.addi %mul3A_431, %add3A_805 : i32
          %get3A_807 = arith.constant 10 : i32
          %get3A_808 = arith.index_cast %get3A_807 : i32 to index
          %get3A_809 = arith.index_cast %add3A_806 : i32 to index
          %get3A_810 = tpu.vector_load %arg10[%get3A_808, %get3A_809] {strides = array<i32>} : memref<16x1024xf32, #tpu.memory_space<vmem>>, vector<1x16xf32>,
          %get3A_811 = vector.shape_cast %get3A_810 : vector<1x16xf32> to vector<16xf32>
          %mul3A_812 = arith.mulf %mul3A_220, %get3A_811 : vector<16xf32>
          %add3A_813 = arith.addf %add3A_777, %mul3A_812 : vector<16xf32>
          %add3A_814 = arith.constant 48 : i32
          %add3A_815 = arith.addi %mul3A_431, %add3A_814 : i32
          %get3A_816 = arith.constant 10 : i32
          %get3A_817 = arith.index_cast %get3A_816 : i32 to index
          %get3A_818 = arith.index_cast %add3A_815 : i32 to index
          %get3A_819 = tpu.vector_load %arg10[%get3A_817, %get3A_818] {strides = array<i32>} : memref<16x1024xf32, #tpu.memory_space<vmem>>, vector<1x16xf32>,
          %get3A_820 = vector.shape_cast %get3A_819 : vector<1x16xf32> to vector<16xf32>
          %mul3A_821 = arith.mulf %mul3A_220, %get3A_820 : vector<16xf32>
          %add3A_822 = arith.addf %add3A_786, %mul3A_821 : vector<16xf32>
          %add3A_823 = arith.constant 0 : i32
          %add3A_824 = arith.addi %mul3A_431, %add3A_823 : i32
          %get3A_825 = arith.constant 11 : i32
          %get3A_826 = arith.index_cast %get3A_825 : i32 to index
          %get3A_827 = arith.index_cast %add3A_824 : i32 to index
          %get3A_828 = tpu.vector_load %arg10[%get3A_826, %get3A_827] {strides = array<i32>} : memref<16x1024xf32, #tpu.memory_space<vmem>>, vector<1x16xf32>,
          %get3A_829 = vector.shape_cast %get3A_828 : vector<1x16xf32> to vector<16xf32>
          %mul3A_830 = arith.mulf %mul3A_221, %get3A_829 : vector<16xf32>
          %add3A_831 = arith.addf %add3A_795, %mul3A_830 : vector<16xf32>
          %add3A_832 = arith.constant 16 : i32
          %add3A_833 = arith.addi %mul3A_431, %add3A_832 : i32
          %get3A_834 = arith.constant 11 : i32
          %get3A_835 = arith.index_cast %get3A_834 : i32 to index
          %get3A_836 = arith.index_cast %add3A_833 : i32 to index
          %get3A_837 = tpu.vector_load %arg10[%get3A_835, %get3A_836] {strides = array<i32>} : memref<16x1024xf32, #tpu.memory_space<vmem>>, vector<1x16xf32>,
          %get3A_838 = vector.shape_cast %get3A_837 : vector<1x16xf32> to vector<16xf32>
          %mul3A_839 = arith.mulf %mul3A_221, %get3A_838 : vector<16xf32>
          %add3A_840 = arith.addf %add3A_804, %mul3A_839 : vector<16xf32>
          %add3A_841 = arith.constant 32 : i32
          %add3A_842 = arith.addi %mul3A_431, %add3A_841 : i32
          %get3A_843 = arith.constant 11 : i32
          %get3A_844 = arith.index_cast %get3A_843 : i32 to index
          %get3A_845 = arith.index_cast %add3A_842 : i32 to index
          %get3A_846 = tpu.vector_load %arg10[%get3A_844, %get3A_845] {strides = array<i32>} : memref<16x1024xf32, #tpu.memory_space<vmem>>, vector<1x16xf32>,
          %get3A_847 = vector.shape_cast %get3A_846 : vector<1x16xf32> to vector<16xf32>
          %mul3A_848 = arith.mulf %mul3A_221, %get3A_847 : vector<16xf32>
          %add3A_849 = arith.addf %add3A_813, %mul3A_848 : vector<16xf32>
          %add3A_850 = arith.constant 48 : i32
          %add3A_851 = arith.addi %mul3A_431, %add3A_850 : i32
          %get3A_852 = arith.constant 11 : i32
          %get3A_853 = arith.index_cast %get3A_852 : i32 to index
          %get3A_854 = arith.index_cast %add3A_851 : i32 to index
          %get3A_855 = tpu.vector_load %arg10[%get3A_853, %get3A_854] {strides = array<i32>} : memref<16x1024xf32, #tpu.memory_space<vmem>>, vector<1x16xf32>,
          %get3A_856 = vector.shape_cast %get3A_855 : vector<1x16xf32> to vector<16xf32>
          %mul3A_857 = arith.mulf %mul3A_221, %get3A_856 : vector<16xf32>
          %add3A_858 = arith.addf %add3A_822, %mul3A_857 : vector<16xf32>
          %add3A_859 = arith.constant 0 : i32
          %add3A_860 = arith.addi %mul3A_431, %add3A_859 : i32
          %get3A_861 = arith.constant 12 : i32
          %get3A_862 = arith.index_cast %get3A_861 : i32 to index
          %get3A_863 = arith.index_cast %add3A_860 : i32 to index
          %get3A_864 = tpu.vector_load %arg10[%get3A_862, %get3A_863] {strides = array<i32>} : memref<16x1024xf32, #tpu.memory_space<vmem>>, vector<1x16xf32>,
          %get3A_865 = vector.shape_cast %get3A_864 : vector<1x16xf32> to vector<16xf32>
          %mul3A_866 = arith.mulf %mul3A_222, %get3A_865 : vector<16xf32>
          %add3A_867 = arith.addf %add3A_831, %mul3A_866 : vector<16xf32>
          %add3A_868 = arith.constant 16 : i32
          %add3A_869 = arith.addi %mul3A_431, %add3A_868 : i32
          %get3A_870 = arith.constant 12 : i32
          %get3A_871 = arith.index_cast %get3A_870 : i32 to index
          %get3A_872 = arith.index_cast %add3A_869 : i32 to index
          %get3A_873 = tpu.vector_load %arg10[%get3A_871, %get3A_872] {strides = array<i32>} : memref<16x1024xf32, #tpu.memory_space<vmem>>, vector<1x16xf32>,
          %get3A_874 = vector.shape_cast %get3A_873 : vector<1x16xf32> to vector<16xf32>
          %mul3A_875 = arith.mulf %mul3A_222, %get3A_874 : vector<16xf32>
          %add3A_876 = arith.addf %add3A_840, %mul3A_875 : vector<16xf32>
          %add3A_877 = arith.constant 32 : i32
          %add3A_878 = arith.addi %mul3A_431, %add3A_877 : i32
          %get3A_879 = arith.constant 12 : i32
          %get3A_880 = arith.index_cast %get3A_879 : i32 to index
          %get3A_881 = arith.index_cast %add3A_878 : i32 to index
          %get3A_882 = tpu.vector_load %arg10[%get3A_880, %get3A_881] {strides = array<i32>} : memref<16x1024xf32, #tpu.memory_space<vmem>>, vector<1x16xf32>,
          %get3A_883 = vector.shape_cast %get3A_882 : vector<1x16xf32> to vector<16xf32>
          %mul3A_884 = arith.mulf %mul3A_222, %get3A_883 : vector<16xf32>
          %add3A_885 = arith.addf %add3A_849, %mul3A_884 : vector<16xf32>
          %add3A_886 = arith.constant 48 : i32
          %add3A_887 = arith.addi %mul3A_431, %add3A_886 : i32
          %get3A_888 = arith.constant 12 : i32
          %get3A_889 = arith.index_cast %get3A_888 : i32 to index
          %get3A_890 = arith.index_cast %add3A_887 : i32 to index
          %get3A_891 = tpu.vector_load %arg10[%get3A_889, %get3A_890] {strides = array<i32>} : memref<16x1024xf32, #tpu.memory_space<vmem>>, vector<1x16xf32>,
          %get3A_892 = vector.shape_cast %get3A_891 : vector<1x16xf32> to vector<16xf32>
          %mul3A_893 = arith.mulf %mul3A_222, %get3A_892 : vector<16xf32>
          %add3A_894 = arith.addf %add3A_858, %mul3A_893 : vector<16xf32>
          %add3A_895 = arith.constant 0 : i32
          %add3A_896 = arith.addi %mul3A_431, %add3A_895 : i32
          %get3A_897 = arith.constant 13 : i32
          %get3A_898 = arith.index_cast %get3A_897 : i32 to index
          %get3A_899 = arith.index_cast %add3A_896 : i32 to index
          %get3A_900 = tpu.vector_load %arg10[%get3A_898, %get3A_899] {strides = array<i32>} : memref<16x1024xf32, #tpu.memory_space<vmem>>, vector<1x16xf32>,
          %get3A_901 = vector.shape_cast %get3A_900 : vector<1x16xf32> to vector<16xf32>
          %mul3A_902 = arith.mulf %mul3A_223, %get3A_901 : vector<16xf32>
          %add3A_903 = arith.addf %add3A_867, %mul3A_902 : vector<16xf32>
          %add3A_904 = arith.constant 16 : i32
          %add3A_905 = arith.addi %mul3A_431, %add3A_904 : i32
          %get3A_906 = arith.constant 13 : i32
          %get3A_907 = arith.index_cast %get3A_906 : i32 to index
          %get3A_908 = arith.index_cast %add3A_905 : i32 to index
          %get3A_909 = tpu.vector_load %arg10[%get3A_907, %get3A_908] {strides = array<i32>} : memref<16x1024xf32, #tpu.memory_space<vmem>>, vector<1x16xf32>,
          %get3A_910 = vector.shape_cast %get3A_909 : vector<1x16xf32> to vector<16xf32>
          %mul3A_911 = arith.mulf %mul3A_223, %get3A_910 : vector<16xf32>
          %add3A_912 = arith.addf %add3A_876, %mul3A_911 : vector<16xf32>
          %add3A_913 = arith.constant 32 : i32
          %add3A_914 = arith.addi %mul3A_431, %add3A_913 : i32
          %get3A_915 = arith.constant 13 : i32
          %get3A_916 = arith.index_cast %get3A_915 : i32 to index
          %get3A_917 = arith.index_cast %add3A_914 : i32 to index
          %get3A_918 = tpu.vector_load %arg10[%get3A_916, %get3A_917] {strides = array<i32>} : memref<16x1024xf32, #tpu.memory_space<vmem>>, vector<1x16xf32>,
          %get3A_919 = vector.shape_cast %get3A_918 : vector<1x16xf32> to vector<16xf32>
          %mul3A_920 = arith.mulf %mul3A_223, %get3A_919 : vector<16xf32>
          %add3A_921 = arith.addf %add3A_885, %mul3A_920 : vector<16xf32>
          %add3A_922 = arith.constant 48 : i32
          %add3A_923 = arith.addi %mul3A_431, %add3A_922 : i32
          %get3A_924 = arith.constant 13 : i32
          %get3A_925 = arith.index_cast %get3A_924 : i32 to index
          %get3A_926 = arith.index_cast %add3A_923 : i32 to index
          %get3A_927 = tpu.vector_load %arg10[%get3A_925, %get3A_926] {strides = array<i32>} : memref<16x1024xf32, #tpu.memory_space<vmem>>, vector<1x16xf32>,
          %get3A_928 = vector.shape_cast %get3A_927 : vector<1x16xf32> to vector<16xf32>
          %mul3A_929 = arith.mulf %mul3A_223, %get3A_928 : vector<16xf32>
          %add3A_930 = arith.addf %add3A_894, %mul3A_929 : vector<16xf32>
          %add3A_931 = arith.constant 0 : i32
          %add3A_932 = arith.addi %mul3A_431, %add3A_931 : i32
          %get3A_933 = arith.constant 14 : i32
          %get3A_934 = arith.index_cast %get3A_933 : i32 to index
          %get3A_935 = arith.index_cast %add3A_932 : i32 to index
          %get3A_936 = tpu.vector_load %arg10[%get3A_934, %get3A_935] {strides = array<i32>} : memref<16x1024xf32, #tpu.memory_space<vmem>>, vector<1x16xf32>,
          %get3A_937 = vector.shape_cast %get3A_936 : vector<1x16xf32> to vector<16xf32>
          %mul3A_938 = arith.mulf %mul3A_224, %get3A_937 : vector<16xf32>
          %add3A_939 = arith.addf %add3A_903, %mul3A_938 : vector<16xf32>
          %add3A_940 = arith.constant 16 : i32
          %add3A_941 = arith.addi %mul3A_431, %add3A_940 : i32
          %get3A_942 = arith.constant 14 : i32
          %get3A_943 = arith.index_cast %get3A_942 : i32 to index
          %get3A_944 = arith.index_cast %add3A_941 : i32 to index
          %get3A_945 = tpu.vector_load %arg10[%get3A_943, %get3A_944] {strides = array<i32>} : memref<16x1024xf32, #tpu.memory_space<vmem>>, vector<1x16xf32>,
          %get3A_946 = vector.shape_cast %get3A_945 : vector<1x16xf32> to vector<16xf32>
          %mul3A_947 = arith.mulf %mul3A_224, %get3A_946 : vector<16xf32>
          %add3A_948 = arith.addf %add3A_912, %mul3A_947 : vector<16xf32>
          %add3A_949 = arith.constant 32 : i32
          %add3A_950 = arith.addi %mul3A_431, %add3A_949 : i32
          %get3A_951 = arith.constant 14 : i32
          %get3A_952 = arith.index_cast %get3A_951 : i32 to index
          %get3A_953 = arith.index_cast %add3A_950 : i32 to index
          %get3A_954 = tpu.vector_load %arg10[%get3A_952, %get3A_953] {strides = array<i32>} : memref<16x1024xf32, #tpu.memory_space<vmem>>, vector<1x16xf32>,
          %get3A_955 = vector.shape_cast %get3A_954 : vector<1x16xf32> to vector<16xf32>
          %mul3A_956 = arith.mulf %mul3A_224, %get3A_955 : vector<16xf32>
          %add3A_957 = arith.addf %add3A_921, %mul3A_956 : vector<16xf32>
          %add3A_958 = arith.constant 48 : i32
          %add3A_959 = arith.addi %mul3A_431, %add3A_958 : i32
          %get3A_960 = arith.constant 14 : i32
          %get3A_961 = arith.index_cast %get3A_960 : i32 to index
          %get3A_962 = arith.index_cast %add3A_959 : i32 to index
          %get3A_963 = tpu.vector_load %arg10[%get3A_961, %get3A_962] {strides = array<i32>} : memref<16x1024xf32, #tpu.memory_space<vmem>>, vector<1x16xf32>,
          %get3A_964 = vector.shape_cast %get3A_963 : vector<1x16xf32> to vector<16xf32>
          %mul3A_965 = arith.mulf %mul3A_224, %get3A_964 : vector<16xf32>
          %add3A_966 = arith.addf %add3A_930, %mul3A_965 : vector<16xf32>
          %add3A_967 = arith.constant 0 : i32
          %add3A_968 = arith.addi %mul3A_431, %add3A_967 : i32
          %get3A_969 = arith.constant 15 : i32
          %get3A_970 = arith.index_cast %get3A_969 : i32 to index
          %get3A_971 = arith.index_cast %add3A_968 : i32 to index
          %get3A_972 = tpu.vector_load %arg10[%get3A_970, %get3A_971] {strides = array<i32>} : memref<16x1024xf32, #tpu.memory_space<vmem>>, vector<1x16xf32>,
          %get3A_973 = vector.shape_cast %get3A_972 : vector<1x16xf32> to vector<16xf32>
          %mul3A_974 = arith.mulf %mul3A_225, %get3A_973 : vector<16xf32>
          %add3A_975 = arith.addf %add3A_939, %mul3A_974 : vector<16xf32>
          %add3A_976 = arith.constant 16 : i32
          %add3A_977 = arith.addi %mul3A_431, %add3A_976 : i32
          %get3A_978 = arith.constant 15 : i32
          %get3A_979 = arith.index_cast %get3A_978 : i32 to index
          %get3A_980 = arith.index_cast %add3A_977 : i32 to index
          %get3A_981 = tpu.vector_load %arg10[%get3A_979, %get3A_980] {strides = array<i32>} : memref<16x1024xf32, #tpu.memory_space<vmem>>, vector<1x16xf32>,
          %get3A_982 = vector.shape_cast %get3A_981 : vector<1x16xf32> to vector<16xf32>
          %mul3A_983 = arith.mulf %mul3A_225, %get3A_982 : vector<16xf32>
          %add3A_984 = arith.addf %add3A_948, %mul3A_983 : vector<16xf32>
          %add3A_985 = arith.constant 32 : i32
          %add3A_986 = arith.addi %mul3A_431, %add3A_985 : i32
          %get3A_987 = arith.constant 15 : i32
          %get3A_988 = arith.index_cast %get3A_987 : i32 to index
          %get3A_989 = arith.index_cast %add3A_986 : i32 to index
          %get3A_990 = tpu.vector_load %arg10[%get3A_988, %get3A_989] {strides = array<i32>} : memref<16x1024xf32, #tpu.memory_space<vmem>>, vector<1x16xf32>,
          %get3A_991 = vector.shape_cast %get3A_990 : vector<1x16xf32> to vector<16xf32>
          %mul3A_992 = arith.mulf %mul3A_225, %get3A_991 : vector<16xf32>
          %add3A_993 = arith.addf %add3A_957, %mul3A_992 : vector<16xf32>
          %add3A_994 = arith.constant 48 : i32
          %add3A_995 = arith.addi %mul3A_431, %add3A_994 : i32
          %get3A_996 = arith.constant 15 : i32
          %get3A_997 = arith.index_cast %get3A_996 : i32 to index
          %get3A_998 = arith.index_cast %add3A_995 : i32 to index
          %get3A_999 = tpu.vector_load %arg10[%get3A_997, %get3A_998] {strides = array<i32>} : memref<16x1024xf32, #tpu.memory_space<vmem>>, vector<1x16xf32>,
          %get3A_1000 = vector.shape_cast %get3A_999 : vector<1x16xf32> to vector<16xf32>
          %mul3A_1001 = arith.mulf %mul3A_225, %get3A_1000 : vector<16xf32>
          %add3A_1002 = arith.addf %add3A_966, %mul3A_1001 : vector<16xf32>
          %add3A_1003 = arith.constant 0 : i32
          %add3A_1004 = arith.addi %mul3A_431, %add3A_1003 : i32
          %swap3A = arith.index_cast %add3A_76 : i32 to index
          %swap3A_1005 = arith.index_cast %add3A_1004 : i32 to index
          %swap3A_1006 = tpu.vector_load %arg13[%swap3A, %swap3A_1005] {strides = array<i32>} : memref<8x1024xf32, #tpu.memory_space<vmem>>, vector<1x16xf32>,
          %swap3A_1007 = vector.shape_cast %swap3A_1006 : vector<1x16xf32> to vector<16xf32>
          %swap3A_1008 = vector.shape_cast %add3A_975 : vector<16xf32> to vector<1x16xf32>
          tpu.vector_store %arg13[%swap3A, %swap3A_1005], %swap3A_1008 {strides = array<i32>} : memref<8x1024xf32, #tpu.memory_space<vmem>>, vector<1x16xf32>,
          %add3A_1009 = arith.constant 16 : i32
          %add3A_1010 = arith.addi %mul3A_431, %add3A_1009 : i32
          %swap3A_1011 = arith.index_cast %add3A_76 : i32 to index
          %swap3A_1012 = arith.index_cast %add3A_1010 : i32 to index
          %swap3A_1013 = tpu.vector_load %arg13[%swap3A_1011, %swap3A_1012] {strides = array<i32>} : memref<8x1024xf32, #tpu.memory_space<vmem>>, vector<1x16xf32>,
          %swap3A_1014 = vector.shape_cast %swap3A_1013 : vector<1x16xf32> to vector<16xf32>
          %swap3A_1015 = vector.shape_cast %add3A_984 : vector<16xf32> to vector<1x16xf32>
          tpu.vector_store %arg13[%swap3A_1011, %swap3A_1012], %swap3A_1015 {strides = array<i32>} : memref<8x1024xf32, #tpu.memory_space<vmem>>, vector<1x16xf32>,
          %add3A_1016 = arith.constant 32 : i32
          %add3A_1017 = arith.addi %mul3A_431, %add3A_1016 : i32
          %swap3A_1018 = arith.index_cast %add3A_76 : i32 to index
          %swap3A_1019 = arith.index_cast %add3A_1017 : i32 to index
          %swap3A_1020 = tpu.vector_load %arg13[%swap3A_1018, %swap3A_1019] {strides = array<i32>} : memref<8x1024xf32, #tpu.memory_space<vmem>>, vector<1x16xf32>,
          %swap3A_1021 = vector.shape_cast %swap3A_1020 : vector<1x16xf32> to vector<16xf32>
          %swap3A_1022 = vector.shape_cast %add3A_993 : vector<16xf32> to vector<1x16xf32>
          tpu.vector_store %arg13[%swap3A_1018, %swap3A_1019], %swap3A_1022 {strides = array<i32>} : memref<8x1024xf32, #tpu.memory_space<vmem>>, vector<1x16xf32>,
          %add3A_1023 = arith.constant 48 : i32
          %add3A_1024 = arith.addi %mul3A_431, %add3A_1023 : i32
          %swap3A_1025 = arith.index_cast %add3A_76 : i32 to index
          %swap3A_1026 = arith.index_cast %add3A_1024 : i32 to index
          %swap3A_1027 = tpu.vector_load %arg13[%swap3A_1025, %swap3A_1026] {strides = array<i32>} : memref<8x1024xf32, #tpu.memory_space<vmem>>, vector<1x16xf32>,
          %swap3A_1028 = vector.shape_cast %swap3A_1027 : vector<1x16xf32> to vector<16xf32>
          %swap3A_1029 = vector.shape_cast %add3A_1002 : vector<16xf32> to vector<1x16xf32>
          tpu.vector_store %arg13[%swap3A_1025, %swap3A_1026], %swap3A_1029 {strides = array<i32>} : memref<8x1024xf32, #tpu.memory_space<vmem>>, vector<1x16xf32>,
        }
        %scan3A_231 = arith.constant 16 : i32
        %add3A_232 = arith.constant 2 : i32
        %add3A_233 = arith.addi %add3A_79, %add3A_232 : i32
        %min3A = arith.constant 127 : i32
        %min3A_234 = arith.minsi %add3A_233, %min3A : i32
        %dma_start3A_235 = arith.constant 0 : i32
        %dma_start3A_236 = tpu.memref_slice %arg7[%min3A_234, %dma_start3A_235] : memref<128x16xi32, #tpu.memory_space<vmem>> -> memref<1x16xi32, #tpu.memory_space<vmem>>
        %dma_start3A_237 = tpu.memref_squeeze %dma_start3A_236 : memref<1x16xi32, #tpu.memory_space<vmem>> -> memref<16xi32, #tpu.memory_space<vmem>>
        %dma_start3A_238 = arith.constant 0 : i32
        %dma_start3A_239 = arith.constant 0 : i32
        %dma_start3A_240 = tpu.memref_slice %arg3[%dma_start3A_238, %dma_start3A_239] : memref<4096x1024xf32, #tpu.memory_space<hbm>> -> memref<4096x1024xf32, #tpu.memory_space<hbm>>
        tpu.enqueue_indirect_dma source(%dma_start3A_240 : memref<4096x1024xf32, #tpu.memory_space<hbm>>) target(%arg9 : memref<16x1024xf32, #tpu.memory_space<vmem>>) offsets(%dma_start3A_237 : memref<16xi32, #tpu.memory_space<vmem>>) semaphore(%arg14 : memref<!tpu.dma_semaphore, #tpu.memory_space<semaphore_mem>>)
        %dma_start3A_241 = arith.constant 0 : i32
        %dma_start3A_242 = tpu.memref_slice %arg7[%min3A_234, %dma_start3A_241] : memref<128x16xi32, #tpu.memory_space<vmem>> -> memref<1x16xi32, #tpu.memory_space<vmem>>
        %dma_start3A_243 = tpu.memref_squeeze %dma_start3A_242 : memref<1x16xi32, #tpu.memory_space<vmem>> -> memref<16xi32, #tpu.memory_space<vmem>>
        %dma_start3A_244 = arith.constant 0 : i32
        %dma_start3A_245 = arith.constant 0 : i32
        %dma_start3A_246 = tpu.memref_slice %arg4[%dma_start3A_244, %dma_start3A_245] : memref<4096x1024xf32, #tpu.memory_space<hbm>> -> memref<4096x1024xf32, #tpu.memory_space<hbm>>
        tpu.enqueue_indirect_dma source(%dma_start3A_246 : memref<4096x1024xf32, #tpu.memory_space<hbm>>) target(%arg10 : memref<16x1024xf32, #tpu.memory_space<vmem>>) offsets(%dma_start3A_243 : memref<16xi32, #tpu.memory_space<vmem>>) semaphore(%arg15 : memref<!tpu.dma_semaphore, #tpu.memory_space<semaphore_mem>>)
        %mul3A_247 = arith.constant 2 : i32
        %mul3A_248 = arith.muli %mul3A_247, %scan3A_72 : i32
        %add3A_249 = arith.constant 1 : i32
        %add3A_250 = arith.addi %mul3A_248, %add3A_249 : i32
        %mul3A_251 = arith.constant 8 : i32
        %mul3A_252 = arith.muli %scan3A_62, %mul3A_251 : i32
        %add3A_253 = arith.addi %mul3A_252, %add3A_250 : i32
        %dma_wait3A_254 = arith.constant 0 : i32
        %dma_wait3A_255 = arith.constant 0 : i32
        %dma_wait3A_256 = tpu.memref_slice %arg7[%dma_wait3A_254, %dma_wait3A_255] : memref<128x16xi32, #tpu.memory_space<vmem>> -> memref<1x16xi32, #tpu.memory_space<vmem>>
        %dma_wait3A_257 = tpu.memref_squeeze %dma_wait3A_256 : memref<1x16xi32, #tpu.memory_space<vmem>> -> memref<16xi32, #tpu.memory_space<vmem>>
        %dma_wait3A_258 = arith.constant 0 : i32
        %dma_wait3A_259 = arith.constant 0 : i32
        %dma_wait3A_260 = tpu.memref_slice %arg3[%dma_wait3A_258, %dma_wait3A_259] : memref<4096x1024xf32, #tpu.memory_space<hbm>> -> memref<4096x1024xf32, #tpu.memory_space<hbm>>
        tpu.wait_indirect_dma semaphore(%arg16 : memref<!tpu.dma_semaphore, #tpu.memory_space<semaphore_mem>>) src(%dma_wait3A_260 : memref<4096x1024xf32, #tpu.memory_space<hbm>>) dst(%arg11 : memref<16x1024xf32, #tpu.memory_space<vmem>>)
        %dma_wait3A_261 = arith.constant 0 : i32
        %dma_wait3A_262 = arith.constant 0 : i32
        %dma_wait3A_263 = tpu.memref_slice %arg7[%dma_wait3A_261, %dma_wait3A_262] : memref<128x16xi32, #tpu.memory_space<vmem>> -> memref<1x16xi32, #tpu.memory_space<vmem>>
        %dma_wait3A_264 = tpu.memref_squeeze %dma_wait3A_263 : memref<1x16xi32, #tpu.memory_space<vmem>> -> memref<16xi32, #tpu.memory_space<vmem>>
        %dma_wait3A_265 = arith.constant 0 : i32
        %dma_wait3A_266 = arith.constant 0 : i32
        %dma_wait3A_267 = tpu.memref_slice %arg4[%dma_wait3A_265, %dma_wait3A_266] : memref<4096x1024xf32, #tpu.memory_space<hbm>> -> memref<4096x1024xf32, #tpu.memory_space<hbm>>
        tpu.wait_indirect_dma semaphore(%arg17 : memref<!tpu.dma_semaphore, #tpu.memory_space<semaphore_mem>>) src(%dma_wait3A_267 : memref<4096x1024xf32, #tpu.memory_space<hbm>>) dst(%arg12 : memref<16x1024xf32, #tpu.memory_space<vmem>>)
        %broadcast_in_dim3A_268 = arith.constant 0.000000e+00 : f32
        %broadcast_in_dim3A_269 = vector.broadcast %broadcast_in_dim3A_268 : f32 to vector<16xf32>
        %scan3A_270 = arith.constant 0 : i32
        %scan3A_271 = arith.constant 16 : i32
        %scan3A_272 = arith.addi %scan3A_270, %scan3A_271 : i32
        %scan3A_273 = arith.constant 1 : i32
        %scan3A_274:16 = scf.for %scan3A_427 = %scan3A_270 to %scan3A_272 step %scan3A_273 iter_args(%scan3A_428 = %broadcast_in_dim3A_269, %scan3A_429 = %broadcast_in_dim3A_269, %scan3A_430 = %broadcast_in_dim3A_269, %scan3A_431 = %broadcast_in_dim3A_269, %scan3A_432 = %broadcast_in_dim3A_269, %scan3A_433 = %broadcast_in_dim3A_269, %scan3A_434 = %broadcast_in_dim3A_269, %scan3A_435 = %broadcast_in_dim3A_269, %scan3A_436 = %broadcast_in_dim3A_269, %scan3A_437 = %broadcast_in_dim3A_269, %scan3A_438 = %broadcast_in_dim3A_269, %scan3A_439 = %broadcast_in_dim3A_269, %scan3A_440 = %broadcast_in_dim3A_269, %scan3A_441 = %broadcast_in_dim3A_269, %scan3A_442 = %broadcast_in_dim3A_269, %scan3A_443 = %broadcast_in_dim3A_269) -> (vector<16xf32>, vector<16xf32>, vector<16xf32>, vector<16xf32>, vector<16xf32>, vector<16xf32>, vector<16xf32>, vector<16xf32>, vector<16xf32>, vector<16xf32>, vector<16xf32>, vector<16xf32>, vector<16xf32>, vector<16xf32>, vector<16xf32>, vector<16xf32>)  : i32 {
          %mul3A_444 = arith.constant 4 : i32
          %mul3A_445 = arith.muli %scan3A_427, %mul3A_444 : i32
          %mul3A_446 = arith.constant 16 : i32
          %mul3A_447 = arith.muli %mul3A_445, %mul3A_446 : i32
          %add3A_448 = arith.constant 0 : i32
          %add3A_449 = arith.addi %mul3A_447, %add3A_448 : i32
          %get3A = arith.index_cast %add3A_250 : i32 to index
          %get3A_450 = arith.index_cast %add3A_449 : i32 to index
          %get3A_451 = tpu.vector_load %arg8[%get3A, %get3A_450] {strides = array<i32>} : memref<8x1024xf32, #tpu.memory_space<vmem>>, vector<1x16xf32>,
          %get3A_452 = vector.shape_cast %get3A_451 : vector<1x16xf32> to vector<16xf32>
          %add3A_453 = arith.constant 16 : i32
          %add3A_454 = arith.addi %mul3A_447, %add3A_453 : i32
          %get3A_455 = arith.index_cast %add3A_250 : i32 to index
          %get3A_456 = arith.index_cast %add3A_454 : i32 to index
          %get3A_457 = tpu.vector_load %arg8[%get3A_455, %get3A_456] {strides = array<i32>} : memref<8x1024xf32, #tpu.memory_space<vmem>>, vector<1x16xf32>,
          %get3A_458 = vector.shape_cast %get3A_457 : vector<1x16xf32> to vector<16xf32>
          %add3A_459 = arith.constant 32 : i32
          %add3A_460 = arith.addi %mul3A_447, %add3A_459 : i32
          %get3A_461 = arith.index_cast %add3A_250 : i32 to index
          %get3A_462 = arith.index_cast %add3A_460 : i32 to index
          %get3A_463 = tpu.vector_load %arg8[%get3A_461, %get3A_462] {strides = array<i32>} : memref<8x1024xf32, #tpu.memory_space<vmem>>, vector<1x16xf32>,
          %get3A_464 = vector.shape_cast %get3A_463 : vector<1x16xf32> to vector<16xf32>
          %add3A_465 = arith.constant 48 : i32
          %add3A_466 = arith.addi %mul3A_447, %add3A_465 : i32
          %get3A_467 = arith.index_cast %add3A_250 : i32 to index
          %get3A_468 = arith.index_cast %add3A_466 : i32 to index
          %get3A_469 = tpu.vector_load %arg8[%get3A_467, %get3A_468] {strides = array<i32>} : memref<8x1024xf32, #tpu.memory_space<vmem>>, vector<1x16xf32>,
          %get3A_470 = vector.shape_cast %get3A_469 : vector<1x16xf32> to vector<16xf32>
          %add3A_471 = arith.constant 0 : i32
          %add3A_472 = arith.addi %mul3A_447, %add3A_471 : i32
          %get3A_473 = arith.constant 0 : i32
          %get3A_474 = arith.index_cast %get3A_473 : i32 to index
          %get3A_475 = arith.index_cast %add3A_472 : i32 to index
          %get3A_476 = tpu.vector_load %arg11[%get3A_474, %get3A_475] {strides = array<i32>} : memref<16x1024xf32, #tpu.memory_space<vmem>>, vector<1x16xf32>,
          %get3A_477 = vector.shape_cast %get3A_476 : vector<1x16xf32> to vector<16xf32>
          %mul3A_478 = arith.mulf %get3A_452, %get3A_477 : vector<16xf32>
          %add3A_479 = arith.addf %scan3A_428, %mul3A_478 : vector<16xf32>
          %add3A_480 = arith.constant 16 : i32
          %add3A_481 = arith.addi %mul3A_447, %add3A_480 : i32
          %get3A_482 = arith.constant 0 : i32
          %get3A_483 = arith.index_cast %get3A_482 : i32 to index
          %get3A_484 = arith.index_cast %add3A_481 : i32 to index
          %get3A_485 = tpu.vector_load %arg11[%get3A_483, %get3A_484] {strides = array<i32>} : memref<16x1024xf32, #tpu.memory_space<vmem>>, vector<1x16xf32>,
          %get3A_486 = vector.shape_cast %get3A_485 : vector<1x16xf32> to vector<16xf32>
          %mul3A_487 = arith.mulf %get3A_458, %get3A_486 : vector<16xf32>
          %add3A_488 = arith.addf %add3A_479, %mul3A_487 : vector<16xf32>
          %add3A_489 = arith.constant 32 : i32
          %add3A_490 = arith.addi %mul3A_447, %add3A_489 : i32
          %get3A_491 = arith.constant 0 : i32
          %get3A_492 = arith.index_cast %get3A_491 : i32 to index
          %get3A_493 = arith.index_cast %add3A_490 : i32 to index
          %get3A_494 = tpu.vector_load %arg11[%get3A_492, %get3A_493] {strides = array<i32>} : memref<16x1024xf32, #tpu.memory_space<vmem>>, vector<1x16xf32>,
          %get3A_495 = vector.shape_cast %get3A_494 : vector<1x16xf32> to vector<16xf32>
          %mul3A_496 = arith.mulf %get3A_464, %get3A_495 : vector<16xf32>
          %add3A_497 = arith.addf %add3A_488, %mul3A_496 : vector<16xf32>
          %add3A_498 = arith.constant 48 : i32
          %add3A_499 = arith.addi %mul3A_447, %add3A_498 : i32
          %get3A_500 = arith.constant 0 : i32
          %get3A_501 = arith.index_cast %get3A_500 : i32 to index
          %get3A_502 = arith.index_cast %add3A_499 : i32 to index
          %get3A_503 = tpu.vector_load %arg11[%get3A_501, %get3A_502] {strides = array<i32>} : memref<16x1024xf32, #tpu.memory_space<vmem>>, vector<1x16xf32>,
          %get3A_504 = vector.shape_cast %get3A_503 : vector<1x16xf32> to vector<16xf32>
          %mul3A_505 = arith.mulf %get3A_470, %get3A_504 : vector<16xf32>
          %add3A_506 = arith.addf %add3A_497, %mul3A_505 : vector<16xf32>
          %add3A_507 = arith.constant 0 : i32
          %add3A_508 = arith.addi %mul3A_447, %add3A_507 : i32
          %get3A_509 = arith.constant 1 : i32
          %get3A_510 = arith.index_cast %get3A_509 : i32 to index
          %get3A_511 = arith.index_cast %add3A_508 : i32 to index
          %get3A_512 = tpu.vector_load %arg11[%get3A_510, %get3A_511] {strides = array<i32>} : memref<16x1024xf32, #tpu.memory_space<vmem>>, vector<1x16xf32>,
          %get3A_513 = vector.shape_cast %get3A_512 : vector<1x16xf32> to vector<16xf32>
          %mul3A_514 = arith.mulf %get3A_452, %get3A_513 : vector<16xf32>
          %add3A_515 = arith.addf %scan3A_429, %mul3A_514 : vector<16xf32>
          %add3A_516 = arith.constant 16 : i32
          %add3A_517 = arith.addi %mul3A_447, %add3A_516 : i32
          %get3A_518 = arith.constant 1 : i32
          %get3A_519 = arith.index_cast %get3A_518 : i32 to index
          %get3A_520 = arith.index_cast %add3A_517 : i32 to index
          %get3A_521 = tpu.vector_load %arg11[%get3A_519, %get3A_520] {strides = array<i32>} : memref<16x1024xf32, #tpu.memory_space<vmem>>, vector<1x16xf32>,
          %get3A_522 = vector.shape_cast %get3A_521 : vector<1x16xf32> to vector<16xf32>
          %mul3A_523 = arith.mulf %get3A_458, %get3A_522 : vector<16xf32>
          %add3A_524 = arith.addf %add3A_515, %mul3A_523 : vector<16xf32>
          %add3A_525 = arith.constant 32 : i32
          %add3A_526 = arith.addi %mul3A_447, %add3A_525 : i32
          %get3A_527 = arith.constant 1 : i32
          %get3A_528 = arith.index_cast %get3A_527 : i32 to index
          %get3A_529 = arith.index_cast %add3A_526 : i32 to index
          %get3A_530 = tpu.vector_load %arg11[%get3A_528, %get3A_529] {strides = array<i32>} : memref<16x1024xf32, #tpu.memory_space<vmem>>, vector<1x16xf32>,
          %get3A_531 = vector.shape_cast %get3A_530 : vector<1x16xf32> to vector<16xf32>
          %mul3A_532 = arith.mulf %get3A_464, %get3A_531 : vector<16xf32>
          %add3A_533 = arith.addf %add3A_524, %mul3A_532 : vector<16xf32>
          %add3A_534 = arith.constant 48 : i32
          %add3A_535 = arith.addi %mul3A_447, %add3A_534 : i32
          %get3A_536 = arith.constant 1 : i32
          %get3A_537 = arith.index_cast %get3A_536 : i32 to index
          %get3A_538 = arith.index_cast %add3A_535 : i32 to index
          %get3A_539 = tpu.vector_load %arg11[%get3A_537, %get3A_538] {strides = array<i32>} : memref<16x1024xf32, #tpu.memory_space<vmem>>, vector<1x16xf32>,
          %get3A_540 = vector.shape_cast %get3A_539 : vector<1x16xf32> to vector<16xf32>
          %mul3A_541 = arith.mulf %get3A_470, %get3A_540 : vector<16xf32>
          %add3A_542 = arith.addf %add3A_533, %mul3A_541 : vector<16xf32>
          %add3A_543 = arith.constant 0 : i32
          %add3A_544 = arith.addi %mul3A_447, %add3A_543 : i32
          %get3A_545 = arith.constant 2 : i32
          %get3A_546 = arith.index_cast %get3A_545 : i32 to index
          %get3A_547 = arith.index_cast %add3A_544 : i32 to index
          %get3A_548 = tpu.vector_load %arg11[%get3A_546, %get3A_547] {strides = array<i32>} : memref<16x1024xf32, #tpu.memory_space<vmem>>, vector<1x16xf32>,
          %get3A_549 = vector.shape_cast %get3A_548 : vector<1x16xf32> to vector<16xf32>
          %mul3A_550 = arith.mulf %get3A_452, %get3A_549 : vector<16xf32>
          %add3A_551 = arith.addf %scan3A_430, %mul3A_550 : vector<16xf32>
          %add3A_552 = arith.constant 16 : i32
          %add3A_553 = arith.addi %mul3A_447, %add3A_552 : i32
          %get3A_554 = arith.constant 2 : i32
          %get3A_555 = arith.index_cast %get3A_554 : i32 to index
          %get3A_556 = arith.index_cast %add3A_553 : i32 to index
          %get3A_557 = tpu.vector_load %arg11[%get3A_555, %get3A_556] {strides = array<i32>} : memref<16x1024xf32, #tpu.memory_space<vmem>>, vector<1x16xf32>,
          %get3A_558 = vector.shape_cast %get3A_557 : vector<1x16xf32> to vector<16xf32>
          %mul3A_559 = arith.mulf %get3A_458, %get3A_558 : vector<16xf32>
          %add3A_560 = arith.addf %add3A_551, %mul3A_559 : vector<16xf32>
          %add3A_561 = arith.constant 32 : i32
          %add3A_562 = arith.addi %mul3A_447, %add3A_561 : i32
          %get3A_563 = arith.constant 2 : i32
          %get3A_564 = arith.index_cast %get3A_563 : i32 to index
          %get3A_565 = arith.index_cast %add3A_562 : i32 to index
          %get3A_566 = tpu.vector_load %arg11[%get3A_564, %get3A_565] {strides = array<i32>} : memref<16x1024xf32, #tpu.memory_space<vmem>>, vector<1x16xf32>,
          %get3A_567 = vector.shape_cast %get3A_566 : vector<1x16xf32> to vector<16xf32>
          %mul3A_568 = arith.mulf %get3A_464, %get3A_567 : vector<16xf32>
          %add3A_569 = arith.addf %add3A_560, %mul3A_568 : vector<16xf32>
          %add3A_570 = arith.constant 48 : i32
          %add3A_571 = arith.addi %mul3A_447, %add3A_570 : i32
          %get3A_572 = arith.constant 2 : i32
          %get3A_573 = arith.index_cast %get3A_572 : i32 to index
          %get3A_574 = arith.index_cast %add3A_571 : i32 to index
          %get3A_575 = tpu.vector_load %arg11[%get3A_573, %get3A_574] {strides = array<i32>} : memref<16x1024xf32, #tpu.memory_space<vmem>>, vector<1x16xf32>,
          %get3A_576 = vector.shape_cast %get3A_575 : vector<1x16xf32> to vector<16xf32>
          %mul3A_577 = arith.mulf %get3A_470, %get3A_576 : vector<16xf32>
          %add3A_578 = arith.addf %add3A_569, %mul3A_577 : vector<16xf32>
          %add3A_579 = arith.constant 0 : i32
          %add3A_580 = arith.addi %mul3A_447, %add3A_579 : i32
          %get3A_581 = arith.constant 3 : i32
          %get3A_582 = arith.index_cast %get3A_581 : i32 to index
          %get3A_583 = arith.index_cast %add3A_580 : i32 to index
          %get3A_584 = tpu.vector_load %arg11[%get3A_582, %get3A_583] {strides = array<i32>} : memref<16x1024xf32, #tpu.memory_space<vmem>>, vector<1x16xf32>,
          %get3A_585 = vector.shape_cast %get3A_584 : vector<1x16xf32> to vector<16xf32>
          %mul3A_586 = arith.mulf %get3A_452, %get3A_585 : vector<16xf32>
          %add3A_587 = arith.addf %scan3A_431, %mul3A_586 : vector<16xf32>
          %add3A_588 = arith.constant 16 : i32
          %add3A_589 = arith.addi %mul3A_447, %add3A_588 : i32
          %get3A_590 = arith.constant 3 : i32
          %get3A_591 = arith.index_cast %get3A_590 : i32 to index
          %get3A_592 = arith.index_cast %add3A_589 : i32 to index
          %get3A_593 = tpu.vector_load %arg11[%get3A_591, %get3A_592] {strides = array<i32>} : memref<16x1024xf32, #tpu.memory_space<vmem>>, vector<1x16xf32>,
          %get3A_594 = vector.shape_cast %get3A_593 : vector<1x16xf32> to vector<16xf32>
          %mul3A_595 = arith.mulf %get3A_458, %get3A_594 : vector<16xf32>
          %add3A_596 = arith.addf %add3A_587, %mul3A_595 : vector<16xf32>
          %add3A_597 = arith.constant 32 : i32
          %add3A_598 = arith.addi %mul3A_447, %add3A_597 : i32
          %get3A_599 = arith.constant 3 : i32
          %get3A_600 = arith.index_cast %get3A_599 : i32 to index
          %get3A_601 = arith.index_cast %add3A_598 : i32 to index
          %get3A_602 = tpu.vector_load %arg11[%get3A_600, %get3A_601] {strides = array<i32>} : memref<16x1024xf32, #tpu.memory_space<vmem>>, vector<1x16xf32>,
          %get3A_603 = vector.shape_cast %get3A_602 : vector<1x16xf32> to vector<16xf32>
          %mul3A_604 = arith.mulf %get3A_464, %get3A_603 : vector<16xf32>
          %add3A_605 = arith.addf %add3A_596, %mul3A_604 : vector<16xf32>
          %add3A_606 = arith.constant 48 : i32
          %add3A_607 = arith.addi %mul3A_447, %add3A_606 : i32
          %get3A_608 = arith.constant 3 : i32
          %get3A_609 = arith.index_cast %get3A_608 : i32 to index
          %get3A_610 = arith.index_cast %add3A_607 : i32 to index
          %get3A_611 = tpu.vector_load %arg11[%get3A_609, %get3A_610] {strides = array<i32>} : memref<16x1024xf32, #tpu.memory_space<vmem>>, vector<1x16xf32>,
          %get3A_612 = vector.shape_cast %get3A_611 : vector<1x16xf32> to vector<16xf32>
          %mul3A_613 = arith.mulf %get3A_470, %get3A_612 : vector<16xf32>
          %add3A_614 = arith.addf %add3A_605, %mul3A_613 : vector<16xf32>
          %add3A_615 = arith.constant 0 : i32
          %add3A_616 = arith.addi %mul3A_447, %add3A_615 : i32
          %get3A_617 = arith.constant 4 : i32
          %get3A_618 = arith.index_cast %get3A_617 : i32 to index
          %get3A_619 = arith.index_cast %add3A_616 : i32 to index
          %get3A_620 = tpu.vector_load %arg11[%get3A_618, %get3A_619] {strides = array<i32>} : memref<16x1024xf32, #tpu.memory_space<vmem>>, vector<1x16xf32>,
          %get3A_621 = vector.shape_cast %get3A_620 : vector<1x16xf32> to vector<16xf32>
          %mul3A_622 = arith.mulf %get3A_452, %get3A_621 : vector<16xf32>
          %add3A_623 = arith.addf %scan3A_432, %mul3A_622 : vector<16xf32>
          %add3A_624 = arith.constant 16 : i32
          %add3A_625 = arith.addi %mul3A_447, %add3A_624 : i32
          %get3A_626 = arith.constant 4 : i32
          %get3A_627 = arith.index_cast %get3A_626 : i32 to index
          %get3A_628 = arith.index_cast %add3A_625 : i32 to index
          %get3A_629 = tpu.vector_load %arg11[%get3A_627, %get3A_628] {strides = array<i32>} : memref<16x1024xf32, #tpu.memory_space<vmem>>, vector<1x16xf32>,
          %get3A_630 = vector.shape_cast %get3A_629 : vector<1x16xf32> to vector<16xf32>
          %mul3A_631 = arith.mulf %get3A_458, %get3A_630 : vector<16xf32>
          %add3A_632 = arith.addf %add3A_623, %mul3A_631 : vector<16xf32>
          %add3A_633 = arith.constant 32 : i32
          %add3A_634 = arith.addi %mul3A_447, %add3A_633 : i32
          %get3A_635 = arith.constant 4 : i32
          %get3A_636 = arith.index_cast %get3A_635 : i32 to index
          %get3A_637 = arith.index_cast %add3A_634 : i32 to index
          %get3A_638 = tpu.vector_load %arg11[%get3A_636, %get3A_637] {strides = array<i32>} : memref<16x1024xf32, #tpu.memory_space<vmem>>, vector<1x16xf32>,
          %get3A_639 = vector.shape_cast %get3A_638 : vector<1x16xf32> to vector<16xf32>
          %mul3A_640 = arith.mulf %get3A_464, %get3A_639 : vector<16xf32>
          %add3A_641 = arith.addf %add3A_632, %mul3A_640 : vector<16xf32>
          %add3A_642 = arith.constant 48 : i32
          %add3A_643 = arith.addi %mul3A_447, %add3A_642 : i32
          %get3A_644 = arith.constant 4 : i32
          %get3A_645 = arith.index_cast %get3A_644 : i32 to index
          %get3A_646 = arith.index_cast %add3A_643 : i32 to index
          %get3A_647 = tpu.vector_load %arg11[%get3A_645, %get3A_646] {strides = array<i32>} : memref<16x1024xf32, #tpu.memory_space<vmem>>, vector<1x16xf32>,
          %get3A_648 = vector.shape_cast %get3A_647 : vector<1x16xf32> to vector<16xf32>
          %mul3A_649 = arith.mulf %get3A_470, %get3A_648 : vector<16xf32>
          %add3A_650 = arith.addf %add3A_641, %mul3A_649 : vector<16xf32>
          %add3A_651 = arith.constant 0 : i32
          %add3A_652 = arith.addi %mul3A_447, %add3A_651 : i32
          %get3A_653 = arith.constant 5 : i32
          %get3A_654 = arith.index_cast %get3A_653 : i32 to index
          %get3A_655 = arith.index_cast %add3A_652 : i32 to index
          %get3A_656 = tpu.vector_load %arg11[%get3A_654, %get3A_655] {strides = array<i32>} : memref<16x1024xf32, #tpu.memory_space<vmem>>, vector<1x16xf32>,
          %get3A_657 = vector.shape_cast %get3A_656 : vector<1x16xf32> to vector<16xf32>
          %mul3A_658 = arith.mulf %get3A_452, %get3A_657 : vector<16xf32>
          %add3A_659 = arith.addf %scan3A_433, %mul3A_658 : vector<16xf32>
          %add3A_660 = arith.constant 16 : i32
          %add3A_661 = arith.addi %mul3A_447, %add3A_660 : i32
          %get3A_662 = arith.constant 5 : i32
          %get3A_663 = arith.index_cast %get3A_662 : i32 to index
          %get3A_664 = arith.index_cast %add3A_661 : i32 to index
          %get3A_665 = tpu.vector_load %arg11[%get3A_663, %get3A_664] {strides = array<i32>} : memref<16x1024xf32, #tpu.memory_space<vmem>>, vector<1x16xf32>,
          %get3A_666 = vector.shape_cast %get3A_665 : vector<1x16xf32> to vector<16xf32>
          %mul3A_667 = arith.mulf %get3A_458, %get3A_666 : vector<16xf32>
          %add3A_668 = arith.addf %add3A_659, %mul3A_667 : vector<16xf32>
          %add3A_669 = arith.constant 32 : i32
          %add3A_670 = arith.addi %mul3A_447, %add3A_669 : i32
          %get3A_671 = arith.constant 5 : i32
          %get3A_672 = arith.index_cast %get3A_671 : i32 to index
          %get3A_673 = arith.index_cast %add3A_670 : i32 to index
          %get3A_674 = tpu.vector_load %arg11[%get3A_672, %get3A_673] {strides = array<i32>} : memref<16x1024xf32, #tpu.memory_space<vmem>>, vector<1x16xf32>,
          %get3A_675 = vector.shape_cast %get3A_674 : vector<1x16xf32> to vector<16xf32>
          %mul3A_676 = arith.mulf %get3A_464, %get3A_675 : vector<16xf32>
          %add3A_677 = arith.addf %add3A_668, %mul3A_676 : vector<16xf32>
          %add3A_678 = arith.constant 48 : i32
          %add3A_679 = arith.addi %mul3A_447, %add3A_678 : i32
          %get3A_680 = arith.constant 5 : i32
          %get3A_681 = arith.index_cast %get3A_680 : i32 to index
          %get3A_682 = arith.index_cast %add3A_679 : i32 to index
          %get3A_683 = tpu.vector_load %arg11[%get3A_681, %get3A_682] {strides = array<i32>} : memref<16x1024xf32, #tpu.memory_space<vmem>>, vector<1x16xf32>,
          %get3A_684 = vector.shape_cast %get3A_683 : vector<1x16xf32> to vector<16xf32>
          %mul3A_685 = arith.mulf %get3A_470, %get3A_684 : vector<16xf32>
          %add3A_686 = arith.addf %add3A_677, %mul3A_685 : vector<16xf32>
          %add3A_687 = arith.constant 0 : i32
          %add3A_688 = arith.addi %mul3A_447, %add3A_687 : i32
          %get3A_689 = arith.constant 6 : i32
          %get3A_690 = arith.index_cast %get3A_689 : i32 to index
          %get3A_691 = arith.index_cast %add3A_688 : i32 to index
          %get3A_692 = tpu.vector_load %arg11[%get3A_690, %get3A_691] {strides = array<i32>} : memref<16x1024xf32, #tpu.memory_space<vmem>>, vector<1x16xf32>,
          %get3A_693 = vector.shape_cast %get3A_692 : vector<1x16xf32> to vector<16xf32>
          %mul3A_694 = arith.mulf %get3A_452, %get3A_693 : vector<16xf32>
          %add3A_695 = arith.addf %scan3A_434, %mul3A_694 : vector<16xf32>
          %add3A_696 = arith.constant 16 : i32
          %add3A_697 = arith.addi %mul3A_447, %add3A_696 : i32
          %get3A_698 = arith.constant 6 : i32
          %get3A_699 = arith.index_cast %get3A_698 : i32 to index
          %get3A_700 = arith.index_cast %add3A_697 : i32 to index
          %get3A_701 = tpu.vector_load %arg11[%get3A_699, %get3A_700] {strides = array<i32>} : memref<16x1024xf32, #tpu.memory_space<vmem>>, vector<1x16xf32>,
          %get3A_702 = vector.shape_cast %get3A_701 : vector<1x16xf32> to vector<16xf32>
          %mul3A_703 = arith.mulf %get3A_458, %get3A_702 : vector<16xf32>
          %add3A_704 = arith.addf %add3A_695, %mul3A_703 : vector<16xf32>
          %add3A_705 = arith.constant 32 : i32
          %add3A_706 = arith.addi %mul3A_447, %add3A_705 : i32
          %get3A_707 = arith.constant 6 : i32
          %get3A_708 = arith.index_cast %get3A_707 : i32 to index
          %get3A_709 = arith.index_cast %add3A_706 : i32 to index
          %get3A_710 = tpu.vector_load %arg11[%get3A_708, %get3A_709] {strides = array<i32>} : memref<16x1024xf32, #tpu.memory_space<vmem>>, vector<1x16xf32>,
          %get3A_711 = vector.shape_cast %get3A_710 : vector<1x16xf32> to vector<16xf32>
          %mul3A_712 = arith.mulf %get3A_464, %get3A_711 : vector<16xf32>
          %add3A_713 = arith.addf %add3A_704, %mul3A_712 : vector<16xf32>
          %add3A_714 = arith.constant 48 : i32
          %add3A_715 = arith.addi %mul3A_447, %add3A_714 : i32
          %get3A_716 = arith.constant 6 : i32
          %get3A_717 = arith.index_cast %get3A_716 : i32 to index
          %get3A_718 = arith.index_cast %add3A_715 : i32 to index
          %get3A_719 = tpu.vector_load %arg11[%get3A_717, %get3A_718] {strides = array<i32>} : memref<16x1024xf32, #tpu.memory_space<vmem>>, vector<1x16xf32>,
          %get3A_720 = vector.shape_cast %get3A_719 : vector<1x16xf32> to vector<16xf32>
          %mul3A_721 = arith.mulf %get3A_470, %get3A_720 : vector<16xf32>
          %add3A_722 = arith.addf %add3A_713, %mul3A_721 : vector<16xf32>
          %add3A_723 = arith.constant 0 : i32
          %add3A_724 = arith.addi %mul3A_447, %add3A_723 : i32
          %get3A_725 = arith.constant 7 : i32
          %get3A_726 = arith.index_cast %get3A_725 : i32 to index
          %get3A_727 = arith.index_cast %add3A_724 : i32 to index
          %get3A_728 = tpu.vector_load %arg11[%get3A_726, %get3A_727] {strides = array<i32>} : memref<16x1024xf32, #tpu.memory_space<vmem>>, vector<1x16xf32>,
          %get3A_729 = vector.shape_cast %get3A_728 : vector<1x16xf32> to vector<16xf32>
          %mul3A_730 = arith.mulf %get3A_452, %get3A_729 : vector<16xf32>
          %add3A_731 = arith.addf %scan3A_435, %mul3A_730 : vector<16xf32>
          %add3A_732 = arith.constant 16 : i32
          %add3A_733 = arith.addi %mul3A_447, %add3A_732 : i32
          %get3A_734 = arith.constant 7 : i32
          %get3A_735 = arith.index_cast %get3A_734 : i32 to index
          %get3A_736 = arith.index_cast %add3A_733 : i32 to index
          %get3A_737 = tpu.vector_load %arg11[%get3A_735, %get3A_736] {strides = array<i32>} : memref<16x1024xf32, #tpu.memory_space<vmem>>, vector<1x16xf32>,
          %get3A_738 = vector.shape_cast %get3A_737 : vector<1x16xf32> to vector<16xf32>
          %mul3A_739 = arith.mulf %get3A_458, %get3A_738 : vector<16xf32>
          %add3A_740 = arith.addf %add3A_731, %mul3A_739 : vector<16xf32>
          %add3A_741 = arith.constant 32 : i32
          %add3A_742 = arith.addi %mul3A_447, %add3A_741 : i32
          %get3A_743 = arith.constant 7 : i32
          %get3A_744 = arith.index_cast %get3A_743 : i32 to index
          %get3A_745 = arith.index_cast %add3A_742 : i32 to index
          %get3A_746 = tpu.vector_load %arg11[%get3A_744, %get3A_745] {strides = array<i32>} : memref<16x1024xf32, #tpu.memory_space<vmem>>, vector<1x16xf32>,
          %get3A_747 = vector.shape_cast %get3A_746 : vector<1x16xf32> to vector<16xf32>
          %mul3A_748 = arith.mulf %get3A_464, %get3A_747 : vector<16xf32>
          %add3A_749 = arith.addf %add3A_740, %mul3A_748 : vector<16xf32>
          %add3A_750 = arith.constant 48 : i32
          %add3A_751 = arith.addi %mul3A_447, %add3A_750 : i32
          %get3A_752 = arith.constant 7 : i32
          %get3A_753 = arith.index_cast %get3A_752 : i32 to index
          %get3A_754 = arith.index_cast %add3A_751 : i32 to index
          %get3A_755 = tpu.vector_load %arg11[%get3A_753, %get3A_754] {strides = array<i32>} : memref<16x1024xf32, #tpu.memory_space<vmem>>, vector<1x16xf32>,
          %get3A_756 = vector.shape_cast %get3A_755 : vector<1x16xf32> to vector<16xf32>
          %mul3A_757 = arith.mulf %get3A_470, %get3A_756 : vector<16xf32>
          %add3A_758 = arith.addf %add3A_749, %mul3A_757 : vector<16xf32>
          %add3A_759 = arith.constant 0 : i32
          %add3A_760 = arith.addi %mul3A_447, %add3A_759 : i32
          %get3A_761 = arith.constant 8 : i32
          %get3A_762 = arith.index_cast %get3A_761 : i32 to index
          %get3A_763 = arith.index_cast %add3A_760 : i32 to index
          %get3A_764 = tpu.vector_load %arg11[%get3A_762, %get3A_763] {strides = array<i32>} : memref<16x1024xf32, #tpu.memory_space<vmem>>, vector<1x16xf32>,
          %get3A_765 = vector.shape_cast %get3A_764 : vector<1x16xf32> to vector<16xf32>
          %mul3A_766 = arith.mulf %get3A_452, %get3A_765 : vector<16xf32>
          %add3A_767 = arith.addf %scan3A_436, %mul3A_766 : vector<16xf32>
          %add3A_768 = arith.constant 16 : i32
          %add3A_769 = arith.addi %mul3A_447, %add3A_768 : i32
          %get3A_770 = arith.constant 8 : i32
          %get3A_771 = arith.index_cast %get3A_770 : i32 to index
          %get3A_772 = arith.index_cast %add3A_769 : i32 to index
          %get3A_773 = tpu.vector_load %arg11[%get3A_771, %get3A_772] {strides = array<i32>} : memref<16x1024xf32, #tpu.memory_space<vmem>>, vector<1x16xf32>,
          %get3A_774 = vector.shape_cast %get3A_773 : vector<1x16xf32> to vector<16xf32>
          %mul3A_775 = arith.mulf %get3A_458, %get3A_774 : vector<16xf32>
          %add3A_776 = arith.addf %add3A_767, %mul3A_775 : vector<16xf32>
          %add3A_777 = arith.constant 32 : i32
          %add3A_778 = arith.addi %mul3A_447, %add3A_777 : i32
          %get3A_779 = arith.constant 8 : i32
          %get3A_780 = arith.index_cast %get3A_779 : i32 to index
          %get3A_781 = arith.index_cast %add3A_778 : i32 to index
          %get3A_782 = tpu.vector_load %arg11[%get3A_780, %get3A_781] {strides = array<i32>} : memref<16x1024xf32, #tpu.memory_space<vmem>>, vector<1x16xf32>,
          %get3A_783 = vector.shape_cast %get3A_782 : vector<1x16xf32> to vector<16xf32>
          %mul3A_784 = arith.mulf %get3A_464, %get3A_783 : vector<16xf32>
          %add3A_785 = arith.addf %add3A_776, %mul3A_784 : vector<16xf32>
          %add3A_786 = arith.constant 48 : i32
          %add3A_787 = arith.addi %mul3A_447, %add3A_786 : i32
          %get3A_788 = arith.constant 8 : i32
          %get3A_789 = arith.index_cast %get3A_788 : i32 to index
          %get3A_790 = arith.index_cast %add3A_787 : i32 to index
          %get3A_791 = tpu.vector_load %arg11[%get3A_789, %get3A_790] {strides = array<i32>} : memref<16x1024xf32, #tpu.memory_space<vmem>>, vector<1x16xf32>,
          %get3A_792 = vector.shape_cast %get3A_791 : vector<1x16xf32> to vector<16xf32>
          %mul3A_793 = arith.mulf %get3A_470, %get3A_792 : vector<16xf32>
          %add3A_794 = arith.addf %add3A_785, %mul3A_793 : vector<16xf32>
          %add3A_795 = arith.constant 0 : i32
          %add3A_796 = arith.addi %mul3A_447, %add3A_795 : i32
          %get3A_797 = arith.constant 9 : i32
          %get3A_798 = arith.index_cast %get3A_797 : i32 to index
          %get3A_799 = arith.index_cast %add3A_796 : i32 to index
          %get3A_800 = tpu.vector_load %arg11[%get3A_798, %get3A_799] {strides = array<i32>} : memref<16x1024xf32, #tpu.memory_space<vmem>>, vector<1x16xf32>,
          %get3A_801 = vector.shape_cast %get3A_800 : vector<1x16xf32> to vector<16xf32>
          %mul3A_802 = arith.mulf %get3A_452, %get3A_801 : vector<16xf32>
          %add3A_803 = arith.addf %scan3A_437, %mul3A_802 : vector<16xf32>
          %add3A_804 = arith.constant 16 : i32
          %add3A_805 = arith.addi %mul3A_447, %add3A_804 : i32
          %get3A_806 = arith.constant 9 : i32
          %get3A_807 = arith.index_cast %get3A_806 : i32 to index
          %get3A_808 = arith.index_cast %add3A_805 : i32 to index
          %get3A_809 = tpu.vector_load %arg11[%get3A_807, %get3A_808] {strides = array<i32>} : memref<16x1024xf32, #tpu.memory_space<vmem>>, vector<1x16xf32>,
          %get3A_810 = vector.shape_cast %get3A_809 : vector<1x16xf32> to vector<16xf32>
          %mul3A_811 = arith.mulf %get3A_458, %get3A_810 : vector<16xf32>
          %add3A_812 = arith.addf %add3A_803, %mul3A_811 : vector<16xf32>
          %add3A_813 = arith.constant 32 : i32
          %add3A_814 = arith.addi %mul3A_447, %add3A_813 : i32
          %get3A_815 = arith.constant 9 : i32
          %get3A_816 = arith.index_cast %get3A_815 : i32 to index
          %get3A_817 = arith.index_cast %add3A_814 : i32 to index
          %get3A_818 = tpu.vector_load %arg11[%get3A_816, %get3A_817] {strides = array<i32>} : memref<16x1024xf32, #tpu.memory_space<vmem>>, vector<1x16xf32>,
          %get3A_819 = vector.shape_cast %get3A_818 : vector<1x16xf32> to vector<16xf32>
          %mul3A_820 = arith.mulf %get3A_464, %get3A_819 : vector<16xf32>
          %add3A_821 = arith.addf %add3A_812, %mul3A_820 : vector<16xf32>
          %add3A_822 = arith.constant 48 : i32
          %add3A_823 = arith.addi %mul3A_447, %add3A_822 : i32
          %get3A_824 = arith.constant 9 : i32
          %get3A_825 = arith.index_cast %get3A_824 : i32 to index
          %get3A_826 = arith.index_cast %add3A_823 : i32 to index
          %get3A_827 = tpu.vector_load %arg11[%get3A_825, %get3A_826] {strides = array<i32>} : memref<16x1024xf32, #tpu.memory_space<vmem>>, vector<1x16xf32>,
          %get3A_828 = vector.shape_cast %get3A_827 : vector<1x16xf32> to vector<16xf32>
          %mul3A_829 = arith.mulf %get3A_470, %get3A_828 : vector<16xf32>
          %add3A_830 = arith.addf %add3A_821, %mul3A_829 : vector<16xf32>
          %add3A_831 = arith.constant 0 : i32
          %add3A_832 = arith.addi %mul3A_447, %add3A_831 : i32
          %get3A_833 = arith.constant 10 : i32
          %get3A_834 = arith.index_cast %get3A_833 : i32 to index
          %get3A_835 = arith.index_cast %add3A_832 : i32 to index
          %get3A_836 = tpu.vector_load %arg11[%get3A_834, %get3A_835] {strides = array<i32>} : memref<16x1024xf32, #tpu.memory_space<vmem>>, vector<1x16xf32>,
          %get3A_837 = vector.shape_cast %get3A_836 : vector<1x16xf32> to vector<16xf32>
          %mul3A_838 = arith.mulf %get3A_452, %get3A_837 : vector<16xf32>
          %add3A_839 = arith.addf %scan3A_438, %mul3A_838 : vector<16xf32>
          %add3A_840 = arith.constant 16 : i32
          %add3A_841 = arith.addi %mul3A_447, %add3A_840 : i32
          %get3A_842 = arith.constant 10 : i32
          %get3A_843 = arith.index_cast %get3A_842 : i32 to index
          %get3A_844 = arith.index_cast %add3A_841 : i32 to index
          %get3A_845 = tpu.vector_load %arg11[%get3A_843, %get3A_844] {strides = array<i32>} : memref<16x1024xf32, #tpu.memory_space<vmem>>, vector<1x16xf32>,
          %get3A_846 = vector.shape_cast %get3A_845 : vector<1x16xf32> to vector<16xf32>
          %mul3A_847 = arith.mulf %get3A_458, %get3A_846 : vector<16xf32>
          %add3A_848 = arith.addf %add3A_839, %mul3A_847 : vector<16xf32>
          %add3A_849 = arith.constant 32 : i32
          %add3A_850 = arith.addi %mul3A_447, %add3A_849 : i32
          %get3A_851 = arith.constant 10 : i32
          %get3A_852 = arith.index_cast %get3A_851 : i32 to index
          %get3A_853 = arith.index_cast %add3A_850 : i32 to index
          %get3A_854 = tpu.vector_load %arg11[%get3A_852, %get3A_853] {strides = array<i32>} : memref<16x1024xf32, #tpu.memory_space<vmem>>, vector<1x16xf32>,
          %get3A_855 = vector.shape_cast %get3A_854 : vector<1x16xf32> to vector<16xf32>
          %mul3A_856 = arith.mulf %get3A_464, %get3A_855 : vector<16xf32>
          %add3A_857 = arith.addf %add3A_848, %mul3A_856 : vector<16xf32>
          %add3A_858 = arith.constant 48 : i32
          %add3A_859 = arith.addi %mul3A_447, %add3A_858 : i32
          %get3A_860 = arith.constant 10 : i32
          %get3A_861 = arith.index_cast %get3A_860 : i32 to index
          %get3A_862 = arith.index_cast %add3A_859 : i32 to index
          %get3A_863 = tpu.vector_load %arg11[%get3A_861, %get3A_862] {strides = array<i32>} : memref<16x1024xf32, #tpu.memory_space<vmem>>, vector<1x16xf32>,
          %get3A_864 = vector.shape_cast %get3A_863 : vector<1x16xf32> to vector<16xf32>
          %mul3A_865 = arith.mulf %get3A_470, %get3A_864 : vector<16xf32>
          %add3A_866 = arith.addf %add3A_857, %mul3A_865 : vector<16xf32>
          %add3A_867 = arith.constant 0 : i32
          %add3A_868 = arith.addi %mul3A_447, %add3A_867 : i32
          %get3A_869 = arith.constant 11 : i32
          %get3A_870 = arith.index_cast %get3A_869 : i32 to index
          %get3A_871 = arith.index_cast %add3A_868 : i32 to index
          %get3A_872 = tpu.vector_load %arg11[%get3A_870, %get3A_871] {strides = array<i32>} : memref<16x1024xf32, #tpu.memory_space<vmem>>, vector<1x16xf32>,
          %get3A_873 = vector.shape_cast %get3A_872 : vector<1x16xf32> to vector<16xf32>
          %mul3A_874 = arith.mulf %get3A_452, %get3A_873 : vector<16xf32>
          %add3A_875 = arith.addf %scan3A_439, %mul3A_874 : vector<16xf32>
          %add3A_876 = arith.constant 16 : i32
          %add3A_877 = arith.addi %mul3A_447, %add3A_876 : i32
          %get3A_878 = arith.constant 11 : i32
          %get3A_879 = arith.index_cast %get3A_878 : i32 to index
          %get3A_880 = arith.index_cast %add3A_877 : i32 to index
          %get3A_881 = tpu.vector_load %arg11[%get3A_879, %get3A_880] {strides = array<i32>} : memref<16x1024xf32, #tpu.memory_space<vmem>>, vector<1x16xf32>,
          %get3A_882 = vector.shape_cast %get3A_881 : vector<1x16xf32> to vector<16xf32>
          %mul3A_883 = arith.mulf %get3A_458, %get3A_882 : vector<16xf32>
          %add3A_884 = arith.addf %add3A_875, %mul3A_883 : vector<16xf32>
          %add3A_885 = arith.constant 32 : i32
          %add3A_886 = arith.addi %mul3A_447, %add3A_885 : i32
          %get3A_887 = arith.constant 11 : i32
          %get3A_888 = arith.index_cast %get3A_887 : i32 to index
          %get3A_889 = arith.index_cast %add3A_886 : i32 to index
          %get3A_890 = tpu.vector_load %arg11[%get3A_888, %get3A_889] {strides = array<i32>} : memref<16x1024xf32, #tpu.memory_space<vmem>>, vector<1x16xf32>,
          %get3A_891 = vector.shape_cast %get3A_890 : vector<1x16xf32> to vector<16xf32>
          %mul3A_892 = arith.mulf %get3A_464, %get3A_891 : vector<16xf32>
          %add3A_893 = arith.addf %add3A_884, %mul3A_892 : vector<16xf32>
          %add3A_894 = arith.constant 48 : i32
          %add3A_895 = arith.addi %mul3A_447, %add3A_894 : i32
          %get3A_896 = arith.constant 11 : i32
          %get3A_897 = arith.index_cast %get3A_896 : i32 to index
          %get3A_898 = arith.index_cast %add3A_895 : i32 to index
          %get3A_899 = tpu.vector_load %arg11[%get3A_897, %get3A_898] {strides = array<i32>} : memref<16x1024xf32, #tpu.memory_space<vmem>>, vector<1x16xf32>,
          %get3A_900 = vector.shape_cast %get3A_899 : vector<1x16xf32> to vector<16xf32>
          %mul3A_901 = arith.mulf %get3A_470, %get3A_900 : vector<16xf32>
          %add3A_902 = arith.addf %add3A_893, %mul3A_901 : vector<16xf32>
          %add3A_903 = arith.constant 0 : i32
          %add3A_904 = arith.addi %mul3A_447, %add3A_903 : i32
          %get3A_905 = arith.constant 12 : i32
          %get3A_906 = arith.index_cast %get3A_905 : i32 to index
          %get3A_907 = arith.index_cast %add3A_904 : i32 to index
          %get3A_908 = tpu.vector_load %arg11[%get3A_906, %get3A_907] {strides = array<i32>} : memref<16x1024xf32, #tpu.memory_space<vmem>>, vector<1x16xf32>,
          %get3A_909 = vector.shape_cast %get3A_908 : vector<1x16xf32> to vector<16xf32>
          %mul3A_910 = arith.mulf %get3A_452, %get3A_909 : vector<16xf32>
          %add3A_911 = arith.addf %scan3A_440, %mul3A_910 : vector<16xf32>
          %add3A_912 = arith.constant 16 : i32
          %add3A_913 = arith.addi %mul3A_447, %add3A_912 : i32
          %get3A_914 = arith.constant 12 : i32
          %get3A_915 = arith.index_cast %get3A_914 : i32 to index
          %get3A_916 = arith.index_cast %add3A_913 : i32 to index
          %get3A_917 = tpu.vector_load %arg11[%get3A_915, %get3A_916] {strides = array<i32>} : memref<16x1024xf32, #tpu.memory_space<vmem>>, vector<1x16xf32>,
          %get3A_918 = vector.shape_cast %get3A_917 : vector<1x16xf32> to vector<16xf32>
          %mul3A_919 = arith.mulf %get3A_458, %get3A_918 : vector<16xf32>
          %add3A_920 = arith.addf %add3A_911, %mul3A_919 : vector<16xf32>
          %add3A_921 = arith.constant 32 : i32
          %add3A_922 = arith.addi %mul3A_447, %add3A_921 : i32
          %get3A_923 = arith.constant 12 : i32
          %get3A_924 = arith.index_cast %get3A_923 : i32 to index
          %get3A_925 = arith.index_cast %add3A_922 : i32 to index
          %get3A_926 = tpu.vector_load %arg11[%get3A_924, %get3A_925] {strides = array<i32>} : memref<16x1024xf32, #tpu.memory_space<vmem>>, vector<1x16xf32>,
          %get3A_927 = vector.shape_cast %get3A_926 : vector<1x16xf32> to vector<16xf32>
          %mul3A_928 = arith.mulf %get3A_464, %get3A_927 : vector<16xf32>
          %add3A_929 = arith.addf %add3A_920, %mul3A_928 : vector<16xf32>
          %add3A_930 = arith.constant 48 : i32
          %add3A_931 = arith.addi %mul3A_447, %add3A_930 : i32
          %get3A_932 = arith.constant 12 : i32
          %get3A_933 = arith.index_cast %get3A_932 : i32 to index
          %get3A_934 = arith.index_cast %add3A_931 : i32 to index
          %get3A_935 = tpu.vector_load %arg11[%get3A_933, %get3A_934] {strides = array<i32>} : memref<16x1024xf32, #tpu.memory_space<vmem>>, vector<1x16xf32>,
          %get3A_936 = vector.shape_cast %get3A_935 : vector<1x16xf32> to vector<16xf32>
          %mul3A_937 = arith.mulf %get3A_470, %get3A_936 : vector<16xf32>
          %add3A_938 = arith.addf %add3A_929, %mul3A_937 : vector<16xf32>
          %add3A_939 = arith.constant 0 : i32
          %add3A_940 = arith.addi %mul3A_447, %add3A_939 : i32
          %get3A_941 = arith.constant 13 : i32
          %get3A_942 = arith.index_cast %get3A_941 : i32 to index
          %get3A_943 = arith.index_cast %add3A_940 : i32 to index
          %get3A_944 = tpu.vector_load %arg11[%get3A_942, %get3A_943] {strides = array<i32>} : memref<16x1024xf32, #tpu.memory_space<vmem>>, vector<1x16xf32>,
          %get3A_945 = vector.shape_cast %get3A_944 : vector<1x16xf32> to vector<16xf32>
          %mul3A_946 = arith.mulf %get3A_452, %get3A_945 : vector<16xf32>
          %add3A_947 = arith.addf %scan3A_441, %mul3A_946 : vector<16xf32>
          %add3A_948 = arith.constant 16 : i32
          %add3A_949 = arith.addi %mul3A_447, %add3A_948 : i32
          %get3A_950 = arith.constant 13 : i32
          %get3A_951 = arith.index_cast %get3A_950 : i32 to index
          %get3A_952 = arith.index_cast %add3A_949 : i32 to index
          %get3A_953 = tpu.vector_load %arg11[%get3A_951, %get3A_952] {strides = array<i32>} : memref<16x1024xf32, #tpu.memory_space<vmem>>, vector<1x16xf32>,
          %get3A_954 = vector.shape_cast %get3A_953 : vector<1x16xf32> to vector<16xf32>
          %mul3A_955 = arith.mulf %get3A_458, %get3A_954 : vector<16xf32>
          %add3A_956 = arith.addf %add3A_947, %mul3A_955 : vector<16xf32>
          %add3A_957 = arith.constant 32 : i32
          %add3A_958 = arith.addi %mul3A_447, %add3A_957 : i32
          %get3A_959 = arith.constant 13 : i32
          %get3A_960 = arith.index_cast %get3A_959 : i32 to index
          %get3A_961 = arith.index_cast %add3A_958 : i32 to index
          %get3A_962 = tpu.vector_load %arg11[%get3A_960, %get3A_961] {strides = array<i32>} : memref<16x1024xf32, #tpu.memory_space<vmem>>, vector<1x16xf32>,
          %get3A_963 = vector.shape_cast %get3A_962 : vector<1x16xf32> to vector<16xf32>
          %mul3A_964 = arith.mulf %get3A_464, %get3A_963 : vector<16xf32>
          %add3A_965 = arith.addf %add3A_956, %mul3A_964 : vector<16xf32>
          %add3A_966 = arith.constant 48 : i32
          %add3A_967 = arith.addi %mul3A_447, %add3A_966 : i32
          %get3A_968 = arith.constant 13 : i32
          %get3A_969 = arith.index_cast %get3A_968 : i32 to index
          %get3A_970 = arith.index_cast %add3A_967 : i32 to index
          %get3A_971 = tpu.vector_load %arg11[%get3A_969, %get3A_970] {strides = array<i32>} : memref<16x1024xf32, #tpu.memory_space<vmem>>, vector<1x16xf32>,
          %get3A_972 = vector.shape_cast %get3A_971 : vector<1x16xf32> to vector<16xf32>
          %mul3A_973 = arith.mulf %get3A_470, %get3A_972 : vector<16xf32>
          %add3A_974 = arith.addf %add3A_965, %mul3A_973 : vector<16xf32>
          %add3A_975 = arith.constant 0 : i32
          %add3A_976 = arith.addi %mul3A_447, %add3A_975 : i32
          %get3A_977 = arith.constant 14 : i32
          %get3A_978 = arith.index_cast %get3A_977 : i32 to index
          %get3A_979 = arith.index_cast %add3A_976 : i32 to index
          %get3A_980 = tpu.vector_load %arg11[%get3A_978, %get3A_979] {strides = array<i32>} : memref<16x1024xf32, #tpu.memory_space<vmem>>, vector<1x16xf32>,
          %get3A_981 = vector.shape_cast %get3A_980 : vector<1x16xf32> to vector<16xf32>
          %mul3A_982 = arith.mulf %get3A_452, %get3A_981 : vector<16xf32>
          %add3A_983 = arith.addf %scan3A_442, %mul3A_982 : vector<16xf32>
          %add3A_984 = arith.constant 16 : i32
          %add3A_985 = arith.addi %mul3A_447, %add3A_984 : i32
          %get3A_986 = arith.constant 14 : i32
          %get3A_987 = arith.index_cast %get3A_986 : i32 to index
          %get3A_988 = arith.index_cast %add3A_985 : i32 to index
          %get3A_989 = tpu.vector_load %arg11[%get3A_987, %get3A_988] {strides = array<i32>} : memref<16x1024xf32, #tpu.memory_space<vmem>>, vector<1x16xf32>,
          %get3A_990 = vector.shape_cast %get3A_989 : vector<1x16xf32> to vector<16xf32>
          %mul3A_991 = arith.mulf %get3A_458, %get3A_990 : vector<16xf32>
          %add3A_992 = arith.addf %add3A_983, %mul3A_991 : vector<16xf32>
          %add3A_993 = arith.constant 32 : i32
          %add3A_994 = arith.addi %mul3A_447, %add3A_993 : i32
          %get3A_995 = arith.constant 14 : i32
          %get3A_996 = arith.index_cast %get3A_995 : i32 to index
          %get3A_997 = arith.index_cast %add3A_994 : i32 to index
          %get3A_998 = tpu.vector_load %arg11[%get3A_996, %get3A_997] {strides = array<i32>} : memref<16x1024xf32, #tpu.memory_space<vmem>>, vector<1x16xf32>,
          %get3A_999 = vector.shape_cast %get3A_998 : vector<1x16xf32> to vector<16xf32>
          %mul3A_1000 = arith.mulf %get3A_464, %get3A_999 : vector<16xf32>
          %add3A_1001 = arith.addf %add3A_992, %mul3A_1000 : vector<16xf32>
          %add3A_1002 = arith.constant 48 : i32
          %add3A_1003 = arith.addi %mul3A_447, %add3A_1002 : i32
          %get3A_1004 = arith.constant 14 : i32
          %get3A_1005 = arith.index_cast %get3A_1004 : i32 to index
          %get3A_1006 = arith.index_cast %add3A_1003 : i32 to index
          %get3A_1007 = tpu.vector_load %arg11[%get3A_1005, %get3A_1006] {strides = array<i32>} : memref<16x1024xf32, #tpu.memory_space<vmem>>, vector<1x16xf32>,
          %get3A_1008 = vector.shape_cast %get3A_1007 : vector<1x16xf32> to vector<16xf32>
          %mul3A_1009 = arith.mulf %get3A_470, %get3A_1008 : vector<16xf32>
          %add3A_1010 = arith.addf %add3A_1001, %mul3A_1009 : vector<16xf32>
          %add3A_1011 = arith.constant 0 : i32
          %add3A_1012 = arith.addi %mul3A_447, %add3A_1011 : i32
          %get3A_1013 = arith.constant 15 : i32
          %get3A_1014 = arith.index_cast %get3A_1013 : i32 to index
          %get3A_1015 = arith.index_cast %add3A_1012 : i32 to index
          %get3A_1016 = tpu.vector_load %arg11[%get3A_1014, %get3A_1015] {strides = array<i32>} : memref<16x1024xf32, #tpu.memory_space<vmem>>, vector<1x16xf32>,
          %get3A_1017 = vector.shape_cast %get3A_1016 : vector<1x16xf32> to vector<16xf32>
          %mul3A_1018 = arith.mulf %get3A_452, %get3A_1017 : vector<16xf32>
          %add3A_1019 = arith.addf %scan3A_443, %mul3A_1018 : vector<16xf32>
          %add3A_1020 = arith.constant 16 : i32
          %add3A_1021 = arith.addi %mul3A_447, %add3A_1020 : i32
          %get3A_1022 = arith.constant 15 : i32
          %get3A_1023 = arith.index_cast %get3A_1022 : i32 to index
          %get3A_1024 = arith.index_cast %add3A_1021 : i32 to index
          %get3A_1025 = tpu.vector_load %arg11[%get3A_1023, %get3A_1024] {strides = array<i32>} : memref<16x1024xf32, #tpu.memory_space<vmem>>, vector<1x16xf32>,
          %get3A_1026 = vector.shape_cast %get3A_1025 : vector<1x16xf32> to vector<16xf32>
          %mul3A_1027 = arith.mulf %get3A_458, %get3A_1026 : vector<16xf32>
          %add3A_1028 = arith.addf %add3A_1019, %mul3A_1027 : vector<16xf32>
          %add3A_1029 = arith.constant 32 : i32
          %add3A_1030 = arith.addi %mul3A_447, %add3A_1029 : i32
          %get3A_1031 = arith.constant 15 : i32
          %get3A_1032 = arith.index_cast %get3A_1031 : i32 to index
          %get3A_1033 = arith.index_cast %add3A_1030 : i32 to index
          %get3A_1034 = tpu.vector_load %arg11[%get3A_1032, %get3A_1033] {strides = array<i32>} : memref<16x1024xf32, #tpu.memory_space<vmem>>, vector<1x16xf32>,
          %get3A_1035 = vector.shape_cast %get3A_1034 : vector<1x16xf32> to vector<16xf32>
          %mul3A_1036 = arith.mulf %get3A_464, %get3A_1035 : vector<16xf32>
          %add3A_1037 = arith.addf %add3A_1028, %mul3A_1036 : vector<16xf32>
          %add3A_1038 = arith.constant 48 : i32
          %add3A_1039 = arith.addi %mul3A_447, %add3A_1038 : i32
          %get3A_1040 = arith.constant 15 : i32
          %get3A_1041 = arith.index_cast %get3A_1040 : i32 to index
          %get3A_1042 = arith.index_cast %add3A_1039 : i32 to index
          %get3A_1043 = tpu.vector_load %arg11[%get3A_1041, %get3A_1042] {strides = array<i32>} : memref<16x1024xf32, #tpu.memory_space<vmem>>, vector<1x16xf32>,
          %get3A_1044 = vector.shape_cast %get3A_1043 : vector<1x16xf32> to vector<16xf32>
          %mul3A_1045 = arith.mulf %get3A_470, %get3A_1044 : vector<16xf32>
          %add3A_1046 = arith.addf %add3A_1037, %mul3A_1045 : vector<16xf32>
          scf.yield %add3A_506, %add3A_542, %add3A_578, %add3A_614, %add3A_650, %add3A_686, %add3A_722, %add3A_758, %add3A_794, %add3A_830, %add3A_866, %add3A_902, %add3A_938, %add3A_974, %add3A_1010, %add3A_1046 : vector<16xf32>, vector<16xf32>, vector<16xf32>, vector<16xf32>, vector<16xf32>, vector<16xf32>, vector<16xf32>, vector<16xf32>, vector<16xf32>, vector<16xf32>, vector<16xf32>, vector<16xf32>, vector<16xf32>, vector<16xf32>, vector<16xf32>, vector<16xf32>
        }
        %scan3A_275 = arith.constant 16 : i32
        %mul3A_276 = arith.constant 1.250000e-01 : f32
        %mul3A_277 = vector.broadcast %mul3A_276 : f32 to vector<16xf32>
        %mul3A_278 = arith.mulf %scan3A_274#0, %mul3A_277 : vector<16xf32>
        %mul3A_279 = arith.constant 1.250000e-01 : f32
        %mul3A_280 = vector.broadcast %mul3A_279 : f32 to vector<16xf32>
        %mul3A_281 = arith.mulf %scan3A_274#1, %mul3A_280 : vector<16xf32>
        %mul3A_282 = arith.constant 1.250000e-01 : f32
        %mul3A_283 = vector.broadcast %mul3A_282 : f32 to vector<16xf32>
        %mul3A_284 = arith.mulf %scan3A_274#2, %mul3A_283 : vector<16xf32>
        %mul3A_285 = arith.constant 1.250000e-01 : f32
        %mul3A_286 = vector.broadcast %mul3A_285 : f32 to vector<16xf32>
        %mul3A_287 = arith.mulf %scan3A_274#3, %mul3A_286 : vector<16xf32>
        %mul3A_288 = arith.constant 1.250000e-01 : f32
        %mul3A_289 = vector.broadcast %mul3A_288 : f32 to vector<16xf32>
        %mul3A_290 = arith.mulf %scan3A_274#4, %mul3A_289 : vector<16xf32>
        %mul3A_291 = arith.constant 1.250000e-01 : f32
        %mul3A_292 = vector.broadcast %mul3A_291 : f32 to vector<16xf32>
        %mul3A_293 = arith.mulf %scan3A_274#5, %mul3A_292 : vector<16xf32>
        %mul3A_294 = arith.constant 1.250000e-01 : f32
        %mul3A_295 = vector.broadcast %mul3A_294 : f32 to vector<16xf32>
        %mul3A_296 = arith.mulf %scan3A_274#6, %mul3A_295 : vector<16xf32>
        %mul3A_297 = arith.constant 1.250000e-01 : f32
        %mul3A_298 = vector.broadcast %mul3A_297 : f32 to vector<16xf32>
        %mul3A_299 = arith.mulf %scan3A_274#7, %mul3A_298 : vector<16xf32>
        %mul3A_300 = arith.constant 1.250000e-01 : f32
        %mul3A_301 = vector.broadcast %mul3A_300 : f32 to vector<16xf32>
        %mul3A_302 = arith.mulf %scan3A_274#8, %mul3A_301 : vector<16xf32>
        %mul3A_303 = arith.constant 1.250000e-01 : f32
        %mul3A_304 = vector.broadcast %mul3A_303 : f32 to vector<16xf32>
        %mul3A_305 = arith.mulf %scan3A_274#9, %mul3A_304 : vector<16xf32>
        %mul3A_306 = arith.constant 1.250000e-01 : f32
        %mul3A_307 = vector.broadcast %mul3A_306 : f32 to vector<16xf32>
        %mul3A_308 = arith.mulf %scan3A_274#10, %mul3A_307 : vector<16xf32>
        %mul3A_309 = arith.constant 1.250000e-01 : f32
        %mul3A_310 = vector.broadcast %mul3A_309 : f32 to vector<16xf32>
        %mul3A_311 = arith.mulf %scan3A_274#11, %mul3A_310 : vector<16xf32>
        %mul3A_312 = arith.constant 1.250000e-01 : f32
        %mul3A_313 = vector.broadcast %mul3A_312 : f32 to vector<16xf32>
        %mul3A_314 = arith.mulf %scan3A_274#12, %mul3A_313 : vector<16xf32>
        %mul3A_315 = arith.constant 1.250000e-01 : f32
        %mul3A_316 = vector.broadcast %mul3A_315 : f32 to vector<16xf32>
        %mul3A_317 = arith.mulf %scan3A_274#13, %mul3A_316 : vector<16xf32>
        %mul3A_318 = arith.constant 1.250000e-01 : f32
        %mul3A_319 = vector.broadcast %mul3A_318 : f32 to vector<16xf32>
        %mul3A_320 = arith.mulf %scan3A_274#14, %mul3A_319 : vector<16xf32>
        %mul3A_321 = arith.constant 1.250000e-01 : f32
        %mul3A_322 = vector.broadcast %mul3A_321 : f32 to vector<16xf32>
        %mul3A_323 = arith.mulf %scan3A_274#15, %mul3A_322 : vector<16xf32>
        %max3A_324 = arith.maximumf %mul3A_278, %mul3A_281 : vector<16xf32>
        %max3A_325 = arith.maximumf %max3A_324, %mul3A_284 : vector<16xf32>
        %max3A_326 = arith.maximumf %max3A_325, %mul3A_287 : vector<16xf32>
        %max3A_327 = arith.maximumf %max3A_326, %mul3A_290 : vector<16xf32>
        %max3A_328 = arith.maximumf %max3A_327, %mul3A_293 : vector<16xf32>
        %max3A_329 = arith.maximumf %max3A_328, %mul3A_296 : vector<16xf32>
        %max3A_330 = arith.maximumf %max3A_329, %mul3A_299 : vector<16xf32>
        %max3A_331 = arith.maximumf %max3A_330, %mul3A_302 : vector<16xf32>
        %max3A_332 = arith.maximumf %max3A_331, %mul3A_305 : vector<16xf32>
        %max3A_333 = arith.maximumf %max3A_332, %mul3A_308 : vector<16xf32>
        %max3A_334 = arith.maximumf %max3A_333, %mul3A_311 : vector<16xf32>
        %max3A_335 = arith.maximumf %max3A_334, %mul3A_314 : vector<16xf32>
        %max3A_336 = arith.maximumf %max3A_335, %mul3A_317 : vector<16xf32>
        %max3A_337 = arith.maximumf %max3A_336, %mul3A_320 : vector<16xf32>
        %max3A_338 = arith.maximumf %max3A_337, %mul3A_323 : vector<16xf32>
        %sub3A_339 = arith.subf %mul3A_278, %max3A_338 : vector<16xf32>
        %exp3A_340 = math.exp %sub3A_339 : vector<16xf32>
        %sub3A_341 = arith.subf %mul3A_281, %max3A_338 : vector<16xf32>
        %exp3A_342 = math.exp %sub3A_341 : vector<16xf32>
        %sub3A_343 = arith.subf %mul3A_284, %max3A_338 : vector<16xf32>
        %exp3A_344 = math.exp %sub3A_343 : vector<16xf32>
        %sub3A_345 = arith.subf %mul3A_287, %max3A_338 : vector<16xf32>
        %exp3A_346 = math.exp %sub3A_345 : vector<16xf32>
        %sub3A_347 = arith.subf %mul3A_290, %max3A_338 : vector<16xf32>
        %exp3A_348 = math.exp %sub3A_347 : vector<16xf32>
        %sub3A_349 = arith.subf %mul3A_293, %max3A_338 : vector<16xf32>
        %exp3A_350 = math.exp %sub3A_349 : vector<16xf32>
        %sub3A_351 = arith.subf %mul3A_296, %max3A_338 : vector<16xf32>
        %exp3A_352 = math.exp %sub3A_351 : vector<16xf32>
        %sub3A_353 = arith.subf %mul3A_299, %max3A_338 : vector<16xf32>
        %exp3A_354 = math.exp %sub3A_353 : vector<16xf32>
        %sub3A_355 = arith.subf %mul3A_302, %max3A_338 : vector<16xf32>
        %exp3A_356 = math.exp %sub3A_355 : vector<16xf32>
        %sub3A_357 = arith.subf %mul3A_305, %max3A_338 : vector<16xf32>
        %exp3A_358 = math.exp %sub3A_357 : vector<16xf32>
        %sub3A_359 = arith.subf %mul3A_308, %max3A_338 : vector<16xf32>
        %exp3A_360 = math.exp %sub3A_359 : vector<16xf32>
        %sub3A_361 = arith.subf %mul3A_311, %max3A_338 : vector<16xf32>
        %exp3A_362 = math.exp %sub3A_361 : vector<16xf32>
        %sub3A_363 = arith.subf %mul3A_314, %max3A_338 : vector<16xf32>
        %exp3A_364 = math.exp %sub3A_363 : vector<16xf32>
        %sub3A_365 = arith.subf %mul3A_317, %max3A_338 : vector<16xf32>
        %exp3A_366 = math.exp %sub3A_365 : vector<16xf32>
        %sub3A_367 = arith.subf %mul3A_320, %max3A_338 : vector<16xf32>
        %exp3A_368 = math.exp %sub3A_367 : vector<16xf32>
        %sub3A_369 = arith.subf %mul3A_323, %max3A_338 : vector<16xf32>
        %exp3A_370 = math.exp %sub3A_369 : vector<16xf32>
        %add3A_371 = arith.addf %exp3A_340, %exp3A_342 : vector<16xf32>
        %add3A_372 = arith.addf %add3A_371, %exp3A_344 : vector<16xf32>
        %add3A_373 = arith.addf %add3A_372, %exp3A_346 : vector<16xf32>
        %add3A_374 = arith.addf %add3A_373, %exp3A_348 : vector<16xf32>
        %add3A_375 = arith.addf %add3A_374, %exp3A_350 : vector<16xf32>
        %add3A_376 = arith.addf %add3A_375, %exp3A_352 : vector<16xf32>
        %add3A_377 = arith.addf %add3A_376, %exp3A_354 : vector<16xf32>
        %add3A_378 = arith.addf %add3A_377, %exp3A_356 : vector<16xf32>
        %add3A_379 = arith.addf %add3A_378, %exp3A_358 : vector<16xf32>
        %add3A_380 = arith.addf %add3A_379, %exp3A_360 : vector<16xf32>
        %add3A_381 = arith.addf %add3A_380, %exp3A_362 : vector<16xf32>
        %add3A_382 = arith.addf %add3A_381, %exp3A_364 : vector<16xf32>
        %add3A_383 = arith.addf %add3A_382, %exp3A_366 : vector<16xf32>
        %add3A_384 = arith.addf %add3A_383, %exp3A_368 : vector<16xf32>
        %add3A_385 = arith.addf %add3A_384, %exp3A_370 : vector<16xf32>
        %div3A_386 = arith.constant 1.000000e+00 : f32
        %div3A_387 = vector.broadcast %div3A_386 : f32 to vector<16xf32>
        %div3A_388 = arith.divf %div3A_387, %add3A_385 : vector<16xf32>
        %mul3A_389 = arith.mulf %exp3A_340, %div3A_388 : vector<16xf32>
        %mul3A_390 = arith.mulf %exp3A_342, %div3A_388 : vector<16xf32>
        %mul3A_391 = arith.mulf %exp3A_344, %div3A_388 : vector<16xf32>
        %mul3A_392 = arith.mulf %exp3A_346, %div3A_388 : vector<16xf32>
        %mul3A_393 = arith.mulf %exp3A_348, %div3A_388 : vector<16xf32>
        %mul3A_394 = arith.mulf %exp3A_350, %div3A_388 : vector<16xf32>
        %mul3A_395 = arith.mulf %exp3A_352, %div3A_388 : vector<16xf32>
        %mul3A_396 = arith.mulf %exp3A_354, %div3A_388 : vector<16xf32>
        %mul3A_397 = arith.mulf %exp3A_356, %div3A_388 : vector<16xf32>
        %mul3A_398 = arith.mulf %exp3A_358, %div3A_388 : vector<16xf32>
        %mul3A_399 = arith.mulf %exp3A_360, %div3A_388 : vector<16xf32>
        %mul3A_400 = arith.mulf %exp3A_362, %div3A_388 : vector<16xf32>
        %mul3A_401 = arith.mulf %exp3A_364, %div3A_388 : vector<16xf32>
        %mul3A_402 = arith.mulf %exp3A_366, %div3A_388 : vector<16xf32>
        %mul3A_403 = arith.mulf %exp3A_368, %div3A_388 : vector<16xf32>
        %mul3A_404 = arith.mulf %exp3A_370, %div3A_388 : vector<16xf32>
        %scan3A_405 = arith.constant 0 : i32
        %scan3A_406 = arith.constant 0 : i32
        %scan3A_407 = arith.constant 16 : i32
        %scan3A_408 = arith.addi %scan3A_406, %scan3A_407 : i32
        %scan3A_409 = arith.constant 1 : i32
        scf.for %scan3A_427 = %scan3A_406 to %scan3A_408 step %scan3A_409  : i32 {
          %mul3A_428 = arith.constant 4 : i32
          %mul3A_429 = arith.muli %scan3A_427, %mul3A_428 : i32
          %mul3A_430 = arith.constant 16 : i32
          %mul3A_431 = arith.muli %mul3A_429, %mul3A_430 : i32
          %add3A_432 = arith.constant 0 : i32
          %add3A_433 = arith.addi %mul3A_431, %add3A_432 : i32
          %get3A = arith.constant 0 : i32
          %get3A_434 = arith.index_cast %get3A : i32 to index
          %get3A_435 = arith.index_cast %add3A_433 : i32 to index
          %get3A_436 = tpu.vector_load %arg12[%get3A_434, %get3A_435] {strides = array<i32>} : memref<16x1024xf32, #tpu.memory_space<vmem>>, vector<1x16xf32>,
          %get3A_437 = vector.shape_cast %get3A_436 : vector<1x16xf32> to vector<16xf32>
          %mul3A_438 = arith.mulf %mul3A_389, %get3A_437 : vector<16xf32>
          %add3A_439 = arith.constant 16 : i32
          %add3A_440 = arith.addi %mul3A_431, %add3A_439 : i32
          %get3A_441 = arith.constant 0 : i32
          %get3A_442 = arith.index_cast %get3A_441 : i32 to index
          %get3A_443 = arith.index_cast %add3A_440 : i32 to index
          %get3A_444 = tpu.vector_load %arg12[%get3A_442, %get3A_443] {strides = array<i32>} : memref<16x1024xf32, #tpu.memory_space<vmem>>, vector<1x16xf32>,
          %get3A_445 = vector.shape_cast %get3A_444 : vector<1x16xf32> to vector<16xf32>
          %mul3A_446 = arith.mulf %mul3A_389, %get3A_445 : vector<16xf32>
          %add3A_447 = arith.constant 32 : i32
          %add3A_448 = arith.addi %mul3A_431, %add3A_447 : i32
          %get3A_449 = arith.constant 0 : i32
          %get3A_450 = arith.index_cast %get3A_449 : i32 to index
          %get3A_451 = arith.index_cast %add3A_448 : i32 to index
          %get3A_452 = tpu.vector_load %arg12[%get3A_450, %get3A_451] {strides = array<i32>} : memref<16x1024xf32, #tpu.memory_space<vmem>>, vector<1x16xf32>,
          %get3A_453 = vector.shape_cast %get3A_452 : vector<1x16xf32> to vector<16xf32>
          %mul3A_454 = arith.mulf %mul3A_389, %get3A_453 : vector<16xf32>
          %add3A_455 = arith.constant 48 : i32
          %add3A_456 = arith.addi %mul3A_431, %add3A_455 : i32
          %get3A_457 = arith.constant 0 : i32
          %get3A_458 = arith.index_cast %get3A_457 : i32 to index
          %get3A_459 = arith.index_cast %add3A_456 : i32 to index
          %get3A_460 = tpu.vector_load %arg12[%get3A_458, %get3A_459] {strides = array<i32>} : memref<16x1024xf32, #tpu.memory_space<vmem>>, vector<1x16xf32>,
          %get3A_461 = vector.shape_cast %get3A_460 : vector<1x16xf32> to vector<16xf32>
          %mul3A_462 = arith.mulf %mul3A_389, %get3A_461 : vector<16xf32>
          %add3A_463 = arith.constant 0 : i32
          %add3A_464 = arith.addi %mul3A_431, %add3A_463 : i32
          %get3A_465 = arith.constant 1 : i32
          %get3A_466 = arith.index_cast %get3A_465 : i32 to index
          %get3A_467 = arith.index_cast %add3A_464 : i32 to index
          %get3A_468 = tpu.vector_load %arg12[%get3A_466, %get3A_467] {strides = array<i32>} : memref<16x1024xf32, #tpu.memory_space<vmem>>, vector<1x16xf32>,
          %get3A_469 = vector.shape_cast %get3A_468 : vector<1x16xf32> to vector<16xf32>
          %mul3A_470 = arith.mulf %mul3A_390, %get3A_469 : vector<16xf32>
          %add3A_471 = arith.addf %mul3A_438, %mul3A_470 : vector<16xf32>
          %add3A_472 = arith.constant 16 : i32
          %add3A_473 = arith.addi %mul3A_431, %add3A_472 : i32
          %get3A_474 = arith.constant 1 : i32
          %get3A_475 = arith.index_cast %get3A_474 : i32 to index
          %get3A_476 = arith.index_cast %add3A_473 : i32 to index
          %get3A_477 = tpu.vector_load %arg12[%get3A_475, %get3A_476] {strides = array<i32>} : memref<16x1024xf32, #tpu.memory_space<vmem>>, vector<1x16xf32>,
          %get3A_478 = vector.shape_cast %get3A_477 : vector<1x16xf32> to vector<16xf32>
          %mul3A_479 = arith.mulf %mul3A_390, %get3A_478 : vector<16xf32>
          %add3A_480 = arith.addf %mul3A_446, %mul3A_479 : vector<16xf32>
          %add3A_481 = arith.constant 32 : i32
          %add3A_482 = arith.addi %mul3A_431, %add3A_481 : i32
          %get3A_483 = arith.constant 1 : i32
          %get3A_484 = arith.index_cast %get3A_483 : i32 to index
          %get3A_485 = arith.index_cast %add3A_482 : i32 to index
          %get3A_486 = tpu.vector_load %arg12[%get3A_484, %get3A_485] {strides = array<i32>} : memref<16x1024xf32, #tpu.memory_space<vmem>>, vector<1x16xf32>,
          %get3A_487 = vector.shape_cast %get3A_486 : vector<1x16xf32> to vector<16xf32>
          %mul3A_488 = arith.mulf %mul3A_390, %get3A_487 : vector<16xf32>
          %add3A_489 = arith.addf %mul3A_454, %mul3A_488 : vector<16xf32>
          %add3A_490 = arith.constant 48 : i32
          %add3A_491 = arith.addi %mul3A_431, %add3A_490 : i32
          %get3A_492 = arith.constant 1 : i32
          %get3A_493 = arith.index_cast %get3A_492 : i32 to index
          %get3A_494 = arith.index_cast %add3A_491 : i32 to index
          %get3A_495 = tpu.vector_load %arg12[%get3A_493, %get3A_494] {strides = array<i32>} : memref<16x1024xf32, #tpu.memory_space<vmem>>, vector<1x16xf32>,
          %get3A_496 = vector.shape_cast %get3A_495 : vector<1x16xf32> to vector<16xf32>
          %mul3A_497 = arith.mulf %mul3A_390, %get3A_496 : vector<16xf32>
          %add3A_498 = arith.addf %mul3A_462, %mul3A_497 : vector<16xf32>
          %add3A_499 = arith.constant 0 : i32
          %add3A_500 = arith.addi %mul3A_431, %add3A_499 : i32
          %get3A_501 = arith.constant 2 : i32
          %get3A_502 = arith.index_cast %get3A_501 : i32 to index
          %get3A_503 = arith.index_cast %add3A_500 : i32 to index
          %get3A_504 = tpu.vector_load %arg12[%get3A_502, %get3A_503] {strides = array<i32>} : memref<16x1024xf32, #tpu.memory_space<vmem>>, vector<1x16xf32>,
          %get3A_505 = vector.shape_cast %get3A_504 : vector<1x16xf32> to vector<16xf32>
          %mul3A_506 = arith.mulf %mul3A_391, %get3A_505 : vector<16xf32>
          %add3A_507 = arith.addf %add3A_471, %mul3A_506 : vector<16xf32>
          %add3A_508 = arith.constant 16 : i32
          %add3A_509 = arith.addi %mul3A_431, %add3A_508 : i32
          %get3A_510 = arith.constant 2 : i32
          %get3A_511 = arith.index_cast %get3A_510 : i32 to index
          %get3A_512 = arith.index_cast %add3A_509 : i32 to index
          %get3A_513 = tpu.vector_load %arg12[%get3A_511, %get3A_512] {strides = array<i32>} : memref<16x1024xf32, #tpu.memory_space<vmem>>, vector<1x16xf32>,
          %get3A_514 = vector.shape_cast %get3A_513 : vector<1x16xf32> to vector<16xf32>
          %mul3A_515 = arith.mulf %mul3A_391, %get3A_514 : vector<16xf32>
          %add3A_516 = arith.addf %add3A_480, %mul3A_515 : vector<16xf32>
          %add3A_517 = arith.constant 32 : i32
          %add3A_518 = arith.addi %mul3A_431, %add3A_517 : i32
          %get3A_519 = arith.constant 2 : i32
          %get3A_520 = arith.index_cast %get3A_519 : i32 to index
          %get3A_521 = arith.index_cast %add3A_518 : i32 to index
          %get3A_522 = tpu.vector_load %arg12[%get3A_520, %get3A_521] {strides = array<i32>} : memref<16x1024xf32, #tpu.memory_space<vmem>>, vector<1x16xf32>,
          %get3A_523 = vector.shape_cast %get3A_522 : vector<1x16xf32> to vector<16xf32>
          %mul3A_524 = arith.mulf %mul3A_391, %get3A_523 : vector<16xf32>
          %add3A_525 = arith.addf %add3A_489, %mul3A_524 : vector<16xf32>
          %add3A_526 = arith.constant 48 : i32
          %add3A_527 = arith.addi %mul3A_431, %add3A_526 : i32
          %get3A_528 = arith.constant 2 : i32
          %get3A_529 = arith.index_cast %get3A_528 : i32 to index
          %get3A_530 = arith.index_cast %add3A_527 : i32 to index
          %get3A_531 = tpu.vector_load %arg12[%get3A_529, %get3A_530] {strides = array<i32>} : memref<16x1024xf32, #tpu.memory_space<vmem>>, vector<1x16xf32>,
          %get3A_532 = vector.shape_cast %get3A_531 : vector<1x16xf32> to vector<16xf32>
          %mul3A_533 = arith.mulf %mul3A_391, %get3A_532 : vector<16xf32>
          %add3A_534 = arith.addf %add3A_498, %mul3A_533 : vector<16xf32>
          %add3A_535 = arith.constant 0 : i32
          %add3A_536 = arith.addi %mul3A_431, %add3A_535 : i32
          %get3A_537 = arith.constant 3 : i32
          %get3A_538 = arith.index_cast %get3A_537 : i32 to index
          %get3A_539 = arith.index_cast %add3A_536 : i32 to index
          %get3A_540 = tpu.vector_load %arg12[%get3A_538, %get3A_539] {strides = array<i32>} : memref<16x1024xf32, #tpu.memory_space<vmem>>, vector<1x16xf32>,
          %get3A_541 = vector.shape_cast %get3A_540 : vector<1x16xf32> to vector<16xf32>
          %mul3A_542 = arith.mulf %mul3A_392, %get3A_541 : vector<16xf32>
          %add3A_543 = arith.addf %add3A_507, %mul3A_542 : vector<16xf32>
          %add3A_544 = arith.constant 16 : i32
          %add3A_545 = arith.addi %mul3A_431, %add3A_544 : i32
          %get3A_546 = arith.constant 3 : i32
          %get3A_547 = arith.index_cast %get3A_546 : i32 to index
          %get3A_548 = arith.index_cast %add3A_545 : i32 to index
          %get3A_549 = tpu.vector_load %arg12[%get3A_547, %get3A_548] {strides = array<i32>} : memref<16x1024xf32, #tpu.memory_space<vmem>>, vector<1x16xf32>,
          %get3A_550 = vector.shape_cast %get3A_549 : vector<1x16xf32> to vector<16xf32>
          %mul3A_551 = arith.mulf %mul3A_392, %get3A_550 : vector<16xf32>
          %add3A_552 = arith.addf %add3A_516, %mul3A_551 : vector<16xf32>
          %add3A_553 = arith.constant 32 : i32
          %add3A_554 = arith.addi %mul3A_431, %add3A_553 : i32
          %get3A_555 = arith.constant 3 : i32
          %get3A_556 = arith.index_cast %get3A_555 : i32 to index
          %get3A_557 = arith.index_cast %add3A_554 : i32 to index
          %get3A_558 = tpu.vector_load %arg12[%get3A_556, %get3A_557] {strides = array<i32>} : memref<16x1024xf32, #tpu.memory_space<vmem>>, vector<1x16xf32>,
          %get3A_559 = vector.shape_cast %get3A_558 : vector<1x16xf32> to vector<16xf32>
          %mul3A_560 = arith.mulf %mul3A_392, %get3A_559 : vector<16xf32>
          %add3A_561 = arith.addf %add3A_525, %mul3A_560 : vector<16xf32>
          %add3A_562 = arith.constant 48 : i32
          %add3A_563 = arith.addi %mul3A_431, %add3A_562 : i32
          %get3A_564 = arith.constant 3 : i32
          %get3A_565 = arith.index_cast %get3A_564 : i32 to index
          %get3A_566 = arith.index_cast %add3A_563 : i32 to index
          %get3A_567 = tpu.vector_load %arg12[%get3A_565, %get3A_566] {strides = array<i32>} : memref<16x1024xf32, #tpu.memory_space<vmem>>, vector<1x16xf32>,
          %get3A_568 = vector.shape_cast %get3A_567 : vector<1x16xf32> to vector<16xf32>
          %mul3A_569 = arith.mulf %mul3A_392, %get3A_568 : vector<16xf32>
          %add3A_570 = arith.addf %add3A_534, %mul3A_569 : vector<16xf32>
          %add3A_571 = arith.constant 0 : i32
          %add3A_572 = arith.addi %mul3A_431, %add3A_571 : i32
          %get3A_573 = arith.constant 4 : i32
          %get3A_574 = arith.index_cast %get3A_573 : i32 to index
          %get3A_575 = arith.index_cast %add3A_572 : i32 to index
          %get3A_576 = tpu.vector_load %arg12[%get3A_574, %get3A_575] {strides = array<i32>} : memref<16x1024xf32, #tpu.memory_space<vmem>>, vector<1x16xf32>,
          %get3A_577 = vector.shape_cast %get3A_576 : vector<1x16xf32> to vector<16xf32>
          %mul3A_578 = arith.mulf %mul3A_393, %get3A_577 : vector<16xf32>
          %add3A_579 = arith.addf %add3A_543, %mul3A_578 : vector<16xf32>
          %add3A_580 = arith.constant 16 : i32
          %add3A_581 = arith.addi %mul3A_431, %add3A_580 : i32
          %get3A_582 = arith.constant 4 : i32
          %get3A_583 = arith.index_cast %get3A_582 : i32 to index
          %get3A_584 = arith.index_cast %add3A_581 : i32 to index
          %get3A_585 = tpu.vector_load %arg12[%get3A_583, %get3A_584] {strides = array<i32>} : memref<16x1024xf32, #tpu.memory_space<vmem>>, vector<1x16xf32>,
          %get3A_586 = vector.shape_cast %get3A_585 : vector<1x16xf32> to vector<16xf32>
          %mul3A_587 = arith.mulf %mul3A_393, %get3A_586 : vector<16xf32>
          %add3A_588 = arith.addf %add3A_552, %mul3A_587 : vector<16xf32>
          %add3A_589 = arith.constant 32 : i32
          %add3A_590 = arith.addi %mul3A_431, %add3A_589 : i32
          %get3A_591 = arith.constant 4 : i32
          %get3A_592 = arith.index_cast %get3A_591 : i32 to index
          %get3A_593 = arith.index_cast %add3A_590 : i32 to index
          %get3A_594 = tpu.vector_load %arg12[%get3A_592, %get3A_593] {strides = array<i32>} : memref<16x1024xf32, #tpu.memory_space<vmem>>, vector<1x16xf32>,
          %get3A_595 = vector.shape_cast %get3A_594 : vector<1x16xf32> to vector<16xf32>
          %mul3A_596 = arith.mulf %mul3A_393, %get3A_595 : vector<16xf32>
          %add3A_597 = arith.addf %add3A_561, %mul3A_596 : vector<16xf32>
          %add3A_598 = arith.constant 48 : i32
          %add3A_599 = arith.addi %mul3A_431, %add3A_598 : i32
          %get3A_600 = arith.constant 4 : i32
          %get3A_601 = arith.index_cast %get3A_600 : i32 to index
          %get3A_602 = arith.index_cast %add3A_599 : i32 to index
          %get3A_603 = tpu.vector_load %arg12[%get3A_601, %get3A_602] {strides = array<i32>} : memref<16x1024xf32, #tpu.memory_space<vmem>>, vector<1x16xf32>,
          %get3A_604 = vector.shape_cast %get3A_603 : vector<1x16xf32> to vector<16xf32>
          %mul3A_605 = arith.mulf %mul3A_393, %get3A_604 : vector<16xf32>
          %add3A_606 = arith.addf %add3A_570, %mul3A_605 : vector<16xf32>
          %add3A_607 = arith.constant 0 : i32
          %add3A_608 = arith.addi %mul3A_431, %add3A_607 : i32
          %get3A_609 = arith.constant 5 : i32
          %get3A_610 = arith.index_cast %get3A_609 : i32 to index
          %get3A_611 = arith.index_cast %add3A_608 : i32 to index
          %get3A_612 = tpu.vector_load %arg12[%get3A_610, %get3A_611] {strides = array<i32>} : memref<16x1024xf32, #tpu.memory_space<vmem>>, vector<1x16xf32>,
          %get3A_613 = vector.shape_cast %get3A_612 : vector<1x16xf32> to vector<16xf32>
          %mul3A_614 = arith.mulf %mul3A_394, %get3A_613 : vector<16xf32>
          %add3A_615 = arith.addf %add3A_579, %mul3A_614 : vector<16xf32>
          %add3A_616 = arith.constant 16 : i32
          %add3A_617 = arith.addi %mul3A_431, %add3A_616 : i32
          %get3A_618 = arith.constant 5 : i32
          %get3A_619 = arith.index_cast %get3A_618 : i32 to index
          %get3A_620 = arith.index_cast %add3A_617 : i32 to index
          %get3A_621 = tpu.vector_load %arg12[%get3A_619, %get3A_620] {strides = array<i32>} : memref<16x1024xf32, #tpu.memory_space<vmem>>, vector<1x16xf32>,
          %get3A_622 = vector.shape_cast %get3A_621 : vector<1x16xf32> to vector<16xf32>
          %mul3A_623 = arith.mulf %mul3A_394, %get3A_622 : vector<16xf32>
          %add3A_624 = arith.addf %add3A_588, %mul3A_623 : vector<16xf32>
          %add3A_625 = arith.constant 32 : i32
          %add3A_626 = arith.addi %mul3A_431, %add3A_625 : i32
          %get3A_627 = arith.constant 5 : i32
          %get3A_628 = arith.index_cast %get3A_627 : i32 to index
          %get3A_629 = arith.index_cast %add3A_626 : i32 to index
          %get3A_630 = tpu.vector_load %arg12[%get3A_628, %get3A_629] {strides = array<i32>} : memref<16x1024xf32, #tpu.memory_space<vmem>>, vector<1x16xf32>,
          %get3A_631 = vector.shape_cast %get3A_630 : vector<1x16xf32> to vector<16xf32>
          %mul3A_632 = arith.mulf %mul3A_394, %get3A_631 : vector<16xf32>
          %add3A_633 = arith.addf %add3A_597, %mul3A_632 : vector<16xf32>
          %add3A_634 = arith.constant 48 : i32
          %add3A_635 = arith.addi %mul3A_431, %add3A_634 : i32
          %get3A_636 = arith.constant 5 : i32
          %get3A_637 = arith.index_cast %get3A_636 : i32 to index
          %get3A_638 = arith.index_cast %add3A_635 : i32 to index
          %get3A_639 = tpu.vector_load %arg12[%get3A_637, %get3A_638] {strides = array<i32>} : memref<16x1024xf32, #tpu.memory_space<vmem>>, vector<1x16xf32>,
          %get3A_640 = vector.shape_cast %get3A_639 : vector<1x16xf32> to vector<16xf32>
          %mul3A_641 = arith.mulf %mul3A_394, %get3A_640 : vector<16xf32>
          %add3A_642 = arith.addf %add3A_606, %mul3A_641 : vector<16xf32>
          %add3A_643 = arith.constant 0 : i32
          %add3A_644 = arith.addi %mul3A_431, %add3A_643 : i32
          %get3A_645 = arith.constant 6 : i32
          %get3A_646 = arith.index_cast %get3A_645 : i32 to index
          %get3A_647 = arith.index_cast %add3A_644 : i32 to index
          %get3A_648 = tpu.vector_load %arg12[%get3A_646, %get3A_647] {strides = array<i32>} : memref<16x1024xf32, #tpu.memory_space<vmem>>, vector<1x16xf32>,
          %get3A_649 = vector.shape_cast %get3A_648 : vector<1x16xf32> to vector<16xf32>
          %mul3A_650 = arith.mulf %mul3A_395, %get3A_649 : vector<16xf32>
          %add3A_651 = arith.addf %add3A_615, %mul3A_650 : vector<16xf32>
          %add3A_652 = arith.constant 16 : i32
          %add3A_653 = arith.addi %mul3A_431, %add3A_652 : i32
          %get3A_654 = arith.constant 6 : i32
          %get3A_655 = arith.index_cast %get3A_654 : i32 to index
          %get3A_656 = arith.index_cast %add3A_653 : i32 to index
          %get3A_657 = tpu.vector_load %arg12[%get3A_655, %get3A_656] {strides = array<i32>} : memref<16x1024xf32, #tpu.memory_space<vmem>>, vector<1x16xf32>,
          %get3A_658 = vector.shape_cast %get3A_657 : vector<1x16xf32> to vector<16xf32>
          %mul3A_659 = arith.mulf %mul3A_395, %get3A_658 : vector<16xf32>
          %add3A_660 = arith.addf %add3A_624, %mul3A_659 : vector<16xf32>
          %add3A_661 = arith.constant 32 : i32
          %add3A_662 = arith.addi %mul3A_431, %add3A_661 : i32
          %get3A_663 = arith.constant 6 : i32
          %get3A_664 = arith.index_cast %get3A_663 : i32 to index
          %get3A_665 = arith.index_cast %add3A_662 : i32 to index
          %get3A_666 = tpu.vector_load %arg12[%get3A_664, %get3A_665] {strides = array<i32>} : memref<16x1024xf32, #tpu.memory_space<vmem>>, vector<1x16xf32>,
          %get3A_667 = vector.shape_cast %get3A_666 : vector<1x16xf32> to vector<16xf32>
          %mul3A_668 = arith.mulf %mul3A_395, %get3A_667 : vector<16xf32>
          %add3A_669 = arith.addf %add3A_633, %mul3A_668 : vector<16xf32>
          %add3A_670 = arith.constant 48 : i32
          %add3A_671 = arith.addi %mul3A_431, %add3A_670 : i32
          %get3A_672 = arith.constant 6 : i32
          %get3A_673 = arith.index_cast %get3A_672 : i32 to index
          %get3A_674 = arith.index_cast %add3A_671 : i32 to index
          %get3A_675 = tpu.vector_load %arg12[%get3A_673, %get3A_674] {strides = array<i32>} : memref<16x1024xf32, #tpu.memory_space<vmem>>, vector<1x16xf32>,
          %get3A_676 = vector.shape_cast %get3A_675 : vector<1x16xf32> to vector<16xf32>
          %mul3A_677 = arith.mulf %mul3A_395, %get3A_676 : vector<16xf32>
          %add3A_678 = arith.addf %add3A_642, %mul3A_677 : vector<16xf32>
          %add3A_679 = arith.constant 0 : i32
          %add3A_680 = arith.addi %mul3A_431, %add3A_679 : i32
          %get3A_681 = arith.constant 7 : i32
          %get3A_682 = arith.index_cast %get3A_681 : i32 to index
          %get3A_683 = arith.index_cast %add3A_680 : i32 to index
          %get3A_684 = tpu.vector_load %arg12[%get3A_682, %get3A_683] {strides = array<i32>} : memref<16x1024xf32, #tpu.memory_space<vmem>>, vector<1x16xf32>,
          %get3A_685 = vector.shape_cast %get3A_684 : vector<1x16xf32> to vector<16xf32>
          %mul3A_686 = arith.mulf %mul3A_396, %get3A_685 : vector<16xf32>
          %add3A_687 = arith.addf %add3A_651, %mul3A_686 : vector<16xf32>
          %add3A_688 = arith.constant 16 : i32
          %add3A_689 = arith.addi %mul3A_431, %add3A_688 : i32
          %get3A_690 = arith.constant 7 : i32
          %get3A_691 = arith.index_cast %get3A_690 : i32 to index
          %get3A_692 = arith.index_cast %add3A_689 : i32 to index
          %get3A_693 = tpu.vector_load %arg12[%get3A_691, %get3A_692] {strides = array<i32>} : memref<16x1024xf32, #tpu.memory_space<vmem>>, vector<1x16xf32>,
          %get3A_694 = vector.shape_cast %get3A_693 : vector<1x16xf32> to vector<16xf32>
          %mul3A_695 = arith.mulf %mul3A_396, %get3A_694 : vector<16xf32>
          %add3A_696 = arith.addf %add3A_660, %mul3A_695 : vector<16xf32>
          %add3A_697 = arith.constant 32 : i32
          %add3A_698 = arith.addi %mul3A_431, %add3A_697 : i32
          %get3A_699 = arith.constant 7 : i32
          %get3A_700 = arith.index_cast %get3A_699 : i32 to index
          %get3A_701 = arith.index_cast %add3A_698 : i32 to index
          %get3A_702 = tpu.vector_load %arg12[%get3A_700, %get3A_701] {strides = array<i32>} : memref<16x1024xf32, #tpu.memory_space<vmem>>, vector<1x16xf32>,
          %get3A_703 = vector.shape_cast %get3A_702 : vector<1x16xf32> to vector<16xf32>
          %mul3A_704 = arith.mulf %mul3A_396, %get3A_703 : vector<16xf32>
          %add3A_705 = arith.addf %add3A_669, %mul3A_704 : vector<16xf32>
          %add3A_706 = arith.constant 48 : i32
          %add3A_707 = arith.addi %mul3A_431, %add3A_706 : i32
          %get3A_708 = arith.constant 7 : i32
          %get3A_709 = arith.index_cast %get3A_708 : i32 to index
          %get3A_710 = arith.index_cast %add3A_707 : i32 to index
          %get3A_711 = tpu.vector_load %arg12[%get3A_709, %get3A_710] {strides = array<i32>} : memref<16x1024xf32, #tpu.memory_space<vmem>>, vector<1x16xf32>,
          %get3A_712 = vector.shape_cast %get3A_711 : vector<1x16xf32> to vector<16xf32>
          %mul3A_713 = arith.mulf %mul3A_396, %get3A_712 : vector<16xf32>
          %add3A_714 = arith.addf %add3A_678, %mul3A_713 : vector<16xf32>
          %add3A_715 = arith.constant 0 : i32
          %add3A_716 = arith.addi %mul3A_431, %add3A_715 : i32
          %get3A_717 = arith.constant 8 : i32
          %get3A_718 = arith.index_cast %get3A_717 : i32 to index
          %get3A_719 = arith.index_cast %add3A_716 : i32 to index
          %get3A_720 = tpu.vector_load %arg12[%get3A_718, %get3A_719] {strides = array<i32>} : memref<16x1024xf32, #tpu.memory_space<vmem>>, vector<1x16xf32>,
          %get3A_721 = vector.shape_cast %get3A_720 : vector<1x16xf32> to vector<16xf32>
          %mul3A_722 = arith.mulf %mul3A_397, %get3A_721 : vector<16xf32>
          %add3A_723 = arith.addf %add3A_687, %mul3A_722 : vector<16xf32>
          %add3A_724 = arith.constant 16 : i32
          %add3A_725 = arith.addi %mul3A_431, %add3A_724 : i32
          %get3A_726 = arith.constant 8 : i32
          %get3A_727 = arith.index_cast %get3A_726 : i32 to index
          %get3A_728 = arith.index_cast %add3A_725 : i32 to index
          %get3A_729 = tpu.vector_load %arg12[%get3A_727, %get3A_728] {strides = array<i32>} : memref<16x1024xf32, #tpu.memory_space<vmem>>, vector<1x16xf32>,
          %get3A_730 = vector.shape_cast %get3A_729 : vector<1x16xf32> to vector<16xf32>
          %mul3A_731 = arith.mulf %mul3A_397, %get3A_730 : vector<16xf32>
          %add3A_732 = arith.addf %add3A_696, %mul3A_731 : vector<16xf32>
          %add3A_733 = arith.constant 32 : i32
          %add3A_734 = arith.addi %mul3A_431, %add3A_733 : i32
          %get3A_735 = arith.constant 8 : i32
          %get3A_736 = arith.index_cast %get3A_735 : i32 to index
          %get3A_737 = arith.index_cast %add3A_734 : i32 to index
          %get3A_738 = tpu.vector_load %arg12[%get3A_736, %get3A_737] {strides = array<i32>} : memref<16x1024xf32, #tpu.memory_space<vmem>>, vector<1x16xf32>,
          %get3A_739 = vector.shape_cast %get3A_738 : vector<1x16xf32> to vector<16xf32>
          %mul3A_740 = arith.mulf %mul3A_397, %get3A_739 : vector<16xf32>
          %add3A_741 = arith.addf %add3A_705, %mul3A_740 : vector<16xf32>
          %add3A_742 = arith.constant 48 : i32
          %add3A_743 = arith.addi %mul3A_431, %add3A_742 : i32
          %get3A_744 = arith.constant 8 : i32
          %get3A_745 = arith.index_cast %get3A_744 : i32 to index
          %get3A_746 = arith.index_cast %add3A_743 : i32 to index
          %get3A_747 = tpu.vector_load %arg12[%get3A_745, %get3A_746] {strides = array<i32>} : memref<16x1024xf32, #tpu.memory_space<vmem>>, vector<1x16xf32>,
          %get3A_748 = vector.shape_cast %get3A_747 : vector<1x16xf32> to vector<16xf32>
          %mul3A_749 = arith.mulf %mul3A_397, %get3A_748 : vector<16xf32>
          %add3A_750 = arith.addf %add3A_714, %mul3A_749 : vector<16xf32>
          %add3A_751 = arith.constant 0 : i32
          %add3A_752 = arith.addi %mul3A_431, %add3A_751 : i32
          %get3A_753 = arith.constant 9 : i32
          %get3A_754 = arith.index_cast %get3A_753 : i32 to index
          %get3A_755 = arith.index_cast %add3A_752 : i32 to index
          %get3A_756 = tpu.vector_load %arg12[%get3A_754, %get3A_755] {strides = array<i32>} : memref<16x1024xf32, #tpu.memory_space<vmem>>, vector<1x16xf32>,
          %get3A_757 = vector.shape_cast %get3A_756 : vector<1x16xf32> to vector<16xf32>
          %mul3A_758 = arith.mulf %mul3A_398, %get3A_757 : vector<16xf32>
          %add3A_759 = arith.addf %add3A_723, %mul3A_758 : vector<16xf32>
          %add3A_760 = arith.constant 16 : i32
          %add3A_761 = arith.addi %mul3A_431, %add3A_760 : i32
          %get3A_762 = arith.constant 9 : i32
          %get3A_763 = arith.index_cast %get3A_762 : i32 to index
          %get3A_764 = arith.index_cast %add3A_761 : i32 to index
          %get3A_765 = tpu.vector_load %arg12[%get3A_763, %get3A_764] {strides = array<i32>} : memref<16x1024xf32, #tpu.memory_space<vmem>>, vector<1x16xf32>,
          %get3A_766 = vector.shape_cast %get3A_765 : vector<1x16xf32> to vector<16xf32>
          %mul3A_767 = arith.mulf %mul3A_398, %get3A_766 : vector<16xf32>
          %add3A_768 = arith.addf %add3A_732, %mul3A_767 : vector<16xf32>
          %add3A_769 = arith.constant 32 : i32
          %add3A_770 = arith.addi %mul3A_431, %add3A_769 : i32
          %get3A_771 = arith.constant 9 : i32
          %get3A_772 = arith.index_cast %get3A_771 : i32 to index
          %get3A_773 = arith.index_cast %add3A_770 : i32 to index
          %get3A_774 = tpu.vector_load %arg12[%get3A_772, %get3A_773] {strides = array<i32>} : memref<16x1024xf32, #tpu.memory_space<vmem>>, vector<1x16xf32>,
          %get3A_775 = vector.shape_cast %get3A_774 : vector<1x16xf32> to vector<16xf32>
          %mul3A_776 = arith.mulf %mul3A_398, %get3A_775 : vector<16xf32>
          %add3A_777 = arith.addf %add3A_741, %mul3A_776 : vector<16xf32>
          %add3A_778 = arith.constant 48 : i32
          %add3A_779 = arith.addi %mul3A_431, %add3A_778 : i32
          %get3A_780 = arith.constant 9 : i32
          %get3A_781 = arith.index_cast %get3A_780 : i32 to index
          %get3A_782 = arith.index_cast %add3A_779 : i32 to index
          %get3A_783 = tpu.vector_load %arg12[%get3A_781, %get3A_782] {strides = array<i32>} : memref<16x1024xf32, #tpu.memory_space<vmem>>, vector<1x16xf32>,
          %get3A_784 = vector.shape_cast %get3A_783 : vector<1x16xf32> to vector<16xf32>
          %mul3A_785 = arith.mulf %mul3A_398, %get3A_784 : vector<16xf32>
          %add3A_786 = arith.addf %add3A_750, %mul3A_785 : vector<16xf32>
          %add3A_787 = arith.constant 0 : i32
          %add3A_788 = arith.addi %mul3A_431, %add3A_787 : i32
          %get3A_789 = arith.constant 10 : i32
          %get3A_790 = arith.index_cast %get3A_789 : i32 to index
          %get3A_791 = arith.index_cast %add3A_788 : i32 to index
          %get3A_792 = tpu.vector_load %arg12[%get3A_790, %get3A_791] {strides = array<i32>} : memref<16x1024xf32, #tpu.memory_space<vmem>>, vector<1x16xf32>,
          %get3A_793 = vector.shape_cast %get3A_792 : vector<1x16xf32> to vector<16xf32>
          %mul3A_794 = arith.mulf %mul3A_399, %get3A_793 : vector<16xf32>
          %add3A_795 = arith.addf %add3A_759, %mul3A_794 : vector<16xf32>
          %add3A_796 = arith.constant 16 : i32
          %add3A_797 = arith.addi %mul3A_431, %add3A_796 : i32
          %get3A_798 = arith.constant 10 : i32
          %get3A_799 = arith.index_cast %get3A_798 : i32 to index
          %get3A_800 = arith.index_cast %add3A_797 : i32 to index
          %get3A_801 = tpu.vector_load %arg12[%get3A_799, %get3A_800] {strides = array<i32>} : memref<16x1024xf32, #tpu.memory_space<vmem>>, vector<1x16xf32>,
          %get3A_802 = vector.shape_cast %get3A_801 : vector<1x16xf32> to vector<16xf32>
          %mul3A_803 = arith.mulf %mul3A_399, %get3A_802 : vector<16xf32>
          %add3A_804 = arith.addf %add3A_768, %mul3A_803 : vector<16xf32>
          %add3A_805 = arith.constant 32 : i32
          %add3A_806 = arith.addi %mul3A_431, %add3A_805 : i32
          %get3A_807 = arith.constant 10 : i32
          %get3A_808 = arith.index_cast %get3A_807 : i32 to index
          %get3A_809 = arith.index_cast %add3A_806 : i32 to index
          %get3A_810 = tpu.vector_load %arg12[%get3A_808, %get3A_809] {strides = array<i32>} : memref<16x1024xf32, #tpu.memory_space<vmem>>, vector<1x16xf32>,
          %get3A_811 = vector.shape_cast %get3A_810 : vector<1x16xf32> to vector<16xf32>
          %mul3A_812 = arith.mulf %mul3A_399, %get3A_811 : vector<16xf32>
          %add3A_813 = arith.addf %add3A_777, %mul3A_812 : vector<16xf32>
          %add3A_814 = arith.constant 48 : i32
          %add3A_815 = arith.addi %mul3A_431, %add3A_814 : i32
          %get3A_816 = arith.constant 10 : i32
          %get3A_817 = arith.index_cast %get3A_816 : i32 to index
          %get3A_818 = arith.index_cast %add3A_815 : i32 to index
          %get3A_819 = tpu.vector_load %arg12[%get3A_817, %get3A_818] {strides = array<i32>} : memref<16x1024xf32, #tpu.memory_space<vmem>>, vector<1x16xf32>,
          %get3A_820 = vector.shape_cast %get3A_819 : vector<1x16xf32> to vector<16xf32>
          %mul3A_821 = arith.mulf %mul3A_399, %get3A_820 : vector<16xf32>
          %add3A_822 = arith.addf %add3A_786, %mul3A_821 : vector<16xf32>
          %add3A_823 = arith.constant 0 : i32
          %add3A_824 = arith.addi %mul3A_431, %add3A_823 : i32
          %get3A_825 = arith.constant 11 : i32
          %get3A_826 = arith.index_cast %get3A_825 : i32 to index
          %get3A_827 = arith.index_cast %add3A_824 : i32 to index
          %get3A_828 = tpu.vector_load %arg12[%get3A_826, %get3A_827] {strides = array<i32>} : memref<16x1024xf32, #tpu.memory_space<vmem>>, vector<1x16xf32>,
          %get3A_829 = vector.shape_cast %get3A_828 : vector<1x16xf32> to vector<16xf32>
          %mul3A_830 = arith.mulf %mul3A_400, %get3A_829 : vector<16xf32>
          %add3A_831 = arith.addf %add3A_795, %mul3A_830 : vector<16xf32>
          %add3A_832 = arith.constant 16 : i32
          %add3A_833 = arith.addi %mul3A_431, %add3A_832 : i32
          %get3A_834 = arith.constant 11 : i32
          %get3A_835 = arith.index_cast %get3A_834 : i32 to index
          %get3A_836 = arith.index_cast %add3A_833 : i32 to index
          %get3A_837 = tpu.vector_load %arg12[%get3A_835, %get3A_836] {strides = array<i32>} : memref<16x1024xf32, #tpu.memory_space<vmem>>, vector<1x16xf32>,
          %get3A_838 = vector.shape_cast %get3A_837 : vector<1x16xf32> to vector<16xf32>
          %mul3A_839 = arith.mulf %mul3A_400, %get3A_838 : vector<16xf32>
          %add3A_840 = arith.addf %add3A_804, %mul3A_839 : vector<16xf32>
          %add3A_841 = arith.constant 32 : i32
          %add3A_842 = arith.addi %mul3A_431, %add3A_841 : i32
          %get3A_843 = arith.constant 11 : i32
          %get3A_844 = arith.index_cast %get3A_843 : i32 to index
          %get3A_845 = arith.index_cast %add3A_842 : i32 to index
          %get3A_846 = tpu.vector_load %arg12[%get3A_844, %get3A_845] {strides = array<i32>} : memref<16x1024xf32, #tpu.memory_space<vmem>>, vector<1x16xf32>,
          %get3A_847 = vector.shape_cast %get3A_846 : vector<1x16xf32> to vector<16xf32>
          %mul3A_848 = arith.mulf %mul3A_400, %get3A_847 : vector<16xf32>
          %add3A_849 = arith.addf %add3A_813, %mul3A_848 : vector<16xf32>
          %add3A_850 = arith.constant 48 : i32
          %add3A_851 = arith.addi %mul3A_431, %add3A_850 : i32
          %get3A_852 = arith.constant 11 : i32
          %get3A_853 = arith.index_cast %get3A_852 : i32 to index
          %get3A_854 = arith.index_cast %add3A_851 : i32 to index
          %get3A_855 = tpu.vector_load %arg12[%get3A_853, %get3A_854] {strides = array<i32>} : memref<16x1024xf32, #tpu.memory_space<vmem>>, vector<1x16xf32>,
          %get3A_856 = vector.shape_cast %get3A_855 : vector<1x16xf32> to vector<16xf32>
          %mul3A_857 = arith.mulf %mul3A_400, %get3A_856 : vector<16xf32>
          %add3A_858 = arith.addf %add3A_822, %mul3A_857 : vector<16xf32>
          %add3A_859 = arith.constant 0 : i32
          %add3A_860 = arith.addi %mul3A_431, %add3A_859 : i32
          %get3A_861 = arith.constant 12 : i32
          %get3A_862 = arith.index_cast %get3A_861 : i32 to index
          %get3A_863 = arith.index_cast %add3A_860 : i32 to index
          %get3A_864 = tpu.vector_load %arg12[%get3A_862, %get3A_863] {strides = array<i32>} : memref<16x1024xf32, #tpu.memory_space<vmem>>, vector<1x16xf32>,
          %get3A_865 = vector.shape_cast %get3A_864 : vector<1x16xf32> to vector<16xf32>
          %mul3A_866 = arith.mulf %mul3A_401, %get3A_865 : vector<16xf32>
          %add3A_867 = arith.addf %add3A_831, %mul3A_866 : vector<16xf32>
          %add3A_868 = arith.constant 16 : i32
          %add3A_869 = arith.addi %mul3A_431, %add3A_868 : i32
          %get3A_870 = arith.constant 12 : i32
          %get3A_871 = arith.index_cast %get3A_870 : i32 to index
          %get3A_872 = arith.index_cast %add3A_869 : i32 to index
          %get3A_873 = tpu.vector_load %arg12[%get3A_871, %get3A_872] {strides = array<i32>} : memref<16x1024xf32, #tpu.memory_space<vmem>>, vector<1x16xf32>,
          %get3A_874 = vector.shape_cast %get3A_873 : vector<1x16xf32> to vector<16xf32>
          %mul3A_875 = arith.mulf %mul3A_401, %get3A_874 : vector<16xf32>
          %add3A_876 = arith.addf %add3A_840, %mul3A_875 : vector<16xf32>
          %add3A_877 = arith.constant 32 : i32
          %add3A_878 = arith.addi %mul3A_431, %add3A_877 : i32
          %get3A_879 = arith.constant 12 : i32
          %get3A_880 = arith.index_cast %get3A_879 : i32 to index
          %get3A_881 = arith.index_cast %add3A_878 : i32 to index
          %get3A_882 = tpu.vector_load %arg12[%get3A_880, %get3A_881] {strides = array<i32>} : memref<16x1024xf32, #tpu.memory_space<vmem>>, vector<1x16xf32>,
          %get3A_883 = vector.shape_cast %get3A_882 : vector<1x16xf32> to vector<16xf32>
          %mul3A_884 = arith.mulf %mul3A_401, %get3A_883 : vector<16xf32>
          %add3A_885 = arith.addf %add3A_849, %mul3A_884 : vector<16xf32>
          %add3A_886 = arith.constant 48 : i32
          %add3A_887 = arith.addi %mul3A_431, %add3A_886 : i32
          %get3A_888 = arith.constant 12 : i32
          %get3A_889 = arith.index_cast %get3A_888 : i32 to index
          %get3A_890 = arith.index_cast %add3A_887 : i32 to index
          %get3A_891 = tpu.vector_load %arg12[%get3A_889, %get3A_890] {strides = array<i32>} : memref<16x1024xf32, #tpu.memory_space<vmem>>, vector<1x16xf32>,
          %get3A_892 = vector.shape_cast %get3A_891 : vector<1x16xf32> to vector<16xf32>
          %mul3A_893 = arith.mulf %mul3A_401, %get3A_892 : vector<16xf32>
          %add3A_894 = arith.addf %add3A_858, %mul3A_893 : vector<16xf32>
          %add3A_895 = arith.constant 0 : i32
          %add3A_896 = arith.addi %mul3A_431, %add3A_895 : i32
          %get3A_897 = arith.constant 13 : i32
          %get3A_898 = arith.index_cast %get3A_897 : i32 to index
          %get3A_899 = arith.index_cast %add3A_896 : i32 to index
          %get3A_900 = tpu.vector_load %arg12[%get3A_898, %get3A_899] {strides = array<i32>} : memref<16x1024xf32, #tpu.memory_space<vmem>>, vector<1x16xf32>,
          %get3A_901 = vector.shape_cast %get3A_900 : vector<1x16xf32> to vector<16xf32>
          %mul3A_902 = arith.mulf %mul3A_402, %get3A_901 : vector<16xf32>
          %add3A_903 = arith.addf %add3A_867, %mul3A_902 : vector<16xf32>
          %add3A_904 = arith.constant 16 : i32
          %add3A_905 = arith.addi %mul3A_431, %add3A_904 : i32
          %get3A_906 = arith.constant 13 : i32
          %get3A_907 = arith.index_cast %get3A_906 : i32 to index
          %get3A_908 = arith.index_cast %add3A_905 : i32 to index
          %get3A_909 = tpu.vector_load %arg12[%get3A_907, %get3A_908] {strides = array<i32>} : memref<16x1024xf32, #tpu.memory_space<vmem>>, vector<1x16xf32>,
          %get3A_910 = vector.shape_cast %get3A_909 : vector<1x16xf32> to vector<16xf32>
          %mul3A_911 = arith.mulf %mul3A_402, %get3A_910 : vector<16xf32>
          %add3A_912 = arith.addf %add3A_876, %mul3A_911 : vector<16xf32>
          %add3A_913 = arith.constant 32 : i32
          %add3A_914 = arith.addi %mul3A_431, %add3A_913 : i32
          %get3A_915 = arith.constant 13 : i32
          %get3A_916 = arith.index_cast %get3A_915 : i32 to index
          %get3A_917 = arith.index_cast %add3A_914 : i32 to index
          %get3A_918 = tpu.vector_load %arg12[%get3A_916, %get3A_917] {strides = array<i32>} : memref<16x1024xf32, #tpu.memory_space<vmem>>, vector<1x16xf32>,
          %get3A_919 = vector.shape_cast %get3A_918 : vector<1x16xf32> to vector<16xf32>
          %mul3A_920 = arith.mulf %mul3A_402, %get3A_919 : vector<16xf32>
          %add3A_921 = arith.addf %add3A_885, %mul3A_920 : vector<16xf32>
          %add3A_922 = arith.constant 48 : i32
          %add3A_923 = arith.addi %mul3A_431, %add3A_922 : i32
          %get3A_924 = arith.constant 13 : i32
          %get3A_925 = arith.index_cast %get3A_924 : i32 to index
          %get3A_926 = arith.index_cast %add3A_923 : i32 to index
          %get3A_927 = tpu.vector_load %arg12[%get3A_925, %get3A_926] {strides = array<i32>} : memref<16x1024xf32, #tpu.memory_space<vmem>>, vector<1x16xf32>,
          %get3A_928 = vector.shape_cast %get3A_927 : vector<1x16xf32> to vector<16xf32>
          %mul3A_929 = arith.mulf %mul3A_402, %get3A_928 : vector<16xf32>
          %add3A_930 = arith.addf %add3A_894, %mul3A_929 : vector<16xf32>
          %add3A_931 = arith.constant 0 : i32
          %add3A_932 = arith.addi %mul3A_431, %add3A_931 : i32
          %get3A_933 = arith.constant 14 : i32
          %get3A_934 = arith.index_cast %get3A_933 : i32 to index
          %get3A_935 = arith.index_cast %add3A_932 : i32 to index
          %get3A_936 = tpu.vector_load %arg12[%get3A_934, %get3A_935] {strides = array<i32>} : memref<16x1024xf32, #tpu.memory_space<vmem>>, vector<1x16xf32>,
          %get3A_937 = vector.shape_cast %get3A_936 : vector<1x16xf32> to vector<16xf32>
          %mul3A_938 = arith.mulf %mul3A_403, %get3A_937 : vector<16xf32>
          %add3A_939 = arith.addf %add3A_903, %mul3A_938 : vector<16xf32>
          %add3A_940 = arith.constant 16 : i32
          %add3A_941 = arith.addi %mul3A_431, %add3A_940 : i32
          %get3A_942 = arith.constant 14 : i32
          %get3A_943 = arith.index_cast %get3A_942 : i32 to index
          %get3A_944 = arith.index_cast %add3A_941 : i32 to index
          %get3A_945 = tpu.vector_load %arg12[%get3A_943, %get3A_944] {strides = array<i32>} : memref<16x1024xf32, #tpu.memory_space<vmem>>, vector<1x16xf32>,
          %get3A_946 = vector.shape_cast %get3A_945 : vector<1x16xf32> to vector<16xf32>
          %mul3A_947 = arith.mulf %mul3A_403, %get3A_946 : vector<16xf32>
          %add3A_948 = arith.addf %add3A_912, %mul3A_947 : vector<16xf32>
          %add3A_949 = arith.constant 32 : i32
          %add3A_950 = arith.addi %mul3A_431, %add3A_949 : i32
          %get3A_951 = arith.constant 14 : i32
          %get3A_952 = arith.index_cast %get3A_951 : i32 to index
          %get3A_953 = arith.index_cast %add3A_950 : i32 to index
          %get3A_954 = tpu.vector_load %arg12[%get3A_952, %get3A_953] {strides = array<i32>} : memref<16x1024xf32, #tpu.memory_space<vmem>>, vector<1x16xf32>,
          %get3A_955 = vector.shape_cast %get3A_954 : vector<1x16xf32> to vector<16xf32>
          %mul3A_956 = arith.mulf %mul3A_403, %get3A_955 : vector<16xf32>
          %add3A_957 = arith.addf %add3A_921, %mul3A_956 : vector<16xf32>
          %add3A_958 = arith.constant 48 : i32
          %add3A_959 = arith.addi %mul3A_431, %add3A_958 : i32
          %get3A_960 = arith.constant 14 : i32
          %get3A_961 = arith.index_cast %get3A_960 : i32 to index
          %get3A_962 = arith.index_cast %add3A_959 : i32 to index
          %get3A_963 = tpu.vector_load %arg12[%get3A_961, %get3A_962] {strides = array<i32>} : memref<16x1024xf32, #tpu.memory_space<vmem>>, vector<1x16xf32>,
          %get3A_964 = vector.shape_cast %get3A_963 : vector<1x16xf32> to vector<16xf32>
          %mul3A_965 = arith.mulf %mul3A_403, %get3A_964 : vector<16xf32>
          %add3A_966 = arith.addf %add3A_930, %mul3A_965 : vector<16xf32>
          %add3A_967 = arith.constant 0 : i32
          %add3A_968 = arith.addi %mul3A_431, %add3A_967 : i32
          %get3A_969 = arith.constant 15 : i32
          %get3A_970 = arith.index_cast %get3A_969 : i32 to index
          %get3A_971 = arith.index_cast %add3A_968 : i32 to index
          %get3A_972 = tpu.vector_load %arg12[%get3A_970, %get3A_971] {strides = array<i32>} : memref<16x1024xf32, #tpu.memory_space<vmem>>, vector<1x16xf32>,
          %get3A_973 = vector.shape_cast %get3A_972 : vector<1x16xf32> to vector<16xf32>
          %mul3A_974 = arith.mulf %mul3A_404, %get3A_973 : vector<16xf32>
          %add3A_975 = arith.addf %add3A_939, %mul3A_974 : vector<16xf32>
          %add3A_976 = arith.constant 16 : i32
          %add3A_977 = arith.addi %mul3A_431, %add3A_976 : i32
          %get3A_978 = arith.constant 15 : i32
          %get3A_979 = arith.index_cast %get3A_978 : i32 to index
          %get3A_980 = arith.index_cast %add3A_977 : i32 to index
          %get3A_981 = tpu.vector_load %arg12[%get3A_979, %get3A_980] {strides = array<i32>} : memref<16x1024xf32, #tpu.memory_space<vmem>>, vector<1x16xf32>,
          %get3A_982 = vector.shape_cast %get3A_981 : vector<1x16xf32> to vector<16xf32>
          %mul3A_983 = arith.mulf %mul3A_404, %get3A_982 : vector<16xf32>
          %add3A_984 = arith.addf %add3A_948, %mul3A_983 : vector<16xf32>
          %add3A_985 = arith.constant 32 : i32
          %add3A_986 = arith.addi %mul3A_431, %add3A_985 : i32
          %get3A_987 = arith.constant 15 : i32
          %get3A_988 = arith.index_cast %get3A_987 : i32 to index
          %get3A_989 = arith.index_cast %add3A_986 : i32 to index
          %get3A_990 = tpu.vector_load %arg12[%get3A_988, %get3A_989] {strides = array<i32>} : memref<16x1024xf32, #tpu.memory_space<vmem>>, vector<1x16xf32>,
          %get3A_991 = vector.shape_cast %get3A_990 : vector<1x16xf32> to vector<16xf32>
          %mul3A_992 = arith.mulf %mul3A_404, %get3A_991 : vector<16xf32>
          %add3A_993 = arith.addf %add3A_957, %mul3A_992 : vector<16xf32>
          %add3A_994 = arith.constant 48 : i32
          %add3A_995 = arith.addi %mul3A_431, %add3A_994 : i32
          %get3A_996 = arith.constant 15 : i32
          %get3A_997 = arith.index_cast %get3A_996 : i32 to index
          %get3A_998 = arith.index_cast %add3A_995 : i32 to index
          %get3A_999 = tpu.vector_load %arg12[%get3A_997, %get3A_998] {strides = array<i32>} : memref<16x1024xf32, #tpu.memory_space<vmem>>, vector<1x16xf32>,
          %get3A_1000 = vector.shape_cast %get3A_999 : vector<1x16xf32> to vector<16xf32>
          %mul3A_1001 = arith.mulf %mul3A_404, %get3A_1000 : vector<16xf32>
          %add3A_1002 = arith.addf %add3A_966, %mul3A_1001 : vector<16xf32>
          %add3A_1003 = arith.constant 0 : i32
          %add3A_1004 = arith.addi %mul3A_431, %add3A_1003 : i32
          %swap3A = arith.index_cast %add3A_250 : i32 to index
          %swap3A_1005 = arith.index_cast %add3A_1004 : i32 to index
          %swap3A_1006 = tpu.vector_load %arg13[%swap3A, %swap3A_1005] {strides = array<i32>} : memref<8x1024xf32, #tpu.memory_space<vmem>>, vector<1x16xf32>,
          %swap3A_1007 = vector.shape_cast %swap3A_1006 : vector<1x16xf32> to vector<16xf32>
          %swap3A_1008 = vector.shape_cast %add3A_975 : vector<16xf32> to vector<1x16xf32>
          tpu.vector_store %arg13[%swap3A, %swap3A_1005], %swap3A_1008 {strides = array<i32>} : memref<8x1024xf32, #tpu.memory_space<vmem>>, vector<1x16xf32>,
          %add3A_1009 = arith.constant 16 : i32
          %add3A_1010 = arith.addi %mul3A_431, %add3A_1009 : i32
          %swap3A_1011 = arith.index_cast %add3A_250 : i32 to index
          %swap3A_1012 = arith.index_cast %add3A_1010 : i32 to index
          %swap3A_1013 = tpu.vector_load %arg13[%swap3A_1011, %swap3A_1012] {strides = array<i32>} : memref<8x1024xf32, #tpu.memory_space<vmem>>, vector<1x16xf32>,
          %swap3A_1014 = vector.shape_cast %swap3A_1013 : vector<1x16xf32> to vector<16xf32>
          %swap3A_1015 = vector.shape_cast %add3A_984 : vector<16xf32> to vector<1x16xf32>
          tpu.vector_store %arg13[%swap3A_1011, %swap3A_1012], %swap3A_1015 {strides = array<i32>} : memref<8x1024xf32, #tpu.memory_space<vmem>>, vector<1x16xf32>,
          %add3A_1016 = arith.constant 32 : i32
          %add3A_1017 = arith.addi %mul3A_431, %add3A_1016 : i32
          %swap3A_1018 = arith.index_cast %add3A_250 : i32 to index
          %swap3A_1019 = arith.index_cast %add3A_1017 : i32 to index
          %swap3A_1020 = tpu.vector_load %arg13[%swap3A_1018, %swap3A_1019] {strides = array<i32>} : memref<8x1024xf32, #tpu.memory_space<vmem>>, vector<1x16xf32>,
          %swap3A_1021 = vector.shape_cast %swap3A_1020 : vector<1x16xf32> to vector<16xf32>
          %swap3A_1022 = vector.shape_cast %add3A_993 : vector<16xf32> to vector<1x16xf32>
          tpu.vector_store %arg13[%swap3A_1018, %swap3A_1019], %swap3A_1022 {strides = array<i32>} : memref<8x1024xf32, #tpu.memory_space<vmem>>, vector<1x16xf32>,
          %add3A_1023 = arith.constant 48 : i32
          %add3A_1024 = arith.addi %mul3A_431, %add3A_1023 : i32
          %swap3A_1025 = arith.index_cast %add3A_250 : i32 to index
          %swap3A_1026 = arith.index_cast %add3A_1024 : i32 to index
          %swap3A_1027 = tpu.vector_load %arg13[%swap3A_1025, %swap3A_1026] {strides = array<i32>} : memref<8x1024xf32, #tpu.memory_space<vmem>>, vector<1x16xf32>,
          %swap3A_1028 = vector.shape_cast %swap3A_1027 : vector<1x16xf32> to vector<16xf32>
          %swap3A_1029 = vector.shape_cast %add3A_1002 : vector<16xf32> to vector<1x16xf32>
          tpu.vector_store %arg13[%swap3A_1025, %swap3A_1026], %swap3A_1029 {strides = array<i32>} : memref<8x1024xf32, #tpu.memory_space<vmem>>, vector<1x16xf32>,
        }
        %scan3A_410 = arith.constant 16 : i32
        %add3A_411 = arith.constant 2 : i32
        %add3A_412 = arith.addi %add3A_253, %add3A_411 : i32
        %min3A_413 = arith.constant 127 : i32
        %min3A_414 = arith.minsi %add3A_412, %min3A_413 : i32
        %dma_start3A_415 = arith.constant 0 : i32
        %dma_start3A_416 = tpu.memref_slice %arg7[%min3A_414, %dma_start3A_415] : memref<128x16xi32, #tpu.memory_space<vmem>> -> memref<1x16xi32, #tpu.memory_space<vmem>>
        %dma_start3A_417 = tpu.memref_squeeze %dma_start3A_416 : memref<1x16xi32, #tpu.memory_space<vmem>> -> memref<16xi32, #tpu.memory_space<vmem>>
        %dma_start3A_418 = arith.constant 0 : i32
        %dma_start3A_419 = arith.constant 0 : i32
        %dma_start3A_420 = tpu.memref_slice %arg3[%dma_start3A_418, %dma_start3A_419] : memref<4096x1024xf32, #tpu.memory_space<hbm>> -> memref<4096x1024xf32, #tpu.memory_space<hbm>>
        tpu.enqueue_indirect_dma source(%dma_start3A_420 : memref<4096x1024xf32, #tpu.memory_space<hbm>>) target(%arg11 : memref<16x1024xf32, #tpu.memory_space<vmem>>) offsets(%dma_start3A_417 : memref<16xi32, #tpu.memory_space<vmem>>) semaphore(%arg16 : memref<!tpu.dma_semaphore, #tpu.memory_space<semaphore_mem>>)
        %dma_start3A_421 = arith.constant 0 : i32
        %dma_start3A_422 = tpu.memref_slice %arg7[%min3A_414, %dma_start3A_421] : memref<128x16xi32, #tpu.memory_space<vmem>> -> memref<1x16xi32, #tpu.memory_space<vmem>>
        %dma_start3A_423 = tpu.memref_squeeze %dma_start3A_422 : memref<1x16xi32, #tpu.memory_space<vmem>> -> memref<16xi32, #tpu.memory_space<vmem>>
        %dma_start3A_424 = arith.constant 0 : i32
        %dma_start3A_425 = arith.constant 0 : i32
        %dma_start3A_426 = tpu.memref_slice %arg4[%dma_start3A_424, %dma_start3A_425] : memref<4096x1024xf32, #tpu.memory_space<hbm>> -> memref<4096x1024xf32, #tpu.memory_space<hbm>>
        tpu.enqueue_indirect_dma source(%dma_start3A_426 : memref<4096x1024xf32, #tpu.memory_space<hbm>>) target(%arg12 : memref<16x1024xf32, #tpu.memory_space<vmem>>) offsets(%dma_start3A_423 : memref<16xi32, #tpu.memory_space<vmem>>) semaphore(%arg17 : memref<!tpu.dma_semaphore, #tpu.memory_space<semaphore_mem>>)
      }
      %scan3A_71 = arith.constant 4 : i32
      "tpu.region"() ({
        %run_scoped3A = tpu.sem_alloc : memref<!tpu.dma_semaphore, #tpu.memory_space<semaphore_mem>>
        %dma_start3A_72 = arith.constant 0 : i32
        %dma_start3A_73 = tpu.memref_slice %arg6[%add3A_65, %dma_start3A_72] : memref<4096x1024xf32, #tpu.memory_space<hbm>> -> memref<8x1024xf32, #tpu.memory_space<hbm>>
        %dma_start3A_74 = arith.constant 0 : i32
        %dma_start3A_75 = tpu.memref_slice %arg6[%add3A_65, %dma_start3A_74] : memref<4096x1024xf32, #tpu.memory_space<hbm>> -> memref<8x1024xf32, #tpu.memory_space<hbm>>
        tpu.enqueue_dma source(%arg13 : memref<8x1024xf32, #tpu.memory_space<vmem>>) target(%dma_start3A_75 : memref<8x1024xf32, #tpu.memory_space<hbm>>) target_semaphore(%run_scoped3A : memref<!tpu.dma_semaphore, #tpu.memory_space<semaphore_mem>>)
        %dma_wait3A_76 = arith.constant 0 : i32
        %dma_wait3A_77 = tpu.memref_slice %arg6[%add3A_65, %dma_wait3A_76] : memref<4096x1024xf32, #tpu.memory_space<hbm>> -> memref<8x1024xf32, #tpu.memory_space<hbm>>
        %dma_wait3A_78 = arith.constant 0 : i32
        %dma_wait3A_79 = tpu.memref_slice %arg6[%add3A_65, %dma_wait3A_78] : memref<4096x1024xf32, #tpu.memory_space<hbm>> -> memref<8x1024xf32, #tpu.memory_space<hbm>>
        tpu.wait_dma2 semaphore(%run_scoped3A : memref<!tpu.dma_semaphore, #tpu.memory_space<semaphore_mem>>) src(%arg13 : memref<8x1024xf32, #tpu.memory_space<vmem>>) dst(%dma_wait3A_79 : memref<8x1024xf32, #tpu.memory_space<hbm>>)
        tpu.yield
      }) : () -> ()
    }
    %scan3A_34 = arith.constant 16 : i32
    %dma_wait3A = arith.constant 0 : i32
    %dma_wait3A_35 = arith.constant 0 : i32
    %dma_wait3A_36 = tpu.memref_slice %arg7[%dma_wait3A, %dma_wait3A_35] : memref<128x16xi32, #tpu.memory_space<vmem>> -> memref<1x16xi32, #tpu.memory_space<vmem>>
    %dma_wait3A_37 = tpu.memref_squeeze %dma_wait3A_36 : memref<1x16xi32, #tpu.memory_space<vmem>> -> memref<16xi32, #tpu.memory_space<vmem>>
    %dma_wait3A_38 = arith.constant 0 : i32
    %dma_wait3A_39 = arith.constant 0 : i32
    %dma_wait3A_40 = tpu.memref_slice %arg3[%dma_wait3A_38, %dma_wait3A_39] : memref<4096x1024xf32, #tpu.memory_space<hbm>> -> memref<4096x1024xf32, #tpu.memory_space<hbm>>
    tpu.wait_indirect_dma semaphore(%arg14 : memref<!tpu.dma_semaphore, #tpu.memory_space<semaphore_mem>>) src(%dma_wait3A_40 : memref<4096x1024xf32, #tpu.memory_space<hbm>>) dst(%arg9 : memref<16x1024xf32, #tpu.memory_space<vmem>>)
    %dma_wait3A_41 = arith.constant 0 : i32
    %dma_wait3A_42 = arith.constant 0 : i32
    %dma_wait3A_43 = tpu.memref_slice %arg7[%dma_wait3A_41, %dma_wait3A_42] : memref<128x16xi32, #tpu.memory_space<vmem>> -> memref<1x16xi32, #tpu.memory_space<vmem>>
    %dma_wait3A_44 = tpu.memref_squeeze %dma_wait3A_43 : memref<1x16xi32, #tpu.memory_space<vmem>> -> memref<16xi32, #tpu.memory_space<vmem>>
    %dma_wait3A_45 = arith.constant 0 : i32
    %dma_wait3A_46 = arith.constant 0 : i32
    %dma_wait3A_47 = tpu.memref_slice %arg4[%dma_wait3A_45, %dma_wait3A_46] : memref<4096x1024xf32, #tpu.memory_space<hbm>> -> memref<4096x1024xf32, #tpu.memory_space<hbm>>
    tpu.wait_indirect_dma semaphore(%arg15 : memref<!tpu.dma_semaphore, #tpu.memory_space<semaphore_mem>>) src(%dma_wait3A_47 : memref<4096x1024xf32, #tpu.memory_space<hbm>>) dst(%arg10 : memref<16x1024xf32, #tpu.memory_space<vmem>>)
    %dma_wait3A_48 = arith.constant 0 : i32
    %dma_wait3A_49 = arith.constant 0 : i32
    %dma_wait3A_50 = tpu.memref_slice %arg7[%dma_wait3A_48, %dma_wait3A_49] : memref<128x16xi32, #tpu.memory_space<vmem>> -> memref<1x16xi32, #tpu.memory_space<vmem>>
    %dma_wait3A_51 = tpu.memref_squeeze %dma_wait3A_50 : memref<1x16xi32, #tpu.memory_space<vmem>> -> memref<16xi32, #tpu.memory_space<vmem>>
    %dma_wait3A_52 = arith.constant 0 : i32
    %dma_wait3A_53 = arith.constant 0 : i32
    %dma_wait3A_54 = tpu.memref_slice %arg3[%dma_wait3A_52, %dma_wait3A_53] : memref<4096x1024xf32, #tpu.memory_space<hbm>> -> memref<4096x1024xf32, #tpu.memory_space<hbm>>
    tpu.wait_indirect_dma semaphore(%arg16 : memref<!tpu.dma_semaphore, #tpu.memory_space<semaphore_mem>>) src(%dma_wait3A_54 : memref<4096x1024xf32, #tpu.memory_space<hbm>>) dst(%arg11 : memref<16x1024xf32, #tpu.memory_space<vmem>>)
    %dma_wait3A_55 = arith.constant 0 : i32
    %dma_wait3A_56 = arith.constant 0 : i32
    %dma_wait3A_57 = tpu.memref_slice %arg7[%dma_wait3A_55, %dma_wait3A_56] : memref<128x16xi32, #tpu.memory_space<vmem>> -> memref<1x16xi32, #tpu.memory_space<vmem>>
    %dma_wait3A_58 = tpu.memref_squeeze %dma_wait3A_57 : memref<1x16xi32, #tpu.memory_space<vmem>> -> memref<16xi32, #tpu.memory_space<vmem>>
    %dma_wait3A_59 = arith.constant 0 : i32
    %dma_wait3A_60 = arith.constant 0 : i32
    %dma_wait3A_61 = tpu.memref_slice %arg4[%dma_wait3A_59, %dma_wait3A_60] : memref<4096x1024xf32, #tpu.memory_space<hbm>> -> memref<4096x1024xf32, #tpu.memory_space<hbm>>
    tpu.wait_indirect_dma semaphore(%arg17 : memref<!tpu.dma_semaphore, #tpu.memory_space<semaphore_mem>>) src(%dma_wait3A_61 : memref<4096x1024xf32, #tpu.memory_space<hbm>>) dst(%arg12 : memref<16x1024xf32, #tpu.memory_space<vmem>>)
    return
  }
}

module attributes {stable_mosaic.version = 14 : i64} {
  func.func @_topk_body(%arg0: i32, %arg1: memref<256x128xf32, #tpu.memory_space<vmem>>, %arg2: memref<8x2048xf32, #tpu.memory_space<vmem>>, %arg3: memref<256x16xi32, #tpu.memory_space<vmem>>) attributes {dimension_semantics = [#tpu.dimension_semantics<arbitrary>], iteration_bounds = array<i64: 8>, scalar_prefetch = 0 : i64, scratch_operands = 0 : i64, tpu.core_type = #tpu.core_type<tc>, window_params = [{transform_indices = @transform_0, window_bounds = array<i64: 256, 128>}, {pipeline_mode = #tpu.pipeline_mode<synchronous>, transform_indices = @transform_1, window_bounds = array<i64: 8, 2048>}, {transform_indices = @transform_2, window_bounds = array<i64: 256, 16>}]} {
    %get3A = arith.constant 0 : index
    %get3A_0 = arith.constant 0 : index
    %get3A_1 = vector.load %arg1[%get3A, %get3A_0] : memref<256x128xf32, #tpu.memory_space<vmem>>, vector<256x1xf32>
    %get3A_2 = arith.constant 0 : index
    %get3A_3 = arith.constant 1 : index
    %get3A_4 = vector.load %arg1[%get3A_2, %get3A_3] : memref<256x128xf32, #tpu.memory_space<vmem>>, vector<256x1xf32>
    %get3A_5 = arith.constant 0 : index
    %get3A_6 = arith.constant 2 : index
    %get3A_7 = vector.load %arg1[%get3A_5, %get3A_6] : memref<256x128xf32, #tpu.memory_space<vmem>>, vector<256x1xf32>
    %get3A_8 = arith.constant 0 : index
    %get3A_9 = arith.constant 0 : index
    %get3A_10 = vector.load %arg2[%get3A_8, %get3A_9] : memref<8x2048xf32, #tpu.memory_space<vmem>>, vector<1x2048xf32>
    %get3A_11 = arith.constant 1 : index
    %get3A_12 = arith.constant 0 : index
    %get3A_13 = vector.load %arg2[%get3A_11, %get3A_12] : memref<8x2048xf32, #tpu.memory_space<vmem>>, vector<1x2048xf32>
    %get3A_14 = arith.constant 2 : index
    %get3A_15 = arith.constant 0 : index
    %get3A_16 = vector.load %arg2[%get3A_14, %get3A_15] : memref<8x2048xf32, #tpu.memory_space<vmem>>, vector<1x2048xf32>
    %sub3A = vector.broadcast %get3A_1 : vector<256x1xf32> to vector<256x2048xf32>
    %sub3A_17 = vector.broadcast %get3A_10 : vector<1x2048xf32> to vector<256x2048xf32>
    %sub3A_18 = arith.subf %sub3A, %sub3A_17 : vector<256x2048xf32>
    %sub3A_19 = vector.broadcast %get3A_4 : vector<256x1xf32> to vector<256x2048xf32>
    %sub3A_20 = vector.broadcast %get3A_13 : vector<1x2048xf32> to vector<256x2048xf32>
    %sub3A_21 = arith.subf %sub3A_19, %sub3A_20 : vector<256x2048xf32>
    %sub3A_22 = vector.broadcast %get3A_7 : vector<256x1xf32> to vector<256x2048xf32>
    %sub3A_23 = vector.broadcast %get3A_16 : vector<1x2048xf32> to vector<256x2048xf32>
    %sub3A_24 = arith.subf %sub3A_22, %sub3A_23 : vector<256x2048xf32>
    %mul3A = arith.mulf %sub3A_18, %sub3A_18 : vector<256x2048xf32>
    %mul3A_25 = arith.mulf %sub3A_21, %sub3A_21 : vector<256x2048xf32>
    %add3A = arith.addf %mul3A, %mul3A_25 : vector<256x2048xf32>
    %mul3A_26 = arith.mulf %sub3A_24, %sub3A_24 : vector<256x2048xf32>
    %add3A_27 = arith.addf %add3A, %mul3A_26 : vector<256x2048xf32>
    %sqrt3A = math.sqrt %add3A_27 : vector<256x2048xf32>
    %iota3A = tpu.iota {dimensions = array<i32: 1>} : vector<256x2048xi32>
    %reduce_min3A = arith.constant dense<0x7F800000> : vector<256xf32>
    %reduce_min3A_28 = vector.multi_reduction <minimumf>, %sqrt3A, %reduce_min3A [1] : vector<256x2048xf32> to vector<256xf32>
    %broadcast_in_dim3A = vector.shape_cast %reduce_min3A_28 : vector<256xf32> to vector<256x1xf32>
    %le3A = vector.broadcast %broadcast_in_dim3A : vector<256x1xf32> to vector<256x2048xf32>
    %le3A_29 = arith.cmpf ole, %sqrt3A, %le3A : vector<256x2048xf32>
    %jit3A = arith.constant 2048 : i32
    %broadcast_in_dim3A_30 = vector.broadcast %jit3A : i32 to vector<256x2048xi32>
    %select_n3A = arith.select %le3A_29, %iota3A, %broadcast_in_dim3A_30 : vector<256x2048xi1>, vector<256x2048xi32>
    %reduce_min3A_31 = arith.constant dense<2147483647> : vector<256xi32>
    %reduce_min3A_32 = vector.multi_reduction <minsi>, %select_n3A, %reduce_min3A_31 [1] : vector<256x2048xi32> to vector<256xi32>
    %broadcast_in_dim3A_33 = vector.shape_cast %reduce_min3A_32 : vector<256xi32> to vector<256x1xi32>
    %eq3A = vector.broadcast %broadcast_in_dim3A_33 : vector<256x1xi32> to vector<256x2048xi32>
    %eq3A_34 = arith.cmpi eq, %iota3A, %eq3A : vector<256x2048xi32>
    %jit3A_35 = arith.constant 0x7F800000 : f32
    %broadcast_in_dim3A_36 = vector.broadcast %jit3A_35 : f32 to vector<256x2048xf32>
    %select_n3A_37 = arith.select %eq3A_34, %broadcast_in_dim3A_36, %sqrt3A : vector<256x2048xi1>, vector<256x2048xf32>
    %reduce_min3A_38 = arith.constant dense<0x7F800000> : vector<256xf32>
    %reduce_min3A_39 = vector.multi_reduction <minimumf>, %select_n3A_37, %reduce_min3A_38 [1] : vector<256x2048xf32> to vector<256xf32>
    %broadcast_in_dim3A_40 = vector.shape_cast %reduce_min3A_39 : vector<256xf32> to vector<256x1xf32>
    %le3A_41 = vector.broadcast %broadcast_in_dim3A_40 : vector<256x1xf32> to vector<256x2048xf32>
    %le3A_42 = arith.cmpf ole, %select_n3A_37, %le3A_41 : vector<256x2048xf32>
    %jit3A_43 = arith.constant 2048 : i32
    %broadcast_in_dim3A_44 = vector.broadcast %jit3A_43 : i32 to vector<256x2048xi32>
    %select_n3A_45 = arith.select %le3A_42, %iota3A, %broadcast_in_dim3A_44 : vector<256x2048xi1>, vector<256x2048xi32>
    %reduce_min3A_46 = arith.constant dense<2147483647> : vector<256xi32>
    %reduce_min3A_47 = vector.multi_reduction <minsi>, %select_n3A_45, %reduce_min3A_46 [1] : vector<256x2048xi32> to vector<256xi32>
    %broadcast_in_dim3A_48 = vector.shape_cast %reduce_min3A_47 : vector<256xi32> to vector<256x1xi32>
    %eq3A_49 = vector.broadcast %broadcast_in_dim3A_48 : vector<256x1xi32> to vector<256x2048xi32>
    %eq3A_50 = arith.cmpi eq, %iota3A, %eq3A_49 : vector<256x2048xi32>
    %jit3A_51 = arith.constant 0x7F800000 : f32
    %broadcast_in_dim3A_52 = vector.broadcast %jit3A_51 : f32 to vector<256x2048xf32>
    %select_n3A_53 = arith.select %eq3A_50, %broadcast_in_dim3A_52, %select_n3A_37 : vector<256x2048xi1>, vector<256x2048xf32>
    %reduce_min3A_54 = arith.constant dense<0x7F800000> : vector<256xf32>
    %reduce_min3A_55 = vector.multi_reduction <minimumf>, %select_n3A_53, %reduce_min3A_54 [1] : vector<256x2048xf32> to vector<256xf32>
    %broadcast_in_dim3A_56 = vector.shape_cast %reduce_min3A_55 : vector<256xf32> to vector<256x1xf32>
    %le3A_57 = vector.broadcast %broadcast_in_dim3A_56 : vector<256x1xf32> to vector<256x2048xf32>
    %le3A_58 = arith.cmpf ole, %select_n3A_53, %le3A_57 : vector<256x2048xf32>
    %jit3A_59 = arith.constant 2048 : i32
    %broadcast_in_dim3A_60 = vector.broadcast %jit3A_59 : i32 to vector<256x2048xi32>
    %select_n3A_61 = arith.select %le3A_58, %iota3A, %broadcast_in_dim3A_60 : vector<256x2048xi1>, vector<256x2048xi32>
    %reduce_min3A_62 = arith.constant dense<2147483647> : vector<256xi32>
    %reduce_min3A_63 = vector.multi_reduction <minsi>, %select_n3A_61, %reduce_min3A_62 [1] : vector<256x2048xi32> to vector<256xi32>
    %broadcast_in_dim3A_64 = vector.shape_cast %reduce_min3A_63 : vector<256xi32> to vector<256x1xi32>
    %eq3A_65 = vector.broadcast %broadcast_in_dim3A_64 : vector<256x1xi32> to vector<256x2048xi32>
    %eq3A_66 = arith.cmpi eq, %iota3A, %eq3A_65 : vector<256x2048xi32>
    %jit3A_67 = arith.constant 0x7F800000 : f32
    %broadcast_in_dim3A_68 = vector.broadcast %jit3A_67 : f32 to vector<256x2048xf32>
    %select_n3A_69 = arith.select %eq3A_66, %broadcast_in_dim3A_68, %select_n3A_53 : vector<256x2048xi1>, vector<256x2048xf32>
    %reduce_min3A_70 = arith.constant dense<0x7F800000> : vector<256xf32>
    %reduce_min3A_71 = vector.multi_reduction <minimumf>, %select_n3A_69, %reduce_min3A_70 [1] : vector<256x2048xf32> to vector<256xf32>
    %broadcast_in_dim3A_72 = vector.shape_cast %reduce_min3A_71 : vector<256xf32> to vector<256x1xf32>
    %le3A_73 = vector.broadcast %broadcast_in_dim3A_72 : vector<256x1xf32> to vector<256x2048xf32>
    %le3A_74 = arith.cmpf ole, %select_n3A_69, %le3A_73 : vector<256x2048xf32>
    %jit3A_75 = arith.constant 2048 : i32
    %broadcast_in_dim3A_76 = vector.broadcast %jit3A_75 : i32 to vector<256x2048xi32>
    %select_n3A_77 = arith.select %le3A_74, %iota3A, %broadcast_in_dim3A_76 : vector<256x2048xi1>, vector<256x2048xi32>
    %reduce_min3A_78 = arith.constant dense<2147483647> : vector<256xi32>
    %reduce_min3A_79 = vector.multi_reduction <minsi>, %select_n3A_77, %reduce_min3A_78 [1] : vector<256x2048xi32> to vector<256xi32>
    %broadcast_in_dim3A_80 = vector.shape_cast %reduce_min3A_79 : vector<256xi32> to vector<256x1xi32>
    %eq3A_81 = vector.broadcast %broadcast_in_dim3A_80 : vector<256x1xi32> to vector<256x2048xi32>
    %eq3A_82 = arith.cmpi eq, %iota3A, %eq3A_81 : vector<256x2048xi32>
    %jit3A_83 = arith.constant 0x7F800000 : f32
    %broadcast_in_dim3A_84 = vector.broadcast %jit3A_83 : f32 to vector<256x2048xf32>
    %select_n3A_85 = arith.select %eq3A_82, %broadcast_in_dim3A_84, %select_n3A_69 : vector<256x2048xi1>, vector<256x2048xf32>
    %reduce_min3A_86 = arith.constant dense<0x7F800000> : vector<256xf32>
    %reduce_min3A_87 = vector.multi_reduction <minimumf>, %select_n3A_85, %reduce_min3A_86 [1] : vector<256x2048xf32> to vector<256xf32>
    %broadcast_in_dim3A_88 = vector.shape_cast %reduce_min3A_87 : vector<256xf32> to vector<256x1xf32>
    %le3A_89 = vector.broadcast %broadcast_in_dim3A_88 : vector<256x1xf32> to vector<256x2048xf32>
    %le3A_90 = arith.cmpf ole, %select_n3A_85, %le3A_89 : vector<256x2048xf32>
    %jit3A_91 = arith.constant 2048 : i32
    %broadcast_in_dim3A_92 = vector.broadcast %jit3A_91 : i32 to vector<256x2048xi32>
    %select_n3A_93 = arith.select %le3A_90, %iota3A, %broadcast_in_dim3A_92 : vector<256x2048xi1>, vector<256x2048xi32>
    %reduce_min3A_94 = arith.constant dense<2147483647> : vector<256xi32>
    %reduce_min3A_95 = vector.multi_reduction <minsi>, %select_n3A_93, %reduce_min3A_94 [1] : vector<256x2048xi32> to vector<256xi32>
    %broadcast_in_dim3A_96 = vector.shape_cast %reduce_min3A_95 : vector<256xi32> to vector<256x1xi32>
    %eq3A_97 = vector.broadcast %broadcast_in_dim3A_96 : vector<256x1xi32> to vector<256x2048xi32>
    %eq3A_98 = arith.cmpi eq, %iota3A, %eq3A_97 : vector<256x2048xi32>
    %jit3A_99 = arith.constant 0x7F800000 : f32
    %broadcast_in_dim3A_100 = vector.broadcast %jit3A_99 : f32 to vector<256x2048xf32>
    %select_n3A_101 = arith.select %eq3A_98, %broadcast_in_dim3A_100, %select_n3A_85 : vector<256x2048xi1>, vector<256x2048xf32>
    %reduce_min3A_102 = arith.constant dense<0x7F800000> : vector<256xf32>
    %reduce_min3A_103 = vector.multi_reduction <minimumf>, %select_n3A_101, %reduce_min3A_102 [1] : vector<256x2048xf32> to vector<256xf32>
    %broadcast_in_dim3A_104 = vector.shape_cast %reduce_min3A_103 : vector<256xf32> to vector<256x1xf32>
    %le3A_105 = vector.broadcast %broadcast_in_dim3A_104 : vector<256x1xf32> to vector<256x2048xf32>
    %le3A_106 = arith.cmpf ole, %select_n3A_101, %le3A_105 : vector<256x2048xf32>
    %jit3A_107 = arith.constant 2048 : i32
    %broadcast_in_dim3A_108 = vector.broadcast %jit3A_107 : i32 to vector<256x2048xi32>
    %select_n3A_109 = arith.select %le3A_106, %iota3A, %broadcast_in_dim3A_108 : vector<256x2048xi1>, vector<256x2048xi32>
    %reduce_min3A_110 = arith.constant dense<2147483647> : vector<256xi32>
    %reduce_min3A_111 = vector.multi_reduction <minsi>, %select_n3A_109, %reduce_min3A_110 [1] : vector<256x2048xi32> to vector<256xi32>
    %broadcast_in_dim3A_112 = vector.shape_cast %reduce_min3A_111 : vector<256xi32> to vector<256x1xi32>
    %eq3A_113 = vector.broadcast %broadcast_in_dim3A_112 : vector<256x1xi32> to vector<256x2048xi32>
    %eq3A_114 = arith.cmpi eq, %iota3A, %eq3A_113 : vector<256x2048xi32>
    %jit3A_115 = arith.constant 0x7F800000 : f32
    %broadcast_in_dim3A_116 = vector.broadcast %jit3A_115 : f32 to vector<256x2048xf32>
    %select_n3A_117 = arith.select %eq3A_114, %broadcast_in_dim3A_116, %select_n3A_101 : vector<256x2048xi1>, vector<256x2048xf32>
    %reduce_min3A_118 = arith.constant dense<0x7F800000> : vector<256xf32>
    %reduce_min3A_119 = vector.multi_reduction <minimumf>, %select_n3A_117, %reduce_min3A_118 [1] : vector<256x2048xf32> to vector<256xf32>
    %broadcast_in_dim3A_120 = vector.shape_cast %reduce_min3A_119 : vector<256xf32> to vector<256x1xf32>
    %le3A_121 = vector.broadcast %broadcast_in_dim3A_120 : vector<256x1xf32> to vector<256x2048xf32>
    %le3A_122 = arith.cmpf ole, %select_n3A_117, %le3A_121 : vector<256x2048xf32>
    %jit3A_123 = arith.constant 2048 : i32
    %broadcast_in_dim3A_124 = vector.broadcast %jit3A_123 : i32 to vector<256x2048xi32>
    %select_n3A_125 = arith.select %le3A_122, %iota3A, %broadcast_in_dim3A_124 : vector<256x2048xi1>, vector<256x2048xi32>
    %reduce_min3A_126 = arith.constant dense<2147483647> : vector<256xi32>
    %reduce_min3A_127 = vector.multi_reduction <minsi>, %select_n3A_125, %reduce_min3A_126 [1] : vector<256x2048xi32> to vector<256xi32>
    %broadcast_in_dim3A_128 = vector.shape_cast %reduce_min3A_127 : vector<256xi32> to vector<256x1xi32>
    %eq3A_129 = vector.broadcast %broadcast_in_dim3A_128 : vector<256x1xi32> to vector<256x2048xi32>
    %eq3A_130 = arith.cmpi eq, %iota3A, %eq3A_129 : vector<256x2048xi32>
    %jit3A_131 = arith.constant 0x7F800000 : f32
    %broadcast_in_dim3A_132 = vector.broadcast %jit3A_131 : f32 to vector<256x2048xf32>
    %select_n3A_133 = arith.select %eq3A_130, %broadcast_in_dim3A_132, %select_n3A_117 : vector<256x2048xi1>, vector<256x2048xf32>
    %reduce_min3A_134 = arith.constant dense<0x7F800000> : vector<256xf32>
    %reduce_min3A_135 = vector.multi_reduction <minimumf>, %select_n3A_133, %reduce_min3A_134 [1] : vector<256x2048xf32> to vector<256xf32>
    %broadcast_in_dim3A_136 = vector.shape_cast %reduce_min3A_135 : vector<256xf32> to vector<256x1xf32>
    %le3A_137 = vector.broadcast %broadcast_in_dim3A_136 : vector<256x1xf32> to vector<256x2048xf32>
    %le3A_138 = arith.cmpf ole, %select_n3A_133, %le3A_137 : vector<256x2048xf32>
    %jit3A_139 = arith.constant 2048 : i32
    %broadcast_in_dim3A_140 = vector.broadcast %jit3A_139 : i32 to vector<256x2048xi32>
    %select_n3A_141 = arith.select %le3A_138, %iota3A, %broadcast_in_dim3A_140 : vector<256x2048xi1>, vector<256x2048xi32>
    %reduce_min3A_142 = arith.constant dense<2147483647> : vector<256xi32>
    %reduce_min3A_143 = vector.multi_reduction <minsi>, %select_n3A_141, %reduce_min3A_142 [1] : vector<256x2048xi32> to vector<256xi32>
    %broadcast_in_dim3A_144 = vector.shape_cast %reduce_min3A_143 : vector<256xi32> to vector<256x1xi32>
    %eq3A_145 = vector.broadcast %broadcast_in_dim3A_144 : vector<256x1xi32> to vector<256x2048xi32>
    %eq3A_146 = arith.cmpi eq, %iota3A, %eq3A_145 : vector<256x2048xi32>
    %jit3A_147 = arith.constant 0x7F800000 : f32
    %broadcast_in_dim3A_148 = vector.broadcast %jit3A_147 : f32 to vector<256x2048xf32>
    %select_n3A_149 = arith.select %eq3A_146, %broadcast_in_dim3A_148, %select_n3A_133 : vector<256x2048xi1>, vector<256x2048xf32>
    %reduce_min3A_150 = arith.constant dense<0x7F800000> : vector<256xf32>
    %reduce_min3A_151 = vector.multi_reduction <minimumf>, %select_n3A_149, %reduce_min3A_150 [1] : vector<256x2048xf32> to vector<256xf32>
    %broadcast_in_dim3A_152 = vector.shape_cast %reduce_min3A_151 : vector<256xf32> to vector<256x1xf32>
    %le3A_153 = vector.broadcast %broadcast_in_dim3A_152 : vector<256x1xf32> to vector<256x2048xf32>
    %le3A_154 = arith.cmpf ole, %select_n3A_149, %le3A_153 : vector<256x2048xf32>
    %jit3A_155 = arith.constant 2048 : i32
    %broadcast_in_dim3A_156 = vector.broadcast %jit3A_155 : i32 to vector<256x2048xi32>
    %select_n3A_157 = arith.select %le3A_154, %iota3A, %broadcast_in_dim3A_156 : vector<256x2048xi1>, vector<256x2048xi32>
    %reduce_min3A_158 = arith.constant dense<2147483647> : vector<256xi32>
    %reduce_min3A_159 = vector.multi_reduction <minsi>, %select_n3A_157, %reduce_min3A_158 [1] : vector<256x2048xi32> to vector<256xi32>
    %broadcast_in_dim3A_160 = vector.shape_cast %reduce_min3A_159 : vector<256xi32> to vector<256x1xi32>
    %eq3A_161 = vector.broadcast %broadcast_in_dim3A_160 : vector<256x1xi32> to vector<256x2048xi32>
    %eq3A_162 = arith.cmpi eq, %iota3A, %eq3A_161 : vector<256x2048xi32>
    %jit3A_163 = arith.constant 0x7F800000 : f32
    %broadcast_in_dim3A_164 = vector.broadcast %jit3A_163 : f32 to vector<256x2048xf32>
    %select_n3A_165 = arith.select %eq3A_162, %broadcast_in_dim3A_164, %select_n3A_149 : vector<256x2048xi1>, vector<256x2048xf32>
    %reduce_min3A_166 = arith.constant dense<0x7F800000> : vector<256xf32>
    %reduce_min3A_167 = vector.multi_reduction <minimumf>, %select_n3A_165, %reduce_min3A_166 [1] : vector<256x2048xf32> to vector<256xf32>
    %broadcast_in_dim3A_168 = vector.shape_cast %reduce_min3A_167 : vector<256xf32> to vector<256x1xf32>
    %le3A_169 = vector.broadcast %broadcast_in_dim3A_168 : vector<256x1xf32> to vector<256x2048xf32>
    %le3A_170 = arith.cmpf ole, %select_n3A_165, %le3A_169 : vector<256x2048xf32>
    %jit3A_171 = arith.constant 2048 : i32
    %broadcast_in_dim3A_172 = vector.broadcast %jit3A_171 : i32 to vector<256x2048xi32>
    %select_n3A_173 = arith.select %le3A_170, %iota3A, %broadcast_in_dim3A_172 : vector<256x2048xi1>, vector<256x2048xi32>
    %reduce_min3A_174 = arith.constant dense<2147483647> : vector<256xi32>
    %reduce_min3A_175 = vector.multi_reduction <minsi>, %select_n3A_173, %reduce_min3A_174 [1] : vector<256x2048xi32> to vector<256xi32>
    %broadcast_in_dim3A_176 = vector.shape_cast %reduce_min3A_175 : vector<256xi32> to vector<256x1xi32>
    %eq3A_177 = vector.broadcast %broadcast_in_dim3A_176 : vector<256x1xi32> to vector<256x2048xi32>
    %eq3A_178 = arith.cmpi eq, %iota3A, %eq3A_177 : vector<256x2048xi32>
    %jit3A_179 = arith.constant 0x7F800000 : f32
    %broadcast_in_dim3A_180 = vector.broadcast %jit3A_179 : f32 to vector<256x2048xf32>
    %select_n3A_181 = arith.select %eq3A_178, %broadcast_in_dim3A_180, %select_n3A_165 : vector<256x2048xi1>, vector<256x2048xf32>
    %reduce_min3A_182 = arith.constant dense<0x7F800000> : vector<256xf32>
    %reduce_min3A_183 = vector.multi_reduction <minimumf>, %select_n3A_181, %reduce_min3A_182 [1] : vector<256x2048xf32> to vector<256xf32>
    %broadcast_in_dim3A_184 = vector.shape_cast %reduce_min3A_183 : vector<256xf32> to vector<256x1xf32>
    %le3A_185 = vector.broadcast %broadcast_in_dim3A_184 : vector<256x1xf32> to vector<256x2048xf32>
    %le3A_186 = arith.cmpf ole, %select_n3A_181, %le3A_185 : vector<256x2048xf32>
    %jit3A_187 = arith.constant 2048 : i32
    %broadcast_in_dim3A_188 = vector.broadcast %jit3A_187 : i32 to vector<256x2048xi32>
    %select_n3A_189 = arith.select %le3A_186, %iota3A, %broadcast_in_dim3A_188 : vector<256x2048xi1>, vector<256x2048xi32>
    %reduce_min3A_190 = arith.constant dense<2147483647> : vector<256xi32>
    %reduce_min3A_191 = vector.multi_reduction <minsi>, %select_n3A_189, %reduce_min3A_190 [1] : vector<256x2048xi32> to vector<256xi32>
    %broadcast_in_dim3A_192 = vector.shape_cast %reduce_min3A_191 : vector<256xi32> to vector<256x1xi32>
    %eq3A_193 = vector.broadcast %broadcast_in_dim3A_192 : vector<256x1xi32> to vector<256x2048xi32>
    %eq3A_194 = arith.cmpi eq, %iota3A, %eq3A_193 : vector<256x2048xi32>
    %jit3A_195 = arith.constant 0x7F800000 : f32
    %broadcast_in_dim3A_196 = vector.broadcast %jit3A_195 : f32 to vector<256x2048xf32>
    %select_n3A_197 = arith.select %eq3A_194, %broadcast_in_dim3A_196, %select_n3A_181 : vector<256x2048xi1>, vector<256x2048xf32>
    %reduce_min3A_198 = arith.constant dense<0x7F800000> : vector<256xf32>
    %reduce_min3A_199 = vector.multi_reduction <minimumf>, %select_n3A_197, %reduce_min3A_198 [1] : vector<256x2048xf32> to vector<256xf32>
    %broadcast_in_dim3A_200 = vector.shape_cast %reduce_min3A_199 : vector<256xf32> to vector<256x1xf32>
    %le3A_201 = vector.broadcast %broadcast_in_dim3A_200 : vector<256x1xf32> to vector<256x2048xf32>
    %le3A_202 = arith.cmpf ole, %select_n3A_197, %le3A_201 : vector<256x2048xf32>
    %jit3A_203 = arith.constant 2048 : i32
    %broadcast_in_dim3A_204 = vector.broadcast %jit3A_203 : i32 to vector<256x2048xi32>
    %select_n3A_205 = arith.select %le3A_202, %iota3A, %broadcast_in_dim3A_204 : vector<256x2048xi1>, vector<256x2048xi32>
    %reduce_min3A_206 = arith.constant dense<2147483647> : vector<256xi32>
    %reduce_min3A_207 = vector.multi_reduction <minsi>, %select_n3A_205, %reduce_min3A_206 [1] : vector<256x2048xi32> to vector<256xi32>
    %broadcast_in_dim3A_208 = vector.shape_cast %reduce_min3A_207 : vector<256xi32> to vector<256x1xi32>
    %eq3A_209 = vector.broadcast %broadcast_in_dim3A_208 : vector<256x1xi32> to vector<256x2048xi32>
    %eq3A_210 = arith.cmpi eq, %iota3A, %eq3A_209 : vector<256x2048xi32>
    %jit3A_211 = arith.constant 0x7F800000 : f32
    %broadcast_in_dim3A_212 = vector.broadcast %jit3A_211 : f32 to vector<256x2048xf32>
    %select_n3A_213 = arith.select %eq3A_210, %broadcast_in_dim3A_212, %select_n3A_197 : vector<256x2048xi1>, vector<256x2048xf32>
    %reduce_min3A_214 = arith.constant dense<0x7F800000> : vector<256xf32>
    %reduce_min3A_215 = vector.multi_reduction <minimumf>, %select_n3A_213, %reduce_min3A_214 [1] : vector<256x2048xf32> to vector<256xf32>
    %broadcast_in_dim3A_216 = vector.shape_cast %reduce_min3A_215 : vector<256xf32> to vector<256x1xf32>
    %le3A_217 = vector.broadcast %broadcast_in_dim3A_216 : vector<256x1xf32> to vector<256x2048xf32>
    %le3A_218 = arith.cmpf ole, %select_n3A_213, %le3A_217 : vector<256x2048xf32>
    %jit3A_219 = arith.constant 2048 : i32
    %broadcast_in_dim3A_220 = vector.broadcast %jit3A_219 : i32 to vector<256x2048xi32>
    %select_n3A_221 = arith.select %le3A_218, %iota3A, %broadcast_in_dim3A_220 : vector<256x2048xi1>, vector<256x2048xi32>
    %reduce_min3A_222 = arith.constant dense<2147483647> : vector<256xi32>
    %reduce_min3A_223 = vector.multi_reduction <minsi>, %select_n3A_221, %reduce_min3A_222 [1] : vector<256x2048xi32> to vector<256xi32>
    %broadcast_in_dim3A_224 = vector.shape_cast %reduce_min3A_223 : vector<256xi32> to vector<256x1xi32>
    %eq3A_225 = vector.broadcast %broadcast_in_dim3A_224 : vector<256x1xi32> to vector<256x2048xi32>
    %eq3A_226 = arith.cmpi eq, %iota3A, %eq3A_225 : vector<256x2048xi32>
    %jit3A_227 = arith.constant 0x7F800000 : f32
    %broadcast_in_dim3A_228 = vector.broadcast %jit3A_227 : f32 to vector<256x2048xf32>
    %select_n3A_229 = arith.select %eq3A_226, %broadcast_in_dim3A_228, %select_n3A_213 : vector<256x2048xi1>, vector<256x2048xf32>
    %reduce_min3A_230 = arith.constant dense<0x7F800000> : vector<256xf32>
    %reduce_min3A_231 = vector.multi_reduction <minimumf>, %select_n3A_229, %reduce_min3A_230 [1] : vector<256x2048xf32> to vector<256xf32>
    %broadcast_in_dim3A_232 = vector.shape_cast %reduce_min3A_231 : vector<256xf32> to vector<256x1xf32>
    %le3A_233 = vector.broadcast %broadcast_in_dim3A_232 : vector<256x1xf32> to vector<256x2048xf32>
    %le3A_234 = arith.cmpf ole, %select_n3A_229, %le3A_233 : vector<256x2048xf32>
    %jit3A_235 = arith.constant 2048 : i32
    %broadcast_in_dim3A_236 = vector.broadcast %jit3A_235 : i32 to vector<256x2048xi32>
    %select_n3A_237 = arith.select %le3A_234, %iota3A, %broadcast_in_dim3A_236 : vector<256x2048xi1>, vector<256x2048xi32>
    %reduce_min3A_238 = arith.constant dense<2147483647> : vector<256xi32>
    %reduce_min3A_239 = vector.multi_reduction <minsi>, %select_n3A_237, %reduce_min3A_238 [1] : vector<256x2048xi32> to vector<256xi32>
    %broadcast_in_dim3A_240 = vector.shape_cast %reduce_min3A_239 : vector<256xi32> to vector<256x1xi32>
    %eq3A_241 = vector.broadcast %broadcast_in_dim3A_240 : vector<256x1xi32> to vector<256x2048xi32>
    %eq3A_242 = arith.cmpi eq, %iota3A, %eq3A_241 : vector<256x2048xi32>
    %jit3A_243 = arith.constant 0x7F800000 : f32
    %broadcast_in_dim3A_244 = vector.broadcast %jit3A_243 : f32 to vector<256x2048xf32>
    %select_n3A_245 = arith.select %eq3A_242, %broadcast_in_dim3A_244, %select_n3A_229 : vector<256x2048xi1>, vector<256x2048xf32>
    %reduce_min3A_246 = arith.constant dense<0x7F800000> : vector<256xf32>
    %reduce_min3A_247 = vector.multi_reduction <minimumf>, %select_n3A_245, %reduce_min3A_246 [1] : vector<256x2048xf32> to vector<256xf32>
    %broadcast_in_dim3A_248 = vector.shape_cast %reduce_min3A_247 : vector<256xf32> to vector<256x1xf32>
    %le3A_249 = vector.broadcast %broadcast_in_dim3A_248 : vector<256x1xf32> to vector<256x2048xf32>
    %le3A_250 = arith.cmpf ole, %select_n3A_245, %le3A_249 : vector<256x2048xf32>
    %jit3A_251 = arith.constant 2048 : i32
    %broadcast_in_dim3A_252 = vector.broadcast %jit3A_251 : i32 to vector<256x2048xi32>
    %select_n3A_253 = arith.select %le3A_250, %iota3A, %broadcast_in_dim3A_252 : vector<256x2048xi1>, vector<256x2048xi32>
    %reduce_min3A_254 = arith.constant dense<2147483647> : vector<256xi32>
    %reduce_min3A_255 = vector.multi_reduction <minsi>, %select_n3A_253, %reduce_min3A_254 [1] : vector<256x2048xi32> to vector<256xi32>
    %broadcast_in_dim3A_256 = vector.shape_cast %reduce_min3A_255 : vector<256xi32> to vector<256x1xi32>
    %eq3A_257 = vector.broadcast %broadcast_in_dim3A_256 : vector<256x1xi32> to vector<256x2048xi32>
    %eq3A_258 = arith.cmpi eq, %iota3A, %eq3A_257 : vector<256x2048xi32>
    %jit3A_259 = arith.constant 0x7F800000 : f32
    %broadcast_in_dim3A_260 = vector.broadcast %jit3A_259 : f32 to vector<256x2048xf32>
    %select_n3A_261 = arith.select %eq3A_258, %broadcast_in_dim3A_260, %select_n3A_245 : vector<256x2048xi1>, vector<256x2048xf32>
    %reduce_min3A_262 = arith.constant dense<0x7F800000> : vector<256xf32>
    %reduce_min3A_263 = vector.multi_reduction <minimumf>, %select_n3A_261, %reduce_min3A_262 [1] : vector<256x2048xf32> to vector<256xf32>
    %broadcast_in_dim3A_264 = vector.shape_cast %reduce_min3A_263 : vector<256xf32> to vector<256x1xf32>
    %le3A_265 = vector.broadcast %broadcast_in_dim3A_264 : vector<256x1xf32> to vector<256x2048xf32>
    %le3A_266 = arith.cmpf ole, %select_n3A_261, %le3A_265 : vector<256x2048xf32>
    %jit3A_267 = arith.constant 2048 : i32
    %broadcast_in_dim3A_268 = vector.broadcast %jit3A_267 : i32 to vector<256x2048xi32>
    %select_n3A_269 = arith.select %le3A_266, %iota3A, %broadcast_in_dim3A_268 : vector<256x2048xi1>, vector<256x2048xi32>
    %reduce_min3A_270 = arith.constant dense<2147483647> : vector<256xi32>
    %reduce_min3A_271 = vector.multi_reduction <minsi>, %select_n3A_269, %reduce_min3A_270 [1] : vector<256x2048xi32> to vector<256xi32>
    %broadcast_in_dim3A_272 = vector.shape_cast %reduce_min3A_271 : vector<256xi32> to vector<256x1xi32>
    %eq3A_273 = vector.broadcast %broadcast_in_dim3A_272 : vector<256x1xi32> to vector<256x2048xi32>
    %eq3A_274 = arith.cmpi eq, %iota3A, %eq3A_273 : vector<256x2048xi32>
    %jit3A_275 = arith.constant 0x7F800000 : f32
    %broadcast_in_dim3A_276 = vector.broadcast %jit3A_275 : f32 to vector<256x2048xf32>
    %select_n3A_277 = arith.select %eq3A_274, %broadcast_in_dim3A_276, %select_n3A_261 : vector<256x2048xi1>, vector<256x2048xf32>
    %reduce_min3A_278 = arith.constant dense<0x7F800000> : vector<256xf32>
    %reduce_min3A_279 = vector.multi_reduction <minimumf>, %select_n3A_277, %reduce_min3A_278 [1] : vector<256x2048xf32> to vector<256xf32>
    %broadcast_in_dim3A_280 = vector.shape_cast %reduce_min3A_279 : vector<256xf32> to vector<256x1xf32>
    %le3A_281 = vector.broadcast %broadcast_in_dim3A_280 : vector<256x1xf32> to vector<256x2048xf32>
    %le3A_282 = arith.cmpf ole, %select_n3A_277, %le3A_281 : vector<256x2048xf32>
    %jit3A_283 = arith.constant 2048 : i32
    %broadcast_in_dim3A_284 = vector.broadcast %jit3A_283 : i32 to vector<256x2048xi32>
    %select_n3A_285 = arith.select %le3A_282, %iota3A, %broadcast_in_dim3A_284 : vector<256x2048xi1>, vector<256x2048xi32>
    %reduce_min3A_286 = arith.constant dense<2147483647> : vector<256xi32>
    %reduce_min3A_287 = vector.multi_reduction <minsi>, %select_n3A_285, %reduce_min3A_286 [1] : vector<256x2048xi32> to vector<256xi32>
    %broadcast_in_dim3A_288 = vector.shape_cast %reduce_min3A_287 : vector<256xi32> to vector<256x1xi32>
    %concatenate3A = tpu.concatenate %broadcast_in_dim3A_48, %broadcast_in_dim3A_64, %broadcast_in_dim3A_80, %broadcast_in_dim3A_96, %broadcast_in_dim3A_112, %broadcast_in_dim3A_128, %broadcast_in_dim3A_144, %broadcast_in_dim3A_160, %broadcast_in_dim3A_176, %broadcast_in_dim3A_192, %broadcast_in_dim3A_208, %broadcast_in_dim3A_224, %broadcast_in_dim3A_240, %broadcast_in_dim3A_256, %broadcast_in_dim3A_272, %broadcast_in_dim3A_288 in 1 : vector<256x1xi32>, vector<256x1xi32>, vector<256x1xi32>, vector<256x1xi32>, vector<256x1xi32>, vector<256x1xi32>, vector<256x1xi32>, vector<256x1xi32>, vector<256x1xi32>, vector<256x1xi32>, vector<256x1xi32>, vector<256x1xi32>, vector<256x1xi32>, vector<256x1xi32>, vector<256x1xi32>, vector<256x1xi32> -> vector<256x16xi32>
    %swap3A = arith.constant 0 : index
    %swap3A_289 = arith.constant 0 : index
    %swap3A_290 = vector.load %arg3[%swap3A, %swap3A_289] : memref<256x16xi32, #tpu.memory_space<vmem>>, vector<256x16xi32>
    tpu.vector_store %arg3[%swap3A, %swap3A_289], %concatenate3A {strides = array<i32>} : memref<256x16xi32, #tpu.memory_space<vmem>>, vector<256x16xi32>,
    return
  }
  func.func @transform_0(%arg0: i32) -> (i32, i32) {
    %c0_i32 = arith.constant 0 : i32
    %c0_i32_0 = arith.constant 0 : i32
    return %arg0, %c0_i32 : i32, i32
  }
  func.func @transform_1(%arg0: i32) -> (i32, i32) {
    %c0_i32 = arith.constant 0 : i32
    %c0_i32_0 = arith.constant 0 : i32
    %c0_i32_1 = arith.constant 0 : i32
    return %c0_i32, %c0_i32_0 : i32, i32
  }
  func.func @transform_2(%arg0: i32) -> (i32, i32) {
    %c0_i32 = arith.constant 0 : i32
    %c0_i32_0 = arith.constant 0 : i32
    return %arg0, %c0_i32 : i32, i32
  }
}

module attributes {stable_mosaic.version = 14 : i64} {
  func.func @_proj_body(%arg0: i32, %arg1: memref<512x1024xbf16, #tpu.memory_space<vmem>>, %arg2: memref<1024x1024xbf16, #tpu.memory_space<vmem>>, %arg3: memref<1024x1024xbf16, #tpu.memory_space<vmem>>, %arg4: memref<1024x1024xbf16, #tpu.memory_space<vmem>>, %arg5: memref<512x1024xf32, #tpu.memory_space<vmem>>, %arg6: memref<512x1024xf32, #tpu.memory_space<vmem>>, %arg7: memref<512x1024xf32, #tpu.memory_space<vmem>>, %arg8: memref<1x1x1024xf32, #tpu.memory_space<vmem>>) attributes {dimension_semantics = [#tpu.dimension_semantics<arbitrary>], iteration_bounds = array<i64: 8>, scalar_prefetch = 0 : i64, scratch_operands = 0 : i64, tpu.core_type = #tpu.core_type<tc>, window_params = [{transform_indices = @transform_0, window_bounds = array<i64: 512, 1024>}, {pipeline_mode = #tpu.pipeline_mode<synchronous>, transform_indices = @transform_1, window_bounds = array<i64: 1024, 1024>}, {pipeline_mode = #tpu.pipeline_mode<synchronous>, transform_indices = @transform_2, window_bounds = array<i64: 1024, 1024>}, {pipeline_mode = #tpu.pipeline_mode<synchronous>, transform_indices = @transform_3, window_bounds = array<i64: 1024, 1024>}, {transform_indices = @transform_4, window_bounds = array<i64: 512, 1024>}, {transform_indices = @transform_5, window_bounds = array<i64: 512, 1024>}, {transform_indices = @transform_6, window_bounds = array<i64: 512, 1024>}, {transform_indices = @transform_7, window_bounds = array<i64: 1, 1, 1024>}]} {
    %get3A = arith.constant 0 : index
    %get3A_0 = arith.constant 0 : index
    %get3A_1 = vector.load %arg1[%get3A, %get3A_0] : memref<512x1024xbf16, #tpu.memory_space<vmem>>, vector<512x1024xbf16>
    %get3A_2 = arith.constant 0 : index
    %get3A_3 = arith.constant 0 : index
    %get3A_4 = vector.load %arg2[%get3A_2, %get3A_3] : memref<1024x1024xbf16, #tpu.memory_space<vmem>>, vector<1024x1024xbf16>
    %dot_general3A = arith.constant dense<0.000000e+00> : vector<512x1024xf32>
    %dot_general3A_5 = tpu.matmul %get3A_1, %get3A_4, %dot_general3A {dimension_numbers = #tpu.dot_dimension_numbers<[1], [0], [0], [1], [0, 0, 1, 1], [], []>, transpose_lhs_hint = false} : vector<512x1024xbf16>, vector<1024x1024xbf16>, vector<512x1024xf32> -> vector<512x1024xf32>
    %swap3A = arith.constant 0 : index
    %swap3A_6 = arith.constant 0 : index
    %swap3A_7 = vector.load %arg5[%swap3A, %swap3A_6] : memref<512x1024xf32, #tpu.memory_space<vmem>>, vector<512x1024xf32>
    tpu.vector_store %arg5[%swap3A, %swap3A_6], %dot_general3A_5 {strides = array<i32>} : memref<512x1024xf32, #tpu.memory_space<vmem>>, vector<512x1024xf32>,
    %get3A_8 = arith.constant 0 : index
    %get3A_9 = arith.constant 0 : index
    %get3A_10 = vector.load %arg3[%get3A_8, %get3A_9] : memref<1024x1024xbf16, #tpu.memory_space<vmem>>, vector<1024x1024xbf16>
    %dot_general3A_11 = arith.constant dense<0.000000e+00> : vector<512x1024xf32>
    %dot_general3A_12 = tpu.matmul %get3A_1, %get3A_10, %dot_general3A_11 {dimension_numbers = #tpu.dot_dimension_numbers<[1], [0], [0], [1], [0, 0, 1, 1], [], []>, transpose_lhs_hint = false} : vector<512x1024xbf16>, vector<1024x1024xbf16>, vector<512x1024xf32> -> vector<512x1024xf32>
    %swap3A_13 = arith.constant 0 : index
    %swap3A_14 = arith.constant 0 : index
    %swap3A_15 = vector.load %arg6[%swap3A_13, %swap3A_14] : memref<512x1024xf32, #tpu.memory_space<vmem>>, vector<512x1024xf32>
    tpu.vector_store %arg6[%swap3A_13, %swap3A_14], %dot_general3A_12 {strides = array<i32>} : memref<512x1024xf32, #tpu.memory_space<vmem>>, vector<512x1024xf32>,
    %get3A_16 = arith.constant 0 : index
    %get3A_17 = arith.constant 0 : index
    %get3A_18 = vector.load %arg4[%get3A_16, %get3A_17] : memref<1024x1024xbf16, #tpu.memory_space<vmem>>, vector<1024x1024xbf16>
    %dot_general3A_19 = arith.constant dense<0.000000e+00> : vector<512x1024xf32>
    %dot_general3A_20 = tpu.matmul %get3A_1, %get3A_18, %dot_general3A_19 {dimension_numbers = #tpu.dot_dimension_numbers<[1], [0], [0], [1], [0, 0, 1, 1], [], []>, transpose_lhs_hint = false} : vector<512x1024xbf16>, vector<1024x1024xbf16>, vector<512x1024xf32> -> vector<512x1024xf32>
    %swap3A_21 = arith.constant 0 : index
    %swap3A_22 = arith.constant 0 : index
    %swap3A_23 = vector.load %arg7[%swap3A_21, %swap3A_22] : memref<512x1024xf32, #tpu.memory_space<vmem>>, vector<512x1024xf32>
    tpu.vector_store %arg7[%swap3A_21, %swap3A_22], %dot_general3A_20 {strides = array<i32>} : memref<512x1024xf32, #tpu.memory_space<vmem>>, vector<512x1024xf32>,
    %reduce_sum3A = arith.constant dense<0.000000e+00> : vector<1024xf32>
    %reduce_sum3A_24 = vector.multi_reduction <add>, %dot_general3A_12, %reduce_sum3A [0] : vector<512x1024xf32> to vector<1024xf32>
    %reshape3A = vector.shape_cast %reduce_sum3A_24 : vector<1024xf32> to vector<1x1x1024xf32>
    %jit3A = arith.constant 4 : i32
    %eq3A = arith.constant 0 : i32
    %eq3A_25 = arith.cmpi eq, %jit3A, %eq3A : i32
    %jit3A_26 = arith.constant 1 : i32
    %select_n3A = arith.select %eq3A_25, %jit3A_26, %jit3A : i32
    %rem3A = arith.remsi %arg0, %select_n3A : i32
    %ne3A = arith.constant 0 : i32
    %ne3A_27 = arith.cmpi ne, %rem3A, %ne3A : i32
    %lt3A = arith.constant 0 : i32
    %lt3A_28 = arith.cmpi slt, %rem3A, %lt3A : i32
    %lt3A_29 = arith.constant 0 : i32
    %lt3A_30 = arith.cmpi slt, %select_n3A, %lt3A_29 : i32
    %ne3A_31 = arith.xori %lt3A_28, %lt3A_30 : i1
    %and3A = arith.andi %ne3A_31, %ne3A_27 : i1
    %add3A = arith.addi %rem3A, %select_n3A : i32
    %select_n3A_32 = arith.select %and3A, %add3A, %rem3A : i32
    %eq3A_33 = arith.constant 0 : i32
    %eq3A_34 = arith.cmpi eq, %select_n3A_32, %eq3A_33 : i32
    %convert_element_type3A = arith.extui %eq3A_34 : i1 to i32
    %cond3A = arith.constant 0 : i32
    %cond3A_35 = arith.cmpi ne, %convert_element_type3A, %cond3A : i32
    scf.if %cond3A_35 {
      %swap3A_48 = arith.constant 0 : index
      %swap3A_49 = arith.constant 0 : index
      %swap3A_50 = arith.constant 0 : index
      %swap3A_51 = vector.load %arg8[%swap3A_48, %swap3A_49, %swap3A_50] : memref<1x1x1024xf32, #tpu.memory_space<vmem>>, vector<1x1x1024xf32>
      tpu.vector_store %arg8[%swap3A_48, %swap3A_49, %swap3A_50], %reshape3A {strides = array<i32>} : memref<1x1x1024xf32, #tpu.memory_space<vmem>>, vector<1x1x1024xf32>,
    } else {
    }
    %gt3A = arith.constant 0 : i32
    %gt3A_36 = arith.cmpi sgt, %select_n3A_32, %gt3A : i32
    %lt3A_37 = arith.constant 3 : i32
    %lt3A_38 = arith.cmpi slt, %select_n3A_32, %lt3A_37 : i32
    %and3A_39 = arith.andi %gt3A_36, %lt3A_38 : i1
    %convert_element_type3A_40 = arith.extui %and3A_39 : i1 to i32
    %cond3A_41 = arith.constant 0 : i32
    %cond3A_42 = arith.cmpi ne, %convert_element_type3A_40, %cond3A_41 : i32
    scf.if %cond3A_42 {
      %get3A_48 = arith.constant 0 : index
      %get3A_49 = arith.constant 0 : index
      %get3A_50 = arith.constant 0 : index
      %get3A_51 = vector.load %arg8[%get3A_48, %get3A_49, %get3A_50] : memref<1x1x1024xf32, #tpu.memory_space<vmem>>, vector<1x1x1024xf32>
      %add3A_52 = arith.addf %get3A_51, %reshape3A : vector<1x1x1024xf32>
      %swap3A_53 = arith.constant 0 : index
      %swap3A_54 = arith.constant 0 : index
      %swap3A_55 = arith.constant 0 : index
      %swap3A_56 = vector.load %arg8[%swap3A_53, %swap3A_54, %swap3A_55] : memref<1x1x1024xf32, #tpu.memory_space<vmem>>, vector<1x1x1024xf32>
      tpu.vector_store %arg8[%swap3A_53, %swap3A_54, %swap3A_55], %add3A_52 {strides = array<i32>} : memref<1x1x1024xf32, #tpu.memory_space<vmem>>, vector<1x1x1024xf32>,
    } else {
    }
    %eq3A_43 = arith.constant 3 : i32
    %eq3A_44 = arith.cmpi eq, %select_n3A_32, %eq3A_43 : i32
    %convert_element_type3A_45 = arith.extui %eq3A_44 : i1 to i32
    %cond3A_46 = arith.constant 0 : i32
    %cond3A_47 = arith.cmpi ne, %convert_element_type3A_45, %cond3A_46 : i32
    scf.if %cond3A_47 {
      %get3A_48 = arith.constant 0 : index
      %get3A_49 = arith.constant 0 : index
      %get3A_50 = arith.constant 0 : index
      %get3A_51 = vector.load %arg8[%get3A_48, %get3A_49, %get3A_50] : memref<1x1x1024xf32, #tpu.memory_space<vmem>>, vector<1x1x1024xf32>
      %add3A_52 = arith.addf %get3A_51, %reshape3A : vector<1x1x1024xf32>
      %mul3A = arith.constant 4.8828125E-4 : f32
      %mul3A_53 = vector.broadcast %mul3A : f32 to vector<1x1x1024xf32>
      %mul3A_54 = arith.mulf %add3A_52, %mul3A_53 : vector<1x1x1024xf32>
      %swap3A_55 = arith.constant 0 : index
      %swap3A_56 = arith.constant 0 : index
      %swap3A_57 = arith.constant 0 : index
      %swap3A_58 = vector.load %arg8[%swap3A_55, %swap3A_56, %swap3A_57] : memref<1x1x1024xf32, #tpu.memory_space<vmem>>, vector<1x1x1024xf32>
      tpu.vector_store %arg8[%swap3A_55, %swap3A_56, %swap3A_57], %mul3A_54 {strides = array<i32>} : memref<1x1x1024xf32, #tpu.memory_space<vmem>>, vector<1x1x1024xf32>,
    } else {
    }
    return
  }
  func.func @transform_0(%arg0: i32) -> (i32, i32) {
    %c0_i32 = arith.constant 0 : i32
    %c0_i32_0 = arith.constant 0 : i32
    return %arg0, %c0_i32 : i32, i32
  }
  func.func @transform_1(%arg0: i32) -> (i32, i32) {
    %c0_i32 = arith.constant 0 : i32
    %c0_i32_0 = arith.constant 0 : i32
    %c0_i32_1 = arith.constant 0 : i32
    return %c0_i32, %c0_i32_0 : i32, i32
  }
  func.func @transform_2(%arg0: i32) -> (i32, i32) {
    %c0_i32 = arith.constant 0 : i32
    %c0_i32_0 = arith.constant 0 : i32
    %c0_i32_1 = arith.constant 0 : i32
    return %c0_i32, %c0_i32_0 : i32, i32
  }
  func.func @transform_3(%arg0: i32) -> (i32, i32) {
    %c0_i32 = arith.constant 0 : i32
    %c0_i32_0 = arith.constant 0 : i32
    %c0_i32_1 = arith.constant 0 : i32
    return %c0_i32, %c0_i32_0 : i32, i32
  }
  func.func @transform_4(%arg0: i32) -> (i32, i32) {
    %c0_i32 = arith.constant 0 : i32
    %c0_i32_0 = arith.constant 0 : i32
    return %arg0, %c0_i32 : i32, i32
  }
  func.func @transform_5(%arg0: i32) -> (i32, i32) {
    %c0_i32 = arith.constant 0 : i32
    %c0_i32_0 = arith.constant 0 : i32
    return %arg0, %c0_i32 : i32, i32
  }
  func.func @transform_6(%arg0: i32) -> (i32, i32) {
    %c0_i32 = arith.constant 0 : i32
    %c0_i32_0 = arith.constant 0 : i32
    return %arg0, %c0_i32 : i32, i32
  }
  func.func @transform_7(%arg0: i32) -> (i32, i32, i32) {
    %jit3A = arith.constant 4 : i32
    %div3A = arith.divsi %arg0, %jit3A : i32
    %sign3A = arith.constant 0 : i32
    %sign3A_0 = arith.cmpi sgt, %arg0, %sign3A : i32
    %sign3A_1 = arith.extui %sign3A_0 : i1 to i32
    %sign3A_2 = arith.constant 0 : i32
    %sign3A_3 = arith.cmpi slt, %arg0, %sign3A_2 : i32
    %sign3A_4 = arith.extui %sign3A_3 : i1 to i32
    %sign3A_5 = arith.subi %sign3A_1, %sign3A_4 : i32
    %sign3A_6 = arith.constant 0 : i32
    %sign3A_7 = arith.cmpi sgt, %jit3A, %sign3A_6 : i32
    %sign3A_8 = arith.extui %sign3A_7 : i1 to i32
    %sign3A_9 = arith.constant 0 : i32
    %sign3A_10 = arith.cmpi slt, %jit3A, %sign3A_9 : i32
    %sign3A_11 = arith.extui %sign3A_10 : i1 to i32
    %sign3A_12 = arith.subi %sign3A_8, %sign3A_11 : i32
    %ne3A = arith.cmpi ne, %sign3A_5, %sign3A_12 : i32
    %rem3A = arith.remsi %arg0, %jit3A : i32
    %ne3A_13 = arith.constant 0 : i32
    %ne3A_14 = arith.cmpi ne, %rem3A, %ne3A_13 : i32
    %and3A = arith.andi %ne3A, %ne3A_14 : i1
    %sub3A = arith.constant 1 : i32
    %sub3A_15 = arith.subi %div3A, %sub3A : i32
    %select_n3A = arith.select %and3A, %sub3A_15, %div3A : i32
    %c0_i32 = arith.constant 0 : i32
    %c0_i32_16 = arith.constant 0 : i32
    %c0_i32_17 = arith.constant 0 : i32
    return %select_n3A, %c0_i32, %c0_i32_16 : i32, i32, i32
  }
}

</mosaic_0001>

<sc_bundles>
// kernel: kernel.5.cloned.1.call-start
scs
__scs_entry_jumppad:
0x0: {  	(pc) =	sbr.rel $0x88, $3  }
0x1: {  	(tag) =	ssettag $0x0;
	lr =	simm.s32 $0x1  }
0x2: {  	[smem:$0x3F9C] =	sst lr;
	_ =	strace $0xD0000000  }
0x3: {  	_ = 	snop  }
0x4: {  	_ = 	snop  }
0x5: {  	_ = 	snop  }
0x6: {  	_ = 	snop  }
0x7: {  	_ = 	snop  }
__scs_overlays_trampoline_lowered:
0x8: {  	[smem:$0x3FAB] =	sst s0  }
0x9: {  	[smem:$0x3FAC] =	sst s1  }
0xa: {  	[smem:$0x3FAD] =	sst s2  }
0xb: {  	[smem:$0x3FAE] =	sst s3  }
0xc: {  	[smem:$0x3FAF] =	sst s4  }
0xd: {  	[smem:$0x3FB0] =	sst s5  }
0xe: {  	[smem:$0x3FB1] =	sst s6  }
0xf: {  	[smem:$0x3FB2] =	sst s7  }
0x10: {  	[smem:$0x3FB3] =	sst s8  }
0x11: {  	[smem:$0x3FB4] =	sst s9;
	s0 =	simm.s32 @!p0 $0x0  }
0x12: {  	s1 =	sld [smem:$0x3F9A];
	s0 =	simm.s32 @p0 $0x1  }
0x13: {  	[smem:$0x3FB5] =	sst s0;
	s0 =	simm.s32 @!p1 $0x0  }
0x14: {  	s2 =	sld [smem:$0x3F99];
	s0 =	simm.s32 @p1 $0x1  }
0x15: {  	[smem:$0x3FB6] =	sst s0;
	s0 =	simm.s32 @!p2 $0x0  }
0x16: {  	s3 =	sld [smem:$0x3FDB];
	s0 =	simm.s32 @p2 $0x1  }
0x17: {  	s4 =	simm.s32 $0x1BF5;
	[smem:$0x3FB8] =	sst s0  }
0x18: {  	s0 =	sld [smem:$0x3F9B];
	_ =	swait.ge [sflag:s4], $0x0  }
0x19: {  	s7 =	sld [smem:$0x3F9C]  }
0x1a: {  	s8 =	sadd.s32 $0xFFFFE003, lr  }
0x1b: {  	s9 =	sadd.s32 $0xFFFFFEF7, lr;
	s5 =	simm.s32 $0xFFFFFFFF;
	p2 =	slt.u32 s8, $0xFFFFF086  }
0x1c: {  	p1 =	slt.u32 s9, $0xF7A;
	s5 =	simm.s32 @!p2 $0x0  }
0x1d: {  	s5 =	simm.s32 @p1 $0x1;
	p0 =	seq.s32 s7, s2  }
0x1e: {  	s7 =	smul.u32 @!p0 $0xF7A, s2;
	p2 =	seq.s32 @!p0 s5, $0x0  }
0x1f: {  	s9 =	smul.u32 $0xF7A, s1;
	s8 =	simm.s32 @!p0 $0x1BF5;
	p2 =	por !p2, p0  }
0x20: {  	[sflag:s8] =	ssyncset.s32 @!p0 $0xFFFFF086;
	s6 =	sadd.s32 @!p0 s3, s7;
	s7 =	simm.s32 @!p0 $0x108  }
0x21: {  	s3 =	sadd.s32 s3, s9;
	s6 =	sadd.s32 @!p0 $0x88, s6;
	s7 =	simm.s32 @p2 $0x1082  }
0x22: {  	[simem:s7], [sflag:s8] =	dma.local @!p0 [hbm:s6], $0xF7A  }
0x23: {  	s9 =	sor.u32 $0xD0000000, s2;
	s6 =	simm.s32 $0x108;
	_ =	swait.ge @!p0 [sflag:s8], $0x0  }
0x24: {  	s3 =	sadd.s32 $0x88, s3;
	s6 =	simm.s32 @!p1 $0x1082;
	[sflag:s4] =	ssyncset.s32 $0xFFFFF086  }
0x25: {  	[simem:s6], [sflag:s4] =	dma.local [hbm:s3], $0xF7A  }
0x26: {  	[smem:$0x3F9C] =	sst s1;
	(tag) =	ssettag s2;
	_ =	strace s9  }
0x27: {  	s1 =	sld [smem:$0x3FAC]  }
0x28: {  	s2 =	sld [smem:$0x3FAD]  }
0x29: {  	s4 =	sld [smem:$0x3FAF]  }
0x2a: {  	p0 =	seq.s32 s5, $0x0;
	s5 =	sld [smem:$0x3FB0]  }
0x2b: {  	s6 =	sld [smem:$0x3FB1]  }
0x2c: {  	s7 =	sld [smem:$0x3FB2]  }
0x2d: {  	s3 =	simm.s32 $0x108;
	s8 =	sld [smem:$0x3FB3]  }
0x2e: {  	s3 =	simm.s32 @!p0 $0x1082;
	s9 =	sld [smem:$0x3FB4]  }
0x2f: {  	lr =	sadd.s32 s0, s3;
	s0 =	sld [smem:$0x3FAB]  }
0x30: {  	s3 =	sld [smem:$0x3FAE]  }
0x31: {  	[smem:$0x3FB7] =	sst s10  }
0x32: {  	s10 =	sld [smem:$0x3FB5];
	_ =	sdelay $0x3  }
0x33: {  	p0 =	seq.s32 s10, $0x1;
	s10 =	sld [smem:$0x3FB7];
	_ =	sdelay $0x3  }
0x34: {  	[smem:$0x3FB7] =	sst s10  }
0x35: {  	s10 =	sld [smem:$0x3FB6];
	_ =	sdelay $0x3  }
0x36: {  	p1 =	seq.s32 s10, $0x1;
	s10 =	sld [smem:$0x3FB7];
	_ =	sdelay $0x3  }
0x37: {  	[smem:$0x3FB7] =	sst s10  }
0x38: {  	s10 =	sld [smem:$0x3FB8]  }
0x39: {  	_ = 	snop;
	(pc) =	sbr.ind lr, $3  }
0x3a: {  	_ = 	snop  }
0x3b: {  	_ = 	snop  }
0x3c: {  	p2 =	seq.s32 s10, $0x1;
	s10 =	sld [smem:$0x3FB7]  }
0x3d: {  	_ =	shalt  }
0x3e: {  	_ =	shalt  }
0x3f: {  	_ =	shalt  }
0x40: {  	_ =	shalt  }
0x41: {  	_ =	shalt  }
0x42: {  	_ =	shalt  }
0x43: {  	_ =	shalt  }
0x44: {  	_ =	shalt  }
0x45: {  	_ =	shalt  }
0x46: {  	_ =	shalt  }
0x47: {  	_ =	shalt  }
0x48: {  	_ =	shalt  }
0x49: {  	_ =	shalt  }
0x4a: {  	_ =	shalt  }
0x4b: {  	_ =	shalt  }
0x4c: {  	_ =	shalt  }
0x4d: {  	_ =	shalt  }
0x4e: {  	_ =	shalt  }
0x4f: {  	_ =	shalt  }
0x50: {  	_ =	shalt  }
0x51: {  	_ =	shalt  }
0x52: {  	_ =	shalt  }
0x53: {  	_ =	shalt  }
0x54: {  	_ =	shalt  }
0x55: {  	_ =	shalt  }
0x56: {  	_ =	shalt  }
0x57: {  	_ =	shalt  }
0x58: {  	_ =	shalt  }
0x59: {  	_ =	shalt  }
0x5a: {  	_ =	shalt  }
0x5b: {  	_ =	shalt  }
0x5c: {  	_ =	shalt  }
0x5d: {  	_ =	shalt  }
0x5e: {  	_ =	shalt  }
0x5f: {  	_ =	shalt  }
0x60: {  	_ =	shalt  }
0x61: {  	_ =	shalt  }
0x62: {  	_ =	shalt  }
0x63: {  	_ =	shalt  }
0x64: {  	_ =	shalt  }
0x65: {  	_ =	shalt  }
0x66: {  	_ =	shalt  }
0x67: {  	_ =	shalt  }
0x68: {  	_ =	shalt  }
0x69: {  	_ =	shalt  }
0x6a: {  	_ =	shalt  }
0x6b: {  	_ =	shalt  }
0x6c: {  	_ =	shalt  }
0x6d: {  	_ =	shalt  }
0x6e: {  	_ =	shalt  }
0x6f: {  	_ =	shalt  }
0x70: {  	_ =	shalt  }
0x71: {  	_ =	shalt  }
0x72: {  	_ =	shalt  }
0x73: {  	_ =	shalt  }
0x74: {  	_ =	shalt  }
0x75: {  	_ =	shalt  }
0x76: {  	_ =	shalt  }
0x77: {  	_ =	shalt  }
0x78: {  	_ =	shalt  }
0x79: {  	_ =	shalt  }
0x7a: {  	_ =	shalt  }
0x7b: {  	_ =	shalt  }
0x7c: {  	_ =	shalt  }
0x7d: {  	_ =	shalt  }
0x7e: {  	_ =	shalt  }
0x7f: {  	_ =	shalt  }
0x80: {  	_ =	shalt  }
0x81: {  	_ =	shalt  }
0x82: {  	_ =	shalt  }
0x83: {  	_ =	shalt  }
0x84: {  	_ =	shalt  }
0x85: {  	_ =	shalt  }
0x86: {  	_ =	shalt  }
0x87: {  	_ =	shalt  }
.Lfunc_end0:
.L_simem_size_0:
called_computation_lowered:
.L_overlay_start_0:
0x88: {  	s2 =	sld [smem:$0x3FD9]  }
0x89: {  	s3 =	sld [smem:$0x3FFE];
	_ =	sdelay $0x1  }
0x8a: {  	s1 =	srdreg.scid  }
0x8b: {  	s0 =	sand.u32 $0x1, s1  }
0x8c: {  	s14 =	sshll.u32 s0, $0xA;
	s2 =	sadd.s32 s3, s2  }
0x8d: {  	s2 =	sadd.s32 s2, s14  }
0x8e: {  	[smem:$0x3FC3] =	sst s2  }
0x8f: {  	_ = 	snop  }
0x90: {  	s2 =	sld [smem:$0x3FD0];
	_ =	sdelay $0x2  }
0x91: {  	s15 =	simm.s32 $0xA;
	s4 =	simm.s32 $0x10  }
0x92: {  	[smem:s4], [sflag:s15] =	dma.local [hbm:s2], $0x1  }
0x93: {  	_ =	swait.eq [sflag:s15], $0x1  }
0x94: {  	[sflag:s15] =	ssyncset.done $0x0  }
0x95: {  	[sflag:s15] =	ssyncadd.s32 $0xFFFFFFFF  }
0x96: {  	s16 =	sld [smem:$0x10];
	(tm) =	ssettm $0x1  }
0x97: {  	s17 =	sld [smem:$0x3FFB];
	_ =	sdelay $0x3  }
0x98: {  	_ =	strace s17  }
0x99: {  	s3 =	sld [smem:$0x3FFC];
	_ =	sdelay $0x3  }
0x9a: {  	_ =	strace s3  }
0x9b: {  	s3 =	sld [smem:$0x3FFD];
	_ =	sdelay $0x3  }
0x9c: {  	_ =	strace s3  }
0x9d: {  	_ =	strace $0x8FFFFFFF  }
0x9e: {  	s18 =	sld [smem:$0x3FDB];
	_ =	sdelay $0x1  }
0x9f: {  	s19 =	simm.s32 $_scs_section_size  }
0xa0: {  	s5 =	simm.s32 $_size__tile_overlayer_lowered;
	s6 =	simm.s32 $_tile_overlayer_lowered  }
0xa1: {  	s22 =	simm.s32 $0x1BFF;
	s21 =	sshll.u32 s6, $0x1;
	s3 =	sadd.s32 s19, s18  }
0xa2: {  	s7 =	simm.s32 $0x0;
	s20 =	sshll.u32 s5, $0x1;
	s5 =	sadd.s32 s21, s3  }
0xa3: {  	[timem:s7], [sflag:s22] =	dma.local [hbm:s5], s20  }
0xa4: {  	_ =	swait.ge [sflag:s22], s20  }
0xa5: {  	s4 =	ssub.s32 $0x0, s20;
	[sflag:s22] =	ssyncset.done $0x0  }
0xa6: {  	[sflag:s22] =	ssyncadd.s32 s4;
	_ =	sdelay $0x1  }
0xa7: {  	s23 =	simm.s32 $0x1B8B  }
0xa8: {  	_ =	swait.ge [sflag:s23], $0x1  }
0xa9: {  	[sflag:s23] =	ssyncset.done $0x0  }
0xaa: {  	s25 =	simm.s32 $0x1B8E;
	s24 =	sld [smem:$0x3FFE];
	[sflag:s23] =	ssyncadd.s32 $0xFFFFFFFF  }
0xab: {  	s26 =	simm.s32 $execute0_lowered;
	[smem:$0x3FD2] =	sst s25  }
0xac: {  	s5 =	sshll.u32 s26, $0x1;
	_ =	strace $0x80000046;
	[dreg:$0x1] =	wrdreg $0xFFFFFFFF  }
0xad: {  	s28 =	simm.s32 $_size_execute0_lowered;
	s3 =	sadd.s32 s3, s5;
	[dreg:$0x0] =	wrdreg $0x0  }
0xae: {  	s5 =	sshll.u32 s28, $0x1;
	[dreg:$0x2] =	wrdreg s3  }
0xaf: {  	[dreg:$0x3] =	wrdreg s5  }
0xb0: {  	[dreg:$0x4] =	wrdreg $0xC0  }
0xb1: {  	_ =	task [dreg:s7], $0x5FFFF  }
0xb2: {  	[dreg:$0x1] =	wrdreg $0xFFFFFFFF  }
0xb3: {  	[dreg:$0x0] =	wrdreg $0x60  }
0xb4: {  	[dreg:$0x2] =	wrdreg s16  }
0xb5: {  	[dreg:$0x3] =	wrdreg s24  }
0xb6: {  	[dreg:$0x4] =	wrdreg $0x9  }
0xb7: {  	_ =	task.clear_ibuf [dreg:s7], $0x5FFFF;
	_ =	strace $0x90000046  }
0xb8: {  	s29 =	simm.s32 $0x9;
	_ =	strace $0x80000048  }
0xb9: {  	_ =	swait.ge [sflag:s29], $0x1  }
0xba: {  	[sflag:s29] =	ssyncadd.s32 $0xFFFFFFFF  }
0xbb: {  	_ =	strace $0x90000048  }
0xbc: {  	_ =	sfence  }
0xbd: {  	s30 =	sld [smem:$0x0];
	_ =	sdelay $0x2  }
0xbe: {  	s31 =	sshll.u32 s1, $0xD;
	s1 =	sshrl.u32 s1, $0x2  }
0xbf: {  	s3 =	sand.u32 $0x4000, s31;
	s1 =	sadd.s32 s1, s30  }
0xc0: {  	s0 =	sor.u32 s3, s0;
	s1 =	sshll.u32 s1, $0x11  }
0xc1: {  	s0 =	sor.u32 s1, s0  }
0xc2: {  	s0 =	sadd.s32 $0x8F2B, s0  }
0xc3: {  	[sflag:s0] =	ssyncadd.remote.s32 $0x1  }
0xc4: {  	_ =	sfence.sel $0xFFFF  }
0xc5: {  	[dreg:$0x0] =	wrdreg $0xFFFFFFFF;
	(pc) =	sbr.abs _section_cstart, $3  }
0xc6: {  	[dreg:$0x1] =	wrdreg $0xFFFFFFFF  }
0xc7: {  	_ =	task.clear_ibuf [dreg:s7], $0x2FFFF;
	_ =	strace $0x9FFFFFFF  }
0xc8: {  	(tm) =	ssettm $0x7FFFFFFF  }
0xc9: {  	_ =	shalt  }
tec
execute0_lowered:
.L_overlay_start_1:
0x0: {  	(tag) =	ssettag $0x1  }
0x1: {  	s0 =	rddreg [dreg:$0x1];
	s3 =	simm.s32 $0x0;
	s1 =	srdreg.scid  }
0x2: {  	s2 =	stileid.u32;
	[smem:$0x7FF] =	sst s3  }
0x3: {  	s1 =	sand.u32 $0x1, s1;
	s2 =	sshll.u32 s2, $0x8;
	s4 =	sadd.s32 $0x10A00, s0  }
0x4: {  	s6 =	sadd.s32 $0x90A00, s0;
	s7 =	sadd.s32 $0x110A00, s0;
	s9 =	sadd.s32 $0x10B00, s0  }
0x5: {  	s10 =	sadd.s32 $0x10C00, s0;
	s11 =	sadd.s32 $0x10D00, s0;
	s12 =	sadd.s32 $0x90B00, s0  }
0x6: {  	s13 =	sadd.s32 $0x90C00, s0;
	s5 =	sshll.u32 s1, $0x7;
	s1 =	ssub.s32 $0x2, s1  }
0x7: {  	_ =	strace $0x80000047;
	s2 =	sor.u32 s5, s2;
	s30 =	sshrl.u32 s1, $0x1  }
0x8: {  	[dreg:$0x7] =	wrdreg s2;
	s2 =	sshll.u32 s2, $0x4;
	s1 =	ssub.s32 s1, s30  }
0x9: {  	v2 =	vlaneseq.u32;
	[dreg:$0x8] =	wrdreg s7;
	s2 =	sadd.s32 s2, s0;
	s31 =	smax.u32 s1, $0x1  }
0xa: {  	vm0 =	vmmov $0xffff;
	s14 =	sadd.s32 $0x90D00, s0;
	v1 =	vshrl.u32 v2, $0x3;
	s2 =	sadd.s32 $0xA00, s2;
	[dreg:$0xa] =	wrdreg s31  }
0xb: {  	v0 =	vand.u32 $0x7, v2;
	v2 =	vor.u32 $0x8, v2;
	v1 =	vmul.u32 $0x8, v1;
	s5 =	simm.s32 $0x0;
	[dreg:$0x9] =	wrdreg s2;
	s2 =	simm.s32 $0x5  }
.LBB2_1:
0xc: {  	[dreg:$0xb] =	wrdreg s5  }
0xd: {  	s0 =	rddreg [dreg:$0x9]  }
0xe: {  	[tilespmem:s3], [sflag:$0x5] =	stream.linear.gather [hbm4b:s0+s3], $0x4000, $0x38;
	[tilespmem:$0x18000] =	vst v63  }
0xf: {  	_ =	swait.ge [sflag:s2], $0x4000  }
0x10: {  	[sflag:s2] =	ssyncset.done $0x0  }
0x11: {  	[sflag:s2] =	ssyncadd.s32 $0xFFFFC000  }
0x12: {  	v3 =	vld [tilespmem:$0x0];
	_ =	sdelay $0x4  }
0x13: {  	v4 =	vshll.u32 v3, $0x3  }
0x14: {  	v3 =	vand.u32 $0x7, v3;
	v4 =	vand.u32 $0xFFFFFFC0, v4  }
0x15: {  	v3 =	vor.u32 v3, v4  }
0x16: {  	v4 =	vperm.xlane v3, v0;
	_ =	sdelay $0x1  }
0x17: {  	v4 =	vadd.s32 v1, v4;
	_ =	sdelay $0x3  }
0x18: {  	s19 =	simm.s32 $0x6000  }
0x19: {  	[tilespmem:s19], [sflag:$0x1] =	stream.indirect_vreg.gather [hbm4b:s4+s3], $0x80, v4, vm0, $0xb8;
	[tilespmem:$0x18000] =	vst v63  }
0x1a: {  	s20 =	simm.s32 $0x6800;
	v3 =	vperm.xlane v3, v2  }
0x1b: {  	[tilespmem:s20], [sflag:$0x1] =	stream.indirect_vreg.gather [hbm4b:s9+s3], $0x80, v4, vm0, $0xb8;
	[tilespmem:$0x18000] =	vst v63  }
0x1c: {  	s21 =	simm.s32 $0x7000;
	v3 =	vadd.s32 v1, v3  }
0x1d: {  	[tilespmem:s21], [sflag:$0x1] =	stream.indirect_vreg.gather [hbm4b:s10+s3], $0x80, v4, vm0, $0xb8;
	[tilespmem:$0x18000] =	vst v63  }
0x1e: {  	s22 =	simm.s32 $0x7800  }
0x1f: {  	[tilespmem:s22], [sflag:$0x1] =	stream.indirect_vreg.gather [hbm4b:s11+s3], $0x80, v4, vm0, $0xb8;
	[tilespmem:$0x18000] =	vst v63  }
0x20: {  	s23 =	simm.s32 $0x8000  }
0x21: {  	[tilespmem:s23], [sflag:$0x1] =	stream.indirect_vreg.gather [hbm4b:s4+s3], $0x80, v3, vm0, $0xb8;
	[tilespmem:$0x18000] =	vst v63  }
0x22: {  	s24 =	simm.s32 $0x8800  }
0x23: {  	[tilespmem:s24], [sflag:$0x1] =	stream.indirect_vreg.gather [hbm4b:s9+s3], $0x80, v3, vm0, $0xb8;
	[tilespmem:$0x18000] =	vst v63  }
0x24: {  	s25 =	simm.s32 $0x9000  }
0x25: {  	[tilespmem:s25], [sflag:$0x1] =	stream.indirect_vreg.gather [hbm4b:s10+s3], $0x80, v3, vm0, $0xb8;
	[tilespmem:$0x18000] =	vst v63  }
0x26: {  	s26 =	simm.s32 $0x9800  }
0x27: {  	[tilespmem:s26], [sflag:$0x1] =	stream.indirect_vreg.gather [hbm4b:s11+s3], $0x80, v3, vm0, $0xb8;
	[tilespmem:$0x18000] =	vst v63  }
0x28: {  	v3 =	vld [tilespmem:$0x0];
	_ =	sdelay $0x4  }
0x29: {  	v61 =	vshll.u32 v3, $0x3  }
0x2a: {  	v3 =	vand.u32 $0x7, v3;
	v4 =	vand.u32 $0xFFFFFFC0, v61  }
0x2b: {  	v3 =	vor.u32 v3, v4  }
0x2c: {  	v4 =	vperm.xlane v3, v0;
	_ =	sdelay $0x1  }
0x2d: {  	v4 =	vadd.s32 v1, v4;
	_ =	sdelay $0x3  }
0x2e: {  	s28 =	simm.s32 $0xA000  }
0x2f: {  	[tilespmem:s28], [sflag:$0x2] =	stream.indirect_vreg.gather [hbm4b:s6+s3], $0x80, v4, vm0, $0xb8;
	[tilespmem:$0x18000] =	vst v63  }
0x30: {  	s29 =	simm.s32 $0xA800;
	v3 =	vperm.xlane v3, v2  }
0x31: {  	[tilespmem:s29], [sflag:$0x2] =	stream.indirect_vreg.gather [hbm4b:s12+s3], $0x80, v4, vm0, $0xb8;
	[tilespmem:$0x18000] =	vst v63  }
0x32: {  	s30 =	simm.s32 $0xB000;
	v3 =	vadd.s32 v1, v3  }
0x33: {  	[tilespmem:s30], [sflag:$0x2] =	stream.indirect_vreg.gather [hbm4b:s13+s3], $0x80, v4, vm0, $0xb8;
	[tilespmem:$0x18000] =	vst v63  }
0x34: {  	s31 =	simm.s32 $0xB800  }
0x35: {  	[tilespmem:s31], [sflag:$0x2] =	stream.indirect_vreg.gather [hbm4b:s14+s3], $0x80, v4, vm0, $0xb8;
	[tilespmem:$0x18000] =	vst v63  }
0x36: {  	s1 =	simm.s32 $0xC000  }
0x37: {  	[tilespmem:s1], [sflag:$0x2] =	stream.indirect_vreg.gather [hbm4b:s6+s3], $0x80, v3, vm0, $0xb8;
	[tilespmem:$0x18000] =	vst v63  }
0x38: {  	s5 =	simm.s32 $0xC800  }
0x39: {  	[tilespmem:s5], [sflag:$0x2] =	stream.indirect_vreg.gather [hbm4b:s12+s3], $0x80, v3, vm0, $0xb8;
	[tilespmem:$0x18000] =	vst v63  }
0x3a: {  	s7 =	simm.s32 $0xD000  }
0x3b: {  	[tilespmem:s7], [sflag:$0x2] =	stream.indirect_vreg.gather [hbm4b:s13+s3], $0x80, v3, vm0, $0xb8;
	[tilespmem:$0x18000] =	vst v63  }
0x3c: {  	s8 =	simm.s32 $0xD800  }
0x3d: {  	[tilespmem:s8], [sflag:$0x2] =	stream.indirect_vreg.gather [hbm4b:s14+s3], $0x80, v3, vm0, $0xb8;
	[tilespmem:$0x18000] =	vst v63  }
0x3e: {  	v3 =	vld [tilespmem:$0x80];
	_ =	sdelay $0x4  }
0x3f: {  	v62 =	vshll.u32 v3, $0x3  }
0x40: {  	v3 =	vand.u32 $0x7, v3;
	v4 =	vand.u32 $0xFFFFFFC0, v62  }
0x41: {  	v3 =	vor.u32 v3, v4  }
0x42: {  	v4 =	vperm.xlane v3, v0;
	_ =	sdelay $0x1  }
0x43: {  	v4 =	vadd.s32 v1, v4;
	_ =	sdelay $0x3  }
0x44: {  	s15 =	simm.s32 $0xE000  }
0x45: {  	[tilespmem:s15], [sflag:$0x3] =	stream.indirect_vreg.gather [hbm4b:s4+s3], $0x80, v4, vm0, $0xb8;
	[tilespmem:$0x18000] =	vst v63  }
0x46: {  	s16 =	simm.s32 $0xE800;
	v3 =	vperm.xlane v3, v2  }
0x47: {  	[tilespmem:s16], [sflag:$0x3] =	stream.indirect_vreg.gather [hbm4b:s9+s3], $0x80, v4, vm0, $0xb8;
	[tilespmem:$0x18000] =	vst v63  }
0x48: {  	s17 =	simm.s32 $0xF000;
	v3 =	vadd.s32 v1, v3  }
0x49: {  	[tilespmem:s17], [sflag:$0x3] =	stream.indirect_vreg.gather [hbm4b:s10+s3], $0x80, v4, vm0, $0xb8;
	[tilespmem:$0x18000] =	vst v63  }
0x4a: {  	s18 =	simm.s32 $0xF800  }
0x4b: {  	[tilespmem:s18], [sflag:$0x3] =	stream.indirect_vreg.gather [hbm4b:s11+s3], $0x80, v4, vm0, $0xb8;
	[tilespmem:$0x18000] =	vst v63  }
0x4c: {  	s19 =	simm.s32 $0x10000  }
0x4d: {  	[tilespmem:s19], [sflag:$0x3] =	stream.indirect_vreg.gather [hbm4b:s4+s3], $0x80, v3, vm0, $0xb8;
	[tilespmem:$0x18000] =	vst v63  }
0x4e: {  	s20 =	simm.s32 $0x10800  }
0x4f: {  	[tilespmem:s20], [sflag:$0x3] =	stream.indirect_vreg.gather [hbm4b:s9+s3], $0x80, v3, vm0, $0xb8;
	[tilespmem:$0x18000] =	vst v63  }
0x50: {  	s21 =	simm.s32 $0x11000  }
0x51: {  	[tilespmem:s21], [sflag:$0x3] =	stream.indirect_vreg.gather [hbm4b:s10+s3], $0x80, v3, vm0, $0xb8;
	[tilespmem:$0x18000] =	vst v63  }
0x52: {  	s22 =	simm.s32 $0x11800  }
0x53: {  	[tilespmem:s22], [sflag:$0x3] =	stream.indirect_vreg.gather [hbm4b:s11+s3], $0x80, v3, vm0, $0xb8;
	[tilespmem:$0x18000] =	vst v63  }
0x54: {  	v3 =	vld [tilespmem:$0x80];
	_ =	sdelay $0x4  }
0x55: {  	v63 =	vshll.u32 v3, $0x3  }
0x56: {  	v3 =	vand.u32 $0x7, v3;
	v4 =	vand.u32 $0xFFFFFFC0, v63  }
0x57: {  	v3 =	vor.u32 v3, v4  }
0x58: {  	v4 =	vperm.xlane v3, v0;
	_ =	sdelay $0x1  }
0x59: {  	v4 =	vadd.s32 v1, v4;
	_ =	sdelay $0x3  }
0x5a: {  	s23 =	simm.s32 $0x12000  }
0x5b: {  	[tilespmem:s23], [sflag:$0x4] =	stream.indirect_vreg.gather [hbm4b:s6+s3], $0x80, v4, vm0, $0xb8;
	[tilespmem:$0x18000] =	vst v63  }
0x5c: {  	s24 =	simm.s32 $0x12800;
	v3 =	vperm.xlane v3, v2  }
0x5d: {  	[tilespmem:s24], [sflag:$0x4] =	stream.indirect_vreg.gather [hbm4b:s12+s3], $0x80, v4, vm0, $0xb8;
	[tilespmem:$0x18000] =	vst v63  }
0x5e: {  	s25 =	simm.s32 $0x13000;
	v3 =	vadd.s32 v1, v3  }
0x5f: {  	[tilespmem:s25], [sflag:$0x4] =	stream.indirect_vreg.gather [hbm4b:s13+s3], $0x80, v4, vm0, $0xb8;
	[tilespmem:$0x18000] =	vst v63  }
0x60: {  	s26 =	simm.s32 $0x13800  }
0x61: {  	[tilespmem:s26], [sflag:$0x4] =	stream.indirect_vreg.gather [hbm4b:s14+s3], $0x80, v4, vm0, $0xb8;
	[tilespmem:$0x18000] =	vst v63  }
0x62: {  	s28 =	simm.s32 $0x14000  }
0x63: {  	[tilespmem:s28], [sflag:$0x4] =	stream.indirect_vreg.gather [hbm4b:s6+s3], $0x80, v3, vm0, $0xb8;
	[tilespmem:$0x18000] =	vst v63  }
0x64: {  	s29 =	simm.s32 $0x14800  }
0x65: {  	[tilespmem:s29], [sflag:$0x4] =	stream.indirect_vreg.gather [hbm4b:s12+s3], $0x80, v3, vm0, $0xb8;
	[tilespmem:$0x18000] =	vst v63  }
0x66: {  	s30 =	simm.s32 $0x15000  }
0x67: {  	[tilespmem:s30], [sflag:$0x4] =	stream.indirect_vreg.gather [hbm4b:s13+s3], $0x80, v3, vm0, $0xb8;
	[tilespmem:$0x18000] =	vst v63  }
0x68: {  	s0 =	simm.s32 $0x0;
	s31 =	simm.s32 $0x15800  }
0x69: {  	[tilespmem:s31], [sflag:$0x4] =	stream.indirect_vreg.gather [hbm4b:s14+s3], $0x80, v3, vm0, $0xb8;
	[tilespmem:$0x18000] =	vst v63  }
.LBB2_2:
0x6a: {  	[dreg:$0xc] =	wrdreg s0  }
0x6b: {  	s0 =	sshll.u32 s0, $0x3;
	s1 =	rddreg [dreg:$0x7]  }
0x6c: {  	s1 =	sor.u32 s1, s0  }
0x6d: {  	s30 =	rddreg [dreg:$0x0];
	s7 =	simm.s32 $0x0;
	s5 =	sshll.u32 s1, $0x7  }
0x6e: {  	s31 =	simm.s32 $0x4000;
	[dreg:$0xd] =	wrdreg s5;
	s1 =	sadd.s32 s30, s5  }
0x6f: {  	[tilespmem:s31], [sflag:$0x5] =	stream.linear.gather [hbm4b:s1+s7], $0x2000, $0x38;
	[tilespmem:$0x18000] =	vst v63  }
0x70: {  	_ =	swait.ge [sflag:s2], $0x2000  }
0x71: {  	[sflag:s2] =	ssyncset.done $0x0  }
0x72: {  	s8 =	simm.s32 $0x0;
	[sflag:s2] =	ssyncadd.s32 $0xFFFFE000  }
.LBB2_3:
0x73: {  	s1 =	simm.s32 $0x1  }
0x74: {  	_ =	swait.ge [sflag:s1], $0x4000  }
0x75: {  	s17 =	simm.s32 $0x2;
	[sflag:s1] =	ssyncset.done $0x0  }
0x76: {  	s18 =	simm.s32 $0x0;
	s2 =	simm.s32 $0x0;
	[sflag:s1] =	ssyncadd.s32 $0xFFFFC000  }
0x77: {  	s5 =	sand.u32 $0x40, s2;
	s7 =	sand.u32 $0x1C00, s18;
	_ =	swait.ge [sflag:s17], $0x4000  }
0x78: {  	s2 =	sor.u32 s18, s2;
	s23 =	sor.u32 $0x6000, s7;
	[sflag:s17] =	ssyncset.done $0x0  }
0x79: {  	s2 =	sor.u32 $0x380, s2;
	s1 =	sor.u32 $0x30, s5;
	[sflag:s17] =	ssyncadd.s32 $0xFFFFC000  }
0x7a: {  	s15 =	sor.u32 s1, s23;
	v7 =	vld [tilespmem:s2+$0x6000]  }
0x7b: {  	v4 =	vld [tilespmem:s15+$0x0]  }
0x7c: {  	v5 =	vld [tilespmem:s15+$0x80]  }
0x7d: {  	s22 =	sor.u32 $0x8000, s7;
	v8 =	vld [tilespmem:s15+$0x100]  }
0x7e: {  	s21 =	sor.u32 $0x8100, s7;
	s19 =	sor.u32 s1, s22;
	v9 =	vld [tilespmem:s15+$0x180]  }
0x7f: {  	s18 =	sor.u32 $0x8200, s7;
	s24 =	sor.u32 s1, s21;
	v10 =	vld [tilespmem:s19+$0x0]  }
0x80: {  	s16 =	sor.u32 $0x20, s5;
	s26 =	sor.u32 s1, s18;
	v12 =	vld [tilespmem:s24+$0x0]  }
0x81: {  	s30 =	sor.u32 s16, s22;
	s17 =	sor.u32 $0x8280, s7;
	v15 =	vld [tilespmem:s26+$0x0]  }
0x82: {  	s28 =	sor.u32 s1, s17;
	v23 =	vld [tilespmem:s30+$0x0]  }
0x83: {  	s19 =	sor.u32 s16, s23;
	v17 =	vld [tilespmem:s28+$0x0]  }
0x84: {  	v19 =	vld [tilespmem:s19+$0x0]  }
0x85: {  	v20 =	vld [tilespmem:s19+$0x80]  }
0x86: {  	s2 =	sor.u32 $0x8080, s7;
	v21 =	vld [tilespmem:s19+$0x100]  }
0x87: {  	s20 =	sor.u32 s1, s2;
	v22 =	vld [tilespmem:s19+$0x180]  }
0x88: {  	s31 =	sor.u32 s16, s2;
	v11 =	vld [tilespmem:s20+$0x0]  }
0x89: {  	s29 =	sshll.u32 s8, $0xA;
	s28 =	sor.u32 s16, s18;
	s19 =	sor.u32 $0x10, s5;
	v24 =	vld [tilespmem:s31+$0x0]  }
0x8a: {  	s15 =	sshrl.u32 s29, $0x2;
	v31 =	vld [tilespmem:s28+$0x0];
	s29 =	sor.u32 s19, s23  }
0x8b: {  	s24 =	sadd.s32 $0x4000, s15;
	v33 =	vld [tilespmem:s29+$0x0]  }
0x8c: {  	[dreg:$0x3] =	wrdreg s24;
	v34 =	vld [tilespmem:s29+$0x80]  }
0x8d: {  	s20 =	sor.u32 $0x8180, s7;
	s24 =	rddreg [dreg:$0x3];
	v35 =	vld [tilespmem:s29+$0x100]  }
0x8e: {  	s26 =	sor.u32 s16, s20;
	v36 =	vld [tilespmem:s29+$0x180];
	s24 =	sadd.s32 s7, s24  }
0x8f: {  	v26 =	vld [tilespmem:s26+$0x0];
	s26 =	sadd.s32 s1, s24  }
0x90: {  	s23 =	sor.u32 s5, s23;
	v3 =	vld [tilespmem:s26+$0x0]  }
0x91: {  	v37 =	vld [tilespmem:s23+$0x100]  }
0x92: {  	s25 =	sor.u32 s1, s20;
	v38 =	vld [tilespmem:s23+$0x180]  }
0x93: {  	v14 =	vld [tilespmem:s25+$0x0];
	s25 =	sor.u32 s16, s21  }
0x94: {  	v25 =	vld [tilespmem:s25+$0x0];
	s30 =	sadd.s32 s16, s24  }
0x95: {  	s25 =	sor.u32 s16, s17;
	v6 =	vld [tilespmem:s30+$0x0];
	v41 =	vmul.f32 v4, v3;
	v42 =	vmul.f32 v5, v3  }
0x96: {  	s31 =	sor.u32 s19, s22;
	v32 =	vld [tilespmem:s25+$0x0];
	v43 =	vmul.f32 v8, v3;
	v44 =	vmul.f32 v9, v3  }
0x97: {  	s26 =	sor.u32 s19, s2;
	v8 =	vld [tilespmem:s31+$0x0];
	v16 =	vmul.f32 v10, v3;
	v18 =	vmul.f32 v11, v3  }
0x98: {  	v9 =	vld [tilespmem:s26+$0x0];
	v13 =	vmul.f32 v12, v3;
	v14 =	vmul.f32 v14, v3  }
0x99: {  	p0 =	por $0x0, $0x0;
	s28 =	sadd.s32 s19, s24;
	s25 =	simm.s32 $0x1;
	v10 =	vld [tilespmem:s23+$0x0];
	v5 =	vmul.f32 v15, v3;
	v4 =	vmul.f32 v17, v3  }
0x9a: {  	s25 =	simm.s32 @!p0 $0x0;
	v11 =	vld [tilespmem:s28+$0x0];
	v19 =	vmul.f32 v19, v6;
	v20 =	vmul.f32 v20, v6  }
0x9b: {  	s24 =	sadd.s32 s5, s24;
	s25 =	sshll.u32 s25, $0x6;
	v12 =	vld [tilespmem:s23+$0x80];
	v21 =	vmul.f32 v21, v6;
	v45 =	vmul.f32 v22, v6  }
0x9c: {  	s30 =	sor.u32 s5, s22;
	s29 =	sadd.s32 $0x0, s25;
	v27 =	vmul.f32 v23, v6;
	v28 =	vmul.f32 v24, v6;
	v22 =	vld [tilespmem:s24+$0x0]  }
0x9d: {  	s2 =	sor.u32 s5, s2;
	s22 =	sadd.s32 $0x30, s29;
	v29 =	vmul.f32 v25, v6;
	v30 =	vmul.f32 v26, v6;
	v23 =	vld [tilespmem:s30+$0x0]  }
0x9e: {  	v17 =	vmul.f32 v31, v6;
	v15 =	vmul.f32 v32, v6;
	s31 =	sadd.s32 $0x30, s25;
	s25 =	sor.u32 $0x200, s22;
	v26 =	vld [tilespmem:s2+$0x0]  }
0x9f: {  	s26 =	sor.u32 $0x280, s22;
	s2 =	sadd.s32 $0xFFFFFFF0, s31;
	v56 =	vld [tilespmem:s25+$0x6000];
	v24 =	vmul.f32 v33, v11;
	v25 =	vmul.f32 v34, v11  }
0xa0: {  	v57 =	vld [tilespmem:s26+$0x6000];
	s23 =	sadd.s32 $0xFFFFFFD0, s31;
	s29 =	sor.u32 $0x280, s2;
	v31 =	vmul.f32 v35, v11;
	v55 =	vmul.f32 v36, v11  }
0xa1: {  	s26 =	sor.u32 $0x280, s23;
	v47 =	vld [tilespmem:s29+$0x6000];
	v35 =	vmul.f32 v8, v11;
	v36 =	vmul.f32 v9, v11  }
0xa2: {  	s24 =	sadd.s32 $0xFFFFFFE0, s31;
	s28 =	sor.u32 $0x200, s2;
	v58 =	vld [tilespmem:s26+$0x6000];
	v8 =	vmul.f32 v10, v22;
	v9 =	vmul.f32 v12, v22  }
0xa3: {  	s30 =	sor.u32 $0x200, s24;
	v10 =	vld [tilespmem:s28+$0x6000];
	v40 =	vmul.f32 v37, v22;
	v46 =	vmul.f32 v38, v22  }
0xa4: {  	v48 =	vld [tilespmem:s30+$0x6000];
	s26 =	sor.u32 $0x380, s22;
	v12 =	vimm.f32 $0.0e+00;
	v49 =	vmul.f32 v7, v22;
	v37 =	vmul.f32 v23, v22  }
0xa5: {  	s31 =	sor.u32 $0x200, s23;
	v62 =	vld [tilespmem:s26+$0x6000];
	v38 =	vmul.f32 v26, v22;
	v7 =	vadd.f32 v8, v12;
	v8 =	vadd.f32 v9, v12  }
0xa6: {  	s23 =	sor.u32 $0x300, s23;
	v39 =	vmul.f32 v56, v3;
	v9 =	vld [tilespmem:s31+$0x6000];
	v23 =	vadd.f32 v40, v12;
	v26 =	vadd.f32 v46, v12  }
0xa7: {  	s28 =	sor.u32 $0x280, s24;
	v63 =	vadd.f32 v49, v12;
	v33 =	vmul.f32 v58, v22;
	v7 =	vadd.f32 v24, v7;
	v24 =	vld [tilespmem:s23+$0x6000]  }
0xa8: {  	s29 =	sor.u32 $0x300, s24;
	v8 =	vadd.f32 v25, v8;
	v25 =	vld [tilespmem:s28+$0x6000];
	v59 =	vmul.f32 v10, v6;
	v10 =	vadd.f32 v31, v23  }
0xa9: {  	s30 =	sor.u32 $0x380, s24;
	v40 =	vmul.f32 v57, v3;
	v23 =	vadd.f32 v55, v26;
	v31 =	vld [tilespmem:s29+$0x6000];
	v33 =	vadd.f32 v33, v12  }
0xaa: {  	s31 =	sor.u32 $0x300, s2;
	s2 =	sor.u32 $0x380, s2;
	v26 =	vmul.f32 v47, v6;
	v7 =	vadd.f32 v19, v7;
	v8 =	vadd.f32 v20, v8;
	v20 =	vld [tilespmem:s30+$0x6000]  }
0xab: {  	v61 =	vld [tilespmem:s2+$0x6000];
	v47 =	vmul.f32 v62, v3;
	v19 =	vmul.f32 v48, v11;
	v10 =	vadd.f32 v21, v10  }
0xac: {  	v60 =	vld [tilespmem:s31+$0x6000];
	v21 =	vadd.f32 v45, v23;
	v23 =	vmul.f32 v9, v22;
	v7 =	vadd.f32 v41, v7  }
0xad: {  	s25 =	sor.u32 $0x300, s22;
	v8 =	vadd.f32 v42, v8;
	v9 =	vadd.f32 v43, v10;
	v24 =	vmul.f32 v24, v22  }
0xae: {  	v25 =	vmul.f32 v25, v11;
	v10 =	vadd.f32 v44, v21;
	v21 =	vld [tilespmem:s25+$0x6000];
	v23 =	vadd.f32 v23, v12  }
0xaf: {  	v31 =	vmul.f32 v31, v11;
	v24 =	vadd.f32 v24, v12;
	v20 =	vmul.f32 v20, v11  }
0xb0: {  	s30 =	sor.u32 s19, s20;
	v41 =	vmul.f32 v61, v6;
	v19 =	vadd.f32 v19, v23;
	v23 =	vadd.f32 v25, v33  }
0xb1: {  	s29 =	sor.u32 s5, s20;
	v42 =	vld [tilespmem:s30+$0x0];
	v25 =	vmul.f32 v60, v6;
	v24 =	vadd.f32 v31, v24;
	v20 =	vadd.f32 v20, v63  }
0xb2: {  	s28 =	sor.u32 s5, s21;
	v44 =	vld [tilespmem:s29+$0x0];
	v31 =	vadd.f32 v59, v19;
	v32 =	vadd.f32 v26, v23;
	v26 =	vimm.f32 $0.0e+00  }
0xb3: {  	s21 =	sor.u32 s19, s21;
	v33 =	vld [tilespmem:s28+$0x0];
	v19 =	vimm.f32 $0.0e+00;
	v23 =	vimm.f32 $0.0e+00;
	v34 =	vmul.f32 v21, v3  }
0xb4: {  	s31 =	sor.u32 s19, s18;
	v43 =	vld [tilespmem:s21+$0x0];
	v21 =	vimm.f32 $0.0e+00;
	v45 =	vadd.f32 v25, v24;
	v46 =	vadd.f32 v41, v20  }
0xb5: {  	s2 =	sor.u32 s19, s17;
	s20 =	simm.s32 $0x230;
	s21 =	simm.s32 $0x0;
	v24 =	vimm.f32 $0.0e+00;
	v25 =	vimm.f32 $0.0e+00;
	v41 =	vld [tilespmem:s31+$0x0];
	v20 =	vimm.f32 $0.0e+00  }
.LBB2_4:
0xb6: {  	s18 =	sor.u32 s5, s18;
	v51 =	vld [tilespmem:s2+$0x0]  }
0xb7: {  	s30 =	sor.u32 s5, s17;
	s31 =	sor.u32 $0x8300, s7;
	v26 =	vadd.f32 v38, v26;
	v52 =	vld [tilespmem:s18+$0x0]  }
0xb8: {  	v12 =	vadd.f32 v37, v12;
	v54 =	vld [tilespmem:s30+$0x0];
	s18 =	sor.u32 s5, s31;
	v50 =	vmul.f32 v33, v22  }
0xb9: {  	s22 =	sor.u32 $0x8380, s7;
	s24 =	sor.u32 s19, s31;
	v56 =	vld [tilespmem:s18+$0x0];
	v26 =	vadd.f32 v36, v26;
	v44 =	vmul.f32 v44, v22  }
0xba: {  	s21 =	sadd.s32 $0x40, s21;
	s23 =	sor.u32 s5, s22;
	v12 =	vadd.f32 v35, v12;
	v60 =	vld [tilespmem:s24+$0x0];
	s24 =	sadd.s32 $0xFFFFFFD0, s20;
	v53 =	vmul.f32 v43, v11;
	v24 =	vadd.f32 v50, v24  }
0xbb: {  	s25 =	sor.u32 s19, s22;
	v58 =	vld [tilespmem:s23+$0x0];
	s30 =	sor.u32 s24, s21;
	v55 =	vmul.f32 v42, v11;
	v26 =	vadd.f32 v28, v26;
	v25 =	vadd.f32 v44, v25  }
0xbc: {  	v12 =	vadd.f32 v27, v12;
	v28 =	vld [tilespmem:s25+$0x0];
	s17 =	sor.u32 $0x380, s30;
	v27 =	vmul.f32 v52, v22;
	v24 =	vadd.f32 v53, v24  }
0xbd: {  	s28 =	sor.u32 s16, s22;
	v57 =	vmul.f32 v41, v11;
	v37 =	vld [tilespmem:s17+$0x6000];
	v26 =	vadd.f32 v18, v26;
	v25 =	vadd.f32 v55, v25  }
0xbe: {  	s26 =	sor.u32 s16, s31;
	s29 =	sor.u32 s1, s31;
	s31 =	sor.u32 s1, s22;
	v59 =	vmul.f32 v51, v11;
	v18 =	vld [tilespmem:s28+$0x0];
	v19 =	vadd.f32 v27, v19;
	v24 =	vadd.f32 v29, v24  }
0xbf: {  	s5 =	sand.u32 $0x40, s21;
	s7 =	sand.u32 $0x1C00, s24;
	v12 =	vadd.f32 v16, v12;
	v27 =	vld [tilespmem:s31+$0x0];
	v25 =	vadd.f32 v30, v25;
	v29 =	vmul.f32 v54, v22  }
0xc0: {  	s1 =	sor.u32 $0x30, s5;
	s2 =	sor.u32 $0x6000, s7;
	v16 =	vmul.f32 v56, v22;
	v30 =	vld [tilespmem:s26+$0x0];
	v19 =	vadd.f32 v57, v19;
	v24 =	vadd.f32 v13, v24  }
0xc1: {  	s18 =	sor.u32 s1, s2;
	v25 =	vadd.f32 v14, v25;
	v13 =	vld [tilespmem:s29+$0x0];
	v14 =	vmul.f32 v58, v22;
	v22 =	vadd.f32 v29, v23  }
0xc2: {  	s23 =	sor.u32 $0x8100, s7;
	v23 =	vmul.f32 v60, v11;
	v11 =	vmul.f32 v28, v11;
	v28 =	vld [tilespmem:s18+$0x0];
	v17 =	vadd.f32 v17, v19  }
0xc3: {  	s28 =	sor.u32 s1, s23;
	v16 =	vadd.f32 v16, v20;
	v20 =	vadd.f32 v59, v22;
	v22 =	vld [tilespmem:s18+$0x80]  }
0xc4: {  	s16 =	sor.u32 $0x20, s5;
	v19 =	vadd.f32 v5, v17;
	v5 =	vld [tilespmem:s28+$0x0]  }
0xc5: {  	v14 =	vadd.f32 v14, v21;
	s28 =	sor.u32 s16, s2;
	v21 =	vmul.f32 v30, v6;
	v6 =	vmul.f32 v18, v6;
	v18 =	vld [tilespmem:s18+$0x180]  }
0xc6: {  	v29 =	vld [tilespmem:s28+$0x0]  }
0xc7: {  	v30 =	vld [tilespmem:s28+$0x80]  }
0xc8: {  	v61 =	vld [tilespmem:s28+$0x100]  }
0xc9: {  	s17 =	sor.u32 $0x8280, s7;
	v62 =	vld [tilespmem:s28+$0x180]  }
0xca: {  	s25 =	sor.u32 $0x8000, s7;
	s31 =	sor.u32 s1, s17;
	v11 =	vadd.f32 v11, v14;
	v14 =	vld [tilespmem:s18+$0x100]  }
0xcb: {  	s19 =	sor.u32 s1, s25;
	s26 =	sor.u32 $0x8080, s7;
	v15 =	vadd.f32 v15, v20;
	v13 =	vmul.f32 v13, v3;
	v3 =	vmul.f32 v27, v3;
	v27 =	vld [tilespmem:s31+$0x0]  }
0xcc: {  	s22 =	sor.u32 s1, s26;
	s18 =	sor.u32 $0x8200, s7;
	v6 =	vadd.f32 v6, v11;
	v11 =	vld [tilespmem:s19+$0x0]  }
0xcd: {  	v16 =	vadd.f32 v23, v16;
	s30 =	sor.u32 s1, s18;
	v23 =	vadd.f32 v4, v15;
	v4 =	vld [tilespmem:s22+$0x0]  }
0xce: {  	s31 =	sor.u32 s16, s23;
	v17 =	vld [tilespmem:s30+$0x0]  }
0xcf: {  	v32 =	vadd.f32 v40, v32;
	s22 =	sor.u32 $0x8180, s7;
	s30 =	sor.u32 s16, s26;
	v40 =	vld [tilespmem:s31+$0x0]  }
0xd0: {  	v31 =	vadd.f32 v39, v31;
	s28 =	rddreg [dreg:$0x3];
	s29 =	sor.u32 s1, s22;
	v39 =	vld [tilespmem:s30+$0x0]  }
0xd1: {  	s28 =	sadd.s32 s7, s28;
	s30 =	sor.u32 s16, s18;
	v15 =	vld [tilespmem:s29+$0x0]  }
0xd2: {  	s31 =	sadd.s32 s16, s28;
	v44 =	vld [tilespmem:s30+$0x0]  }
0xd3: {  	v16 =	vadd.f32 v21, v16;
	v21 =	vadd.f32 v3, v6;
	s29 =	sor.u32 s16, s25;
	v6 =	vld [tilespmem:s31+$0x0]  }
0xd4: {  	s19 =	sor.u32 $0x10, s5;
	s30 =	sadd.s32 s1, s28;
	v38 =	vld [tilespmem:s29+$0x0]  }
0xd5: {  	s31 =	sor.u32 s19, s25;
	v3 =	vld [tilespmem:s30+$0x0]  }
0xd6: {  	s29 =	sor.u32 s16, s22;
	v52 =	vld [tilespmem:s31+$0x0]  }
0xd7: {  	s30 =	sor.u32 s19, s26;
	v43 =	vld [tilespmem:s29+$0x0]  }
0xd8: {  	s29 =	sor.u32 s16, s17;
	v53 =	vld [tilespmem:s30+$0x0]  }
0xd9: {  	v33 =	vadd.f32 v34, v45;
	v45 =	vld [tilespmem:s29+$0x0];
	s29 =	sor.u32 s19, s2  }
0xda: {  	v34 =	vadd.f32 v47, v46;
	v46 =	vld [tilespmem:s29+$0x0]  }
0xdb: {  	v47 =	vld [tilespmem:s29+$0x80];
	v56 =	vmul.f32 v29, v6  }
0xdc: {  	v48 =	vld [tilespmem:s29+$0x100];
	v57 =	vmul.f32 v30, v6;
	v59 =	vmul.f32 v61, v6  }
0xdd: {  	s2 =	sor.u32 s5, s2;
	v49 =	vld [tilespmem:s29+$0x180];
	v60 =	vmul.f32 v62, v6;
	v29 =	vmul.f32 v40, v6  }
0xde: {  	v54 =	vld [tilespmem:s2+$0x0];
	v50 =	vmul.f32 v28, v3;
	v51 =	vmul.f32 v22, v3  }
0xdf: {  	s31 =	sadd.s32 s19, s28;
	v55 =	vld [tilespmem:s2+$0x80];
	v41 =	vmul.f32 v14, v3;
	v42 =	vmul.f32 v18, v3  }
0xe0: {  	p0 =	por !p0, !p0;
	v20 =	vadd.f32 v13, v16;
	s29 =	simm.s32 $0x1;
	v16 =	vmul.f32 v11, v3;
	v18 =	vmul.f32 v4, v3;
	v11 =	vld [tilespmem:s31+$0x0]  }
0xe1: {  	v58 =	vld [tilespmem:s2+$0x100];
	s29 =	simm.s32 @!p0 $0x0;
	v13 =	vmul.f32 v5, v3;
	v14 =	vmul.f32 v15, v3  }
0xe2: {  	s28 =	sadd.s32 s5, s28;
	v61 =	vld [tilespmem:s2+$0x180];
	v5 =	vmul.f32 v17, v3;
	v4 =	vmul.f32 v27, v3;
	s29 =	sshll.u32 s29, $0x6  }
0xe3: {  	s26 =	sor.u32 s5, s26;
	v27 =	vmul.f32 v38, v6;
	v28 =	vmul.f32 v39, v6;
	v22 =	vld [tilespmem:s28+$0x0];
	s24 =	sadd.s32 s24, s29  }
0xe4: {  	s25 =	sor.u32 s5, s25;
	v40 =	vld [tilespmem:s26+$0x0];
	v17 =	vmul.f32 v44, v6;
	v30 =	vmul.f32 v43, v6;
	s2 =	sadd.s32 $0x30, s24  }
0xe5: {  	v38 =	vld [tilespmem:s25+$0x0];
	s25 =	sadd.s32 s20, s29;
	v15 =	vmul.f32 v45, v6;
	s28 =	sor.u32 $0x200, s2;
	v43 =	vmul.f32 v46, v11  }
0xe6: {  	s24 =	sadd.s32 $0xFFFFFFF0, s25;
	s29 =	sor.u32 $0x280, s2;
	v39 =	vld [tilespmem:s28+$0x6000];
	v44 =	vmul.f32 v47, v11;
	v45 =	vmul.f32 v48, v11  }
0xe7: {  	s30 =	sor.u32 $0x200, s24;
	v46 =	vmul.f32 v49, v11;
	v47 =	vld [tilespmem:s29+$0x6000];
	v35 =	vmul.f32 v52, v11  }
0xe8: {  	s26 =	sadd.s32 $0xFFFFFFE0, s25;
	s31 =	sor.u32 $0x280, s24;
	v36 =	vmul.f32 v53, v11;
	v48 =	vmul.f32 v54, v22;
	v52 =	vld [tilespmem:s30+$0x6000]  }
0xe9: {  	v49 =	vmul.f32 v55, v22;
	v53 =	vmul.f32 v58, v22;
	s30 =	sor.u32 $0x200, s26;
	v55 =	vld [tilespmem:s31+$0x6000]  }
0xea: {  	s25 =	sadd.s32 $0xFFFFFFD0, s25;
	v54 =	vmul.f32 v61, v22;
	s31 =	sor.u32 $0x280, s26;
	v61 =	vmul.f32 v37, v22;
	v58 =	vld [tilespmem:s30+$0x6000]  }
0xeb: {  	v37 =	vmul.f32 v38, v22;
	s30 =	sor.u32 $0x200, s25;
	v62 =	vld [tilespmem:s31+$0x6000];
	v7 =	vadd.f32 v48, v7;
	v8 =	vadd.f32 v49, v8  }
0xec: {  	v38 =	vmul.f32 v40, v22;
	s31 =	sor.u32 $0x280, s25;
	v63 =	vld [tilespmem:s30+$0x6000];
	v9 =	vadd.f32 v53, v9;
	v10 =	vadd.f32 v54, v10  }
0xed: {  	s25 =	sor.u32 $0x300, s25;
	v49 =	vld [tilespmem:s31+$0x6000];
	v34 =	vadd.f32 v61, v34;
	v39 =	vmul.f32 v39, v3;
	v7 =	vadd.f32 v43, v7  }
0xee: {  	s29 =	sor.u32 $0x300, s26;
	v8 =	vadd.f32 v44, v8;
	v43 =	vld [tilespmem:s25+$0x6000];
	v9 =	vadd.f32 v45, v9;
	v40 =	vmul.f32 v47, v3  }
0xef: {  	s30 =	sor.u32 $0x380, s26;
	v10 =	vadd.f32 v46, v10;
	v45 =	vld [tilespmem:s29+$0x6000];
	v47 =	vmul.f32 v52, v6;
	v44 =	vmul.f32 v58, v11  }
0xf0: {  	s31 =	sor.u32 $0x300, s24;
	s24 =	sor.u32 $0x380, s24;
	v7 =	vadd.f32 v56, v7;
	v8 =	vadd.f32 v57, v8;
	v46 =	vmul.f32 v62, v11;
	v62 =	vld [tilespmem:s30+$0x6000]  }
0xf1: {  	v9 =	vadd.f32 v59, v9;
	v10 =	vadd.f32 v60, v10;
	v56 =	vld [tilespmem:s24+$0x6000];
	v48 =	vmul.f32 v63, v22  }
0xf2: {  	s26 =	sor.u32 $0x300, s2;
	v63 =	vld [tilespmem:s31+$0x6000];
	v49 =	vmul.f32 v49, v22;
	v7 =	vadd.f32 v50, v7;
	v8 =	vadd.f32 v51, v8  }
0xf3: {  	s2 =	sor.u32 $0x380, s2;
	v58 =	vld [tilespmem:s26+$0x6000];
	v9 =	vadd.f32 v41, v9;
	v10 =	vadd.f32 v42, v10;
	v57 =	vmul.f32 v43, v22  }
0xf4: {  	p1 =	sne.s32 s20, $0x1E30;
	v52 =	vmul.f32 v55, v6;
	v60 =	vld [tilespmem:s2+$0x6000];
	s30 =	sor.u32 s19, s22;
	v31 =	vadd.f32 v48, v31;
	v32 =	vadd.f32 v49, v32  }
.Ltmp0:
0xf5: {  	s28 =	sor.u32 s5, s23;
	s23 =	sor.u32 s19, s23;
	v42 =	vld [tilespmem:s30+$0x0];
	v59 =	vmul.f32 v45, v11;
	v41 =	vadd.f32 v57, v33;
	v61 =	vmul.f32 v62, v11;
	(pc) =	sbr.rel @p1 .LBB2_4-.Ltmp0, $4  }
0xf6: {  	v43 =	vld [tilespmem:s23+$0x0];
	v31 =	vadd.f32 v44, v31;
	v32 =	vadd.f32 v46, v32;
	v50 =	vmul.f32 v56, v6  }
0xf7: {  	s29 =	sor.u32 s5, s22;
	v33 =	vld [tilespmem:s28+$0x0];
	v62 =	vmul.f32 v63, v6;
	v41 =	vadd.f32 v59, v41;
	v63 =	vadd.f32 v61, v34  }
0xf8: {  	s31 =	sor.u32 s19, s18;
	v44 =	vld [tilespmem:s29+$0x0];
	v31 =	vadd.f32 v47, v31;
	v32 =	vadd.f32 v52, v32;
	v34 =	vmul.f32 v58, v3  }
0xf9: {  	s20 =	sadd.s32 $0x200, s20;
	s2 =	sor.u32 s19, s17;
	v47 =	vmul.f32 v60, v3;
	v45 =	vadd.f32 v62, v41;
	v46 =	vadd.f32 v50, v63;
	v41 =	vld [tilespmem:s31+$0x0]  }
0xfa: {  	s18 =	sor.u32 s5, s18;
	v57 =	vld [tilespmem:s2+$0x0]  }
0xfb: {  	v31 =	vadd.f32 v39, v31;
	v32 =	vadd.f32 v40, v32;
	s20 =	sor.u32 $0x8300, s7;
	v58 =	vld [tilespmem:s18+$0x0];
	s18 =	sor.u32 s5, s17  }
0xfc: {  	v12 =	vadd.f32 v37, v12;
	s22 =	sor.u32 $0x8380, s7;
	v61 =	vmul.f32 v42, v11;
	v7 =	vmul.f32 $1.250000000e-01, v7;
	s21 =	sor.u32 s5, s20;
	v60 =	vld [tilespmem:s18+$0x0]  }
0xfd: {  	v26 =	vadd.f32 v38, v26;
	v8 =	vmul.f32 $1.250000000e-01, v8;
	v9 =	vmul.f32 $1.250000000e-01, v9;
	s23 =	sor.u32 s5, s22;
	v62 =	vld [tilespmem:s21+$0x0]  }
0xfe: {  	v10 =	vmul.f32 $1.250000000e-01, v10;
	v34 =	vadd.f32 v34, v45;
	v40 =	vadd.f32 v47, v46;
	s25 =	sor.u32 s19, s22;
	v63 =	vld [tilespmem:s23+$0x0]  }
0xff: {  	v59 =	vmul.f32 v43, v11;
	s26 =	sor.u32 s16, s20;
	v33 =	vmul.f32 v33, v22;
	v12 =	vadd.f32 v35, v12;
	v46 =	vld [tilespmem:s25+$0x0]  }
0x100: {  	s28 =	sor.u32 s16, s22;
	v26 =	vadd.f32 v36, v26;
	v48 =	vld [tilespmem:s26+$0x0];
	v56 =	vmul.f32 $1.250000000e-01, v32;
	v44 =	vmul.f32 v44, v22  }
0x101: {  	s29 =	sor.u32 s1, s20;
	v51 =	vld [tilespmem:s28+$0x0];
	v24 =	vadd.f32 v33, v24;
	v43 =	vmul.f32 v41, v11;
	v12 =	vadd.f32 v27, v12  }
0x102: {  	s24 =	sor.u32 s19, s20;
	v54 =	vld [tilespmem:s29+$0x0];
	v26 =	vadd.f32 v28, v26;
	v25 =	vadd.f32 v44, v25;
	v50 =	vmul.f32 v57, v11  }
0x103: {  	s30 =	sor.u32 s1, s22;
	v44 =	vld [tilespmem:s24+$0x0];
	v57 =	vmul.f32 $1.250000000e-01, v34;
	v24 =	vadd.f32 v59, v24;
	v45 =	vmul.f32 v58, v22  }
0x104: {  	v55 =	vld [tilespmem:s30+$0x0];
	v12 =	vadd.f32 v16, v12;
	v58 =	vmul.f32 $1.250000000e-01, v40;
	v47 =	vmul.f32 v60, v22  }
0x105: {  	v16 =	vadd.f32 v18, v26;
	v18 =	vmul.f32 v62, v22;
	v49 =	vmul.f32 v63, v22  }
0x106: {  	v25 =	vadd.f32 v61, v25;
	v53 =	vmul.f32 v48, v6;
	v6 =	vmul.f32 v51, v6  }
0x107: {  	v22 =	vmul.f32 v54, v3;
	v19 =	vadd.f32 v45, v19;
	v18 =	vadd.f32 v18, v20  }
0x108: {  	v20 =	vadd.f32 v49, v21;
	v52 =	vmul.f32 v44, v11;
	v11 =	vmul.f32 v46, v11  }
0x109: {  	v3 =	vmul.f32 v55, v3;
	v24 =	vadd.f32 v29, v24;
	v19 =	vadd.f32 v43, v19  }
0x10a: {  	v25 =	vadd.f32 v30, v25;
	v11 =	vadd.f32 v11, v20;
	v20 =	vmax.f32 v7, v8  }
0x10b: {  	v17 =	vadd.f32 v17, v19;
	v19 =	vmul.f32 $1.250000000e-01, v31;
	v20 =	vmax.f32 v20, v9  }
0x10c: {  	v16 =	vmul.f32 $1.250000000e-01, v16;
	v23 =	vadd.f32 v47, v23;
	v20 =	vmax.f32 v20, v10  }
0x10d: {  	v13 =	vadd.f32 v13, v24;
	v14 =	vadd.f32 v14, v25;
	v20 =	vmax.f32 v20, v19  }
0x10e: {  	v23 =	vadd.f32 v50, v23;
	v18 =	vadd.f32 v52, v18;
	v20 =	vmax.f32 v20, v56  }
0x10f: {  	v6 =	vadd.f32 v6, v11;
	v11 =	vmul.f32 $1.250000000e-01, v12;
	v12 =	vmax.f32 v20, v57  }
0x110: {  	v13 =	vmul.f32 $1.250000000e-01, v13;
	v15 =	vadd.f32 v15, v23;
	v12 =	vmax.f32 v12, v58  }
0x111: {  	v18 =	vadd.f32 v53, v18;
	v5 =	vadd.f32 v5, v17;
	v12 =	vmax.f32 v12, v11  }
0x112: {  	v14 =	vmul.f32 $1.250000000e-01, v14;
	v4 =	vadd.f32 v4, v15;
	v12 =	vmax.f32 v12, v16  }
0x113: {  	v15 =	vadd.f32 v22, v18;
	v5 =	vmul.f32 $1.250000000e-01, v5;
	v12 =	vmax.f32 v12, v13  }
0x114: {  	v3 =	vadd.f32 v3, v6;
	v4 =	vmul.f32 $1.250000000e-01, v4;
	v6 =	vmax.f32 v12, v14  }
0x115: {  	v12 =	vmul.f32 $1.250000000e-01, v15;
	v6 =	vmax.f32 v6, v5  }
0x116: {  	v3 =	vmul.f32 $1.250000000e-01, v3;
	v6 =	vmax.f32 v6, v4  }
0x117: {  	v6 =	vmax.f32 v6, v12  }
0x118: {  	v6 =	vmax.f32 v6, v3  }
0x119: {  	v7 =	vsub.f32 v7, v6  }
0x11a: {  	v8 =	vsub.f32 v8, v6  }
0x11b: {  	v7 =	vmul.f32 $1.442695020e+00, v7  }
0x11c: {  	v9 =	vsub.f32 v9, v6;
	v8 =	vmul.f32 $1.442695020e+00, v8  }
0x11d: {  	(erf) = vpow2.f32 v7  }
0x11e: {  	v7 =	vmul.f32 $1.442695020e+00, v9;
	(erf) = vpow2.f32 v8;
	v8 =	vsub.f32 v10, v6;
	_ =	sdelay $0x1  }
0x11f: {  	(erf) = vpow2.f32 v7;
	v7 =	vmul.f32 $1.442695020e+00, v8;
	v8 =	vsub.f32 v19, v6;
	_ =	sdelay $0x1  }
0x120: {  	(erf) = vpow2.f32 v7;
	v7 =	vmul.f32 $1.442695020e+00, v8;
	v8 =	vsub.f32 v56, v6;
	_ =	sdelay $0x1  }
0x121: {  	(erf) = vpow2.f32 v7;
	v7 =	vmul.f32 $1.442695020e+00, v8;
	v8 =	vsub.f32 v57, v6;
	_ =	sdelay $0x2  }
0x122: {  	v10 =	vpop (erf);
	(erf) = vpow2.f32 v7;
	v7 =	vmul.f32 $1.442695020e+00, v8  }
0x123: {  	v9 =	vsub.f32 v58, v6;
	v8 =	vpop (erf)  }
0x124: {  	(erf) = vpow2.f32 v7;
	v7 =	vsub.f32 v11, v6;
	v11 =	vadd.f32 v8, v10  }
0x125: {  	v9 =	vmul.f32 $1.442695020e+00, v9;
	v15 =	vpop (erf)  }
0x126: {  	v11 =	vadd.f32 v11, v15  }
0x127: {  	(erf) = vpow2.f32 v9;
	v9 =	vsub.f32 v16, v6;
	v7 =	vmul.f32 $1.442695020e+00, v7  }
0x128: {  	v13 =	vsub.f32 v13, v6;
	v16 =	vpop (erf)  }
0x129: {  	(erf) = vpow2.f32 v7;
	v7 =	vmul.f32 $1.442695020e+00, v9;
	v9 =	vadd.f32 v11, v16  }
0x12a: {  	v13 =	vmul.f32 $1.442695020e+00, v13;
	v11 =	vpop (erf)  }
0x12b: {  	(erf) = vpow2.f32 v7;
	v7 =	vsub.f32 v14, v6;
	v9 =	vadd.f32 v9, v11  }
0x12c: {  	v5 =	vsub.f32 v5, v6;
	v14 =	vpop (erf)  }
0x12d: {  	(erf) = vpow2.f32 v13;
	v7 =	vmul.f32 $1.442695020e+00, v7;
	v9 =	vadd.f32 v9, v14  }
0x12e: {  	v4 =	vsub.f32 v4, v6;
	v13 =	vpop (erf)  }
0x12f: {  	v5 =	vmul.f32 $1.442695020e+00, v5;
	(erf) = vpow2.f32 v7;
	v7 =	vadd.f32 v9, v13  }
0x130: {  	v4 =	vmul.f32 $1.442695020e+00, v4;
	v17 =	vpop (erf)  }
0x131: {  	(erf) = vpow2.f32 v5;
	v5 =	vsub.f32 v12, v6;
	v7 =	vadd.f32 v7, v17  }
0x132: {  	v3 =	vsub.f32 v3, v6;
	v12 =	vpop (erf)  }
0x133: {  	(erf) = vpow2.f32 v4;
	v4 =	vmul.f32 $1.442695020e+00, v5;
	v5 =	vadd.f32 v7, v12  }
0x134: {  	v18 =	vpop (erf)  }
0x135: {  	v3 =	vmul.f32 $1.442695020e+00, v3;
	(erf) = vpow2.f32 v4;
	v4 =	vadd.f32 v5, v18  }
0x136: {  	v19 =	vpop (erf)  }
0x137: {  	(erf) = vpow2.f32 v3;
	v3 =	vadd.f32 v4, v19  }
0x138: {  	v20 =	vpop (erf)  }
0x139: {  	v3 =	vadd.f32 v3, v20  }
0x13a: {  	v59 =	vpop (erf)  }
0x13b: {  	v3 =	vadd.f32 v3, v59  }
0x13c: {  	v60 =	vpop (erf)  }
0x13d: {  	v3 =	vadd.f32 v3, v60  }
0x13e: {  	v61 =	vpop (erf)  }
0x13f: {  	v3 =	vadd.f32 v3, v61  }
0x140: {  	v62 =	vpop (erf)  }
0x141: {  	v3 =	vadd.f32 v3, v62;
	_ =	sdelay $0x1  }
0x142: {  	(erf) = vrcp.f32 v3;
	_ =	sdelay $0x8  }
0x143: {  	v63 =	vpop (erf)  }
0x144: {  	v3 =	vmul.f32 v63, v10;
	v4 =	vmul.f32 v63, v8  }
0x145: {  	v5 =	vmul.f32 v63, v15;
	v6 =	vmul.f32 v63, v16  }
0x146: {  	v7 =	vmul.f32 v63, v11;
	v8 =	vmul.f32 v63, v14  }
0x147: {  	v9 =	vmul.f32 v63, v13;
	v10 =	vmul.f32 v63, v17  }
0x148: {  	v11 =	vmul.f32 v63, v12;
	v12 =	vmul.f32 v63, v18  }
0x149: {  	v13 =	vmul.f32 v63, v19;
	v14 =	vmul.f32 v63, v20  }
0x14a: {  	s31 =	sadd.s32 $0x16000, s15;
	p0 =	por $0x0, $0x0;
	v15 =	vmul.f32 v63, v59;
	v16 =	vmul.f32 v63, v60  }
0x14b: {  	[dreg:$0x5] =	wrdreg s31;
	s1 =	simm.s32 $0x30;
	s5 =	simm.s32 $0x0;
	v17 =	vmul.f32 v63, v61;
	v18 =	vmul.f32 v63, v62  }
.LBB2_6:
0x14c: {  	s2 =	sadd.s32 $0xFFFFFFD0, s1  }
0x14d: {  	s18 =	sand.u32 $0x1C00, s2  }
0x14e: {  	s7 =	sand.u32 $0x40, s5;
	s19 =	sor.u32 $0xA000, s18  }
0x14f: {  	s15 =	sor.u32 $0x10, s7;
	s20 =	sor.u32 s7, s19  }
0x150: {  	s16 =	sor.u32 $0x20, s7;
	s21 =	sor.u32 s15, s19;
	v19 =	vld [tilespmem:s20+$0x0]  }
0x151: {  	s17 =	sor.u32 $0x30, s7;
	s22 =	sor.u32 s16, s19;
	v20 =	vld [tilespmem:s21+$0x0]  }
0x152: {  	s19 =	sor.u32 s17, s19;
	v21 =	vld [tilespmem:s22+$0x0]  }
0x153: {  	v22 =	vld [tilespmem:s19+$0x0]  }
0x154: {  	v23 =	vld [tilespmem:s20+$0x80]  }
0x155: {  	v24 =	vld [tilespmem:s21+$0x80]  }
0x156: {  	v25 =	vld [tilespmem:s22+$0x80]  }
0x157: {  	v26 =	vld [tilespmem:s19+$0x80]  }
0x158: {  	v27 =	vld [tilespmem:s20+$0x100]  }
0x159: {  	v28 =	vld [tilespmem:s21+$0x100]  }
0x15a: {  	v29 =	vld [tilespmem:s22+$0x100]  }
0x15b: {  	s23 =	simm.s32 $0x1;
	v30 =	vld [tilespmem:s19+$0x100]  }
0x15c: {  	s23 =	simm.s32 @!p0 $0x0;
	v31 =	vld [tilespmem:s20+$0x180]  }
0x15d: {  	s23 =	sshll.u32 s23, $0x6;
	v32 =	vld [tilespmem:s21+$0x180]  }
0x15e: {  	s25 =	sadd.s32 s1, s23;
	s23 =	sadd.s32 s2, s23;
	s2 =	sor.u32 s2, s5;
	v33 =	vld [tilespmem:s22+$0x180]  }
0x15f: {  	s21 =	sadd.s32 $0xFFFFFFD0, s25;
	v34 =	vld [tilespmem:s19+$0x180];
	s2 =	sor.u32 $0x380, s2  }
0x160: {  	s22 =	sadd.s32 $0xFFFFFFE0, s25;
	s26 =	sor.u32 $0x200, s21;
	v47 =	vld [tilespmem:s2+$0xA000]  }
0x161: {  	s20 =	sadd.s32 $0xFFFFFFF0, s25;
	s28 =	sor.u32 $0x200, s22;
	v35 =	vld [tilespmem:s26+$0xA000]  }
0x162: {  	s23 =	sadd.s32 $0x30, s23;
	s29 =	sor.u32 $0x200, s20;
	v36 =	vld [tilespmem:s28+$0xA000]  }
0x163: {  	s30 =	sor.u32 $0x200, s23;
	v37 =	vld [tilespmem:s29+$0xA000]  }
0x164: {  	s31 =	sor.u32 $0x280, s21;
	v38 =	vld [tilespmem:s30+$0xA000]  }
0x165: {  	s24 =	sor.u32 $0x280, s22;
	v39 =	vld [tilespmem:s31+$0xA000]  }
0x166: {  	s25 =	sor.u32 $0x280, s20;
	v40 =	vld [tilespmem:s24+$0xA000]  }
0x167: {  	s19 =	sor.u32 $0x380, s22;
	v41 =	vld [tilespmem:s25+$0xA000]  }
0x168: {  	s26 =	sor.u32 $0x280, s23;
	v48 =	vld [tilespmem:s19+$0xA000]  }
0x169: {  	s28 =	sor.u32 $0x300, s21;
	v42 =	vld [tilespmem:s26+$0xA000];
	v19 =	vmul.f32 v19, v3;
	v20 =	vmul.f32 v20, v3  }
0x16a: {  	s29 =	sor.u32 $0x300, s22;
	v43 =	vld [tilespmem:s28+$0xA000];
	v21 =	vmul.f32 v21, v3;
	v22 =	vmul.f32 v22, v3  }
0x16b: {  	s30 =	sor.u32 $0x300, s20;
	v44 =	vld [tilespmem:s29+$0xA000];
	v23 =	vmul.f32 v23, v4;
	v24 =	vmul.f32 v24, v4  }
0x16c: {  	s31 =	sor.u32 $0x300, s23;
	v45 =	vld [tilespmem:s30+$0xA000];
	v25 =	vmul.f32 v25, v4;
	v26 =	vmul.f32 v26, v4  }
0x16d: {  	s20 =	sor.u32 $0x380, s20;
	s22 =	sor.u32 $0xC000, s18;
	v46 =	vld [tilespmem:s31+$0xA000];
	v56 =	vmul.f32 v27, v5;
	v57 =	vmul.f32 v28, v5  }
0x16e: {  	v49 =	vld [tilespmem:s20+$0xA000];
	s24 =	sor.u32 s15, s22;
	v58 =	vmul.f32 v29, v5;
	v59 =	vmul.f32 v30, v5  }
0x16f: {  	s25 =	sor.u32 s16, s22;
	v28 =	vld [tilespmem:s24+$0x0];
	v60 =	vmul.f32 v31, v6;
	v61 =	vmul.f32 v32, v6  }
0x170: {  	s26 =	sor.u32 s17, s22;
	s28 =	sor.u32 $0xC080, s18;
	v30 =	vld [tilespmem:s25+$0x0];
	v62 =	vmul.f32 v33, v6;
	v63 =	vmul.f32 v34, v6  }
0x171: {  	s29 =	sor.u32 s7, s28;
	v27 =	vld [tilespmem:s26+$0x0];
	v19 =	vadd.f32 v23, v19;
	v20 =	vadd.f32 v24, v20;
	v50 =	vmul.f32 v35, v7  }
0x172: {  	s30 =	sor.u32 s15, s28;
	v29 =	vld [tilespmem:s29+$0x0];
	v21 =	vadd.f32 v25, v21;
	v51 =	vmul.f32 v36, v7;
	v52 =	vmul.f32 v37, v7  }
0x173: {  	s21 =	sor.u32 $0x380, s23;
	v32 =	vld [tilespmem:s30+$0x0];
	v22 =	vadd.f32 v26, v22;
	v53 =	vmul.f32 v38, v7;
	v54 =	vmul.f32 v39, v8  }
0x174: {  	s23 =	sor.u32 s7, s22;
	s25 =	sor.u32 $0xC180, s18;
	v24 =	vld [tilespmem:s21+$0xA000];
	v55 =	vmul.f32 v40, v8;
	v19 =	vadd.f32 v56, v19;
	v20 =	vadd.f32 v57, v20  }
0x175: {  	s26 =	sor.u32 s7, s25;
	v26 =	vld [tilespmem:s23+$0x0];
	v21 =	vadd.f32 v58, v21;
	v56 =	vmul.f32 v41, v8;
	v57 =	vmul.f32 v42, v8  }
0x176: {  	s31 =	sor.u32 s16, s28;
	s19 =	sor.u32 s17, s28;
	s28 =	sor.u32 s15, s25;
	v37 =	vld [tilespmem:s26+$0x0];
	v22 =	vadd.f32 v59, v22;
	v58 =	vmul.f32 v43, v9;
	v59 =	vmul.f32 v44, v9  }
0x177: {  	s20 =	sor.u32 $0xC100, s18;
	v40 =	vld [tilespmem:s28+$0x0];
	v44 =	vmul.f32 v49, v10;
	v27 =	vmul.f32 v27, v11  }
0x178: {  	s22 =	sor.u32 s15, s20;
	v34 =	vld [tilespmem:s31+$0x0];
	s24 =	sor.u32 s17, s20;
	s31 =	sor.u32 $0xC200, s18;
	v19 =	vadd.f32 v60, v19;
	v20 =	vadd.f32 v61, v20;
	v60 =	vmul.f32 v45, v9  }
0x179: {  	v31 =	vld [tilespmem:s19+$0x0];
	s21 =	sor.u32 s7, s20;
	s23 =	sor.u32 s16, s20;
	s20 =	sor.u32 s7, s31;
	v21 =	vadd.f32 v62, v21;
	v61 =	vmul.f32 v46, v9;
	v62 =	vmul.f32 v47, v10  }
0x17a: {  	v49 =	vld [tilespmem:s20+$0x0];
	v22 =	vadd.f32 v63, v22;
	v63 =	vmul.f32 v48, v10;
	v48 =	vmul.f32 v28, v11  }
0x17b: {  	s29 =	sor.u32 s16, s25;
	v36 =	vld [tilespmem:s22+$0x0];
	v24 =	vmul.f32 v24, v10;
	v46 =	vmul.f32 v26, v11  }
0x17c: {  	s30 =	sor.u32 s17, s25;
	v45 =	vld [tilespmem:s29+$0x0];
	v37 =	vmul.f32 v37, v14;
	v39 =	vmul.f32 v40, v14;
	v19 =	vadd.f32 v50, v19  }
0x17d: {  	v47 =	vld [tilespmem:s30+$0x0];
	v20 =	vadd.f32 v51, v20;
	v21 =	vadd.f32 v52, v21;
	v50 =	vmul.f32 v30, v11  }
0x17e: {  	v33 =	vld [tilespmem:s21+$0x0];
	v22 =	vadd.f32 v53, v22;
	v52 =	vmul.f32 v29, v12;
	v53 =	vmul.f32 v32, v12  }
0x17f: {  	v35 =	vld [tilespmem:s24+$0x0];
	v43 =	vmul.f32 v49, v15;
	v19 =	vadd.f32 v54, v19;
	v20 =	vadd.f32 v55, v20  }
0x180: {  	v38 =	vld [tilespmem:s23+$0x0];
	s21 =	sor.u32 s15, s31;
	v21 =	vadd.f32 v56, v21;
	v22 =	vadd.f32 v57, v22;
	v55 =	vmul.f32 v34, v12  }
0x181: {  	s22 =	sor.u32 s16, s31;
	v51 =	vld [tilespmem:s21+$0x0];
	v57 =	vmul.f32 v31, v12;
	v41 =	vmul.f32 v45, v14;
	v19 =	vadd.f32 v58, v19  }
0x182: {  	s23 =	sor.u32 s17, s31;
	s30 =	sor.u32 $0xC300, s18;
	v54 =	vld [tilespmem:s22+$0x0];
	v26 =	vmul.f32 v47, v14;
	v20 =	vadd.f32 v59, v20;
	v21 =	vadd.f32 v60, v21  }
0x183: {  	s24 =	sor.u32 $0xC280, s18;
	s31 =	sor.u32 s7, s30;
	v56 =	vld [tilespmem:s23+$0x0];
	v22 =	vadd.f32 v61, v22;
	v59 =	vmul.f32 v33, v13;
	v19 =	vadd.f32 v62, v19  }
0x184: {  	s25 =	sor.u32 s7, s24;
	v40 =	vld [tilespmem:s31+$0x0];
	v60 =	vmul.f32 v36, v13;
	v20 =	vadd.f32 v63, v20;
	v21 =	vadd.f32 v44, v21  }
0x185: {  	s26 =	sor.u32 s15, s24;
	v58 =	vld [tilespmem:s25+$0x0];
	v22 =	vadd.f32 v24, v22;
	v62 =	vmul.f32 v38, v13;
	v19 =	vadd.f32 v46, v19  }
0x186: {  	s20 =	sor.u32 s15, s30;
	s23 =	sor.u32 $0xC380, s18;
	v61 =	vld [tilespmem:s26+$0x0];
	v63 =	vmul.f32 v35, v13;
	v20 =	vadd.f32 v48, v20;
	v21 =	vadd.f32 v50, v21  }
0x187: {  	s28 =	sor.u32 s16, s24;
	s29 =	sor.u32 s17, s24;
	v42 =	vld [tilespmem:s20+$0x0];
	s24 =	sor.u32 s7, s23;
	v44 =	vmul.f32 v51, v15;
	v22 =	vadd.f32 v27, v22;
	v19 =	vadd.f32 v52, v19  }
0x188: {  	v49 =	vld [tilespmem:s24+$0x0];
	v46 =	vmul.f32 v54, v15;
	v48 =	vmul.f32 v56, v15;
	v20 =	vadd.f32 v53, v20  }
0x189: {  	v36 =	vld [tilespmem:s28+$0x0];
	v56 =	vmul.f32 v40, v17;
	v21 =	vadd.f32 v55, v21;
	v19 =	vadd.f32 v59, v19  }
0x18a: {  	s21 =	sor.u32 s16, s30;
	v38 =	vld [tilespmem:s29+$0x0];
	v50 =	vmul.f32 v58, v16;
	v22 =	vadd.f32 v57, v22;
	v20 =	vadd.f32 v60, v20  }
0x18b: {  	s22 =	sor.u32 s17, s30;
	v45 =	vld [tilespmem:s21+$0x0];
	v51 =	vmul.f32 v61, v16;
	v21 =	vadd.f32 v62, v21;
	v19 =	vadd.f32 v37, v19  }
0x18c: {  	v47 =	vld [tilespmem:s22+$0x0];
	s25 =	sor.u32 s15, s23;
	v58 =	vmul.f32 v42, v17;
	v22 =	vadd.f32 v63, v22;
	v20 =	vadd.f32 v39, v20  }
0x18d: {  	s26 =	sor.u32 s16, s23;
	v25 =	vmul.f32 v49, v18;
	v52 =	vld [tilespmem:s25+$0x0];
	v21 =	vadd.f32 v41, v21;
	v19 =	vadd.f32 v43, v19  }
0x18e: {  	s28 =	sor.u32 s17, s23;
	v53 =	vmul.f32 v36, v16;
	v55 =	vld [tilespmem:s26+$0x0];
	v22 =	vadd.f32 v26, v22;
	v20 =	vadd.f32 v44, v20  }
0x18f: {  	v57 =	vld [tilespmem:s28+$0x0];
	v54 =	vmul.f32 v38, v16;
	v21 =	vadd.f32 v46, v21;
	v19 =	vadd.f32 v50, v19  }
0x190: {  	v59 =	vmul.f32 v45, v17;
	v22 =	vadd.f32 v48, v22;
	v20 =	vadd.f32 v51, v20  }
0x191: {  	v60 =	vmul.f32 v47, v17;
	v21 =	vadd.f32 v53, v21;
	v19 =	vadd.f32 v56, v19  }
0x192: {  	s29 =	rddreg [dreg:$0x5];
	v61 =	vmul.f32 v52, v18;
	v22 =	vadd.f32 v54, v22;
	v20 =	vadd.f32 v58, v20  }
0x193: {  	p1 =	sne.s32 s1, $0x1E30;
	s2 =	sadd.s32 s18, s29;
	v62 =	vmul.f32 v55, v18;
	v21 =	vadd.f32 v59, v21;
	v19 =	vadd.f32 v25, v19  }
.Ltmp1:
0x194: {  	s7 =	sadd.s32 s7, s2;
	v63 =	vmul.f32 v57, v18;
	v22 =	vadd.f32 v60, v22;
	v20 =	vadd.f32 v61, v20;
	(pc) =	sbr.rel @p1 .LBB2_6-.Ltmp1, $4  }
0x195: {  	s30 =	sadd.s32 s15, s2;
	v21 =	vadd.f32 v62, v21;
	[tilespmem:s7+$0x0] =	vst v19  }
0x196: {  	s31 =	sadd.s32 s16, s2;
	v19 =	vadd.f32 v63, v22;
	[tilespmem:s30+$0x0] =	vst v20  }
0x197: {  	s2 =	sadd.s32 s17, s2;
	[tilespmem:s31+$0x0] =	vst v21  }
0x198: {  	p0 =	por !p0, !p0;
	s5 =	sadd.s32 $0x40, s5;
	s1 =	sadd.s32 $0x200, s1;
	[tilespmem:s2+$0x0] =	vst v19  }
0x199: {  	s1 =	sshll.u32 s8, $0x1  }
0x19a: {  	s1 =	sor.u32 s0, s1  }
0x19b: {  	s1 =	smin.u32 s1, $0x7D  }
0x19c: {  	s1 =	sshll.u32 s1, $0x7  }
0x19d: {  	v3 =	vld [tilespmem:s1+$0x100];
	_ =	sdelay $0x4  }
0x19e: {  	v4 =	vshll.u32 v3, $0x3  }
0x19f: {  	v3 =	vand.u32 $0x7, v3;
	v4 =	vand.u32 $0xFFFFFFC0, v4  }
0x1a0: {  	v3 =	vor.u32 v3, v4  }
0x1a1: {  	v4 =	vperm.xlane v3, v0;
	_ =	sdelay $0x1  }
0x1a2: {  	v4 =	vadd.s32 v1, v4;
	_ =	sdelay $0x3  }
0x1a3: {  	s7 =	simm.s32 $0x0;
	s2 =	simm.s32 $0x6000  }
0x1a4: {  	[tilespmem:s2], [sflag:$0x1] =	stream.indirect_vreg.gather [hbm4b:s4+s7], $0x80, v4, vm0, $0xb8;
	[tilespmem:$0x18000] =	vst v63  }
0x1a5: {  	s15 =	simm.s32 $0x6800;
	v3 =	vperm.xlane v3, v2  }
0x1a6: {  	[tilespmem:s15], [sflag:$0x1] =	stream.indirect_vreg.gather [hbm4b:s9+s7], $0x80, v4, vm0, $0xb8;
	[tilespmem:$0x18000] =	vst v63  }
0x1a7: {  	s16 =	simm.s32 $0x7000;
	v3 =	vadd.s32 v1, v3  }
0x1a8: {  	[tilespmem:s16], [sflag:$0x1] =	stream.indirect_vreg.gather [hbm4b:s10+s7], $0x80, v4, vm0, $0xb8;
	[tilespmem:$0x18000] =	vst v63  }
0x1a9: {  	s17 =	simm.s32 $0x7800  }
0x1aa: {  	[tilespmem:s17], [sflag:$0x1] =	stream.indirect_vreg.gather [hbm4b:s11+s7], $0x80, v4, vm0, $0xb8;
	[tilespmem:$0x18000] =	vst v63  }
0x1ab: {  	s18 =	simm.s32 $0x8000  }
0x1ac: {  	[tilespmem:s18], [sflag:$0x1] =	stream.indirect_vreg.gather [hbm4b:s4+s7], $0x80, v3, vm0, $0xb8;
	[tilespmem:$0x18000] =	vst v63  }
0x1ad: {  	s19 =	simm.s32 $0x8800  }
0x1ae: {  	[tilespmem:s19], [sflag:$0x1] =	stream.indirect_vreg.gather [hbm4b:s9+s7], $0x80, v3, vm0, $0xb8;
	[tilespmem:$0x18000] =	vst v63  }
0x1af: {  	s20 =	simm.s32 $0x9000  }
0x1b0: {  	[tilespmem:s20], [sflag:$0x1] =	stream.indirect_vreg.gather [hbm4b:s10+s7], $0x80, v3, vm0, $0xb8;
	[tilespmem:$0x18000] =	vst v63  }
0x1b1: {  	s21 =	simm.s32 $0x9800  }
0x1b2: {  	[tilespmem:s21], [sflag:$0x1] =	stream.indirect_vreg.gather [hbm4b:s11+s7], $0x80, v3, vm0, $0xb8;
	[tilespmem:$0x18000] =	vst v63  }
0x1b3: {  	v3 =	vld [tilespmem:s1+$0x100];
	_ =	sdelay $0x4  }
0x1b4: {  	v4 =	vshll.u32 v3, $0x3  }
0x1b5: {  	v3 =	vand.u32 $0x7, v3;
	v4 =	vand.u32 $0xFFFFFFC0, v4  }
0x1b6: {  	v3 =	vor.u32 v3, v4  }
0x1b7: {  	v4 =	vperm.xlane v3, v0;
	_ =	sdelay $0x1  }
0x1b8: {  	v4 =	vadd.s32 v1, v4;
	_ =	sdelay $0x3  }
0x1b9: {  	s22 =	simm.s32 $0xA000  }
0x1ba: {  	[tilespmem:s22], [sflag:$0x2] =	stream.indirect_vreg.gather [hbm4b:s6+s7], $0x80, v4, vm0, $0xb8;
	[tilespmem:$0x18000] =	vst v63  }
0x1bb: {  	s23 =	simm.s32 $0xA800;
	v3 =	vperm.xlane v3, v2  }
0x1bc: {  	[tilespmem:s23], [sflag:$0x2] =	stream.indirect_vreg.gather [hbm4b:s12+s7], $0x80, v4, vm0, $0xb8;
	[tilespmem:$0x18000] =	vst v63  }
0x1bd: {  	s24 =	simm.s32 $0xB000;
	v3 =	vadd.s32 v1, v3  }
0x1be: {  	[tilespmem:s24], [sflag:$0x2] =	stream.indirect_vreg.gather [hbm4b:s13+s7], $0x80, v4, vm0, $0xb8;
	[tilespmem:$0x18000] =	vst v63  }
0x1bf: {  	s25 =	simm.s32 $0xB800  }
0x1c0: {  	[tilespmem:s25], [sflag:$0x2] =	stream.indirect_vreg.gather [hbm4b:s14+s7], $0x80, v4, vm0, $0xb8;
	[tilespmem:$0x18000] =	vst v63  }
0x1c1: {  	s26 =	simm.s32 $0xC000  }
0x1c2: {  	[tilespmem:s26], [sflag:$0x2] =	stream.indirect_vreg.gather [hbm4b:s6+s7], $0x80, v3, vm0, $0xb8;
	[tilespmem:$0x18000] =	vst v63  }
0x1c3: {  	s28 =	simm.s32 $0xC800  }
0x1c4: {  	[tilespmem:s28], [sflag:$0x2] =	stream.indirect_vreg.gather [hbm4b:s12+s7], $0x80, v3, vm0, $0xb8;
	[tilespmem:$0x18000] =	vst v63  }
0x1c5: {  	s29 =	simm.s32 $0xD000  }
0x1c6: {  	[tilespmem:s29], [sflag:$0x2] =	stream.indirect_vreg.gather [hbm4b:s13+s7], $0x80, v3, vm0, $0xb8;
	[tilespmem:$0x18000] =	vst v63  }
0x1c7: {  	s30 =	simm.s32 $0xD800;
	s31 =	simm.s32 $0x3  }
0x1c8: {  	[tilespmem:s30], [sflag:$0x2] =	stream.indirect_vreg.gather [hbm4b:s14+s7], $0x80, v3, vm0, $0xb8;
	[tilespmem:$0x18000] =	vst v63  }
0x1c9: {  	_ =	swait.ge [sflag:s31], $0x4000  }
0x1ca: {  	[sflag:s31] =	ssyncset.done $0x0  }
0x1cb: {  	s5 =	simm.s32 $0x0;
	s2 =	simm.s32 $0x4;
	[sflag:s31] =	ssyncadd.s32 $0xFFFFC000  }
0x1cc: {  	s16 =	sand.u32 $0x40, s7;
	s17 =	sand.u32 $0x1C00, s5;
	_ =	swait.ge [sflag:s2], $0x4000  }
0x1cd: {  	s1 =	sor.u32 s5, s7;
	s5 =	sor.u32 $0x30, s16;
	[sflag:s2] =	ssyncset.done $0x0  }
0x1ce: {  	s1 =	sor.u32 $0x380, s1;
	s25 =	sor.u32 $0xE000, s17;
	[sflag:s2] =	ssyncadd.s32 $0xFFFFC000  }
0x1cf: {  	s15 =	sor.u32 s5, s25;
	v7 =	vld [tilespmem:s1+$0xE000]  }
0x1d0: {  	v4 =	vld [tilespmem:s15+$0x0]  }
0x1d1: {  	v5 =	vld [tilespmem:s15+$0x80]  }
0x1d2: {  	s24 =	sor.u32 $0x10000, s17;
	v8 =	vld [tilespmem:s15+$0x100]  }
0x1d3: {  	s23 =	sor.u32 $0x10100, s17;
	s18 =	sor.u32 s5, s24;
	v9 =	vld [tilespmem:s15+$0x180]  }
0x1d4: {  	s22 =	sor.u32 $0x10180, s17;
	s20 =	sor.u32 s5, s23;
	v10 =	vld [tilespmem:s18+$0x0]  }
0x1d5: {  	s21 =	sor.u32 s5, s22;
	s2 =	sor.u32 $0x10080, s17;
	v12 =	vld [tilespmem:s20+$0x0]  }
0x1d6: {  	s19 =	sor.u32 s5, s2;
	s20 =	sor.u32 $0x10200, s17;
	v14 =	vld [tilespmem:s21+$0x0]  }
0x1d7: {  	s18 =	sor.u32 $0x20, s16;
	v11 =	vld [tilespmem:s19+$0x0];
	s26 =	sor.u32 s5, s20  }
0x1d8: {  	s21 =	sor.u32 s18, s25;
	v15 =	vld [tilespmem:s26+$0x0]  }
0x1d9: {  	v19 =	vld [tilespmem:s21+$0x0]  }
0x1da: {  	v20 =	vld [tilespmem:s21+$0x80]  }
0x1db: {  	v21 =	vld [tilespmem:s21+$0x100]  }
0x1dc: {  	s30 =	sor.u32 s18, s24;
	v22 =	vld [tilespmem:s21+$0x180]  }
0x1dd: {  	s15 =	sshllo.u32 s8, $0x1;
	s19 =	sor.u32 $0x10280, s17;
	s31 =	sor.u32 s18, s2;
	v23 =	vld [tilespmem:s30+$0x0]  }
0x1de: {  	s29 =	sshll.u32 s15, $0x9;
	s28 =	sor.u32 s5, s19;
	v24 =	vld [tilespmem:s31+$0x0]  }
0x1df: {  	s1 =	sshrl.u32 s29, $0x2;
	s29 =	sor.u32 s18, s22;
	v17 =	vld [tilespmem:s28+$0x0]  }
0x1e0: {  	s30 =	sor.u32 s18, s20;
	s26 =	sadd.s32 $0x4000, s1;
	v26 =	vld [tilespmem:s29+$0x0]  }
0x1e1: {  	s21 =	sor.u32 $0x10, s16;
	s28 =	sor.u32 s18, s23;
	v31 =	vld [tilespmem:s30+$0x0];
	[dreg:$0x4] =	wrdreg s26  }
0x1e2: {  	s29 =	sor.u32 s21, s25;
	v25 =	vld [tilespmem:s28+$0x0];
	s26 =	rddreg [dreg:$0x4]  }
0x1e3: {  	v33 =	vld [tilespmem:s29+$0x0];
	s26 =	sadd.s32 s17, s26  }
0x1e4: {  	v34 =	vld [tilespmem:s29+$0x80];
	s31 =	sadd.s32 s5, s26  }
0x1e5: {  	v3 =	vld [tilespmem:s31+$0x0]  }
0x1e6: {  	v35 =	vld [tilespmem:s29+$0x100]  }
0x1e7: {  	s25 =	sor.u32 s16, s25;
	v36 =	vld [tilespmem:s29+$0x180]  }
0x1e8: {  	v37 =	vld [tilespmem:s25+$0x100]  }
0x1e9: {  	v38 =	vld [tilespmem:s25+$0x180];
	s30 =	sadd.s32 s18, s26  }
0x1ea: {  	s28 =	sor.u32 s18, s19;
	v6 =	vld [tilespmem:s30+$0x0];
	v41 =	vmul.f32 v4, v3;
	v42 =	vmul.f32 v5, v3  }
0x1eb: {  	v32 =	vld [tilespmem:s28+$0x0];
	s31 =	sor.u32 s21, s24;
	v43 =	vmul.f32 v8, v3;
	v44 =	vmul.f32 v9, v3  }
0x1ec: {  	s29 =	sor.u32 s21, s2;
	v8 =	vld [tilespmem:s31+$0x0];
	v16 =	vmul.f32 v10, v3;
	v18 =	vmul.f32 v11, v3  }
0x1ed: {  	v9 =	vld [tilespmem:s29+$0x0];
	v13 =	vmul.f32 v12, v3;
	v14 =	vmul.f32 v14, v3  }
0x1ee: {  	p0 =	por $0x0, $0x0;
	s28 =	simm.s32 $0x1;
	s30 =	sadd.s32 s21, s26;
	v11 =	vld [tilespmem:s25+$0x0];
	v5 =	vmul.f32 v15, v3;
	v4 =	vmul.f32 v17, v3  }
0x1ef: {  	s28 =	simm.s32 @!p0 $0x0;
	v10 =	vld [tilespmem:s30+$0x0];
	v19 =	vmul.f32 v19, v6;
	v20 =	vmul.f32 v20, v6  }
0x1f0: {  	s28 =	sshll.u32 s28, $0x6;
	s26 =	sadd.s32 s16, s26;
	v12 =	vld [tilespmem:s25+$0x80];
	v21 =	vmul.f32 v21, v6;
	v22 =	vmul.f32 v22, v6  }
0x1f1: {  	s2 =	sor.u32 s16, s2;
	v27 =	vmul.f32 v23, v6;
	v28 =	vmul.f32 v24, v6;
	s31 =	sadd.s32 $0x0, s28;
	v23 =	vld [tilespmem:s26+$0x0]  }
0x1f2: {  	s29 =	sor.u32 s16, s24;
	v29 =	vmul.f32 v25, v6;
	v17 =	vmul.f32 v31, v6;
	v31 =	vld [tilespmem:s2+$0x0];
	s24 =	sadd.s32 $0x30, s31  }
0x1f3: {  	v30 =	vmul.f32 v26, v6;
	v15 =	vmul.f32 v32, v6;
	s25 =	sadd.s32 $0x30, s28;
	v24 =	vld [tilespmem:s29+$0x0];
	s30 =	sor.u32 $0x200, s24  }
0x1f4: {  	s26 =	sadd.s32 $0xFFFFFFE0, s25;
	s31 =	sor.u32 $0x280, s24;
	v53 =	vld [tilespmem:s30+$0xE000];
	v25 =	vmul.f32 v33, v10;
	v26 =	vmul.f32 v34, v10  }
0x1f5: {  	s2 =	sadd.s32 $0xFFFFFFF0, s25;
	s28 =	sor.u32 $0x300, s26;
	v40 =	vld [tilespmem:s31+$0xE000];
	v63 =	vmul.f32 v35, v10;
	v52 =	vmul.f32 v36, v10  }
0x1f6: {  	s30 =	sor.u32 $0x280, s2;
	v56 =	vld [tilespmem:s28+$0xE000];
	v35 =	vmul.f32 v8, v10;
	v36 =	vmul.f32 v9, v10  }
0x1f7: {  	s29 =	sor.u32 $0x200, s2;
	v47 =	vld [tilespmem:s30+$0xE000];
	v8 =	vmul.f32 v11, v23;
	v9 =	vmul.f32 v12, v23  }
0x1f8: {  	s25 =	sadd.s32 $0xFFFFFFD0, s25;
	s31 =	sor.u32 $0x200, s26;
	v11 =	vld [tilespmem:s29+$0xE000];
	v45 =	vmul.f32 v37, v23;
	v46 =	vmul.f32 v38, v23  }
0x1f9: {  	v48 =	vld [tilespmem:s31+$0xE000];
	s30 =	sor.u32 $0x280, s25;
	v12 =	vimm.f32 $0.0e+00;
	v49 =	vmul.f32 v7, v23;
	v38 =	vmul.f32 v31, v23  }
0x1fa: {  	s29 =	sor.u32 $0x200, s25;
	s25 =	sor.u32 $0x300, s25;
	v37 =	vmul.f32 v24, v23;
	v24 =	vld [tilespmem:s30+$0xE000];
	v7 =	vadd.f32 v8, v12;
	v8 =	vadd.f32 v9, v12  }
0x1fb: {  	v55 =	vld [tilespmem:s25+$0xE000];
	v31 =	vadd.f32 v45, v12;
	v54 =	vadd.f32 v46, v12;
	v39 =	vmul.f32 v53, v3  }
0x1fc: {  	s25 =	sor.u32 $0x380, s24;
	v9 =	vld [tilespmem:s29+$0xE000];
	v40 =	vmul.f32 v40, v3;
	v7 =	vadd.f32 v25, v7;
	v8 =	vadd.f32 v26, v8  }
0x1fd: {  	s31 =	sor.u32 $0x280, s26;
	v61 =	vld [tilespmem:s25+$0xE000];
	v26 =	vmul.f32 v11, v6;
	v11 =	vadd.f32 v63, v31;
	v31 =	vadd.f32 v52, v54  }
0x1fe: {  	s29 =	sor.u32 $0x380, s26;
	v25 =	vld [tilespmem:s31+$0xE000];
	v57 =	vmul.f32 v47, v6;
	v63 =	vadd.f32 v49, v12;
	v7 =	vadd.f32 v19, v7  }
0x1ff: {  	s31 =	sor.u32 $0x300, s24;
	v8 =	vadd.f32 v20, v8;
	v19 =	vmul.f32 v48, v10;
	v20 =	vld [tilespmem:s29+$0xE000];
	v24 =	vmul.f32 v24, v23  }
0x200: {  	s30 =	sor.u32 $0x300, s2;
	s2 =	sor.u32 $0x380, s2;
	v60 =	vld [tilespmem:s31+$0xE000];
	v59 =	vmul.f32 v55, v23;
	v11 =	vadd.f32 v21, v11;
	v21 =	vadd.f32 v22, v31  }
0x201: {  	v58 =	vld [tilespmem:s2+$0xE000];
	v31 =	vmul.f32 v9, v23;
	v7 =	vadd.f32 v41, v7;
	v8 =	vadd.f32 v42, v8  }
0x202: {  	v22 =	vld [tilespmem:s30+$0xE000];
	v47 =	vmul.f32 v61, v3;
	v24 =	vadd.f32 v24, v12;
	v9 =	vadd.f32 v43, v11  }
0x203: {  	v25 =	vmul.f32 v25, v10;
	v11 =	vadd.f32 v44, v21;
	v21 =	vadd.f32 v31, v12  }
0x204: {  	v62 =	vadd.f32 v59, v12;
	v31 =	vmul.f32 v56, v10;
	v20 =	vmul.f32 v20, v10  }
0x205: {  	s26 =	sor.u32 s16, s23;
	v34 =	vmul.f32 v60, v3;
	v19 =	vadd.f32 v19, v21;
	v21 =	vadd.f32 v25, v24  }
0x206: {  	v33 =	vld [tilespmem:s26+$0x0];
	s30 =	sor.u32 s21, s22;
	v24 =	vadd.f32 v31, v62;
	v25 =	vmul.f32 v58, v6;
	v20 =	vadd.f32 v20, v63  }
0x207: {  	s31 =	sor.u32 s21, s20;
	v42 =	vld [tilespmem:s30+$0x0];
	v22 =	vmul.f32 v22, v6;
	v31 =	vadd.f32 v26, v19;
	v32 =	vadd.f32 v57, v21  }
0x208: {  	s28 =	sor.u32 s16, s22;
	v41 =	vld [tilespmem:s31+$0x0];
	v26 =	vimm.f32 $0.0e+00;
	v19 =	vimm.f32 $0.0e+00;
	v21 =	vimm.f32 $0.0e+00  }
0x209: {  	s29 =	sor.u32 s21, s23;
	v44 =	vld [tilespmem:s28+$0x0];
	v45 =	vadd.f32 v22, v24;
	v24 =	vimm.f32 $0.0e+00;
	v22 =	vimm.f32 $0.0e+00  }
0x20a: {  	s2 =	sor.u32 s21, s19;
	s22 =	simm.s32 $0x230;
	v43 =	vld [tilespmem:s29+$0x0];
	v46 =	vadd.f32 v25, v20;
	v25 =	vimm.f32 $0.0e+00;
	v20 =	vimm.f32 $0.0e+00  }
.LBB2_8:
0x20b: {  	s20 =	sor.u32 s16, s20  }
0x20c: {  	v52 =	vld [tilespmem:s20+$0x0]  }
0x20d: {  	v51 =	vld [tilespmem:s2+$0x0];
	s28 =	sor.u32 s16, s19;
	s29 =	sor.u32 $0x10300, s17;
	v12 =	vadd.f32 v37, v12;
	v26 =	vadd.f32 v38, v26  }
0x20e: {  	s31 =	sor.u32 $0x10380, s17;
	v54 =	vld [tilespmem:s28+$0x0];
	s30 =	sor.u32 s16, s29;
	v50 =	vmul.f32 v33, v23;
	v44 =	vmul.f32 v44, v23  }
0x20f: {  	s17 =	sor.u32 s16, s31;
	v56 =	vld [tilespmem:s30+$0x0];
	v12 =	vadd.f32 v35, v12;
	v26 =	vadd.f32 v36, v26;
	v53 =	vmul.f32 v43, v10  }
0x210: {  	s23 =	sor.u32 s21, s29;
	v58 =	vld [tilespmem:s17+$0x0];
	v55 =	vmul.f32 v42, v10;
	v24 =	vadd.f32 v50, v24;
	v25 =	vadd.f32 v44, v25  }
0x211: {  	s24 =	sor.u32 s21, s31;
	v60 =	vld [tilespmem:s23+$0x0];
	v12 =	vadd.f32 v27, v12;
	v26 =	vadd.f32 v28, v26;
	v27 =	vmul.f32 v52, v23  }
0x212: {  	s26 =	sor.u32 s18, s31;
	v28 =	vld [tilespmem:s24+$0x0];
	v24 =	vadd.f32 v53, v24;
	v25 =	vadd.f32 v55, v25  }
0x213: {  	s7 =	sadd.s32 $0x40, s7;
	s25 =	sor.u32 s18, s29;
	v26 =	vadd.f32 v18, v26;
	v18 =	vld [tilespmem:s26+$0x0];
	v19 =	vadd.f32 v27, v19  }
0x214: {  	s16 =	sand.u32 $0x40, s7;
	s30 =	sor.u32 s5, s31;
	v57 =	vmul.f32 v41, v10;
	v24 =	vadd.f32 v29, v24;
	v25 =	vadd.f32 v30, v25;
	v30 =	vld [tilespmem:s25+$0x0];
	s25 =	sadd.s32 $0xFFFFFFD0, s22  }
0x215: {  	s28 =	sor.u32 s5, s29;
	v59 =	vmul.f32 v51, v10;
	v12 =	vadd.f32 v16, v12;
	v27 =	vld [tilespmem:s30+$0x0];
	v29 =	vmul.f32 v54, v23;
	s17 =	sand.u32 $0x1C00, s25;
	s29 =	sor.u32 s25, s7  }
0x216: {  	s5 =	sor.u32 $0x30, s16;
	v16 =	vmul.f32 v56, v23;
	v19 =	vadd.f32 v57, v19;
	v24 =	vadd.f32 v13, v24;
	v13 =	vld [tilespmem:s28+$0x0];
	s28 =	sor.u32 $0xE000, s17;
	s2 =	sor.u32 $0x380, s29  }
0x217: {  	v25 =	vadd.f32 v14, v25;
	v14 =	vmul.f32 v58, v23;
	v22 =	vadd.f32 v29, v22;
	s31 =	sor.u32 s5, s28;
	v37 =	vld [tilespmem:s2+$0xE000]  }
0x218: {  	v23 =	vmul.f32 v60, v10;
	v10 =	vmul.f32 v28, v10;
	v17 =	vadd.f32 v17, v19;
	s24 =	sor.u32 $0x10100, s17;
	v28 =	vld [tilespmem:s31+$0x0]  }
0x219: {  	v16 =	vadd.f32 v16, v20;
	s21 =	sor.u32 s5, s24;
	v14 =	vadd.f32 v14, v21;
	v29 =	vld [tilespmem:s31+$0x80]  }
0x21a: {  	v20 =	vadd.f32 v59, v22;
	v19 =	vadd.f32 v5, v17;
	v5 =	vld [tilespmem:s21+$0x0]  }
0x21b: {  	s26 =	sor.u32 $0x10000, s17;
	v21 =	vmul.f32 v30, v6;
	v6 =	vmul.f32 v18, v6;
	v18 =	vld [tilespmem:s31+$0x180];
	v10 =	vadd.f32 v10, v14  }
0x21c: {  	s19 =	sor.u32 s5, s26;
	s2 =	sor.u32 $0x10080, s17;
	v14 =	vld [tilespmem:s31+$0x100];
	v15 =	vadd.f32 v15, v20  }
0x21d: {  	s23 =	sor.u32 $0x10180, s17;
	s20 =	sor.u32 s5, s2;
	v6 =	vadd.f32 v6, v10;
	v10 =	vld [tilespmem:s19+$0x0]  }
0x21e: {  	s18 =	sor.u32 $0x20, s16;
	s29 =	sor.u32 s5, s23;
	v22 =	vadd.f32 v4, v15;
	v4 =	vld [tilespmem:s20+$0x0]  }
0x21f: {  	v15 =	vld [tilespmem:s29+$0x0];
	s29 =	sor.u32 s18, s28  }
0x220: {  	v13 =	vmul.f32 v13, v3;
	v3 =	vmul.f32 v27, v3;
	v27 =	vld [tilespmem:s29+$0x0]  }
0x221: {  	v30 =	vld [tilespmem:s29+$0x80]  }
0x222: {  	s20 =	sor.u32 $0x10200, s17;
	v61 =	vld [tilespmem:s29+$0x100]  }
0x223: {  	s19 =	sor.u32 $0x10280, s17;
	s30 =	sor.u32 s5, s20;
	v62 =	vld [tilespmem:s29+$0x180]  }
0x224: {  	s31 =	sor.u32 s5, s19;
	v17 =	vld [tilespmem:s30+$0x0]  }
0x225: {  	v16 =	vadd.f32 v23, v16;
	v23 =	vld [tilespmem:s31+$0x0];
	s30 =	sor.u32 s18, s26  }
0x226: {  	s31 =	sor.u32 s18, s2;
	v38 =	vld [tilespmem:s30+$0x0]  }
0x227: {  	v31 =	vadd.f32 v39, v31;
	v39 =	vld [tilespmem:s31+$0x0];
	s30 =	sor.u32 s18, s24  }
0x228: {  	v32 =	vadd.f32 v40, v32;
	s29 =	rddreg [dreg:$0x4];
	s31 =	sor.u32 s18, s23;
	v40 =	vld [tilespmem:s30+$0x0]  }
0x229: {  	s29 =	sadd.s32 s17, s29;
	v43 =	vld [tilespmem:s31+$0x0];
	s30 =	sor.u32 s18, s20  }
0x22a: {  	s31 =	sadd.s32 s5, s29;
	v44 =	vld [tilespmem:s30+$0x0]  }
0x22b: {  	v16 =	vadd.f32 v21, v16;
	v21 =	vadd.f32 v3, v6;
	s30 =	sor.u32 s18, s19;
	v3 =	vld [tilespmem:s31+$0x0]  }
0x22c: {  	v33 =	vadd.f32 v34, v45;
	s21 =	sor.u32 $0x10, s16;
	s31 =	sadd.s32 s18, s29;
	v45 =	vld [tilespmem:s30+$0x0]  }
0x22d: {  	s30 =	sor.u32 s21, s28;
	v6 =	vld [tilespmem:s31+$0x0]  }
0x22e: {  	v34 =	vadd.f32 v47, v46;
	v46 =	vld [tilespmem:s30+$0x0]  }
0x22f: {  	v47 =	vld [tilespmem:s30+$0x80]  }
0x230: {  	v48 =	vld [tilespmem:s30+$0x100]  }
0x231: {  	s31 =	sor.u32 s21, s26;
	v49 =	vld [tilespmem:s30+$0x180];
	v50 =	vmul.f32 v28, v3  }
0x232: {  	s28 =	sor.u32 s16, s28;
	v52 =	vld [tilespmem:s31+$0x0];
	v51 =	vmul.f32 v29, v3;
	v41 =	vmul.f32 v14, v3  }
0x233: {  	v20 =	vadd.f32 v13, v16;
	v54 =	vld [tilespmem:s28+$0x0];
	v42 =	vmul.f32 v18, v3;
	v16 =	vmul.f32 v10, v3  }
0x234: {  	s31 =	sor.u32 s21, s2;
	v55 =	vld [tilespmem:s28+$0x80];
	v18 =	vmul.f32 v4, v3;
	v13 =	vmul.f32 v5, v3  }
0x235: {  	v53 =	vld [tilespmem:s31+$0x0];
	s31 =	sadd.s32 s21, s29;
	v14 =	vmul.f32 v15, v3;
	v5 =	vmul.f32 v17, v3  }
0x236: {  	p0 =	por !p0, !p0;
	s30 =	simm.s32 $0x1;
	v4 =	vmul.f32 v23, v3;
	v10 =	vld [tilespmem:s31+$0x0];
	v56 =	vmul.f32 v27, v6  }
0x237: {  	v58 =	vld [tilespmem:s28+$0x100];
	s30 =	simm.s32 @!p0 $0x0;
	s29 =	sadd.s32 s16, s29;
	v57 =	vmul.f32 v30, v6;
	v59 =	vmul.f32 v61, v6  }
0x238: {  	s30 =	sshll.u32 s30, $0x6;
	v23 =	vld [tilespmem:s29+$0x0];
	v60 =	vmul.f32 v62, v6;
	v27 =	vmul.f32 v38, v6  }
0x239: {  	s26 =	sor.u32 s16, s26;
	s25 =	sadd.s32 s25, s30;
	v61 =	vld [tilespmem:s28+$0x180];
	v28 =	vmul.f32 v39, v6;
	v29 =	vmul.f32 v40, v6  }
0x23a: {  	s2 =	sor.u32 s16, s2;
	v30 =	vmul.f32 v43, v6;
	s25 =	sadd.s32 $0x30, s25;
	v38 =	vld [tilespmem:s26+$0x0];
	v17 =	vmul.f32 v44, v6  }
0x23b: {  	v15 =	vmul.f32 v45, v6;
	s26 =	sadd.s32 s22, s30;
	v40 =	vld [tilespmem:s2+$0x0];
	s30 =	sor.u32 $0x200, s25;
	v43 =	vmul.f32 v46, v10  }
0x23c: {  	s2 =	sadd.s32 $0xFFFFFFF0, s26;
	s31 =	sor.u32 $0x280, s25;
	v39 =	vld [tilespmem:s30+$0xE000];
	v44 =	vmul.f32 v47, v10;
	v45 =	vmul.f32 v48, v10  }
0x23d: {  	s30 =	sor.u32 $0x200, s2;
	v46 =	vmul.f32 v49, v10;
	v47 =	vld [tilespmem:s31+$0xE000];
	v35 =	vmul.f32 v52, v10  }
0x23e: {  	s28 =	sadd.s32 $0xFFFFFFE0, s26;
	s29 =	sor.u32 $0x280, s2;
	v36 =	vmul.f32 v53, v10;
	v48 =	vmul.f32 v54, v23;
	v52 =	vld [tilespmem:s30+$0xE000]  }
0x23f: {  	v49 =	vmul.f32 v55, v23;
	v53 =	vmul.f32 v58, v23;
	s31 =	sor.u32 $0x200, s28;
	v55 =	vld [tilespmem:s29+$0xE000]  }
0x240: {  	s26 =	sadd.s32 $0xFFFFFFD0, s26;
	s29 =	sor.u32 $0x280, s28;
	v54 =	vmul.f32 v61, v23;
	v58 =	vld [tilespmem:s31+$0xE000];
	v61 =	vmul.f32 v37, v23  }
0x241: {  	v37 =	vmul.f32 v38, v23;
	s31 =	sor.u32 $0x200, s26;
	v62 =	vld [tilespmem:s29+$0xE000];
	v7 =	vadd.f32 v48, v7;
	v8 =	vadd.f32 v49, v8  }
0x242: {  	s30 =	sor.u32 $0x280, s26;
	v38 =	vmul.f32 v40, v23;
	v63 =	vld [tilespmem:s31+$0xE000];
	v9 =	vadd.f32 v53, v9;
	v11 =	vadd.f32 v54, v11  }
0x243: {  	s26 =	sor.u32 $0x300, s26;
	v49 =	vld [tilespmem:s30+$0xE000];
	v39 =	vmul.f32 v39, v3;
	v34 =	vadd.f32 v61, v34;
	v7 =	vadd.f32 v43, v7  }
0x244: {  	s31 =	sor.u32 $0x300, s28;
	v8 =	vadd.f32 v44, v8;
	v43 =	vld [tilespmem:s26+$0xE000];
	v9 =	vadd.f32 v45, v9;
	v40 =	vmul.f32 v47, v3  }
0x245: {  	s29 =	sor.u32 $0x380, s28;
	v45 =	vld [tilespmem:s31+$0xE000];
	v47 =	vmul.f32 v52, v6;
	v11 =	vadd.f32 v46, v11;
	v44 =	vmul.f32 v58, v10  }
0x246: {  	s30 =	sor.u32 $0x300, s2;
	s2 =	sor.u32 $0x380, s2;
	v7 =	vadd.f32 v56, v7;
	v8 =	vadd.f32 v57, v8;
	v46 =	vmul.f32 v62, v10;
	v62 =	vld [tilespmem:s29+$0xE000]  }
0x247: {  	v9 =	vadd.f32 v59, v9;
	v56 =	vld [tilespmem:s2+$0xE000];
	v11 =	vadd.f32 v60, v11;
	v48 =	vmul.f32 v63, v23  }
0x248: {  	s31 =	sor.u32 $0x300, s25;
	v63 =	vld [tilespmem:s30+$0xE000];
	v49 =	vmul.f32 v49, v23;
	v7 =	vadd.f32 v50, v7;
	v8 =	vadd.f32 v51, v8  }
0x249: {  	s26 =	sor.u32 $0x380, s25;
	v58 =	vld [tilespmem:s31+$0xE000];
	v9 =	vadd.f32 v41, v9;
	v11 =	vadd.f32 v42, v11;
	v57 =	vmul.f32 v43, v23  }
0x24a: {  	p1 =	sne.s32 s22, $0x1E30;
	s28 =	sor.u32 s16, s24;
	s24 =	sor.u32 s21, s24;
	v52 =	vmul.f32 v55, v6;
	v60 =	vld [tilespmem:s26+$0xE000];
	v31 =	vadd.f32 v48, v31;
	v32 =	vadd.f32 v49, v32  }
.Ltmp2:
0x24b: {  	s30 =	sor.u32 s21, s23;
	v59 =	vmul.f32 v45, v10;
	v43 =	vld [tilespmem:s24+$0x0];
	v41 =	vadd.f32 v57, v33;
	v61 =	vmul.f32 v62, v10;
	(pc) =	sbr.rel @p1 .LBB2_8-.Ltmp2, $4  }
0x24c: {  	v42 =	vld [tilespmem:s30+$0x0];
	v31 =	vadd.f32 v44, v31;
	v32 =	vadd.f32 v46, v32;
	v50 =	vmul.f32 v56, v6  }
0x24d: {  	s29 =	sor.u32 s16, s23;
	v33 =	vld [tilespmem:s28+$0x0];
	v62 =	vmul.f32 v63, v6;
	v41 =	vadd.f32 v59, v41;
	v63 =	vadd.f32 v61, v34  }
0x24e: {  	s31 =	sor.u32 s21, s20;
	v44 =	vld [tilespmem:s29+$0x0];
	v31 =	vadd.f32 v47, v31;
	v32 =	vadd.f32 v52, v32;
	v34 =	vmul.f32 v58, v3  }
0x24f: {  	s22 =	sadd.s32 $0x200, s22;
	s2 =	sor.u32 s21, s19;
	v47 =	vmul.f32 v60, v3;
	v45 =	vadd.f32 v62, v41;
	v46 =	vadd.f32 v50, v63;
	v41 =	vld [tilespmem:s31+$0x0]  }
0x250: {  	s7 =	sor.u32 s16, s20;
	v57 =	vld [tilespmem:s2+$0x0]  }
0x251: {  	v31 =	vadd.f32 v39, v31;
	v32 =	vadd.f32 v40, v32;
	s19 =	sor.u32 s16, s19;
	s20 =	sor.u32 $0x10300, s17;
	v58 =	vld [tilespmem:s7+$0x0]  }
0x252: {  	v12 =	vadd.f32 v37, v12;
	v59 =	vmul.f32 v43, v10;
	s23 =	sor.u32 $0x10380, s17;
	v7 =	vmul.f32 $1.250000000e-01, v7;
	v60 =	vld [tilespmem:s19+$0x0];
	s22 =	sor.u32 s16, s20  }
0x253: {  	v26 =	vadd.f32 v38, v26;
	v8 =	vmul.f32 $1.250000000e-01, v8;
	v9 =	vmul.f32 $1.250000000e-01, v9;
	s24 =	sor.u32 s16, s23;
	v62 =	vld [tilespmem:s22+$0x0]  }
0x254: {  	v11 =	vmul.f32 $1.250000000e-01, v11;
	v34 =	vadd.f32 v34, v45;
	v40 =	vadd.f32 v47, v46;
	s26 =	sor.u32 s21, s23;
	v63 =	vld [tilespmem:s24+$0x0]  }
0x255: {  	v61 =	vmul.f32 v42, v10;
	s28 =	sor.u32 s18, s20;
	v33 =	vmul.f32 v33, v23;
	v12 =	vadd.f32 v35, v12;
	v46 =	vld [tilespmem:s26+$0x0]  }
0x256: {  	s29 =	sor.u32 s18, s23;
	v26 =	vadd.f32 v36, v26;
	v48 =	vld [tilespmem:s28+$0x0];
	v56 =	vmul.f32 $1.250000000e-01, v32;
	v44 =	vmul.f32 v44, v23  }
0x257: {  	s30 =	sor.u32 s5, s20;
	v51 =	vld [tilespmem:s29+$0x0];
	v24 =	vadd.f32 v33, v24;
	v43 =	vmul.f32 v41, v10;
	v12 =	vadd.f32 v27, v12  }
0x258: {  	s25 =	sor.u32 s21, s20;
	v54 =	vld [tilespmem:s30+$0x0];
	v26 =	vadd.f32 v28, v26;
	v25 =	vadd.f32 v44, v25;
	v50 =	vmul.f32 v57, v10  }
0x259: {  	s31 =	sor.u32 s5, s23;
	v44 =	vld [tilespmem:s25+$0x0];
	v57 =	vmul.f32 $1.250000000e-01, v34;
	v24 =	vadd.f32 v59, v24;
	v45 =	vmul.f32 v58, v23  }
0x25a: {  	v55 =	vld [tilespmem:s31+$0x0];
	v47 =	vmul.f32 v60, v23;
	v12 =	vadd.f32 v16, v12;
	v58 =	vmul.f32 $1.250000000e-01, v40  }
0x25b: {  	v16 =	vadd.f32 v18, v26;
	v18 =	vmul.f32 v62, v23;
	v49 =	vmul.f32 v63, v23  }
0x25c: {  	v25 =	vadd.f32 v61, v25;
	v53 =	vmul.f32 v48, v6;
	v6 =	vmul.f32 v51, v6  }
0x25d: {  	v23 =	vmul.f32 v54, v3;
	v19 =	vadd.f32 v45, v19;
	v18 =	vadd.f32 v18, v20  }
0x25e: {  	v20 =	vadd.f32 v49, v21;
	v52 =	vmul.f32 v44, v10;
	v10 =	vmul.f32 v46, v10  }
0x25f: {  	v3 =	vmul.f32 v55, v3;
	v24 =	vadd.f32 v29, v24;
	v19 =	vadd.f32 v43, v19  }
0x260: {  	v22 =	vadd.f32 v47, v22;
	v10 =	vadd.f32 v10, v20;
	v20 =	vmax.f32 v7, v8  }
0x261: {  	v17 =	vadd.f32 v17, v19;
	v19 =	vmul.f32 $1.250000000e-01, v31;
	v20 =	vmax.f32 v20, v9  }
0x262: {  	v16 =	vmul.f32 $1.250000000e-01, v16;
	v25 =	vadd.f32 v30, v25;
	v20 =	vmax.f32 v20, v11  }
0x263: {  	v13 =	vadd.f32 v13, v24;
	v22 =	vadd.f32 v50, v22;
	v20 =	vmax.f32 v20, v19  }
0x264: {  	v14 =	vadd.f32 v14, v25;
	v18 =	vadd.f32 v52, v18;
	v20 =	vmax.f32 v20, v56  }
0x265: {  	v6 =	vadd.f32 v6, v10;
	v10 =	vmul.f32 $1.250000000e-01, v12;
	v12 =	vmax.f32 v20, v57  }
0x266: {  	v15 =	vadd.f32 v15, v22;
	v13 =	vmul.f32 $1.250000000e-01, v13;
	v12 =	vmax.f32 v12, v58  }
0x267: {  	v18 =	vadd.f32 v53, v18;
	v5 =	vadd.f32 v5, v17;
	v12 =	vmax.f32 v12, v10  }
0x268: {  	v14 =	vmul.f32 $1.250000000e-01, v14;
	v4 =	vadd.f32 v4, v15;
	v12 =	vmax.f32 v12, v16  }
0x269: {  	v15 =	vadd.f32 v23, v18;
	v5 =	vmul.f32 $1.250000000e-01, v5;
	v12 =	vmax.f32 v12, v13  }
0x26a: {  	v3 =	vadd.f32 v3, v6;
	v4 =	vmul.f32 $1.250000000e-01, v4;
	v6 =	vmax.f32 v12, v14  }
0x26b: {  	v12 =	vmul.f32 $1.250000000e-01, v15;
	v6 =	vmax.f32 v6, v5  }
0x26c: {  	v3 =	vmul.f32 $1.250000000e-01, v3;
	v6 =	vmax.f32 v6, v4  }
0x26d: {  	v6 =	vmax.f32 v6, v12  }
0x26e: {  	v6 =	vmax.f32 v6, v3  }
0x26f: {  	v7 =	vsub.f32 v7, v6  }
0x270: {  	v8 =	vsub.f32 v8, v6  }
0x271: {  	v7 =	vmul.f32 $1.442695020e+00, v7  }
0x272: {  	v9 =	vsub.f32 v9, v6;
	v8 =	vmul.f32 $1.442695020e+00, v8  }
0x273: {  	(erf) = vpow2.f32 v7  }
0x274: {  	v7 =	vmul.f32 $1.442695020e+00, v9;
	(erf) = vpow2.f32 v8;
	v8 =	vsub.f32 v11, v6;
	_ =	sdelay $0x1  }
0x275: {  	(erf) = vpow2.f32 v7;
	v7 =	vmul.f32 $1.442695020e+00, v8;
	v8 =	vsub.f32 v19, v6;
	_ =	sdelay $0x1  }
0x276: {  	(erf) = vpow2.f32 v7;
	v7 =	vmul.f32 $1.442695020e+00, v8;
	v8 =	vsub.f32 v56, v6;
	_ =	sdelay $0x1  }
0x277: {  	(erf) = vpow2.f32 v7;
	v7 =	vmul.f32 $1.442695020e+00, v8;
	v8 =	vsub.f32 v57, v6;
	_ =	sdelay $0x2  }
0x278: {  	v11 =	vpop (erf);
	(erf) = vpow2.f32 v7;
	v7 =	vmul.f32 $1.442695020e+00, v8  }
0x279: {  	v9 =	vsub.f32 v58, v6;
	v8 =	vpop (erf)  }
0x27a: {  	(erf) = vpow2.f32 v7;
	v7 =	vsub.f32 v10, v6;
	v10 =	vadd.f32 v8, v11  }
0x27b: {  	v9 =	vmul.f32 $1.442695020e+00, v9;
	v15 =	vpop (erf)  }
0x27c: {  	v10 =	vadd.f32 v10, v15  }
0x27d: {  	(erf) = vpow2.f32 v9;
	v9 =	vsub.f32 v16, v6;
	v7 =	vmul.f32 $1.442695020e+00, v7  }
0x27e: {  	v13 =	vsub.f32 v13, v6;
	v16 =	vpop (erf)  }
0x27f: {  	(erf) = vpow2.f32 v7;
	v7 =	vmul.f32 $1.442695020e+00, v9;
	v9 =	vadd.f32 v10, v16  }
0x280: {  	v13 =	vmul.f32 $1.442695020e+00, v13;
	v10 =	vpop (erf)  }
0x281: {  	(erf) = vpow2.f32 v7;
	v7 =	vsub.f32 v14, v6;
	v9 =	vadd.f32 v9, v10  }
0x282: {  	v5 =	vsub.f32 v5, v6;
	v14 =	vpop (erf)  }
0x283: {  	(erf) = vpow2.f32 v13;
	v7 =	vmul.f32 $1.442695020e+00, v7;
	v9 =	vadd.f32 v9, v14  }
0x284: {  	v4 =	vsub.f32 v4, v6;
	v13 =	vpop (erf)  }
0x285: {  	v5 =	vmul.f32 $1.442695020e+00, v5;
	(erf) = vpow2.f32 v7;
	v7 =	vadd.f32 v9, v13  }
0x286: {  	v4 =	vmul.f32 $1.442695020e+00, v4;
	v17 =	vpop (erf)  }
0x287: {  	(erf) = vpow2.f32 v5;
	v5 =	vsub.f32 v12, v6;
	v7 =	vadd.f32 v7, v17  }
0x288: {  	v3 =	vsub.f32 v3, v6;
	v12 =	vpop (erf)  }
0x289: {  	(erf) = vpow2.f32 v4;
	v4 =	vmul.f32 $1.442695020e+00, v5;
	v5 =	vadd.f32 v7, v12  }
0x28a: {  	v18 =	vpop (erf)  }
0x28b: {  	v3 =	vmul.f32 $1.442695020e+00, v3;
	(erf) = vpow2.f32 v4;
	v4 =	vadd.f32 v5, v18  }
0x28c: {  	v19 =	vpop (erf)  }
0x28d: {  	(erf) = vpow2.f32 v3;
	v3 =	vadd.f32 v4, v19  }
0x28e: {  	v20 =	vpop (erf)  }
0x28f: {  	v3 =	vadd.f32 v3, v20  }
0x290: {  	v59 =	vpop (erf)  }
0x291: {  	v3 =	vadd.f32 v3, v59  }
0x292: {  	v60 =	vpop (erf)  }
0x293: {  	v3 =	vadd.f32 v3, v60  }
0x294: {  	v61 =	vpop (erf)  }
0x295: {  	v3 =	vadd.f32 v3, v61  }
0x296: {  	v62 =	vpop (erf)  }
0x297: {  	v3 =	vadd.f32 v3, v62;
	_ =	sdelay $0x1  }
0x298: {  	(erf) = vrcp.f32 v3;
	_ =	sdelay $0x8  }
0x299: {  	v63 =	vpop (erf)  }
0x29a: {  	v3 =	vmul.f32 v63, v11;
	v4 =	vmul.f32 v63, v8  }
0x29b: {  	v5 =	vmul.f32 v63, v15;
	v6 =	vmul.f32 v63, v16  }
0x29c: {  	v7 =	vmul.f32 v63, v10;
	v8 =	vmul.f32 v63, v14  }
0x29d: {  	v9 =	vmul.f32 v63, v13;
	v10 =	vmul.f32 v63, v17  }
0x29e: {  	v11 =	vmul.f32 v63, v12;
	v12 =	vmul.f32 v63, v18  }
0x29f: {  	v13 =	vmul.f32 v63, v19;
	v14 =	vmul.f32 v63, v20  }
0x2a0: {  	s1 =	sadd.s32 $0x16000, s1;
	p0 =	por $0x0, $0x0;
	v15 =	vmul.f32 v63, v59;
	v16 =	vmul.f32 v63, v60  }
0x2a1: {  	[dreg:$0x6] =	wrdreg s1;
	s1 =	simm.s32 $0x30;
	s5 =	simm.s32 $0x0;
	v17 =	vmul.f32 v63, v61;
	v18 =	vmul.f32 v63, v62  }
.LBB2_10:
0x2a2: {  	s2 =	sadd.s32 $0xFFFFFFD0, s1  }
0x2a3: {  	s19 =	sand.u32 $0x1C00, s2  }
0x2a4: {  	s7 =	sand.u32 $0x40, s5;
	s20 =	sor.u32 $0x12000, s19  }
0x2a5: {  	s16 =	sor.u32 $0x10, s7;
	s21 =	sor.u32 s7, s20  }
0x2a6: {  	s17 =	sor.u32 $0x20, s7;
	s22 =	sor.u32 s16, s20;
	v19 =	vld [tilespmem:s21+$0x0]  }
0x2a7: {  	s18 =	sor.u32 $0x30, s7;
	s23 =	sor.u32 s17, s20;
	v20 =	vld [tilespmem:s22+$0x0]  }
0x2a8: {  	s20 =	sor.u32 s18, s20;
	v21 =	vld [tilespmem:s23+$0x0]  }
0x2a9: {  	v22 =	vld [tilespmem:s20+$0x0]  }
0x2aa: {  	v23 =	vld [tilespmem:s21+$0x80]  }
0x2ab: {  	v24 =	vld [tilespmem:s22+$0x80]  }
0x2ac: {  	v25 =	vld [tilespmem:s23+$0x80]  }
0x2ad: {  	v26 =	vld [tilespmem:s20+$0x80]  }
0x2ae: {  	v27 =	vld [tilespmem:s21+$0x100]  }
0x2af: {  	v28 =	vld [tilespmem:s22+$0x100]  }
0x2b0: {  	v29 =	vld [tilespmem:s23+$0x100]  }
0x2b1: {  	s24 =	simm.s32 $0x1;
	v30 =	vld [tilespmem:s20+$0x100]  }
0x2b2: {  	s24 =	simm.s32 @!p0 $0x0;
	v31 =	vld [tilespmem:s21+$0x180]  }
0x2b3: {  	s24 =	sshll.u32 s24, $0x6;
	v32 =	vld [tilespmem:s22+$0x180]  }
0x2b4: {  	s25 =	sadd.s32 s1, s24;
	s24 =	sadd.s32 s2, s24;
	s2 =	sor.u32 s2, s5;
	v33 =	vld [tilespmem:s23+$0x180]  }
0x2b5: {  	s22 =	sadd.s32 $0xFFFFFFD0, s25;
	v34 =	vld [tilespmem:s20+$0x180];
	s2 =	sor.u32 $0x380, s2  }
0x2b6: {  	s23 =	sadd.s32 $0xFFFFFFE0, s25;
	s26 =	sor.u32 $0x200, s22;
	v47 =	vld [tilespmem:s2+$0x12000]  }
0x2b7: {  	s21 =	sadd.s32 $0xFFFFFFF0, s25;
	s28 =	sor.u32 $0x200, s23;
	v35 =	vld [tilespmem:s26+$0x12000]  }
0x2b8: {  	s24 =	sadd.s32 $0x30, s24;
	s29 =	sor.u32 $0x200, s21;
	v36 =	vld [tilespmem:s28+$0x12000]  }
0x2b9: {  	s30 =	sor.u32 $0x200, s24;
	v37 =	vld [tilespmem:s29+$0x12000]  }
0x2ba: {  	s31 =	sor.u32 $0x280, s22;
	v38 =	vld [tilespmem:s30+$0x12000]  }
0x2bb: {  	s25 =	sor.u32 $0x280, s23;
	v39 =	vld [tilespmem:s31+$0x12000]  }
0x2bc: {  	v40 =	vld [tilespmem:s25+$0x12000];
	s26 =	sor.u32 $0x280, s21  }
0x2bd: {  	s28 =	sor.u32 $0x280, s24;
	v41 =	vld [tilespmem:s26+$0x12000]  }
0x2be: {  	s29 =	sor.u32 $0x300, s22;
	v42 =	vld [tilespmem:s28+$0x12000]  }
0x2bf: {  	s30 =	sor.u32 $0x300, s23;
	v43 =	vld [tilespmem:s29+$0x12000];
	v19 =	vmul.f32 v19, v3;
	v20 =	vmul.f32 v20, v3  }
0x2c0: {  	s31 =	sor.u32 $0x300, s21;
	v44 =	vld [tilespmem:s30+$0x12000];
	v21 =	vmul.f32 v21, v3;
	v22 =	vmul.f32 v22, v3  }
0x2c1: {  	s22 =	sor.u32 $0x300, s24;
	v45 =	vld [tilespmem:s31+$0x12000];
	v23 =	vmul.f32 v23, v4;
	v24 =	vmul.f32 v24, v4  }
0x2c2: {  	s25 =	sor.u32 $0x380, s23;
	v46 =	vld [tilespmem:s22+$0x12000];
	v25 =	vmul.f32 v25, v4;
	v26 =	vmul.f32 v26, v4  }
0x2c3: {  	v48 =	vld [tilespmem:s25+$0x12000];
	s26 =	sor.u32 $0x380, s21;
	s29 =	sor.u32 $0x14000, s19;
	v56 =	vmul.f32 v27, v5;
	v57 =	vmul.f32 v28, v5  }
0x2c4: {  	v49 =	vld [tilespmem:s26+$0x12000];
	s31 =	sor.u32 s16, s29;
	v58 =	vmul.f32 v29, v5;
	v59 =	vmul.f32 v30, v5  }
0x2c5: {  	s21 =	sor.u32 s17, s29;
	v28 =	vld [tilespmem:s31+$0x0];
	v60 =	vmul.f32 v31, v6;
	v61 =	vmul.f32 v32, v6  }
0x2c6: {  	s23 =	sor.u32 $0x14080, s19;
	s22 =	sor.u32 s18, s29;
	v30 =	vld [tilespmem:s21+$0x0];
	v62 =	vmul.f32 v33, v6;
	v63 =	vmul.f32 v34, v6  }
0x2c7: {  	s28 =	sor.u32 $0x380, s24;
	s24 =	sor.u32 s7, s23;
	v27 =	vld [tilespmem:s22+$0x0];
	v19 =	vadd.f32 v23, v19;
	v20 =	vadd.f32 v24, v20;
	v50 =	vmul.f32 v35, v7  }
0x2c8: {  	s25 =	sor.u32 s16, s23;
	v29 =	vld [tilespmem:s24+$0x0];
	v21 =	vadd.f32 v25, v21;
	v51 =	vmul.f32 v36, v7;
	v52 =	vmul.f32 v37, v7  }
0x2c9: {  	s26 =	sor.u32 s17, s23;
	v32 =	vld [tilespmem:s25+$0x0];
	v22 =	vadd.f32 v26, v22;
	v53 =	vmul.f32 v38, v7;
	v54 =	vmul.f32 v39, v8  }
0x2ca: {  	v34 =	vld [tilespmem:s26+$0x0];
	v55 =	vmul.f32 v40, v8;
	v19 =	vadd.f32 v56, v19;
	v20 =	vadd.f32 v57, v20  }
0x2cb: {  	s30 =	sor.u32 s7, s29;
	s29 =	sor.u32 $0x14100, s19;
	v24 =	vld [tilespmem:s28+$0x12000];
	v21 =	vadd.f32 v58, v21;
	v56 =	vmul.f32 v41, v8;
	v57 =	vmul.f32 v42, v8  }
0x2cc: {  	v26 =	vld [tilespmem:s30+$0x0];
	s28 =	sor.u32 s18, s23;
	s30 =	sor.u32 s7, s29;
	s23 =	sor.u32 $0x14180, s19;
	v22 =	vadd.f32 v59, v22;
	v58 =	vmul.f32 v43, v9;
	v59 =	vmul.f32 v44, v9  }
0x2cd: {  	s31 =	sor.u32 s16, s29;
	s21 =	sor.u32 s17, s29;
	v33 =	vld [tilespmem:s30+$0x0];
	s24 =	sor.u32 s7, s23;
	v44 =	vmul.f32 v49, v10;
	v27 =	vmul.f32 v27, v11  }
0x2ce: {  	s22 =	sor.u32 s18, s29;
	s29 =	sor.u32 $0x14200, s19;
	s25 =	sor.u32 s16, s23;
	v37 =	vld [tilespmem:s24+$0x0];
	v19 =	vadd.f32 v60, v19;
	v20 =	vadd.f32 v61, v20;
	v60 =	vmul.f32 v45, v9  }
0x2cf: {  	s30 =	sor.u32 s7, s29;
	v40 =	vld [tilespmem:s25+$0x0];
	v21 =	vadd.f32 v62, v21;
	v61 =	vmul.f32 v46, v9;
	v62 =	vmul.f32 v47, v10  }
0x2d0: {  	v49 =	vld [tilespmem:s30+$0x0];
	v22 =	vadd.f32 v63, v22;
	v63 =	vmul.f32 v48, v10;
	v48 =	vmul.f32 v28, v11  }
0x2d1: {  	v31 =	vld [tilespmem:s28+$0x0];
	s26 =	sor.u32 s17, s23;
	v24 =	vmul.f32 v24, v10;
	v46 =	vmul.f32 v26, v11;
	v19 =	vadd.f32 v50, v19  }
0x2d2: {  	s28 =	sor.u32 s18, s23;
	v45 =	vld [tilespmem:s26+$0x0];
	v20 =	vadd.f32 v51, v20;
	v21 =	vadd.f32 v52, v21;
	v50 =	vmul.f32 v30, v11  }
0x2d3: {  	v47 =	vld [tilespmem:s28+$0x0];
	v22 =	vadd.f32 v53, v22;
	v52 =	vmul.f32 v29, v12;
	v53 =	vmul.f32 v32, v12  }
0x2d4: {  	v36 =	vld [tilespmem:s31+$0x0];
	v37 =	vmul.f32 v37, v14;
	v39 =	vmul.f32 v40, v14  }
0x2d5: {  	v38 =	vld [tilespmem:s21+$0x0];
	v43 =	vmul.f32 v49, v15;
	v19 =	vadd.f32 v54, v19;
	v20 =	vadd.f32 v55, v20  }
0x2d6: {  	v35 =	vld [tilespmem:s22+$0x0];
	s31 =	sor.u32 s16, s29;
	v21 =	vadd.f32 v56, v21;
	v22 =	vadd.f32 v57, v22;
	v55 =	vmul.f32 v34, v12  }
0x2d7: {  	s21 =	sor.u32 s17, s29;
	v51 =	vld [tilespmem:s31+$0x0];
	v57 =	vmul.f32 v31, v12;
	v41 =	vmul.f32 v45, v14;
	v19 =	vadd.f32 v58, v19  }
0x2d8: {  	s22 =	sor.u32 s18, s29;
	s29 =	sor.u32 $0x14300, s19;
	v54 =	vld [tilespmem:s21+$0x0];
	v26 =	vmul.f32 v47, v14;
	v20 =	vadd.f32 v59, v20;
	v21 =	vadd.f32 v60, v21  }
0x2d9: {  	s23 =	sor.u32 $0x14280, s19;
	s30 =	sor.u32 s7, s29;
	v56 =	vld [tilespmem:s22+$0x0];
	v22 =	vadd.f32 v61, v22;
	v59 =	vmul.f32 v33, v13;
	v19 =	vadd.f32 v62, v19  }
0x2da: {  	s24 =	sor.u32 s7, s23;
	v40 =	vld [tilespmem:s30+$0x0];
	v60 =	vmul.f32 v36, v13;
	v20 =	vadd.f32 v63, v20;
	v21 =	vadd.f32 v44, v21  }
0x2db: {  	s25 =	sor.u32 s16, s23;
	v58 =	vld [tilespmem:s24+$0x0];
	v22 =	vadd.f32 v24, v22;
	v62 =	vmul.f32 v38, v13;
	v19 =	vadd.f32 v46, v19  }
0x2dc: {  	s31 =	sor.u32 s16, s29;
	v61 =	vld [tilespmem:s25+$0x0];
	v63 =	vmul.f32 v35, v13;
	v20 =	vadd.f32 v48, v20;
	v21 =	vadd.f32 v50, v21  }
0x2dd: {  	s26 =	sor.u32 s17, s23;
	s28 =	sor.u32 s18, s23;
	s23 =	sor.u32 $0x14380, s19;
	v42 =	vld [tilespmem:s31+$0x0];
	v44 =	vmul.f32 v51, v15;
	v22 =	vadd.f32 v27, v22;
	v19 =	vadd.f32 v52, v19  }
0x2de: {  	v36 =	vld [tilespmem:s26+$0x0];
	s24 =	sor.u32 s7, s23;
	v46 =	vmul.f32 v54, v15;
	v48 =	vmul.f32 v56, v15;
	v20 =	vadd.f32 v53, v20  }
0x2df: {  	v49 =	vld [tilespmem:s24+$0x0];
	v56 =	vmul.f32 v40, v17;
	v21 =	vadd.f32 v55, v21;
	v19 =	vadd.f32 v59, v19  }
0x2e0: {  	s21 =	sor.u32 s17, s29;
	v38 =	vld [tilespmem:s28+$0x0];
	v50 =	vmul.f32 v58, v16;
	v22 =	vadd.f32 v57, v22;
	v20 =	vadd.f32 v60, v20  }
0x2e1: {  	s22 =	sor.u32 s18, s29;
	v45 =	vld [tilespmem:s21+$0x0];
	v51 =	vmul.f32 v61, v16;
	v21 =	vadd.f32 v62, v21;
	v19 =	vadd.f32 v37, v19  }
0x2e2: {  	v47 =	vld [tilespmem:s22+$0x0];
	s25 =	sor.u32 s16, s23;
	v58 =	vmul.f32 v42, v17;
	v22 =	vadd.f32 v63, v22;
	v20 =	vadd.f32 v39, v20  }
0x2e3: {  	s26 =	sor.u32 s17, s23;
	v52 =	vld [tilespmem:s25+$0x0];
	v53 =	vmul.f32 v36, v16;
	v21 =	vadd.f32 v41, v21;
	v19 =	vadd.f32 v43, v19  }
0x2e4: {  	s28 =	sor.u32 s18, s23;
	v55 =	vld [tilespmem:s26+$0x0];
	v25 =	vmul.f32 v49, v18;
	v22 =	vadd.f32 v26, v22;
	v20 =	vadd.f32 v44, v20  }
0x2e5: {  	v57 =	vld [tilespmem:s28+$0x0];
	v54 =	vmul.f32 v38, v16;
	v21 =	vadd.f32 v46, v21;
	v19 =	vadd.f32 v50, v19  }
0x2e6: {  	v59 =	vmul.f32 v45, v17;
	v22 =	vadd.f32 v48, v22;
	v20 =	vadd.f32 v51, v20  }
0x2e7: {  	v60 =	vmul.f32 v47, v17;
	v21 =	vadd.f32 v53, v21;
	v19 =	vadd.f32 v56, v19  }
0x2e8: {  	s29 =	rddreg [dreg:$0x6];
	v61 =	vmul.f32 v52, v18;
	v22 =	vadd.f32 v54, v22;
	v20 =	vadd.f32 v58, v20  }
0x2e9: {  	p1 =	sne.s32 s1, $0x1E30;
	s2 =	sadd.s32 s19, s29;
	v62 =	vmul.f32 v55, v18;
	v21 =	vadd.f32 v59, v21;
	v19 =	vadd.f32 v25, v19  }
.Ltmp3:
0x2ea: {  	s7 =	sadd.s32 s7, s2;
	v63 =	vmul.f32 v57, v18;
	v22 =	vadd.f32 v60, v22;
	v20 =	vadd.f32 v61, v20;
	(pc) =	sbr.rel @p1 .LBB2_10-.Ltmp3, $4  }
0x2eb: {  	s30 =	sadd.s32 s16, s2;
	v21 =	vadd.f32 v62, v21;
	[tilespmem:s7+$0x0] =	vst v19  }
0x2ec: {  	s31 =	sadd.s32 s17, s2;
	v19 =	vadd.f32 v63, v22;
	[tilespmem:s30+$0x0] =	vst v20  }
0x2ed: {  	s2 =	sadd.s32 s18, s2;
	[tilespmem:s31+$0x0] =	vst v21  }
0x2ee: {  	p0 =	por !p0, !p0;
	s5 =	sadd.s32 $0x40, s5;
	s1 =	sadd.s32 $0x200, s1;
	[tilespmem:s2+$0x0] =	vst v19  }
0x2ef: {  	s1 =	sor.u32 s0, s15  }
0x2f0: {  	s1 =	smin.u32 s1, $0x7D  }
0x2f1: {  	s1 =	sshll.u32 s1, $0x7  }
0x2f2: {  	v3 =	vld [tilespmem:s1+$0x100];
	_ =	sdelay $0x4  }
0x2f3: {  	v4 =	vshll.u32 v3, $0x3  }
0x2f4: {  	v3 =	vand.u32 $0x7, v3;
	v4 =	vand.u32 $0xFFFFFFC0, v4  }
0x2f5: {  	v3 =	vor.u32 v3, v4  }
0x2f6: {  	v4 =	vperm.xlane v3, v0;
	_ =	sdelay $0x1  }
0x2f7: {  	v4 =	vadd.s32 v1, v4;
	_ =	sdelay $0x3  }
0x2f8: {  	s2 =	simm.s32 $0xE000  }
0x2f9: {  	[tilespmem:s2], [sflag:$0x3] =	stream.indirect_vreg.gather [hbm4b:s4+s3], $0x80, v4, vm0, $0xb8;
	[tilespmem:$0x18000] =	vst v63  }
0x2fa: {  	s16 =	simm.s32 $0xE800;
	v3 =	vperm.xlane v3, v2  }
0x2fb: {  	[tilespmem:s16], [sflag:$0x3] =	stream.indirect_vreg.gather [hbm4b:s9+s3], $0x80, v4, vm0, $0xb8;
	[tilespmem:$0x18000] =	vst v63  }
0x2fc: {  	s17 =	simm.s32 $0xF000;
	v3 =	vadd.s32 v1, v3  }
0x2fd: {  	[tilespmem:s17], [sflag:$0x3] =	stream.indirect_vreg.gather [hbm4b:s10+s3], $0x80, v4, vm0, $0xb8;
	[tilespmem:$0x18000] =	vst v63  }
0x2fe: {  	s18 =	simm.s32 $0xF800  }
0x2ff: {  	[tilespmem:s18], [sflag:$0x3] =	stream.indirect_vreg.gather [hbm4b:s11+s3], $0x80, v4, vm0, $0xb8;
	[tilespmem:$0x18000] =	vst v63  }
0x300: {  	s19 =	simm.s32 $0x10000  }
0x301: {  	[tilespmem:s19], [sflag:$0x3] =	stream.indirect_vreg.gather [hbm4b:s4+s3], $0x80, v3, vm0, $0xb8;
	[tilespmem:$0x18000] =	vst v63  }
0x302: {  	s20 =	simm.s32 $0x10800  }
0x303: {  	[tilespmem:s20], [sflag:$0x3] =	stream.indirect_vreg.gather [hbm4b:s9+s3], $0x80, v3, vm0, $0xb8;
	[tilespmem:$0x18000] =	vst v63  }
0x304: {  	s21 =	simm.s32 $0x11000  }
0x305: {  	[tilespmem:s21], [sflag:$0x3] =	stream.indirect_vreg.gather [hbm4b:s10+s3], $0x80, v3, vm0, $0xb8;
	[tilespmem:$0x18000] =	vst v63  }
0x306: {  	s22 =	simm.s32 $0x11800  }
0x307: {  	[tilespmem:s22], [sflag:$0x3] =	stream.indirect_vreg.gather [hbm4b:s11+s3], $0x80, v3, vm0, $0xb8;
	[tilespmem:$0x18000] =	vst v63  }
0x308: {  	v3 =	vld [tilespmem:s1+$0x100];
	_ =	sdelay $0x4  }
0x309: {  	v63 =	vshll.u32 v3, $0x3  }
0x30a: {  	v3 =	vand.u32 $0x7, v3;
	v4 =	vand.u32 $0xFFFFFFC0, v63  }
0x30b: {  	v3 =	vor.u32 v3, v4  }
0x30c: {  	v4 =	vperm.xlane v3, v0;
	_ =	sdelay $0x1  }
0x30d: {  	v4 =	vadd.s32 v1, v4;
	_ =	sdelay $0x3  }
0x30e: {  	s23 =	simm.s32 $0x12000  }
0x30f: {  	[tilespmem:s23], [sflag:$0x4] =	stream.indirect_vreg.gather [hbm4b:s6+s3], $0x80, v4, vm0, $0xb8;
	[tilespmem:$0x18000] =	vst v63  }
0x310: {  	s24 =	simm.s32 $0x12800;
	v3 =	vperm.xlane v3, v2  }
0x311: {  	[tilespmem:s24], [sflag:$0x4] =	stream.indirect_vreg.gather [hbm4b:s12+s3], $0x80, v4, vm0, $0xb8;
	[tilespmem:$0x18000] =	vst v63  }
0x312: {  	s25 =	simm.s32 $0x13000;
	v3 =	vadd.s32 v1, v3  }
0x313: {  	[tilespmem:s25], [sflag:$0x4] =	stream.indirect_vreg.gather [hbm4b:s13+s3], $0x80, v4, vm0, $0xb8;
	[tilespmem:$0x18000] =	vst v63  }
0x314: {  	s26 =	simm.s32 $0x13800  }
0x315: {  	[tilespmem:s26], [sflag:$0x4] =	stream.indirect_vreg.gather [hbm4b:s14+s3], $0x80, v4, vm0, $0xb8;
	[tilespmem:$0x18000] =	vst v63  }
0x316: {  	s28 =	simm.s32 $0x14000;
	s8 =	sadd.s32 $0x1, s8  }
0x317: {  	[tilespmem:s28], [sflag:$0x4] =	stream.indirect_vreg.gather [hbm4b:s6+s3], $0x80, v3, vm0, $0xb8;
	[tilespmem:$0x18000] =	vst v63  }
0x318: {  	s29 =	simm.s32 $0x14800;
	p0 =	sne.s32 s8, $0x4  }
0x319: {  	[tilespmem:s29], [sflag:$0x4] =	stream.indirect_vreg.gather [hbm4b:s12+s3], $0x80, v3, vm0, $0xb8;
	[tilespmem:$0x18000] =	vst v63  }
.Ltmp4:
0x31a: {  	_ = 	snop;
	(pc) =	sbr.rel @p0 .LBB2_3-.Ltmp4, $4  }
0x31b: {  	s30 =	simm.s32 $0x15000  }
0x31c: {  	[tilespmem:s30], [sflag:$0x4] =	stream.indirect_vreg.gather [hbm4b:s13+s3], $0x80, v3, vm0, $0xb8;
	[tilespmem:$0x18000] =	vst v63  }
0x31d: {  	s31 =	simm.s32 $0x15800  }
0x31e: {  	[tilespmem:s31], [sflag:$0x4] =	stream.indirect_vreg.gather [hbm4b:s14+s3], $0x80, v3, vm0, $0xb8;
	[tilespmem:$0x18000] =	vst v63  }
0x31f: {  	s0 =	rddreg [dreg:$0x8]  }
0x320: {  	s1 =	rddreg [dreg:$0xd]  }
0x321: {  	s30 =	simm.s32 $0x16000;
	s2 =	simm.s32 $0x5;
	s0 =	sadd.s32 s0, s1  }
0x322: {  	[hbm4b:s0+s3] =	stream.linear.scatter [tilespmem:s30], [sflag:$0x5], $0x2000, $0x38;
	[tilespmem:$0x18000] =	vst v63  }
0x323: {  	_ =	swait.ge [sflag:s2], $0x2000  }
0x324: {  	s31 =	rddreg [dreg:$0xc]  }
0x325: {  	s0 =	sadd.s32 $0x1, s31  }
0x326: {  	p0 =	sne.s32 s0, $0x10  }
.Ltmp5:
0x327: {  	_ = 	snop;
	(pc) =	sbr.rel @p0 .LBB2_2-.Ltmp5, $3  }
0x328: {  	_ =	sdelay $0x1  }
0x329: {  	[sflag:s2] =	ssyncset.done $0x0  }
0x32a: {  	[sflag:s2] =	ssyncadd.s32 $0xFFFFE000  }
0x32b: {  	s0 =	simm.s32 $0x1  }
0x32c: {  	_ =	swait.ge [sflag:s0], $0x4000  }
0x32d: {  	[sflag:s0] =	ssyncset.done $0x0  }
0x32e: {  	s29 =	simm.s32 $0x2;
	[sflag:s0] =	ssyncadd.s32 $0xFFFFC000  }
0x32f: {  	_ =	swait.ge [sflag:s29], $0x4000  }
0x330: {  	[sflag:s29] =	ssyncset.done $0x0  }
0x331: {  	s30 =	simm.s32 $0x3;
	[sflag:s29] =	ssyncadd.s32 $0xFFFFC000  }
0x332: {  	_ =	swait.ge [sflag:s30], $0x4000  }
0x333: {  	[sflag:s30] =	ssyncset.done $0x0  }
0x334: {  	s1 =	simm.s32 $0x4;
	[sflag:s30] =	ssyncadd.s32 $0xFFFFC000  }
0x335: {  	_ =	swait.ge [sflag:s1], $0x4000  }
0x336: {  	s5 =	rddreg [dreg:$0xb]  }
0x337: {  	s31 =	rddreg [dreg:$0xa];
	s5 =	sadd.s32 $0x1, s5  }
0x338: {  	p0 =	sne.s32 s5, s31  }
.Ltmp6:
0x339: {  	_ = 	snop;
	(pc) =	sbr.rel @p0 .LBB2_1-.Ltmp6, $3  }
0x33a: {  	_ =	sdelay $0x1  }
0x33b: {  	[sflag:s1] =	ssyncset.done $0x0  }
0x33c: {  	[sflag:s1] =	ssyncadd.s32 $0xFFFFC000  }
0x33d: {  	_ =	sfence.sel $0x180000  }
0x33e: {  	[bflag:$0x0] =	sbarrier.arrive $0xFFFF  }
0x33f: {  	_ =	strace $0x90000047  }
0x340: {  	s0 =	stileid.u32;
	[bflag:$0x2] =	sbarrier.arrive $0xFFFF  }
0x341: {  	p0 =	sne.s32 s0, $0x0;
	s0 =	rddreg [dreg:$0x2]  }
0x342: {  	s0 =	sadd.s32 @!p0 $0x100000, s0  }
0x343: {  	[sflag:s0] =	ssyncadd.tile.s32 @!p0 $0x1;
	_ =	shalt  }
.Lfunc_end2:
_tile_overlayer_lowered:
.L_overlay_start_2:
0x344: {  	(tag) =	ssettag $0x2  }
0x345: {  	s0 =	rddreg [dreg:$0x0];
	s2 =	stileid.u32  }
0x346: {  	s1 =	rddreg [dreg:$0x1];
	p0 =	sne.s32 s2, $0x0  }
0x347: {  	s3 =	rddreg [dreg:$0x2];
	[bflag:$0x3] =	sbarrier.arrive $0xFFFF;
	s2 =	simm.s32 @!p0 $0x1C05  }
0x348: {  	[timem:s3], [sflag:s2] =	dma.local @!p0 [hbm:s0], s1  }
0x349: {  	s0 =	simm.s32 @!p0 $0x5  }
0x34a: {  	_ =	swait.ge @!p0 [sflag:s0], s1  }
0x34b: {  	s1 =	ssub.s32 @!p0 $0x0, s1;
	[sflag:s0] =	ssyncset.done @!p0 $0x0  }
0x34c: {  	[sflag:s0] =	ssyncadd.s32 @!p0 s1  }
0x34d: {  	[bflag:$0x3] =	sbarrier.arrive $0xFFFF  }
0x34e: {  	_ =	shalt  }

</sc_bundles>
